<compile_context>
chip_gen: v7x
topology: tpu7x:2x2x1
jax: 0.10.2.dev20260603
libtpu: 0.0.44.dev20260713+nightly
codegen_flags: <defaults>
</compile_context>

<pallas_src>
import functools

import jax
import jax.numpy as jnp
from jax import lax
from jax.experimental import pallas as pl
from jax.experimental.pallas import tpu as pltpu
from jax.experimental.pallas import tpu_sc as plsc

B, S, D, E, K = 4, 2048, 768, 8, 2
NC, NS, L = 2, 16, 16
NW = NC * NS


def _gate_kernel(x_ref, gw_ref, gb_ref, out_ref, st_ref):
    xb = x_ref[0]
    gw = gw_ref[...]
    lt = lax.dot_general(gw, xb, (((0,), (1,)), ((), ())),
                         preferred_element_type=jnp.float32)
    lt = lt + gb_ref[...]
    out_ref[0] = lt
    m = jnp.max(lt, axis=1, keepdims=True)
    z = jnp.sum(jnp.exp(lt - m), axis=1, keepdims=True)
    st_ref[0] = jnp.concatenate([m, z], axis=1)


def _gate_logits(x, gate_w, gate_b):
    return pl.pallas_call(
        _gate_kernel,
        grid=(B,),
        in_specs=[
            pl.BlockSpec((1, S, D), lambda i: (i, 0, 0)),
            pl.BlockSpec((D, E), lambda i: (0, 0)),
            pl.BlockSpec((E, 1), lambda i: (0, 0)),
        ],
        out_specs=[
            pl.BlockSpec((1, E, S), lambda i: (i, 0, 0)),
            pl.BlockSpec((1, E, 2), lambda i: (i, 0, 0)),
        ],
        out_shape=[
            jax.ShapeDtypeStruct((B, E, S), jnp.float32),
            jax.ShapeDtypeStruct((B, E, 2), jnp.float32),
        ],
    )(x, gate_w, gate_b)


def _sc_body(logits_hbm, x_hbm, idx_out, vals_out, rows_out,
             lrow, iv, sv, gi, rows, sem):
    sub = lax.axis_index("s")
    for j in range(NW // NS):
        _sc_one_pair(sub * (NW // NS) + j, logits_hbm, x_hbm,
                     idx_out, vals_out, rows_out, lrow, iv, sv, gi, rows, sem)


def _sc_one_pair(wid, logits_hbm, x_hbm, idx_out, vals_out, rows_out,
                 lrow, iv, sv, gi, rows, sem):
    bq = wid // E
    eq = wid - bq * E

    pltpu.sync_copy(logits_hbm.at[pl.ds(wid, 1)], lrow)

    lane = lax.iota(jnp.int32, L)
    neg = jnp.float32(-3.0e38)
    bigi = jnp.int32(1 << 30)

    def body(i, carry):
        m1, i1, m2, i2 = carry
        v = lrow[0, pl.ds(i * L, L)]
        idxs = i * L + lane
        gt1 = v > m1
        gt2 = v > m2
        m2n = jnp.where(gt1, m1, jnp.where(gt2, v, m2))
        i2n = jnp.where(gt1, i1, jnp.where(gt2, idxs, i2))
        m1n = jnp.where(gt1, v, m1)
        i1n = jnp.where(gt1, idxs, i1)
        return m1n, i1n, m2n, i2n

    zf = jnp.zeros((L,), jnp.float32)
    zi = jnp.zeros((L,), jnp.int32)
    m1, i1, m2, i2 = lax.fori_loop(0, S // L, body, (zf + neg, zi, zf + neg, zi))

    gmax = jnp.max(m1)
    gidx = jnp.min(jnp.where(m1 == gmax, i1, bigi))
    hit = jnp.logical_and(m1 == gmax, i1 == gidx)
    m1b = jnp.where(hit, m2, m1)
    i1b = jnp.where(hit, i2, i1)
    g2 = jnp.max(m1b)
    gidx2 = jnp.min(jnp.where(m1b == g2, i1b, bigi))

    row = eq * B + bq
    iv[0] = jnp.where(lane == 0, gidx, jnp.where(lane == 1, gidx2, 0))
    sv[0] = jnp.where(lane == 0, gmax, jnp.where(lane == 1, g2, 0.0))
    pltpu.sync_copy(iv, idx_out.at[pl.ds(row, 1)])
    pltpu.sync_copy(sv, vals_out.at[pl.ds(row, 1)])

    gi[...] = bq * S + jnp.where(lane == 1, gidx2, gidx)
    pltpu.async_copy(x_hbm.at[gi.at[pl.ds(0, K)]], rows, sem).wait()
    pltpu.sync_copy(rows, rows_out.at[pl.ds(row * K, K)])


def _sc_gate_topk(logits2, xflat):
    mesh = plsc.VectorSubcoreMesh(core_axis_name="c", subcore_axis_name="s",
                                  num_cores=1, num_subcores=NS)
    fn = pl.kernel(
        _sc_body,
        out_type=[
            jax.ShapeDtypeStruct((NW, L), jnp.int32),
            jax.ShapeDtypeStruct((NW, L), jnp.float32),
            jax.ShapeDtypeStruct((NW * K, D), jnp.float32),
        ],
        mesh=mesh,
        compiler_params=pltpu.CompilerParams(needs_layout_passes=False),
        scratch_types=[
            pltpu.VMEM((1, S), jnp.float32),
            pltpu.VMEM((1, L), jnp.int32),
            pltpu.VMEM((1, L), jnp.float32),
            pltpu.VMEM((L,), jnp.int32),
            pltpu.VMEM((K, D), jnp.float32),
            pltpu.SemaphoreType.DMA,
        ],
    )
    return fn(logits2, xflat)


def _zero_kernel(out_ref):
    out_ref[...] = jnp.zeros((1, S, D), jnp.float32)


def _zero_fill():
    return pl.pallas_call(
        _zero_kernel,
        grid=(B,),
        out_specs=pl.BlockSpec((1, S, D), lambda i: (i, 0, 0)),
        out_shape=jax.ShapeDtypeStruct((B, S, D), jnp.float32),
    )()


def _scatter_mm_kernel(out0_ref, idx_ref, vals_ref, st_ref, bias_ref,
                       rows_ref, w_ref, out_ref, eo_scr, mrg_scr, sem):
    del out0_ref
    for e in range(E):
        acc = lax.dot_general(rows_ref[e], w_ref[e], (((1,), (0,)), ((), ())),
                              preferred_element_type=jnp.float32)
        eo_scr[:, e * K:(e + 1) * K, :] = acc.reshape(B, K, D)
    subl = lax.broadcasted_iota(jnp.int32, (E * K, 1), 0)
    lanei = lax.broadcasted_iota(jnp.int32, (1, E * K), 1)
    for bb in range(B):
        tokc = jnp.zeros((E * K, 1), jnp.int32)
        tokr = jnp.zeros((1, E * K), jnp.int32)
        mc = jnp.zeros((E * K, 1), jnp.float32)
        zc = jnp.zeros((E * K, 1), jnp.float32)
        vc = jnp.zeros((E * K, 1), jnp.float32)
        bc = jnp.zeros((E * K, 1), jnp.float32)
        for i in range(E * K):
            e, k = i // K, i % K
            t = idx_ref[e * B + bb, k]
            tokc = jnp.where(subl == i, t, tokc)
            tokr = jnp.where(lanei == i, t, tokr)
            mc = jnp.where(subl == i, st_ref[bb * E + e, 0], mc)
            zc = jnp.where(subl == i, st_ref[bb * E + e, 1], zc)
            vc = jnp.where(subl == i, vals_ref[e * B + bb, k], vc)
            bc = jnp.where(subl == i, bias_ref[e, 0], bc)
        scc = zc * jnp.exp(mc - vc)
        scaled = (eo_scr[bb] + bc) * scc
        eq = (tokc == tokr).astype(jnp.float32)
        mrg_scr[bb] = lax.dot_general(eq, scaled, (((1,), (0,)), ((), ())),
                                      precision=lax.Precision.HIGHEST,
                                      preferred_element_type=jnp.float32)
    copies = []
    for bb in range(B):
        for i in range(E * K):
            tok = idx_ref[(i // K) * B + bb, i % K]
            cp = pltpu.make_async_copy(mrg_scr.at[bb, pl.ds(i, 1), :],
                                       out_ref.at[bb, pl.ds(tok, 1), :], sem)
            cp.start()
            copies.append(cp)
    for cp in copies:
        cp.wait()


def _scatter_mm(out0, idx_out, vals_out, stats, bias, rows, w):
    return pl.pallas_call(
        _scatter_mm_kernel,
        in_specs=[
            pl.BlockSpec(memory_space=pltpu.MemorySpace.HBM),
            pl.BlockSpec(memory_space=pltpu.SMEM),
            pl.BlockSpec(memory_space=pltpu.SMEM),
            pl.BlockSpec(memory_space=pltpu.SMEM),
            pl.BlockSpec(memory_space=pltpu.SMEM),
            pl.BlockSpec((E, B * K, D), lambda: (0, 0, 0)),
            pl.BlockSpec((E, D, D), lambda: (0, 0, 0)),
        ],
        out_specs=pl.BlockSpec(memory_space=pltpu.MemorySpace.HBM),
        out_shape=jax.ShapeDtypeStruct((B, S, D), jnp.float32),
        input_output_aliases={0: 0},
        scratch_shapes=[pltpu.VMEM((B, E * K, D), jnp.float32),
                        pltpu.VMEM((B, E * K, D), jnp.float32),
                        pltpu.SemaphoreType.DMA],
    )(out0, idx_out, vals_out, stats, bias, rows, w)


def _fused_kernel(idx_ref, vals_ref, st_ref, bias_ref, rows_ref, w_ref,
                  out_ref, eo_scr):
    bq = pl.program_id(0)

    @pl.when(bq == 0)
    def _():
        for e in range(E):
            eo_scr[e] = lax.dot_general(
                rows_ref[e], w_ref[e], (((1,), (0,)), ((), ())),
                preferred_element_type=jnp.float32)

    out_ref[...] = jnp.zeros((1, S, D), jnp.float32)
    for e in range(E):
        bv = bias_ref[e, 0]
        m = st_ref[bq * E + e, 0]
        z = st_ref[bq * E + e, 1]
        for k in range(K):
            tok = idx_ref[e * B + bq, k]
            v = vals_ref[e * B + bq, k]
            sc = z * jnp.exp(jnp.full((1, D), m - v, jnp.float32))
            out_ref[0, pl.ds(tok, 1), :] += (
                (eo_scr[e, pl.ds(bq * K + k, 1), :] + bv) * sc)


def _expert_scatter(idx_out, vals_out, stats, bias, rows, w):
    return pl.pallas_call(
        _fused_kernel,
        grid=(B,),
        in_specs=[
            pl.BlockSpec(memory_space=pltpu.SMEM),
            pl.BlockSpec(memory_space=pltpu.SMEM),
            pl.BlockSpec(memory_space=pltpu.SMEM),
            pl.BlockSpec(memory_space=pltpu.SMEM),
            pl.BlockSpec((E, B * K, D), lambda i: (0, 0, 0)),
            pl.BlockSpec((E, D, D), lambda i: (0, 0, 0)),
        ],
        out_specs=pl.BlockSpec((1, S, D), lambda i: (i, 0, 0)),
        out_shape=jax.ShapeDtypeStruct((B, S, D), jnp.float32),
        scratch_shapes=[pltpu.VMEM((E, B * K, D), jnp.float32)],
    )(idx_out, vals_out, stats, bias, rows, w)


def kernel(x, gate_w, gate_b, w, b):
    logits, stats = _gate_logits(x, gate_w, gate_b.reshape(E, 1))
    idx_out, vals_out, rows = _sc_gate_topk(
        logits.reshape(NW, S), x.reshape(B * S, D))
    out0 = _zero_fill()
    return _scatter_mm(out0, idx_out, vals_out, stats.reshape(NW, 2), b,
                       rows.reshape(E, B * K, D), w)

# --- scband reference (transcript-rebuilt; emitter-appended) ---
"""Pipeline reference for scband-moe-fc-tokens-parallel-41979010351184 (READ-ONLY COPY).

The authoritative reference and input builder live on the scoring server;
editing this copy changes nothing except your own understanding.
"""

import jax, jax.numpy as jnp
import numpy as np

B, S, D_IN, D_OUT, E, K = 4, 2048, 768, 768, 8, 2

def setup_inputs(seed: int = 0) -> dict:
    key = jax.random.key(seed)
    ks = jax.random.split(key, 5)
    x = jax.random.normal(ks[0], (B, S, D_IN), dtype=jnp.float32)
    # gate: nn.Linear(inputDimension, nOfExperts)
    gate_w = jax.random.normal(ks[1], (D_IN, E), dtype=jnp.float32) * (1.0 / np.sqrt(D_IN))
    gate_b = jax.random.normal(ks[2], (E,), dtype=jnp.float32) * (1.0 / np.sqrt(D_IN))
    # expert weight tensor w: [E, D_IN, D_OUT], xavier_normal
    w = jax.random.normal(ks[3], (E, D_IN, D_OUT), dtype=jnp.float32) * np.sqrt(2.0 / (D_IN + D_OUT))
    # per-expert bias b: [E, 1], xavier_normal
    b = jax.random.normal(ks[4], (E, 1), dtype=jnp.float32) * np.sqrt(2.0 / (E + 1))
    return {"x": x, "gate_w": gate_w, "gate_b": gate_b, "w": w, "b": b}


def reference(x, gate_w, gate_b, w, b):
    # gate logits + softmax over the TOKEN axis (dim=-2), as in the torch module
    gate_logits = jnp.einsum('bsd,de->bse', x, gate_w) + gate_b  # [B, S, E]
    gate_probs = jax.nn.softmax(gate_logits, axis=-2)            # softmax over tokens
    # top-k over tokens (dim=-2): move token axis last, top_k, move back
    probs_t = jnp.transpose(gate_probs, (0, 2, 1))               # [B, E, S]
    topk_vals_t, topk_idx_t = jax.lax.top_k(probs_t, K)          # [B, E, K]
    topk_idx = jnp.transpose(topk_idx_t, (0, 2, 1))              # [B, K, E], token ids in [0, S)
    # i = ones_like(topKindices).nonzero() -> all (b, j, e) triples, row-major
    b_idx, j_idx, e_idx = jnp.meshgrid(jnp.arange(B), jnp.arange(K), jnp.arange(E), indexing='ij')
    b_idx = b_idx.reshape(-1)
    j_idx = j_idx.reshape(-1)
    e_idx = e_idx.reshape(-1)
    tok_idx = topk_idx[b_idx, j_idx, e_idx]                      # [N] selected token per (b,j,e)
    inp = x[b_idx, tok_idx]                                      # gather: [N, D_IN]
    exp_w = w[e_idx]                                             # gather: [N, D_IN, D_OUT]
    out = jnp.einsum('ab,abc->ac', inp, exp_w)                   # [N, D_OUT]
    out = out + b[e_idx]                                         # [N, D_OUT] (bias broadcast from [N,1])
    prob = gate_probs[b_idx, tok_idx, e_idx]                     # [N]
    out = out / prob[:, None]
    outputs = jnp.zeros((B, S, D_OUT), dtype=x.dtype).at[b_idx, tok_idx].add(out)
    return outputs

if __name__ == "__main__":
    import jax
    _d = setup_inputs()
    print(jax.jit(kernel)(*tuple(_d.values())))

</pallas_src>

<mosaic_0001>
#map = affine_map<(d0, d1) -> (0, 0)>
module attributes {stable_mosaic.version = 14 : i64} {
  func.func @_sc_body(%arg0: i32, %arg1: i32, %arg2: memref<32x2048xf32, #tpu.memory_space<hbm>>, %arg3: memref<8192x768xf32, #tpu.memory_space<hbm>>, %arg4: memref<32x16xi32, #tpu.memory_space<hbm>>, %arg5: memref<32x16xf32, #tpu.memory_space<hbm>>, %arg6: memref<64x768xf32, #tpu.memory_space<hbm>>, %arg7: memref<1x2048xf32, #tpu.memory_space<vmem>>, %arg8: memref<1x16xi32, #tpu.memory_space<vmem>>, %arg9: memref<1x16xf32, #tpu.memory_space<vmem>>, %arg10: memref<16xi32, #tpu.memory_space<vmem>>, %arg11: memref<2x768xf32, #tpu.memory_space<vmem>>, %arg12: memref<!tpu.dma_semaphore, #tpu.memory_space<semaphore_mem>>) attributes {dimension_semantics = [#tpu.dimension_semantics<core_parallel>, #tpu.dimension_semantics<subcore_parallel>], iteration_bounds = array<i64: 1, 16>, scalar_prefetch = 0 : i64, scratch_operands = 6 : i64, tpu.core_type = #tpu.core_type<sc_vector_subcore>, window_params = [{transform_indices = #map}, {transform_indices = #map}, {transform_indices = #map}, {transform_indices = #map}, {transform_indices = #map}]} {
    %mul3A = arith.constant 2 : i32
    %mul3A_0 = arith.muli %arg1, %mul3A : i32
    %add3A = arith.constant 0 : i32
    %add3A_1 = arith.addi %mul3A_0, %add3A : i32
    %jit3A = arith.constant 8 : i32
    %div3A = arith.divsi %add3A_1, %jit3A : i32
    %sign3A = arith.constant 0 : i32
    %sign3A_2 = arith.cmpi sgt, %add3A_1, %sign3A : i32
    %sign3A_3 = arith.extui %sign3A_2 : i1 to i32
    %sign3A_4 = arith.constant 0 : i32
    %sign3A_5 = arith.cmpi slt, %add3A_1, %sign3A_4 : i32
    %sign3A_6 = arith.extui %sign3A_5 : i1 to i32
    %sign3A_7 = arith.subi %sign3A_3, %sign3A_6 : i32
    %sign3A_8 = arith.constant 0 : i32
    %sign3A_9 = arith.cmpi sgt, %jit3A, %sign3A_8 : i32
    %sign3A_10 = arith.extui %sign3A_9 : i1 to i32
    %sign3A_11 = arith.constant 0 : i32
    %sign3A_12 = arith.cmpi slt, %jit3A, %sign3A_11 : i32
    %sign3A_13 = arith.extui %sign3A_12 : i1 to i32
    %sign3A_14 = arith.subi %sign3A_10, %sign3A_13 : i32
    %ne3A = arith.cmpi ne, %sign3A_7, %sign3A_14 : i32
    %rem3A = arith.remsi %add3A_1, %jit3A : i32
    %ne3A_15 = arith.constant 0 : i32
    %ne3A_16 = arith.cmpi ne, %rem3A, %ne3A_15 : i32
    %and3A = arith.andi %ne3A, %ne3A_16 : i1
    %sub3A = arith.constant 1 : i32
    %sub3A_17 = arith.subi %div3A, %sub3A : i32
    %select_n3A = arith.select %and3A, %sub3A_17, %div3A : i32
    %mul3A_18 = arith.constant 8 : i32
    %mul3A_19 = arith.muli %select_n3A, %mul3A_18 : i32
    %sub3A_20 = arith.subi %add3A_1, %mul3A_19 : i32
    "tpu.region"() ({
      %run_scoped3A = tpu.sem_alloc : memref<!tpu.dma_semaphore, #tpu.memory_space<semaphore_mem>>
      %dma_start3A_277 = arith.constant 0 : i32
      %dma_start3A_278 = tpu.memref_slice %arg2[%add3A_1, %dma_start3A_277] : memref<32x2048xf32, #tpu.memory_space<hbm>> -> memref<1x2048xf32, #tpu.memory_space<hbm>>
      %dma_start3A_279 = arith.constant 0 : i32
      %dma_start3A_280 = tpu.memref_slice %arg2[%add3A_1, %dma_start3A_279] : memref<32x2048xf32, #tpu.memory_space<hbm>> -> memref<1x2048xf32, #tpu.memory_space<hbm>>
      tpu.enqueue_dma source(%dma_start3A_280 : memref<1x2048xf32, #tpu.memory_space<hbm>>) target(%arg7 : memref<1x2048xf32, #tpu.memory_space<vmem>>) target_semaphore(%run_scoped3A : memref<!tpu.dma_semaphore, #tpu.memory_space<semaphore_mem>>)
      %dma_wait3A_281 = arith.constant 0 : i32
      %dma_wait3A_282 = tpu.memref_slice %arg2[%add3A_1, %dma_wait3A_281] : memref<32x2048xf32, #tpu.memory_space<hbm>> -> memref<1x2048xf32, #tpu.memory_space<hbm>>
      %dma_wait3A_283 = arith.constant 0 : i32
      %dma_wait3A_284 = tpu.memref_slice %arg2[%add3A_1, %dma_wait3A_283] : memref<32x2048xf32, #tpu.memory_space<hbm>> -> memref<1x2048xf32, #tpu.memory_space<hbm>>
      tpu.wait_dma2 semaphore(%run_scoped3A : memref<!tpu.dma_semaphore, #tpu.memory_space<semaphore_mem>>) src(%dma_wait3A_284 : memref<1x2048xf32, #tpu.memory_space<hbm>>) dst(%arg7 : memref<1x2048xf32, #tpu.memory_space<vmem>>)
      tpu.yield
    }) : () -> ()
    %iota3A = tpu.iota {dimensions = array<i32: 0>} : vector<16xi32>
    %broadcast_in_dim3A = arith.constant 0.000000e+00 : f32
    %broadcast_in_dim3A_21 = vector.broadcast %broadcast_in_dim3A : f32 to vector<16xf32>
    %broadcast_in_dim3A_22 = arith.constant 0 : i32
    %broadcast_in_dim3A_23 = vector.broadcast %broadcast_in_dim3A_22 : i32 to vector<16xi32>
    %add3A_24 = arith.constant -3.000000e+38 : f32
    %add3A_25 = vector.broadcast %add3A_24 : f32 to vector<16xf32>
    %add3A_26 = arith.addf %broadcast_in_dim3A_21, %add3A_25 : vector<16xf32>
    %add3A_27 = arith.constant -3.000000e+38 : f32
    %add3A_28 = vector.broadcast %add3A_27 : f32 to vector<16xf32>
    %add3A_29 = arith.addf %broadcast_in_dim3A_21, %add3A_28 : vector<16xf32>
    %scan3A = arith.constant 0 : i32
    %scan3A_30 = arith.constant 128 : i32
    %scan3A_31 = arith.addi %scan3A, %scan3A_30 : i32
    %scan3A_32 = arith.constant 1 : i32
    %scan3A_33:4 = scf.for %scan3A_277 = %scan3A to %scan3A_31 step %scan3A_32 iter_args(%scan3A_278 = %add3A_26, %scan3A_279 = %broadcast_in_dim3A_23, %scan3A_280 = %add3A_29, %scan3A_281 = %broadcast_in_dim3A_23) -> (vector<16xf32>, vector<16xi32>, vector<16xf32>, vector<16xi32>)  : i32 {
      %mul3A_282 = arith.constant 16 : i32
      %mul3A_283 = arith.muli %scan3A_277, %mul3A_282 : i32
      %get3A = arith.constant 0 : i32
      %get3A_284 = arith.index_cast %get3A : i32 to index
      %get3A_285 = arith.index_cast %mul3A_283 : i32 to index
      %get3A_286 = tpu.vector_load %arg7[%get3A_284, %get3A_285] {strides = array<i32>} : memref<1x2048xf32, #tpu.memory_space<vmem>>, vector<16xf32>,
      %mul3A_287 = arith.constant 16 : i32
      %mul3A_288 = arith.muli %scan3A_277, %mul3A_287 : i32
      %add3A_289 = vector.broadcast %mul3A_288 : i32 to vector<16xi32>
      %add3A_290 = arith.addi %add3A_289, %iota3A : vector<16xi32>
      %gt3A = arith.cmpf ogt, %get3A_286, %scan3A_278 : vector<16xf32>
      %gt3A_291 = arith.cmpf ogt, %get3A_286, %scan3A_280 : vector<16xf32>
      %select_n3A_292 = arith.select %gt3A_291, %get3A_286, %scan3A_280 : vector<16xi1>, vector<16xf32>
      %select_n3A_293 = arith.select %gt3A, %scan3A_278, %select_n3A_292 : vector<16xi1>, vector<16xf32>
      %select_n3A_294 = arith.select %gt3A_291, %add3A_290, %scan3A_281 : vector<16xi1>, vector<16xi32>
      %select_n3A_295 = arith.select %gt3A, %scan3A_279, %select_n3A_294 : vector<16xi1>, vector<16xi32>
      %select_n3A_296 = arith.select %gt3A, %get3A_286, %scan3A_278 : vector<16xi1>, vector<16xf32>
      %select_n3A_297 = arith.select %gt3A, %add3A_290, %scan3A_279 : vector<16xi1>, vector<16xi32>
      scf.yield %select_n3A_296, %select_n3A_297, %select_n3A_293, %select_n3A_295 : vector<16xf32>, vector<16xi32>, vector<16xf32>, vector<16xi32>
    }
    %scan3A_34 = arith.constant 128 : i32
    %reduce_max3A = arith.constant true
    %reduce_max3A_35 = vector.broadcast %reduce_max3A : i1 to vector<16xi1>
    %reduce_max3A_36 = tpu.scan <max>, %scan3A_33#0 masked %reduce_max3A_35 : vector<16xf32>, vector<16xi1> -> vector<16xf32>
    %reduce_max3A_37 = vector.extract %reduce_max3A_36[15] : f32 from vector<16xf32>
    %eq3A = vector.broadcast %reduce_max3A_37 : f32 to vector<16xf32>
    %eq3A_38 = arith.cmpf oeq, %scan3A_33#0, %eq3A : vector<16xf32>
    %jit3A_39 = arith.constant 1073741824 : i32
    %broadcast_in_dim3A_40 = vector.broadcast %jit3A_39 : i32 to vector<16xi32>
    %select_n3A_41 = arith.select %eq3A_38, %scan3A_33#1, %broadcast_in_dim3A_40 : vector<16xi1>, vector<16xi32>
    %reduce_min3A = arith.constant true
    %reduce_min3A_42 = vector.broadcast %reduce_min3A : i1 to vector<16xi1>
    %reduce_min3A_43 = arith.constant -2147483648 : i32
    %reduce_min3A_44 = vector.broadcast %reduce_min3A_43 : i32 to vector<16xi32>
    %reduce_min3A_45 = arith.xori %select_n3A_41, %reduce_min3A_44 : vector<16xi32>
    %reduce_min3A_46 = tpu.scan <min>, %reduce_min3A_45 masked %reduce_min3A_42 : vector<16xi32>, vector<16xi1> -> vector<16xi32>
    %reduce_min3A_47 = arith.xori %reduce_min3A_46, %reduce_min3A_44 : vector<16xi32>
    %reduce_min3A_48 = vector.extract %reduce_min3A_47[15] : i32 from vector<16xi32>
    %eq3A_49 = vector.broadcast %reduce_max3A_37 : f32 to vector<16xf32>
    %eq3A_50 = arith.cmpf oeq, %scan3A_33#0, %eq3A_49 : vector<16xf32>
    %eq3A_51 = vector.broadcast %reduce_min3A_48 : i32 to vector<16xi32>
    %eq3A_52 = arith.cmpi eq, %scan3A_33#1, %eq3A_51 : vector<16xi32>
    %and3A_53 = arith.andi %eq3A_50, %eq3A_52 : vector<16xi1>
    %select_n3A_54 = arith.select %and3A_53, %scan3A_33#2, %scan3A_33#0 : vector<16xi1>, vector<16xf32>
    %select_n3A_55 = arith.select %and3A_53, %scan3A_33#3, %scan3A_33#1 : vector<16xi1>, vector<16xi32>
    %reduce_max3A_56 = arith.constant true
    %reduce_max3A_57 = vector.broadcast %reduce_max3A_56 : i1 to vector<16xi1>
    %reduce_max3A_58 = tpu.scan <max>, %select_n3A_54 masked %reduce_max3A_57 : vector<16xf32>, vector<16xi1> -> vector<16xf32>
    %reduce_max3A_59 = vector.extract %reduce_max3A_58[15] : f32 from vector<16xf32>
    %eq3A_60 = vector.broadcast %reduce_max3A_59 : f32 to vector<16xf32>
    %eq3A_61 = arith.cmpf oeq, %select_n3A_54, %eq3A_60 : vector<16xf32>
    %jit3A_62 = arith.constant 1073741824 : i32
    %broadcast_in_dim3A_63 = vector.broadcast %jit3A_62 : i32 to vector<16xi32>
    %select_n3A_64 = arith.select %eq3A_61, %select_n3A_55, %broadcast_in_dim3A_63 : vector<16xi1>, vector<16xi32>
    %reduce_min3A_65 = arith.constant true
    %reduce_min3A_66 = vector.broadcast %reduce_min3A_65 : i1 to vector<16xi1>
    %reduce_min3A_67 = arith.constant -2147483648 : i32
    %reduce_min3A_68 = vector.broadcast %reduce_min3A_67 : i32 to vector<16xi32>
    %reduce_min3A_69 = arith.xori %select_n3A_64, %reduce_min3A_68 : vector<16xi32>
    %reduce_min3A_70 = tpu.scan <min>, %reduce_min3A_69 masked %reduce_min3A_66 : vector<16xi32>, vector<16xi1> -> vector<16xi32>
    %reduce_min3A_71 = arith.xori %reduce_min3A_70, %reduce_min3A_68 : vector<16xi32>
    %reduce_min3A_72 = vector.extract %reduce_min3A_71[15] : i32 from vector<16xi32>
    %mul3A_73 = arith.constant 4 : i32
    %mul3A_74 = arith.muli %sub3A_20, %mul3A_73 : i32
    %add3A_75 = arith.addi %mul3A_74, %select_n3A : i32
    %eq3A_76 = arith.constant 0 : i32
    %eq3A_77 = vector.broadcast %eq3A_76 : i32 to vector<16xi32>
    %eq3A_78 = arith.cmpi eq, %iota3A, %eq3A_77 : vector<16xi32>
    %eq3A_79 = arith.constant 1 : i32
    %eq3A_80 = vector.broadcast %eq3A_79 : i32 to vector<16xi32>
    %eq3A_81 = arith.cmpi eq, %iota3A, %eq3A_80 : vector<16xi32>
    %jit3A_82 = arith.constant 0 : i32
    %broadcast_in_dim3A_83 = vector.broadcast %reduce_min3A_72 : i32 to vector<16xi32>
    %broadcast_in_dim3A_84 = vector.broadcast %jit3A_82 : i32 to vector<16xi32>
    %select_n3A_85 = arith.select %eq3A_81, %broadcast_in_dim3A_83, %broadcast_in_dim3A_84 : vector<16xi1>, vector<16xi32>
    %broadcast_in_dim3A_86 = vector.broadcast %reduce_min3A_48 : i32 to vector<16xi32>
    %select_n3A_87 = arith.select %eq3A_78, %broadcast_in_dim3A_86, %select_n3A_85 : vector<16xi1>, vector<16xi32>
    %swap3A = arith.constant 0 : i32
    %swap3A_88 = arith.index_cast %swap3A : i32 to index
    %swap3A_89 = arith.constant 0 : index
    %swap3A_90 = tpu.vector_load %arg8[%swap3A_88, %swap3A_89] {strides = array<i32>} : memref<1x16xi32, #tpu.memory_space<vmem>>, vector<16xi32>,
    tpu.vector_store %arg8[%swap3A_88, %swap3A_89], %select_n3A_87 {strides = array<i32>} : memref<1x16xi32, #tpu.memory_space<vmem>>, vector<16xi32>,
    %eq3A_91 = arith.constant 0 : i32
    %eq3A_92 = vector.broadcast %eq3A_91 : i32 to vector<16xi32>
    %eq3A_93 = arith.cmpi eq, %iota3A, %eq3A_92 : vector<16xi32>
    %eq3A_94 = arith.constant 1 : i32
    %eq3A_95 = vector.broadcast %eq3A_94 : i32 to vector<16xi32>
    %eq3A_96 = arith.cmpi eq, %iota3A, %eq3A_95 : vector<16xi32>
    %jit3A_97 = arith.constant 0.000000e+00 : f32
    %broadcast_in_dim3A_98 = vector.broadcast %reduce_max3A_59 : f32 to vector<16xf32>
    %broadcast_in_dim3A_99 = vector.broadcast %jit3A_97 : f32 to vector<16xf32>
    %select_n3A_100 = arith.select %eq3A_96, %broadcast_in_dim3A_98, %broadcast_in_dim3A_99 : vector<16xi1>, vector<16xf32>
    %broadcast_in_dim3A_101 = vector.broadcast %reduce_max3A_37 : f32 to vector<16xf32>
    %select_n3A_102 = arith.select %eq3A_93, %broadcast_in_dim3A_101, %select_n3A_100 : vector<16xi1>, vector<16xf32>
    %swap3A_103 = arith.constant 0 : i32
    %swap3A_104 = arith.index_cast %swap3A_103 : i32 to index
    %swap3A_105 = arith.constant 0 : index
    %swap3A_106 = tpu.vector_load %arg9[%swap3A_104, %swap3A_105] {strides = array<i32>} : memref<1x16xf32, #tpu.memory_space<vmem>>, vector<16xf32>,
    tpu.vector_store %arg9[%swap3A_104, %swap3A_105], %select_n3A_102 {strides = array<i32>} : memref<1x16xf32, #tpu.memory_space<vmem>>, vector<16xf32>,
    "tpu.region"() ({
      %run_scoped3A = tpu.sem_alloc : memref<!tpu.dma_semaphore, #tpu.memory_space<semaphore_mem>>
      %dma_start3A_277 = arith.constant 0 : i32
      %dma_start3A_278 = tpu.memref_slice %arg4[%add3A_75, %dma_start3A_277] : memref<32x16xi32, #tpu.memory_space<hbm>> -> memref<1x16xi32, #tpu.memory_space<hbm>>
      %dma_start3A_279 = arith.constant 0 : i32
      %dma_start3A_280 = tpu.memref_slice %arg4[%add3A_75, %dma_start3A_279] : memref<32x16xi32, #tpu.memory_space<hbm>> -> memref<1x16xi32, #tpu.memory_space<hbm>>
      tpu.enqueue_dma source(%arg8 : memref<1x16xi32, #tpu.memory_space<vmem>>) target(%dma_start3A_280 : memref<1x16xi32, #tpu.memory_space<hbm>>) target_semaphore(%run_scoped3A : memref<!tpu.dma_semaphore, #tpu.memory_space<semaphore_mem>>)
      %dma_wait3A_281 = arith.constant 0 : i32
      %dma_wait3A_282 = tpu.memref_slice %arg4[%add3A_75, %dma_wait3A_281] : memref<32x16xi32, #tpu.memory_space<hbm>> -> memref<1x16xi32, #tpu.memory_space<hbm>>
      %dma_wait3A_283 = arith.constant 0 : i32
      %dma_wait3A_284 = tpu.memref_slice %arg4[%add3A_75, %dma_wait3A_283] : memref<32x16xi32, #tpu.memory_space<hbm>> -> memref<1x16xi32, #tpu.memory_space<hbm>>
      tpu.wait_dma2 semaphore(%run_scoped3A : memref<!tpu.dma_semaphore, #tpu.memory_space<semaphore_mem>>) src(%arg8 : memref<1x16xi32, #tpu.memory_space<vmem>>) dst(%dma_wait3A_284 : memref<1x16xi32, #tpu.memory_space<hbm>>)
      tpu.yield
    }) : () -> ()
    "tpu.region"() ({
      %run_scoped3A = tpu.sem_alloc : memref<!tpu.dma_semaphore, #tpu.memory_space<semaphore_mem>>
      %dma_start3A_277 = arith.constant 0 : i32
      %dma_start3A_278 = tpu.memref_slice %arg5[%add3A_75, %dma_start3A_277] : memref<32x16xf32, #tpu.memory_space<hbm>> -> memref<1x16xf32, #tpu.memory_space<hbm>>
      %dma_start3A_279 = arith.constant 0 : i32
      %dma_start3A_280 = tpu.memref_slice %arg5[%add3A_75, %dma_start3A_279] : memref<32x16xf32, #tpu.memory_space<hbm>> -> memref<1x16xf32, #tpu.memory_space<hbm>>
      tpu.enqueue_dma source(%arg9 : memref<1x16xf32, #tpu.memory_space<vmem>>) target(%dma_start3A_280 : memref<1x16xf32, #tpu.memory_space<hbm>>) target_semaphore(%run_scoped3A : memref<!tpu.dma_semaphore, #tpu.memory_space<semaphore_mem>>)
      %dma_wait3A_281 = arith.constant 0 : i32
      %dma_wait3A_282 = tpu.memref_slice %arg5[%add3A_75, %dma_wait3A_281] : memref<32x16xf32, #tpu.memory_space<hbm>> -> memref<1x16xf32, #tpu.memory_space<hbm>>
      %dma_wait3A_283 = arith.constant 0 : i32
      %dma_wait3A_284 = tpu.memref_slice %arg5[%add3A_75, %dma_wait3A_283] : memref<32x16xf32, #tpu.memory_space<hbm>> -> memref<1x16xf32, #tpu.memory_space<hbm>>
      tpu.wait_dma2 semaphore(%run_scoped3A : memref<!tpu.dma_semaphore, #tpu.memory_space<semaphore_mem>>) src(%arg9 : memref<1x16xf32, #tpu.memory_space<vmem>>) dst(%dma_wait3A_284 : memref<1x16xf32, #tpu.memory_space<hbm>>)
      tpu.yield
    }) : () -> ()
    %mul3A_107 = arith.constant 2048 : i32
    %mul3A_108 = arith.muli %select_n3A, %mul3A_107 : i32
    %eq3A_109 = arith.constant 1 : i32
    %eq3A_110 = vector.broadcast %eq3A_109 : i32 to vector<16xi32>
    %eq3A_111 = arith.cmpi eq, %iota3A, %eq3A_110 : vector<16xi32>
    %broadcast_in_dim3A_112 = vector.broadcast %reduce_min3A_72 : i32 to vector<16xi32>
    %broadcast_in_dim3A_113 = vector.broadcast %reduce_min3A_48 : i32 to vector<16xi32>
    %select_n3A_114 = arith.select %eq3A_111, %broadcast_in_dim3A_112, %broadcast_in_dim3A_113 : vector<16xi1>, vector<16xi32>
    %add3A_115 = vector.broadcast %mul3A_108 : i32 to vector<16xi32>
    %add3A_116 = arith.addi %add3A_115, %select_n3A_114 : vector<16xi32>
    %swap3A_117 = arith.constant 0 : index
    %swap3A_118 = tpu.vector_load %arg10[%swap3A_117] {strides = array<i32>} : memref<16xi32, #tpu.memory_space<vmem>>, vector<16xi32>,
    tpu.vector_store %arg10[%swap3A_117], %add3A_116 {strides = array<i32>} : memref<16xi32, #tpu.memory_space<vmem>>, vector<16xi32>,
    %dma_start3A = arith.constant 0 : i32
    %dma_start3A_119 = tpu.memref_slice %arg10[%dma_start3A] : memref<16xi32, #tpu.memory_space<vmem>> -> memref<2xi32, #tpu.memory_space<vmem>>
    %dma_start3A_120 = arith.constant 0 : i32
    %dma_start3A_121 = arith.constant 0 : i32
    %dma_start3A_122 = tpu.memref_slice %arg3[%dma_start3A_120, %dma_start3A_121] : memref<8192x768xf32, #tpu.memory_space<hbm>> -> memref<8192x768xf32, #tpu.memory_space<hbm>>
    tpu.enqueue_indirect_dma source(%dma_start3A_122 : memref<8192x768xf32, #tpu.memory_space<hbm>>) target(%arg11 : memref<2x768xf32, #tpu.memory_space<vmem>>) offsets(%dma_start3A_119 : memref<2xi32, #tpu.memory_space<vmem>>) semaphore(%arg12 : memref<!tpu.dma_semaphore, #tpu.memory_space<semaphore_mem>>)
    %dma_wait3A = arith.constant 0 : i32
    %dma_wait3A_123 = tpu.memref_slice %arg10[%dma_wait3A] : memref<16xi32, #tpu.memory_space<vmem>> -> memref<2xi32, #tpu.memory_space<vmem>>
    %dma_wait3A_124 = arith.constant 0 : i32
    %dma_wait3A_125 = arith.constant 0 : i32
    %dma_wait3A_126 = tpu.memref_slice %arg3[%dma_wait3A_124, %dma_wait3A_125] : memref<8192x768xf32, #tpu.memory_space<hbm>> -> memref<8192x768xf32, #tpu.memory_space<hbm>>
    tpu.wait_indirect_dma semaphore(%arg12 : memref<!tpu.dma_semaphore, #tpu.memory_space<semaphore_mem>>) src(%dma_wait3A_126 : memref<8192x768xf32, #tpu.memory_space<hbm>>) dst(%arg11 : memref<2x768xf32, #tpu.memory_space<vmem>>)
    %mul3A_127 = arith.constant 2 : i32
    %mul3A_128 = arith.muli %add3A_75, %mul3A_127 : i32
    "tpu.region"() ({
      %run_scoped3A = tpu.sem_alloc : memref<!tpu.dma_semaphore, #tpu.memory_space<semaphore_mem>>
      %dma_start3A_277 = arith.constant 0 : i32
      %dma_start3A_278 = tpu.memref_slice %arg6[%mul3A_128, %dma_start3A_277] : memref<64x768xf32, #tpu.memory_space<hbm>> -> memref<2x768xf32, #tpu.memory_space<hbm>>
      %dma_start3A_279 = arith.constant 0 : i32
      %dma_start3A_280 = tpu.memref_slice %arg6[%mul3A_128, %dma_start3A_279] : memref<64x768xf32, #tpu.memory_space<hbm>> -> memref<2x768xf32, #tpu.memory_space<hbm>>
      tpu.enqueue_dma source(%arg11 : memref<2x768xf32, #tpu.memory_space<vmem>>) target(%dma_start3A_280 : memref<2x768xf32, #tpu.memory_space<hbm>>) target_semaphore(%run_scoped3A : memref<!tpu.dma_semaphore, #tpu.memory_space<semaphore_mem>>)
      %dma_wait3A_281 = arith.constant 0 : i32
      %dma_wait3A_282 = tpu.memref_slice %arg6[%mul3A_128, %dma_wait3A_281] : memref<64x768xf32, #tpu.memory_space<hbm>> -> memref<2x768xf32, #tpu.memory_space<hbm>>
      %dma_wait3A_283 = arith.constant 0 : i32
      %dma_wait3A_284 = tpu.memref_slice %arg6[%mul3A_128, %dma_wait3A_283] : memref<64x768xf32, #tpu.memory_space<hbm>> -> memref<2x768xf32, #tpu.memory_space<hbm>>
      tpu.wait_dma2 semaphore(%run_scoped3A : memref<!tpu.dma_semaphore, #tpu.memory_space<semaphore_mem>>) src(%arg11 : memref<2x768xf32, #tpu.memory_space<vmem>>) dst(%dma_wait3A_284 : memref<2x768xf32, #tpu.memory_space<hbm>>)
      tpu.yield
    }) : () -> ()
    %mul3A_129 = arith.constant 2 : i32
    %mul3A_130 = arith.muli %arg1, %mul3A_129 : i32
    %add3A_131 = arith.constant 1 : i32
    %add3A_132 = arith.addi %mul3A_130, %add3A_131 : i32
    %jit3A_133 = arith.constant 8 : i32
    %div3A_134 = arith.divsi %add3A_132, %jit3A_133 : i32
    %sign3A_135 = arith.constant 0 : i32
    %sign3A_136 = arith.cmpi sgt, %add3A_132, %sign3A_135 : i32
    %sign3A_137 = arith.extui %sign3A_136 : i1 to i32
    %sign3A_138 = arith.constant 0 : i32
    %sign3A_139 = arith.cmpi slt, %add3A_132, %sign3A_138 : i32
    %sign3A_140 = arith.extui %sign3A_139 : i1 to i32
    %sign3A_141 = arith.subi %sign3A_137, %sign3A_140 : i32
    %sign3A_142 = arith.constant 0 : i32
    %sign3A_143 = arith.cmpi sgt, %jit3A_133, %sign3A_142 : i32
    %sign3A_144 = arith.extui %sign3A_143 : i1 to i32
    %sign3A_145 = arith.constant 0 : i32
    %sign3A_146 = arith.cmpi slt, %jit3A_133, %sign3A_145 : i32
    %sign3A_147 = arith.extui %sign3A_146 : i1 to i32
    %sign3A_148 = arith.subi %sign3A_144, %sign3A_147 : i32
    %ne3A_149 = arith.cmpi ne, %sign3A_141, %sign3A_148 : i32
    %rem3A_150 = arith.remsi %add3A_132, %jit3A_133 : i32
    %ne3A_151 = arith.constant 0 : i32
    %ne3A_152 = arith.cmpi ne, %rem3A_150, %ne3A_151 : i32
    %and3A_153 = arith.andi %ne3A_149, %ne3A_152 : i1
    %sub3A_154 = arith.constant 1 : i32
    %sub3A_155 = arith.subi %div3A_134, %sub3A_154 : i32
    %select_n3A_156 = arith.select %and3A_153, %sub3A_155, %div3A_134 : i32
    %mul3A_157 = arith.constant 8 : i32
    %mul3A_158 = arith.muli %select_n3A_156, %mul3A_157 : i32
    %sub3A_159 = arith.subi %add3A_132, %mul3A_158 : i32
    "tpu.region"() ({
      %run_scoped3A = tpu.sem_alloc : memref<!tpu.dma_semaphore, #tpu.memory_space<semaphore_mem>>
      %dma_start3A_277 = arith.constant 0 : i32
      %dma_start3A_278 = tpu.memref_slice %arg2[%add3A_132, %dma_start3A_277] : memref<32x2048xf32, #tpu.memory_space<hbm>> -> memref<1x2048xf32, #tpu.memory_space<hbm>>
      %dma_start3A_279 = arith.constant 0 : i32
      %dma_start3A_280 = tpu.memref_slice %arg2[%add3A_132, %dma_start3A_279] : memref<32x2048xf32, #tpu.memory_space<hbm>> -> memref<1x2048xf32, #tpu.memory_space<hbm>>
      tpu.enqueue_dma source(%dma_start3A_280 : memref<1x2048xf32, #tpu.memory_space<hbm>>) target(%arg7 : memref<1x2048xf32, #tpu.memory_space<vmem>>) target_semaphore(%run_scoped3A : memref<!tpu.dma_semaphore, #tpu.memory_space<semaphore_mem>>)
      %dma_wait3A_281 = arith.constant 0 : i32
      %dma_wait3A_282 = tpu.memref_slice %arg2[%add3A_132, %dma_wait3A_281] : memref<32x2048xf32, #tpu.memory_space<hbm>> -> memref<1x2048xf32, #tpu.memory_space<hbm>>
      %dma_wait3A_283 = arith.constant 0 : i32
      %dma_wait3A_284 = tpu.memref_slice %arg2[%add3A_132, %dma_wait3A_283] : memref<32x2048xf32, #tpu.memory_space<hbm>> -> memref<1x2048xf32, #tpu.memory_space<hbm>>
      tpu.wait_dma2 semaphore(%run_scoped3A : memref<!tpu.dma_semaphore, #tpu.memory_space<semaphore_mem>>) src(%dma_wait3A_284 : memref<1x2048xf32, #tpu.memory_space<hbm>>) dst(%arg7 : memref<1x2048xf32, #tpu.memory_space<vmem>>)
      tpu.yield
    }) : () -> ()
    %iota3A_160 = tpu.iota {dimensions = array<i32: 0>} : vector<16xi32>
    %broadcast_in_dim3A_161 = arith.constant 0.000000e+00 : f32
    %broadcast_in_dim3A_162 = vector.broadcast %broadcast_in_dim3A_161 : f32 to vector<16xf32>
    %broadcast_in_dim3A_163 = arith.constant 0 : i32
    %broadcast_in_dim3A_164 = vector.broadcast %broadcast_in_dim3A_163 : i32 to vector<16xi32>
    %add3A_165 = arith.constant -3.000000e+38 : f32
    %add3A_166 = vector.broadcast %add3A_165 : f32 to vector<16xf32>
    %add3A_167 = arith.addf %broadcast_in_dim3A_162, %add3A_166 : vector<16xf32>
    %add3A_168 = arith.constant -3.000000e+38 : f32
    %add3A_169 = vector.broadcast %add3A_168 : f32 to vector<16xf32>
    %add3A_170 = arith.addf %broadcast_in_dim3A_162, %add3A_169 : vector<16xf32>
    %scan3A_171 = arith.constant 0 : i32
    %scan3A_172 = arith.constant 128 : i32
    %scan3A_173 = arith.addi %scan3A_171, %scan3A_172 : i32
    %scan3A_174 = arith.constant 1 : i32
    %scan3A_175:4 = scf.for %scan3A_277 = %scan3A_171 to %scan3A_173 step %scan3A_174 iter_args(%scan3A_278 = %add3A_167, %scan3A_279 = %broadcast_in_dim3A_164, %scan3A_280 = %add3A_170, %scan3A_281 = %broadcast_in_dim3A_164) -> (vector<16xf32>, vector<16xi32>, vector<16xf32>, vector<16xi32>)  : i32 {
      %mul3A_282 = arith.constant 16 : i32
      %mul3A_283 = arith.muli %scan3A_277, %mul3A_282 : i32
      %get3A = arith.constant 0 : i32
      %get3A_284 = arith.index_cast %get3A : i32 to index
      %get3A_285 = arith.index_cast %mul3A_283 : i32 to index
      %get3A_286 = tpu.vector_load %arg7[%get3A_284, %get3A_285] {strides = array<i32>} : memref<1x2048xf32, #tpu.memory_space<vmem>>, vector<16xf32>,
      %mul3A_287 = arith.constant 16 : i32
      %mul3A_288 = arith.muli %scan3A_277, %mul3A_287 : i32
      %add3A_289 = vector.broadcast %mul3A_288 : i32 to vector<16xi32>
      %add3A_290 = arith.addi %add3A_289, %iota3A_160 : vector<16xi32>
      %gt3A = arith.cmpf ogt, %get3A_286, %scan3A_278 : vector<16xf32>
      %gt3A_291 = arith.cmpf ogt, %get3A_286, %scan3A_280 : vector<16xf32>
      %select_n3A_292 = arith.select %gt3A_291, %get3A_286, %scan3A_280 : vector<16xi1>, vector<16xf32>
      %select_n3A_293 = arith.select %gt3A, %scan3A_278, %select_n3A_292 : vector<16xi1>, vector<16xf32>
      %select_n3A_294 = arith.select %gt3A_291, %add3A_290, %scan3A_281 : vector<16xi1>, vector<16xi32>
      %select_n3A_295 = arith.select %gt3A, %scan3A_279, %select_n3A_294 : vector<16xi1>, vector<16xi32>
      %select_n3A_296 = arith.select %gt3A, %get3A_286, %scan3A_278 : vector<16xi1>, vector<16xf32>
      %select_n3A_297 = arith.select %gt3A, %add3A_290, %scan3A_279 : vector<16xi1>, vector<16xi32>
      scf.yield %select_n3A_296, %select_n3A_297, %select_n3A_293, %select_n3A_295 : vector<16xf32>, vector<16xi32>, vector<16xf32>, vector<16xi32>
    }
    %scan3A_176 = arith.constant 128 : i32
    %reduce_max3A_177 = arith.constant true
    %reduce_max3A_178 = vector.broadcast %reduce_max3A_177 : i1 to vector<16xi1>
    %reduce_max3A_179 = tpu.scan <max>, %scan3A_175#0 masked %reduce_max3A_178 : vector<16xf32>, vector<16xi1> -> vector<16xf32>
    %reduce_max3A_180 = vector.extract %reduce_max3A_179[15] : f32 from vector<16xf32>
    %eq3A_181 = vector.broadcast %reduce_max3A_180 : f32 to vector<16xf32>
    %eq3A_182 = arith.cmpf oeq, %scan3A_175#0, %eq3A_181 : vector<16xf32>
    %jit3A_183 = arith.constant 1073741824 : i32
    %broadcast_in_dim3A_184 = vector.broadcast %jit3A_183 : i32 to vector<16xi32>
    %select_n3A_185 = arith.select %eq3A_182, %scan3A_175#1, %broadcast_in_dim3A_184 : vector<16xi1>, vector<16xi32>
    %reduce_min3A_186 = arith.constant true
    %reduce_min3A_187 = vector.broadcast %reduce_min3A_186 : i1 to vector<16xi1>
    %reduce_min3A_188 = arith.constant -2147483648 : i32
    %reduce_min3A_189 = vector.broadcast %reduce_min3A_188 : i32 to vector<16xi32>
    %reduce_min3A_190 = arith.xori %select_n3A_185, %reduce_min3A_189 : vector<16xi32>
    %reduce_min3A_191 = tpu.scan <min>, %reduce_min3A_190 masked %reduce_min3A_187 : vector<16xi32>, vector<16xi1> -> vector<16xi32>
    %reduce_min3A_192 = arith.xori %reduce_min3A_191, %reduce_min3A_189 : vector<16xi32>
    %reduce_min3A_193 = vector.extract %reduce_min3A_192[15] : i32 from vector<16xi32>
    %eq3A_194 = vector.broadcast %reduce_max3A_180 : f32 to vector<16xf32>
    %eq3A_195 = arith.cmpf oeq, %scan3A_175#0, %eq3A_194 : vector<16xf32>
    %eq3A_196 = vector.broadcast %reduce_min3A_193 : i32 to vector<16xi32>
    %eq3A_197 = arith.cmpi eq, %scan3A_175#1, %eq3A_196 : vector<16xi32>
    %and3A_198 = arith.andi %eq3A_195, %eq3A_197 : vector<16xi1>
    %select_n3A_199 = arith.select %and3A_198, %scan3A_175#2, %scan3A_175#0 : vector<16xi1>, vector<16xf32>
    %select_n3A_200 = arith.select %and3A_198, %scan3A_175#3, %scan3A_175#1 : vector<16xi1>, vector<16xi32>
    %reduce_max3A_201 = arith.constant true
    %reduce_max3A_202 = vector.broadcast %reduce_max3A_201 : i1 to vector<16xi1>
    %reduce_max3A_203 = tpu.scan <max>, %select_n3A_199 masked %reduce_max3A_202 : vector<16xf32>, vector<16xi1> -> vector<16xf32>
    %reduce_max3A_204 = vector.extract %reduce_max3A_203[15] : f32 from vector<16xf32>
    %eq3A_205 = vector.broadcast %reduce_max3A_204 : f32 to vector<16xf32>
    %eq3A_206 = arith.cmpf oeq, %select_n3A_199, %eq3A_205 : vector<16xf32>
    %jit3A_207 = arith.constant 1073741824 : i32
    %broadcast_in_dim3A_208 = vector.broadcast %jit3A_207 : i32 to vector<16xi32>
    %select_n3A_209 = arith.select %eq3A_206, %select_n3A_200, %broadcast_in_dim3A_208 : vector<16xi1>, vector<16xi32>
    %reduce_min3A_210 = arith.constant true
    %reduce_min3A_211 = vector.broadcast %reduce_min3A_210 : i1 to vector<16xi1>
    %reduce_min3A_212 = arith.constant -2147483648 : i32
    %reduce_min3A_213 = vector.broadcast %reduce_min3A_212 : i32 to vector<16xi32>
    %reduce_min3A_214 = arith.xori %select_n3A_209, %reduce_min3A_213 : vector<16xi32>
    %reduce_min3A_215 = tpu.scan <min>, %reduce_min3A_214 masked %reduce_min3A_211 : vector<16xi32>, vector<16xi1> -> vector<16xi32>
    %reduce_min3A_216 = arith.xori %reduce_min3A_215, %reduce_min3A_213 : vector<16xi32>
    %reduce_min3A_217 = vector.extract %reduce_min3A_216[15] : i32 from vector<16xi32>
    %mul3A_218 = arith.constant 4 : i32
    %mul3A_219 = arith.muli %sub3A_159, %mul3A_218 : i32
    %add3A_220 = arith.addi %mul3A_219, %select_n3A_156 : i32
    %eq3A_221 = arith.constant 0 : i32
    %eq3A_222 = vector.broadcast %eq3A_221 : i32 to vector<16xi32>
    %eq3A_223 = arith.cmpi eq, %iota3A_160, %eq3A_222 : vector<16xi32>
    %eq3A_224 = arith.constant 1 : i32
    %eq3A_225 = vector.broadcast %eq3A_224 : i32 to vector<16xi32>
    %eq3A_226 = arith.cmpi eq, %iota3A_160, %eq3A_225 : vector<16xi32>
    %jit3A_227 = arith.constant 0 : i32
    %broadcast_in_dim3A_228 = vector.broadcast %reduce_min3A_217 : i32 to vector<16xi32>
    %broadcast_in_dim3A_229 = vector.broadcast %jit3A_227 : i32 to vector<16xi32>
    %select_n3A_230 = arith.select %eq3A_226, %broadcast_in_dim3A_228, %broadcast_in_dim3A_229 : vector<16xi1>, vector<16xi32>
    %broadcast_in_dim3A_231 = vector.broadcast %reduce_min3A_193 : i32 to vector<16xi32>
    %select_n3A_232 = arith.select %eq3A_223, %broadcast_in_dim3A_231, %select_n3A_230 : vector<16xi1>, vector<16xi32>
    %swap3A_233 = arith.constant 0 : i32
    %swap3A_234 = arith.index_cast %swap3A_233 : i32 to index
    %swap3A_235 = arith.constant 0 : index
    %swap3A_236 = tpu.vector_load %arg8[%swap3A_234, %swap3A_235] {strides = array<i32>} : memref<1x16xi32, #tpu.memory_space<vmem>>, vector<16xi32>,
    tpu.vector_store %arg8[%swap3A_234, %swap3A_235], %select_n3A_232 {strides = array<i32>} : memref<1x16xi32, #tpu.memory_space<vmem>>, vector<16xi32>,
    %eq3A_237 = arith.constant 0 : i32
    %eq3A_238 = vector.broadcast %eq3A_237 : i32 to vector<16xi32>
    %eq3A_239 = arith.cmpi eq, %iota3A_160, %eq3A_238 : vector<16xi32>
    %eq3A_240 = arith.constant 1 : i32
    %eq3A_241 = vector.broadcast %eq3A_240 : i32 to vector<16xi32>
    %eq3A_242 = arith.cmpi eq, %iota3A_160, %eq3A_241 : vector<16xi32>
    %jit3A_243 = arith.constant 0.000000e+00 : f32
    %broadcast_in_dim3A_244 = vector.broadcast %reduce_max3A_204 : f32 to vector<16xf32>
    %broadcast_in_dim3A_245 = vector.broadcast %jit3A_243 : f32 to vector<16xf32>
    %select_n3A_246 = arith.select %eq3A_242, %broadcast_in_dim3A_244, %broadcast_in_dim3A_245 : vector<16xi1>, vector<16xf32>
    %broadcast_in_dim3A_247 = vector.broadcast %reduce_max3A_180 : f32 to vector<16xf32>
    %select_n3A_248 = arith.select %eq3A_239, %broadcast_in_dim3A_247, %select_n3A_246 : vector<16xi1>, vector<16xf32>
    %swap3A_249 = arith.constant 0 : i32
    %swap3A_250 = arith.index_cast %swap3A_249 : i32 to index
    %swap3A_251 = arith.constant 0 : index
    %swap3A_252 = tpu.vector_load %arg9[%swap3A_250, %swap3A_251] {strides = array<i32>} : memref<1x16xf32, #tpu.memory_space<vmem>>, vector<16xf32>,
    tpu.vector_store %arg9[%swap3A_250, %swap3A_251], %select_n3A_248 {strides = array<i32>} : memref<1x16xf32, #tpu.memory_space<vmem>>, vector<16xf32>,
    "tpu.region"() ({
      %run_scoped3A = tpu.sem_alloc : memref<!tpu.dma_semaphore, #tpu.memory_space<semaphore_mem>>
      %dma_start3A_277 = arith.constant 0 : i32
      %dma_start3A_278 = tpu.memref_slice %arg4[%add3A_220, %dma_start3A_277] : memref<32x16xi32, #tpu.memory_space<hbm>> -> memref<1x16xi32, #tpu.memory_space<hbm>>
      %dma_start3A_279 = arith.constant 0 : i32
      %dma_start3A_280 = tpu.memref_slice %arg4[%add3A_220, %dma_start3A_279] : memref<32x16xi32, #tpu.memory_space<hbm>> -> memref<1x16xi32, #tpu.memory_space<hbm>>
      tpu.enqueue_dma source(%arg8 : memref<1x16xi32, #tpu.memory_space<vmem>>) target(%dma_start3A_280 : memref<1x16xi32, #tpu.memory_space<hbm>>) target_semaphore(%run_scoped3A : memref<!tpu.dma_semaphore, #tpu.memory_space<semaphore_mem>>)
      %dma_wait3A_281 = arith.constant 0 : i32
      %dma_wait3A_282 = tpu.memref_slice %arg4[%add3A_220, %dma_wait3A_281] : memref<32x16xi32, #tpu.memory_space<hbm>> -> memref<1x16xi32, #tpu.memory_space<hbm>>
      %dma_wait3A_283 = arith.constant 0 : i32
      %dma_wait3A_284 = tpu.memref_slice %arg4[%add3A_220, %dma_wait3A_283] : memref<32x16xi32, #tpu.memory_space<hbm>> -> memref<1x16xi32, #tpu.memory_space<hbm>>
      tpu.wait_dma2 semaphore(%run_scoped3A : memref<!tpu.dma_semaphore, #tpu.memory_space<semaphore_mem>>) src(%arg8 : memref<1x16xi32, #tpu.memory_space<vmem>>) dst(%dma_wait3A_284 : memref<1x16xi32, #tpu.memory_space<hbm>>)
      tpu.yield
    }) : () -> ()
    "tpu.region"() ({
      %run_scoped3A = tpu.sem_alloc : memref<!tpu.dma_semaphore, #tpu.memory_space<semaphore_mem>>
      %dma_start3A_277 = arith.constant 0 : i32
      %dma_start3A_278 = tpu.memref_slice %arg5[%add3A_220, %dma_start3A_277] : memref<32x16xf32, #tpu.memory_space<hbm>> -> memref<1x16xf32, #tpu.memory_space<hbm>>
      %dma_start3A_279 = arith.constant 0 : i32
      %dma_start3A_280 = tpu.memref_slice %arg5[%add3A_220, %dma_start3A_279] : memref<32x16xf32, #tpu.memory_space<hbm>> -> memref<1x16xf32, #tpu.memory_space<hbm>>
      tpu.enqueue_dma source(%arg9 : memref<1x16xf32, #tpu.memory_space<vmem>>) target(%dma_start3A_280 : memref<1x16xf32, #tpu.memory_space<hbm>>) target_semaphore(%run_scoped3A : memref<!tpu.dma_semaphore, #tpu.memory_space<semaphore_mem>>)
      %dma_wait3A_281 = arith.constant 0 : i32
      %dma_wait3A_282 = tpu.memref_slice %arg5[%add3A_220, %dma_wait3A_281] : memref<32x16xf32, #tpu.memory_space<hbm>> -> memref<1x16xf32, #tpu.memory_space<hbm>>
      %dma_wait3A_283 = arith.constant 0 : i32
      %dma_wait3A_284 = tpu.memref_slice %arg5[%add3A_220, %dma_wait3A_283] : memref<32x16xf32, #tpu.memory_space<hbm>> -> memref<1x16xf32, #tpu.memory_space<hbm>>
      tpu.wait_dma2 semaphore(%run_scoped3A : memref<!tpu.dma_semaphore, #tpu.memory_space<semaphore_mem>>) src(%arg9 : memref<1x16xf32, #tpu.memory_space<vmem>>) dst(%dma_wait3A_284 : memref<1x16xf32, #tpu.memory_space<hbm>>)
      tpu.yield
    }) : () -> ()
    %mul3A_253 = arith.constant 2048 : i32
    %mul3A_254 = arith.muli %select_n3A_156, %mul3A_253 : i32
    %eq3A_255 = arith.constant 1 : i32
    %eq3A_256 = vector.broadcast %eq3A_255 : i32 to vector<16xi32>
    %eq3A_257 = arith.cmpi eq, %iota3A_160, %eq3A_256 : vector<16xi32>
    %broadcast_in_dim3A_258 = vector.broadcast %reduce_min3A_217 : i32 to vector<16xi32>
    %broadcast_in_dim3A_259 = vector.broadcast %reduce_min3A_193 : i32 to vector<16xi32>
    %select_n3A_260 = arith.select %eq3A_257, %broadcast_in_dim3A_258, %broadcast_in_dim3A_259 : vector<16xi1>, vector<16xi32>
    %add3A_261 = vector.broadcast %mul3A_254 : i32 to vector<16xi32>
    %add3A_262 = arith.addi %add3A_261, %select_n3A_260 : vector<16xi32>
    %swap3A_263 = arith.constant 0 : index
    %swap3A_264 = tpu.vector_load %arg10[%swap3A_263] {strides = array<i32>} : memref<16xi32, #tpu.memory_space<vmem>>, vector<16xi32>,
    tpu.vector_store %arg10[%swap3A_263], %add3A_262 {strides = array<i32>} : memref<16xi32, #tpu.memory_space<vmem>>, vector<16xi32>,
    %dma_start3A_265 = arith.constant 0 : i32
    %dma_start3A_266 = tpu.memref_slice %arg10[%dma_start3A_265] : memref<16xi32, #tpu.memory_space<vmem>> -> memref<2xi32, #tpu.memory_space<vmem>>
    %dma_start3A_267 = arith.constant 0 : i32
    %dma_start3A_268 = arith.constant 0 : i32
    %dma_start3A_269 = tpu.memref_slice %arg3[%dma_start3A_267, %dma_start3A_268] : memref<8192x768xf32, #tpu.memory_space<hbm>> -> memref<8192x768xf32, #tpu.memory_space<hbm>>
    tpu.enqueue_indirect_dma source(%dma_start3A_269 : memref<8192x768xf32, #tpu.memory_space<hbm>>) target(%arg11 : memref<2x768xf32, #tpu.memory_space<vmem>>) offsets(%dma_start3A_266 : memref<2xi32, #tpu.memory_space<vmem>>) semaphore(%arg12 : memref<!tpu.dma_semaphore, #tpu.memory_space<semaphore_mem>>)
    %dma_wait3A_270 = arith.constant 0 : i32
    %dma_wait3A_271 = tpu.memref_slice %arg10[%dma_wait3A_270] : memref<16xi32, #tpu.memory_space<vmem>> -> memref<2xi32, #tpu.memory_space<vmem>>
    %dma_wait3A_272 = arith.constant 0 : i32
    %dma_wait3A_273 = arith.constant 0 : i32
    %dma_wait3A_274 = tpu.memref_slice %arg3[%dma_wait3A_272, %dma_wait3A_273] : memref<8192x768xf32, #tpu.memory_space<hbm>> -> memref<8192x768xf32, #tpu.memory_space<hbm>>
    tpu.wait_indirect_dma semaphore(%arg12 : memref<!tpu.dma_semaphore, #tpu.memory_space<semaphore_mem>>) src(%dma_wait3A_274 : memref<8192x768xf32, #tpu.memory_space<hbm>>) dst(%arg11 : memref<2x768xf32, #tpu.memory_space<vmem>>)
    %mul3A_275 = arith.constant 2 : i32
    %mul3A_276 = arith.muli %add3A_220, %mul3A_275 : i32
    "tpu.region"() ({
      %run_scoped3A = tpu.sem_alloc : memref<!tpu.dma_semaphore, #tpu.memory_space<semaphore_mem>>
      %dma_start3A_277 = arith.constant 0 : i32
      %dma_start3A_278 = tpu.memref_slice %arg6[%mul3A_276, %dma_start3A_277] : memref<64x768xf32, #tpu.memory_space<hbm>> -> memref<2x768xf32, #tpu.memory_space<hbm>>
      %dma_start3A_279 = arith.constant 0 : i32
      %dma_start3A_280 = tpu.memref_slice %arg6[%mul3A_276, %dma_start3A_279] : memref<64x768xf32, #tpu.memory_space<hbm>> -> memref<2x768xf32, #tpu.memory_space<hbm>>
      tpu.enqueue_dma source(%arg11 : memref<2x768xf32, #tpu.memory_space<vmem>>) target(%dma_start3A_280 : memref<2x768xf32, #tpu.memory_space<hbm>>) target_semaphore(%run_scoped3A : memref<!tpu.dma_semaphore, #tpu.memory_space<semaphore_mem>>)
      %dma_wait3A_281 = arith.constant 0 : i32
      %dma_wait3A_282 = tpu.memref_slice %arg6[%mul3A_276, %dma_wait3A_281] : memref<64x768xf32, #tpu.memory_space<hbm>> -> memref<2x768xf32, #tpu.memory_space<hbm>>
      %dma_wait3A_283 = arith.constant 0 : i32
      %dma_wait3A_284 = tpu.memref_slice %arg6[%mul3A_276, %dma_wait3A_283] : memref<64x768xf32, #tpu.memory_space<hbm>> -> memref<2x768xf32, #tpu.memory_space<hbm>>
      tpu.wait_dma2 semaphore(%run_scoped3A : memref<!tpu.dma_semaphore, #tpu.memory_space<semaphore_mem>>) src(%arg11 : memref<2x768xf32, #tpu.memory_space<vmem>>) dst(%dma_wait3A_284 : memref<2x768xf32, #tpu.memory_space<hbm>>)
      tpu.yield
    }) : () -> ()
    return
  }
}

module attributes {stable_mosaic.version = 14 : i64} {
  func.func @_zero_kernel(%arg0: i32, %arg1: memref<1x2048x768xf32, #tpu.memory_space<vmem>>) attributes {dimension_semantics = [#tpu.dimension_semantics<arbitrary>], iteration_bounds = array<i64: 4>, scalar_prefetch = 0 : i64, scratch_operands = 0 : i64, tpu.core_type = #tpu.core_type<tc>, window_params = [{transform_indices = @transform_0, window_bounds = array<i64: 1, 2048, 768>}]} {
    %broadcast_in_dim3A = arith.constant 0.000000e+00 : f32
    %broadcast_in_dim3A_0 = vector.broadcast %broadcast_in_dim3A : f32 to vector<1x2048x768xf32>
    %swap3A = arith.constant 0 : index
    %swap3A_1 = arith.constant 0 : index
    %swap3A_2 = arith.constant 0 : index
    %swap3A_3 = vector.load %arg1[%swap3A, %swap3A_1, %swap3A_2] : memref<1x2048x768xf32, #tpu.memory_space<vmem>>, vector<1x2048x768xf32>
    tpu.vector_store %arg1[%swap3A, %swap3A_1, %swap3A_2], %broadcast_in_dim3A_0 {strides = array<i32>} : memref<1x2048x768xf32, #tpu.memory_space<vmem>>, vector<1x2048x768xf32>,
    return
  }
  func.func @transform_0(%arg0: i32) -> (i32, i32, i32) {
    %c0_i32 = arith.constant 0 : i32
    %c0_i32_0 = arith.constant 0 : i32
    %c0_i32_1 = arith.constant 0 : i32
    return %arg0, %c0_i32, %c0_i32_0 : i32, i32, i32
  }
}

module attributes {stable_mosaic.version = 14 : i64} {
  func.func @_gate_kernel(%arg0: i32, %arg1: memref<1x2048x768xf32, #tpu.memory_space<vmem>>, %arg2: memref<768x8xf32, #tpu.memory_space<vmem>>, %arg3: memref<8x1xf32, #tpu.memory_space<vmem>>, %arg4: memref<1x8x2048xf32, #tpu.memory_space<vmem>>, %arg5: memref<1x8x2xf32, #tpu.memory_space<vmem>>) attributes {dimension_semantics = [#tpu.dimension_semantics<arbitrary>], iteration_bounds = array<i64: 4>, scalar_prefetch = 0 : i64, scratch_operands = 0 : i64, tpu.core_type = #tpu.core_type<tc>, window_params = [{transform_indices = @transform_0, window_bounds = array<i64: 1, 2048, 768>}, {pipeline_mode = #tpu.pipeline_mode<synchronous>, transform_indices = @transform_1, window_bounds = array<i64: 768, 8>}, {pipeline_mode = #tpu.pipeline_mode<synchronous>, transform_indices = @transform_2, window_bounds = array<i64: 8, 1>}, {transform_indices = @transform_3, window_bounds = array<i64: 1, 8, 2048>}, {transform_indices = @transform_4, window_bounds = array<i64: 1, 8, 2>}]} {
    %get3A = arith.constant 0 : index
    %get3A_0 = arith.constant 0 : index
    %get3A_1 = arith.constant 0 : index
    %get3A_2 = vector.load %arg1[%get3A, %get3A_0, %get3A_1] : memref<1x2048x768xf32, #tpu.memory_space<vmem>>, vector<1x2048x768xf32>
    %get3A_3 = vector.shape_cast %get3A_2 : vector<1x2048x768xf32> to vector<2048x768xf32>
    %get3A_4 = arith.constant 0 : index
    %get3A_5 = arith.constant 0 : index
    %get3A_6 = vector.load %arg2[%get3A_4, %get3A_5] : memref<768x8xf32, #tpu.memory_space<vmem>>, vector<768x8xf32>
    %dot_general3A = arith.constant dense<0.000000e+00> : vector<8x2048xf32>
    %dot_general3A_7 = tpu.matmul %get3A_6, %get3A_3, %dot_general3A {dimension_numbers = #tpu.dot_dimension_numbers<[0], [1], [1], [0], [0, 1, 1, 0], [], []>, transpose_lhs_hint = false} : vector<768x8xf32>, vector<2048x768xf32>, vector<8x2048xf32> -> vector<8x2048xf32>
    %get3A_8 = arith.constant 0 : index
    %get3A_9 = arith.constant 0 : index
    %get3A_10 = vector.load %arg3[%get3A_8, %get3A_9] : memref<8x1xf32, #tpu.memory_space<vmem>>, vector<8x1xf32>
    %add3A = vector.broadcast %get3A_10 : vector<8x1xf32> to vector<8x2048xf32>
    %add3A_11 = arith.addf %dot_general3A_7, %add3A : vector<8x2048xf32>
    %swap3A = arith.constant 0 : index
    %swap3A_12 = arith.constant 0 : index
    %swap3A_13 = arith.constant 0 : index
    %swap3A_14 = vector.load %arg4[%swap3A, %swap3A_12, %swap3A_13] : memref<1x8x2048xf32, #tpu.memory_space<vmem>>, vector<1x8x2048xf32>
    %swap3A_15 = vector.shape_cast %swap3A_14 : vector<1x8x2048xf32> to vector<8x2048xf32>
    %swap3A_16 = vector.shape_cast %add3A_11 : vector<8x2048xf32> to vector<1x8x2048xf32>
    tpu.vector_store %arg4[%swap3A, %swap3A_12, %swap3A_13], %swap3A_16 {strides = array<i32>} : memref<1x8x2048xf32, #tpu.memory_space<vmem>>, vector<1x8x2048xf32>,
    %reduce_max3A = arith.constant dense<0xFF800000> : vector<8xf32>
    %reduce_max3A_17 = vector.multi_reduction <maximumf>, %add3A_11, %reduce_max3A [1] : vector<8x2048xf32> to vector<8xf32>
    %broadcast_in_dim3A = vector.shape_cast %reduce_max3A_17 : vector<8xf32> to vector<8x1xf32>
    %sub3A = vector.broadcast %broadcast_in_dim3A : vector<8x1xf32> to vector<8x2048xf32>
    %sub3A_18 = arith.subf %add3A_11, %sub3A : vector<8x2048xf32>
    %exp3A = math.exp %sub3A_18 : vector<8x2048xf32>
    %reduce_sum3A = arith.constant dense<0.000000e+00> : vector<8xf32>
    %reduce_sum3A_19 = vector.multi_reduction <add>, %exp3A, %reduce_sum3A [1] : vector<8x2048xf32> to vector<8xf32>
    %broadcast_in_dim3A_20 = vector.shape_cast %reduce_sum3A_19 : vector<8xf32> to vector<8x1xf32>
    %concatenate3A = tpu.concatenate %broadcast_in_dim3A, %broadcast_in_dim3A_20 in 1 : vector<8x1xf32>, vector<8x1xf32> -> vector<8x2xf32>
    %swap3A_21 = arith.constant 0 : index
    %swap3A_22 = arith.constant 0 : index
    %swap3A_23 = arith.constant 0 : index
    %swap3A_24 = vector.load %arg5[%swap3A_21, %swap3A_22, %swap3A_23] : memref<1x8x2xf32, #tpu.memory_space<vmem>>, vector<1x8x2xf32>
    %swap3A_25 = vector.shape_cast %swap3A_24 : vector<1x8x2xf32> to vector<8x2xf32>
    %swap3A_26 = vector.shape_cast %concatenate3A : vector<8x2xf32> to vector<1x8x2xf32>
    tpu.vector_store %arg5[%swap3A_21, %swap3A_22, %swap3A_23], %swap3A_26 {strides = array<i32>} : memref<1x8x2xf32, #tpu.memory_space<vmem>>, vector<1x8x2xf32>,
    return
  }
  func.func @transform_0(%arg0: i32) -> (i32, i32, i32) {
    %c0_i32 = arith.constant 0 : i32
    %c0_i32_0 = arith.constant 0 : i32
    %c0_i32_1 = arith.constant 0 : i32
    return %arg0, %c0_i32, %c0_i32_0 : i32, i32, i32
  }
  func.func @transform_1(%arg0: i32) -> (i32, i32) {
    %c0_i32 = arith.constant 0 : i32
    %c0_i32_0 = arith.constant 0 : i32
    %c0_i32_1 = arith.constant 0 : i32
    return %c0_i32, %c0_i32_0 : i32, i32
  }
  func.func @transform_2(%arg0: i32) -> (i32, i32) {
    %c0_i32 = arith.constant 0 : i32
    %c0_i32_0 = arith.constant 0 : i32
    %c0_i32_1 = arith.constant 0 : i32
    return %c0_i32, %c0_i32_0 : i32, i32
  }
  func.func @transform_3(%arg0: i32) -> (i32, i32, i32) {
    %c0_i32 = arith.constant 0 : i32
    %c0_i32_0 = arith.constant 0 : i32
    %c0_i32_1 = arith.constant 0 : i32
    return %arg0, %c0_i32, %c0_i32_0 : i32, i32, i32
  }
  func.func @transform_4(%arg0: i32) -> (i32, i32, i32) {
    %c0_i32 = arith.constant 0 : i32
    %c0_i32_0 = arith.constant 0 : i32
    %c0_i32_1 = arith.constant 0 : i32
    return %arg0, %c0_i32, %c0_i32_0 : i32, i32, i32
  }
}

module attributes {stable_mosaic.version = 14 : i64} {
  func.func @_scatter_mm_kernel(%arg0: memref<4x2048x768xf32, #tpu.memory_space<hbm>>, %arg1: memref<32x16xi32, #tpu.memory_space<smem>>, %arg2: memref<32x16xf32, #tpu.memory_space<smem>>, %arg3: memref<32x2xf32, #tpu.memory_space<smem>>, %arg4: memref<8x1xf32, #tpu.memory_space<smem>>, %arg5: memref<8x8x768xf32, #tpu.memory_space<vmem>>, %arg6: memref<8x768x768xf32, #tpu.memory_space<vmem>>, %arg7: memref<4x2048x768xf32, #tpu.memory_space<hbm>>, %arg8: memref<4x16x768xf32, #tpu.memory_space<vmem>>, %arg9: memref<4x16x768xf32, #tpu.memory_space<vmem>>, %arg10: memref<!tpu.dma_semaphore, #tpu.memory_space<semaphore_mem>>) attributes {dimension_semantics = [], scalar_prefetch = 0 : i64, scratch_operands = 3 : i64, tpu.core_type = #tpu.core_type<tc>} {
    %get3A = arith.constant 0 : index
    %get3A_0 = arith.constant 0 : index
    %get3A_1 = arith.constant 0 : index
    %get3A_2 = vector.load %arg5[%get3A, %get3A_0, %get3A_1] : memref<8x8x768xf32, #tpu.memory_space<vmem>>, vector<1x8x768xf32>
    %get3A_3 = vector.shape_cast %get3A_2 : vector<1x8x768xf32> to vector<8x768xf32>
    %get3A_4 = arith.constant 0 : index
    %get3A_5 = arith.constant 0 : index
    %get3A_6 = arith.constant 0 : index
    %get3A_7 = vector.load %arg6[%get3A_4, %get3A_5, %get3A_6] : memref<8x768x768xf32, #tpu.memory_space<vmem>>, vector<1x768x768xf32>
    %get3A_8 = vector.shape_cast %get3A_7 : vector<1x768x768xf32> to vector<768x768xf32>
    %dot_general3A = arith.constant dense<0.000000e+00> : vector<8x768xf32>
    %dot_general3A_9 = tpu.matmul %get3A_3, %get3A_8, %dot_general3A {dimension_numbers = #tpu.dot_dimension_numbers<[1], [0], [0], [1], [0, 0, 1, 1], [], []>, transpose_lhs_hint = false} : vector<8x768xf32>, vector<768x768xf32>, vector<8x768xf32> -> vector<8x768xf32>
    %reshape3A = vector.shape_cast %dot_general3A_9 : vector<8x768xf32> to vector<4x2x768xf32>
    %swap3A = arith.constant 0 : index
    %swap3A_10 = arith.constant 0 : index
    %swap3A_11 = arith.constant 0 : index
    %swap3A_12 = vector.load %arg8[%swap3A, %swap3A_10, %swap3A_11] : memref<4x16x768xf32, #tpu.memory_space<vmem>>, vector<4x2x768xf32>
    tpu.vector_store %arg8[%swap3A, %swap3A_10, %swap3A_11], %reshape3A {strides = array<i32>} : memref<4x16x768xf32, #tpu.memory_space<vmem>>, vector<4x2x768xf32>,
    %get3A_13 = arith.constant 1 : index
    %get3A_14 = arith.constant 0 : index
    %get3A_15 = arith.constant 0 : index
    %get3A_16 = vector.load %arg5[%get3A_13, %get3A_14, %get3A_15] : memref<8x8x768xf32, #tpu.memory_space<vmem>>, vector<1x8x768xf32>
    %get3A_17 = vector.shape_cast %get3A_16 : vector<1x8x768xf32> to vector<8x768xf32>
    %get3A_18 = arith.constant 1 : index
    %get3A_19 = arith.constant 0 : index
    %get3A_20 = arith.constant 0 : index
    %get3A_21 = vector.load %arg6[%get3A_18, %get3A_19, %get3A_20] : memref<8x768x768xf32, #tpu.memory_space<vmem>>, vector<1x768x768xf32>
    %get3A_22 = vector.shape_cast %get3A_21 : vector<1x768x768xf32> to vector<768x768xf32>
    %dot_general3A_23 = arith.constant dense<0.000000e+00> : vector<8x768xf32>
    %dot_general3A_24 = tpu.matmul %get3A_17, %get3A_22, %dot_general3A_23 {dimension_numbers = #tpu.dot_dimension_numbers<[1], [0], [0], [1], [0, 0, 1, 1], [], []>, transpose_lhs_hint = false} : vector<8x768xf32>, vector<768x768xf32>, vector<8x768xf32> -> vector<8x768xf32>
    %reshape3A_25 = vector.shape_cast %dot_general3A_24 : vector<8x768xf32> to vector<4x2x768xf32>
    %swap3A_26 = arith.constant 0 : index
    %swap3A_27 = arith.constant 2 : index
    %swap3A_28 = arith.constant 0 : index
    %swap3A_29 = vector.load %arg8[%swap3A_26, %swap3A_27, %swap3A_28] : memref<4x16x768xf32, #tpu.memory_space<vmem>>, vector<4x2x768xf32>
    tpu.vector_store %arg8[%swap3A_26, %swap3A_27, %swap3A_28], %reshape3A_25 {strides = array<i32>} : memref<4x16x768xf32, #tpu.memory_space<vmem>>, vector<4x2x768xf32>,
    %get3A_30 = arith.constant 2 : index
    %get3A_31 = arith.constant 0 : index
    %get3A_32 = arith.constant 0 : index
    %get3A_33 = vector.load %arg5[%get3A_30, %get3A_31, %get3A_32] : memref<8x8x768xf32, #tpu.memory_space<vmem>>, vector<1x8x768xf32>
    %get3A_34 = vector.shape_cast %get3A_33 : vector<1x8x768xf32> to vector<8x768xf32>
    %get3A_35 = arith.constant 2 : index
    %get3A_36 = arith.constant 0 : index
    %get3A_37 = arith.constant 0 : index
    %get3A_38 = vector.load %arg6[%get3A_35, %get3A_36, %get3A_37] : memref<8x768x768xf32, #tpu.memory_space<vmem>>, vector<1x768x768xf32>
    %get3A_39 = vector.shape_cast %get3A_38 : vector<1x768x768xf32> to vector<768x768xf32>
    %dot_general3A_40 = arith.constant dense<0.000000e+00> : vector<8x768xf32>
    %dot_general3A_41 = tpu.matmul %get3A_34, %get3A_39, %dot_general3A_40 {dimension_numbers = #tpu.dot_dimension_numbers<[1], [0], [0], [1], [0, 0, 1, 1], [], []>, transpose_lhs_hint = false} : vector<8x768xf32>, vector<768x768xf32>, vector<8x768xf32> -> vector<8x768xf32>
    %reshape3A_42 = vector.shape_cast %dot_general3A_41 : vector<8x768xf32> to vector<4x2x768xf32>
    %swap3A_43 = arith.constant 0 : index
    %swap3A_44 = arith.constant 4 : index
    %swap3A_45 = arith.constant 0 : index
    %swap3A_46 = vector.load %arg8[%swap3A_43, %swap3A_44, %swap3A_45] : memref<4x16x768xf32, #tpu.memory_space<vmem>>, vector<4x2x768xf32>
    tpu.vector_store %arg8[%swap3A_43, %swap3A_44, %swap3A_45], %reshape3A_42 {strides = array<i32>} : memref<4x16x768xf32, #tpu.memory_space<vmem>>, vector<4x2x768xf32>,
    %get3A_47 = arith.constant 3 : index
    %get3A_48 = arith.constant 0 : index
    %get3A_49 = arith.constant 0 : index
    %get3A_50 = vector.load %arg5[%get3A_47, %get3A_48, %get3A_49] : memref<8x8x768xf32, #tpu.memory_space<vmem>>, vector<1x8x768xf32>
    %get3A_51 = vector.shape_cast %get3A_50 : vector<1x8x768xf32> to vector<8x768xf32>
    %get3A_52 = arith.constant 3 : index
    %get3A_53 = arith.constant 0 : index
    %get3A_54 = arith.constant 0 : index
    %get3A_55 = vector.load %arg6[%get3A_52, %get3A_53, %get3A_54] : memref<8x768x768xf32, #tpu.memory_space<vmem>>, vector<1x768x768xf32>
    %get3A_56 = vector.shape_cast %get3A_55 : vector<1x768x768xf32> to vector<768x768xf32>
    %dot_general3A_57 = arith.constant dense<0.000000e+00> : vector<8x768xf32>
    %dot_general3A_58 = tpu.matmul %get3A_51, %get3A_56, %dot_general3A_57 {dimension_numbers = #tpu.dot_dimension_numbers<[1], [0], [0], [1], [0, 0, 1, 1], [], []>, transpose_lhs_hint = false} : vector<8x768xf32>, vector<768x768xf32>, vector<8x768xf32> -> vector<8x768xf32>
    %reshape3A_59 = vector.shape_cast %dot_general3A_58 : vector<8x768xf32> to vector<4x2x768xf32>
    %swap3A_60 = arith.constant 0 : index
    %swap3A_61 = arith.constant 6 : index
    %swap3A_62 = arith.constant 0 : index
    %swap3A_63 = vector.load %arg8[%swap3A_60, %swap3A_61, %swap3A_62] : memref<4x16x768xf32, #tpu.memory_space<vmem>>, vector<4x2x768xf32>
    tpu.vector_store %arg8[%swap3A_60, %swap3A_61, %swap3A_62], %reshape3A_59 {strides = array<i32>} : memref<4x16x768xf32, #tpu.memory_space<vmem>>, vector<4x2x768xf32>,
    %get3A_64 = arith.constant 4 : index
    %get3A_65 = arith.constant 0 : index
    %get3A_66 = arith.constant 0 : index
    %get3A_67 = vector.load %arg5[%get3A_64, %get3A_65, %get3A_66] : memref<8x8x768xf32, #tpu.memory_space<vmem>>, vector<1x8x768xf32>
    %get3A_68 = vector.shape_cast %get3A_67 : vector<1x8x768xf32> to vector<8x768xf32>
    %get3A_69 = arith.constant 4 : index
    %get3A_70 = arith.constant 0 : index
    %get3A_71 = arith.constant 0 : index
    %get3A_72 = vector.load %arg6[%get3A_69, %get3A_70, %get3A_71] : memref<8x768x768xf32, #tpu.memory_space<vmem>>, vector<1x768x768xf32>
    %get3A_73 = vector.shape_cast %get3A_72 : vector<1x768x768xf32> to vector<768x768xf32>
    %dot_general3A_74 = arith.constant dense<0.000000e+00> : vector<8x768xf32>
    %dot_general3A_75 = tpu.matmul %get3A_68, %get3A_73, %dot_general3A_74 {dimension_numbers = #tpu.dot_dimension_numbers<[1], [0], [0], [1], [0, 0, 1, 1], [], []>, transpose_lhs_hint = false} : vector<8x768xf32>, vector<768x768xf32>, vector<8x768xf32> -> vector<8x768xf32>
    %reshape3A_76 = vector.shape_cast %dot_general3A_75 : vector<8x768xf32> to vector<4x2x768xf32>
    %swap3A_77 = arith.constant 0 : index
    %swap3A_78 = arith.constant 8 : index
    %swap3A_79 = arith.constant 0 : index
    %swap3A_80 = vector.load %arg8[%swap3A_77, %swap3A_78, %swap3A_79] : memref<4x16x768xf32, #tpu.memory_space<vmem>>, vector<4x2x768xf32>
    tpu.vector_store %arg8[%swap3A_77, %swap3A_78, %swap3A_79], %reshape3A_76 {strides = array<i32>} : memref<4x16x768xf32, #tpu.memory_space<vmem>>, vector<4x2x768xf32>,
    %get3A_81 = arith.constant 5 : index
    %get3A_82 = arith.constant 0 : index
    %get3A_83 = arith.constant 0 : index
    %get3A_84 = vector.load %arg5[%get3A_81, %get3A_82, %get3A_83] : memref<8x8x768xf32, #tpu.memory_space<vmem>>, vector<1x8x768xf32>
    %get3A_85 = vector.shape_cast %get3A_84 : vector<1x8x768xf32> to vector<8x768xf32>
    %get3A_86 = arith.constant 5 : index
    %get3A_87 = arith.constant 0 : index
    %get3A_88 = arith.constant 0 : index
    %get3A_89 = vector.load %arg6[%get3A_86, %get3A_87, %get3A_88] : memref<8x768x768xf32, #tpu.memory_space<vmem>>, vector<1x768x768xf32>
    %get3A_90 = vector.shape_cast %get3A_89 : vector<1x768x768xf32> to vector<768x768xf32>
    %dot_general3A_91 = arith.constant dense<0.000000e+00> : vector<8x768xf32>
    %dot_general3A_92 = tpu.matmul %get3A_85, %get3A_90, %dot_general3A_91 {dimension_numbers = #tpu.dot_dimension_numbers<[1], [0], [0], [1], [0, 0, 1, 1], [], []>, transpose_lhs_hint = false} : vector<8x768xf32>, vector<768x768xf32>, vector<8x768xf32> -> vector<8x768xf32>
    %reshape3A_93 = vector.shape_cast %dot_general3A_92 : vector<8x768xf32> to vector<4x2x768xf32>
    %swap3A_94 = arith.constant 0 : index
    %swap3A_95 = arith.constant 10 : index
    %swap3A_96 = arith.constant 0 : index
    %swap3A_97 = vector.load %arg8[%swap3A_94, %swap3A_95, %swap3A_96] : memref<4x16x768xf32, #tpu.memory_space<vmem>>, vector<4x2x768xf32>
    tpu.vector_store %arg8[%swap3A_94, %swap3A_95, %swap3A_96], %reshape3A_93 {strides = array<i32>} : memref<4x16x768xf32, #tpu.memory_space<vmem>>, vector<4x2x768xf32>,
    %get3A_98 = arith.constant 6 : index
    %get3A_99 = arith.constant 0 : index
    %get3A_100 = arith.constant 0 : index
    %get3A_101 = vector.load %arg5[%get3A_98, %get3A_99, %get3A_100] : memref<8x8x768xf32, #tpu.memory_space<vmem>>, vector<1x8x768xf32>
    %get3A_102 = vector.shape_cast %get3A_101 : vector<1x8x768xf32> to vector<8x768xf32>
    %get3A_103 = arith.constant 6 : index
    %get3A_104 = arith.constant 0 : index
    %get3A_105 = arith.constant 0 : index
    %get3A_106 = vector.load %arg6[%get3A_103, %get3A_104, %get3A_105] : memref<8x768x768xf32, #tpu.memory_space<vmem>>, vector<1x768x768xf32>
    %get3A_107 = vector.shape_cast %get3A_106 : vector<1x768x768xf32> to vector<768x768xf32>
    %dot_general3A_108 = arith.constant dense<0.000000e+00> : vector<8x768xf32>
    %dot_general3A_109 = tpu.matmul %get3A_102, %get3A_107, %dot_general3A_108 {dimension_numbers = #tpu.dot_dimension_numbers<[1], [0], [0], [1], [0, 0, 1, 1], [], []>, transpose_lhs_hint = false} : vector<8x768xf32>, vector<768x768xf32>, vector<8x768xf32> -> vector<8x768xf32>
    %reshape3A_110 = vector.shape_cast %dot_general3A_109 : vector<8x768xf32> to vector<4x2x768xf32>
    %swap3A_111 = arith.constant 0 : index
    %swap3A_112 = arith.constant 12 : index
    %swap3A_113 = arith.constant 0 : index
    %swap3A_114 = vector.load %arg8[%swap3A_111, %swap3A_112, %swap3A_113] : memref<4x16x768xf32, #tpu.memory_space<vmem>>, vector<4x2x768xf32>
    tpu.vector_store %arg8[%swap3A_111, %swap3A_112, %swap3A_113], %reshape3A_110 {strides = array<i32>} : memref<4x16x768xf32, #tpu.memory_space<vmem>>, vector<4x2x768xf32>,
    %get3A_115 = arith.constant 7 : index
    %get3A_116 = arith.constant 0 : index
    %get3A_117 = arith.constant 0 : index
    %get3A_118 = vector.load %arg5[%get3A_115, %get3A_116, %get3A_117] : memref<8x8x768xf32, #tpu.memory_space<vmem>>, vector<1x8x768xf32>
    %get3A_119 = vector.shape_cast %get3A_118 : vector<1x8x768xf32> to vector<8x768xf32>
    %get3A_120 = arith.constant 7 : index
    %get3A_121 = arith.constant 0 : index
    %get3A_122 = arith.constant 0 : index
    %get3A_123 = vector.load %arg6[%get3A_120, %get3A_121, %get3A_122] : memref<8x768x768xf32, #tpu.memory_space<vmem>>, vector<1x768x768xf32>
    %get3A_124 = vector.shape_cast %get3A_123 : vector<1x768x768xf32> to vector<768x768xf32>
    %dot_general3A_125 = arith.constant dense<0.000000e+00> : vector<8x768xf32>
    %dot_general3A_126 = tpu.matmul %get3A_119, %get3A_124, %dot_general3A_125 {dimension_numbers = #tpu.dot_dimension_numbers<[1], [0], [0], [1], [0, 0, 1, 1], [], []>, transpose_lhs_hint = false} : vector<8x768xf32>, vector<768x768xf32>, vector<8x768xf32> -> vector<8x768xf32>
    %reshape3A_127 = vector.shape_cast %dot_general3A_126 : vector<8x768xf32> to vector<4x2x768xf32>
    %swap3A_128 = arith.constant 0 : index
    %swap3A_129 = arith.constant 14 : index
    %swap3A_130 = arith.constant 0 : index
    %swap3A_131 = vector.load %arg8[%swap3A_128, %swap3A_129, %swap3A_130] : memref<4x16x768xf32, #tpu.memory_space<vmem>>, vector<4x2x768xf32>
    tpu.vector_store %arg8[%swap3A_128, %swap3A_129, %swap3A_130], %reshape3A_127 {strides = array<i32>} : memref<4x16x768xf32, #tpu.memory_space<vmem>>, vector<4x2x768xf32>,
    %iota3A = tpu.iota {dimensions = array<i32: 0>} : vector<16x1xi32>
    %iota3A_132 = tpu.iota {dimensions = array<i32: 1>} : vector<1x16xi32>
    %broadcast_in_dim3A = arith.constant 0 : i32
    %broadcast_in_dim3A_133 = vector.broadcast %broadcast_in_dim3A : i32 to vector<16x1xi32>
    %broadcast_in_dim3A_134 = arith.constant 0 : i32
    %broadcast_in_dim3A_135 = vector.broadcast %broadcast_in_dim3A_134 : i32 to vector<1x16xi32>
    %broadcast_in_dim3A_136 = arith.constant 0.000000e+00 : f32
    %broadcast_in_dim3A_137 = vector.broadcast %broadcast_in_dim3A_136 : f32 to vector<16x1xf32>
    %broadcast_in_dim3A_138 = arith.constant 0.000000e+00 : f32
    %broadcast_in_dim3A_139 = vector.broadcast %broadcast_in_dim3A_138 : f32 to vector<16x1xf32>
    %broadcast_in_dim3A_140 = arith.constant 0.000000e+00 : f32
    %broadcast_in_dim3A_141 = vector.broadcast %broadcast_in_dim3A_140 : f32 to vector<16x1xf32>
    %broadcast_in_dim3A_142 = arith.constant 0.000000e+00 : f32
    %broadcast_in_dim3A_143 = vector.broadcast %broadcast_in_dim3A_142 : f32 to vector<16x1xf32>
    %get3A_144 = arith.constant 0 : index
    %get3A_145 = arith.constant 0 : index
    %get3A_146 = memref.load %arg1[%get3A_144, %get3A_145] : memref<32x16xi32, #tpu.memory_space<smem>>
    %eq3A = arith.constant 0 : i32
    %eq3A_147 = vector.broadcast %eq3A : i32 to vector<16x1xi32>
    %eq3A_148 = arith.cmpi eq, %iota3A, %eq3A_147 : vector<16x1xi32>
    %broadcast_in_dim3A_149 = vector.broadcast %get3A_146 : i32 to vector<16x1xi32>
    %select_n3A = arith.select %eq3A_148, %broadcast_in_dim3A_149, %broadcast_in_dim3A_133 : vector<16x1xi1>, vector<16x1xi32>
    %eq3A_150 = arith.constant 0 : i32
    %eq3A_151 = vector.broadcast %eq3A_150 : i32 to vector<1x16xi32>
    %eq3A_152 = arith.cmpi eq, %iota3A_132, %eq3A_151 : vector<1x16xi32>
    %broadcast_in_dim3A_153 = vector.broadcast %get3A_146 : i32 to vector<1x16xi32>
    %select_n3A_154 = arith.select %eq3A_152, %broadcast_in_dim3A_153, %broadcast_in_dim3A_135 : vector<1x16xi1>, vector<1x16xi32>
    %eq3A_155 = arith.constant 0 : i32
    %eq3A_156 = vector.broadcast %eq3A_155 : i32 to vector<16x1xi32>
    %eq3A_157 = arith.cmpi eq, %iota3A, %eq3A_156 : vector<16x1xi32>
    %get3A_158 = arith.constant 0 : index
    %get3A_159 = arith.constant 0 : index
    %get3A_160 = memref.load %arg3[%get3A_158, %get3A_159] : memref<32x2xf32, #tpu.memory_space<smem>>
    %broadcast_in_dim3A_161 = vector.broadcast %get3A_160 : f32 to vector<16x1xf32>
    %select_n3A_162 = arith.select %eq3A_157, %broadcast_in_dim3A_161, %broadcast_in_dim3A_137 : vector<16x1xi1>, vector<16x1xf32>
    %eq3A_163 = arith.constant 0 : i32
    %eq3A_164 = vector.broadcast %eq3A_163 : i32 to vector<16x1xi32>
    %eq3A_165 = arith.cmpi eq, %iota3A, %eq3A_164 : vector<16x1xi32>
    %get3A_166 = arith.constant 0 : index
    %get3A_167 = arith.constant 1 : index
    %get3A_168 = memref.load %arg3[%get3A_166, %get3A_167] : memref<32x2xf32, #tpu.memory_space<smem>>
    %broadcast_in_dim3A_169 = vector.broadcast %get3A_168 : f32 to vector<16x1xf32>
    %select_n3A_170 = arith.select %eq3A_165, %broadcast_in_dim3A_169, %broadcast_in_dim3A_139 : vector<16x1xi1>, vector<16x1xf32>
    %eq3A_171 = arith.constant 0 : i32
    %eq3A_172 = vector.broadcast %eq3A_171 : i32 to vector<16x1xi32>
    %eq3A_173 = arith.cmpi eq, %iota3A, %eq3A_172 : vector<16x1xi32>
    %get3A_174 = arith.constant 0 : index
    %get3A_175 = arith.constant 0 : index
    %get3A_176 = memref.load %arg2[%get3A_174, %get3A_175] : memref<32x16xf32, #tpu.memory_space<smem>>
    %broadcast_in_dim3A_177 = vector.broadcast %get3A_176 : f32 to vector<16x1xf32>
    %select_n3A_178 = arith.select %eq3A_173, %broadcast_in_dim3A_177, %broadcast_in_dim3A_141 : vector<16x1xi1>, vector<16x1xf32>
    %eq3A_179 = arith.constant 0 : i32
    %eq3A_180 = vector.broadcast %eq3A_179 : i32 to vector<16x1xi32>
    %eq3A_181 = arith.cmpi eq, %iota3A, %eq3A_180 : vector<16x1xi32>
    %get3A_182 = arith.constant 0 : index
    %get3A_183 = arith.constant 0 : index
    %get3A_184 = memref.load %arg4[%get3A_182, %get3A_183] : memref<8x1xf32, #tpu.memory_space<smem>>
    %broadcast_in_dim3A_185 = vector.broadcast %get3A_184 : f32 to vector<16x1xf32>
    %select_n3A_186 = arith.select %eq3A_181, %broadcast_in_dim3A_185, %broadcast_in_dim3A_143 : vector<16x1xi1>, vector<16x1xf32>
    %get3A_187 = arith.constant 0 : index
    %get3A_188 = arith.constant 1 : index
    %get3A_189 = memref.load %arg1[%get3A_187, %get3A_188] : memref<32x16xi32, #tpu.memory_space<smem>>
    %eq3A_190 = arith.constant 1 : i32
    %eq3A_191 = vector.broadcast %eq3A_190 : i32 to vector<16x1xi32>
    %eq3A_192 = arith.cmpi eq, %iota3A, %eq3A_191 : vector<16x1xi32>
    %broadcast_in_dim3A_193 = vector.broadcast %get3A_189 : i32 to vector<16x1xi32>
    %select_n3A_194 = arith.select %eq3A_192, %broadcast_in_dim3A_193, %select_n3A : vector<16x1xi1>, vector<16x1xi32>
    %eq3A_195 = arith.constant 1 : i32
    %eq3A_196 = vector.broadcast %eq3A_195 : i32 to vector<1x16xi32>
    %eq3A_197 = arith.cmpi eq, %iota3A_132, %eq3A_196 : vector<1x16xi32>
    %broadcast_in_dim3A_198 = vector.broadcast %get3A_189 : i32 to vector<1x16xi32>
    %select_n3A_199 = arith.select %eq3A_197, %broadcast_in_dim3A_198, %select_n3A_154 : vector<1x16xi1>, vector<1x16xi32>
    %eq3A_200 = arith.constant 1 : i32
    %eq3A_201 = vector.broadcast %eq3A_200 : i32 to vector<16x1xi32>
    %eq3A_202 = arith.cmpi eq, %iota3A, %eq3A_201 : vector<16x1xi32>
    %get3A_203 = arith.constant 0 : index
    %get3A_204 = arith.constant 0 : index
    %get3A_205 = memref.load %arg3[%get3A_203, %get3A_204] : memref<32x2xf32, #tpu.memory_space<smem>>
    %broadcast_in_dim3A_206 = vector.broadcast %get3A_205 : f32 to vector<16x1xf32>
    %select_n3A_207 = arith.select %eq3A_202, %broadcast_in_dim3A_206, %select_n3A_162 : vector<16x1xi1>, vector<16x1xf32>
    %eq3A_208 = arith.constant 1 : i32
    %eq3A_209 = vector.broadcast %eq3A_208 : i32 to vector<16x1xi32>
    %eq3A_210 = arith.cmpi eq, %iota3A, %eq3A_209 : vector<16x1xi32>
    %get3A_211 = arith.constant 0 : index
    %get3A_212 = arith.constant 1 : index
    %get3A_213 = memref.load %arg3[%get3A_211, %get3A_212] : memref<32x2xf32, #tpu.memory_space<smem>>
    %broadcast_in_dim3A_214 = vector.broadcast %get3A_213 : f32 to vector<16x1xf32>
    %select_n3A_215 = arith.select %eq3A_210, %broadcast_in_dim3A_214, %select_n3A_170 : vector<16x1xi1>, vector<16x1xf32>
    %eq3A_216 = arith.constant 1 : i32
    %eq3A_217 = vector.broadcast %eq3A_216 : i32 to vector<16x1xi32>
    %eq3A_218 = arith.cmpi eq, %iota3A, %eq3A_217 : vector<16x1xi32>
    %get3A_219 = arith.constant 0 : index
    %get3A_220 = arith.constant 1 : index
    %get3A_221 = memref.load %arg2[%get3A_219, %get3A_220] : memref<32x16xf32, #tpu.memory_space<smem>>
    %broadcast_in_dim3A_222 = vector.broadcast %get3A_221 : f32 to vector<16x1xf32>
    %select_n3A_223 = arith.select %eq3A_218, %broadcast_in_dim3A_222, %select_n3A_178 : vector<16x1xi1>, vector<16x1xf32>
    %eq3A_224 = arith.constant 1 : i32
    %eq3A_225 = vector.broadcast %eq3A_224 : i32 to vector<16x1xi32>
    %eq3A_226 = arith.cmpi eq, %iota3A, %eq3A_225 : vector<16x1xi32>
    %get3A_227 = arith.constant 0 : index
    %get3A_228 = arith.constant 0 : index
    %get3A_229 = memref.load %arg4[%get3A_227, %get3A_228] : memref<8x1xf32, #tpu.memory_space<smem>>
    %broadcast_in_dim3A_230 = vector.broadcast %get3A_229 : f32 to vector<16x1xf32>
    %select_n3A_231 = arith.select %eq3A_226, %broadcast_in_dim3A_230, %select_n3A_186 : vector<16x1xi1>, vector<16x1xf32>
    %get3A_232 = arith.constant 4 : index
    %get3A_233 = arith.constant 0 : index
    %get3A_234 = memref.load %arg1[%get3A_232, %get3A_233] : memref<32x16xi32, #tpu.memory_space<smem>>
    %eq3A_235 = arith.constant 2 : i32
    %eq3A_236 = vector.broadcast %eq3A_235 : i32 to vector<16x1xi32>
    %eq3A_237 = arith.cmpi eq, %iota3A, %eq3A_236 : vector<16x1xi32>
    %broadcast_in_dim3A_238 = vector.broadcast %get3A_234 : i32 to vector<16x1xi32>
    %select_n3A_239 = arith.select %eq3A_237, %broadcast_in_dim3A_238, %select_n3A_194 : vector<16x1xi1>, vector<16x1xi32>
    %eq3A_240 = arith.constant 2 : i32
    %eq3A_241 = vector.broadcast %eq3A_240 : i32 to vector<1x16xi32>
    %eq3A_242 = arith.cmpi eq, %iota3A_132, %eq3A_241 : vector<1x16xi32>
    %broadcast_in_dim3A_243 = vector.broadcast %get3A_234 : i32 to vector<1x16xi32>
    %select_n3A_244 = arith.select %eq3A_242, %broadcast_in_dim3A_243, %select_n3A_199 : vector<1x16xi1>, vector<1x16xi32>
    %eq3A_245 = arith.constant 2 : i32
    %eq3A_246 = vector.broadcast %eq3A_245 : i32 to vector<16x1xi32>
    %eq3A_247 = arith.cmpi eq, %iota3A, %eq3A_246 : vector<16x1xi32>
    %get3A_248 = arith.constant 1 : index
    %get3A_249 = arith.constant 0 : index
    %get3A_250 = memref.load %arg3[%get3A_248, %get3A_249] : memref<32x2xf32, #tpu.memory_space<smem>>
    %broadcast_in_dim3A_251 = vector.broadcast %get3A_250 : f32 to vector<16x1xf32>
    %select_n3A_252 = arith.select %eq3A_247, %broadcast_in_dim3A_251, %select_n3A_207 : vector<16x1xi1>, vector<16x1xf32>
    %eq3A_253 = arith.constant 2 : i32
    %eq3A_254 = vector.broadcast %eq3A_253 : i32 to vector<16x1xi32>
    %eq3A_255 = arith.cmpi eq, %iota3A, %eq3A_254 : vector<16x1xi32>
    %get3A_256 = arith.constant 1 : index
    %get3A_257 = arith.constant 1 : index
    %get3A_258 = memref.load %arg3[%get3A_256, %get3A_257] : memref<32x2xf32, #tpu.memory_space<smem>>
    %broadcast_in_dim3A_259 = vector.broadcast %get3A_258 : f32 to vector<16x1xf32>
    %select_n3A_260 = arith.select %eq3A_255, %broadcast_in_dim3A_259, %select_n3A_215 : vector<16x1xi1>, vector<16x1xf32>
    %eq3A_261 = arith.constant 2 : i32
    %eq3A_262 = vector.broadcast %eq3A_261 : i32 to vector<16x1xi32>
    %eq3A_263 = arith.cmpi eq, %iota3A, %eq3A_262 : vector<16x1xi32>
    %get3A_264 = arith.constant 4 : index
    %get3A_265 = arith.constant 0 : index
    %get3A_266 = memref.load %arg2[%get3A_264, %get3A_265] : memref<32x16xf32, #tpu.memory_space<smem>>
    %broadcast_in_dim3A_267 = vector.broadcast %get3A_266 : f32 to vector<16x1xf32>
    %select_n3A_268 = arith.select %eq3A_263, %broadcast_in_dim3A_267, %select_n3A_223 : vector<16x1xi1>, vector<16x1xf32>
    %eq3A_269 = arith.constant 2 : i32
    %eq3A_270 = vector.broadcast %eq3A_269 : i32 to vector<16x1xi32>
    %eq3A_271 = arith.cmpi eq, %iota3A, %eq3A_270 : vector<16x1xi32>
    %get3A_272 = arith.constant 1 : index
    %get3A_273 = arith.constant 0 : index
    %get3A_274 = memref.load %arg4[%get3A_272, %get3A_273] : memref<8x1xf32, #tpu.memory_space<smem>>
    %broadcast_in_dim3A_275 = vector.broadcast %get3A_274 : f32 to vector<16x1xf32>
    %select_n3A_276 = arith.select %eq3A_271, %broadcast_in_dim3A_275, %select_n3A_231 : vector<16x1xi1>, vector<16x1xf32>
    %get3A_277 = arith.constant 4 : index
    %get3A_278 = arith.constant 1 : index
    %get3A_279 = memref.load %arg1[%get3A_277, %get3A_278] : memref<32x16xi32, #tpu.memory_space<smem>>
    %eq3A_280 = arith.constant 3 : i32
    %eq3A_281 = vector.broadcast %eq3A_280 : i32 to vector<16x1xi32>
    %eq3A_282 = arith.cmpi eq, %iota3A, %eq3A_281 : vector<16x1xi32>
    %broadcast_in_dim3A_283 = vector.broadcast %get3A_279 : i32 to vector<16x1xi32>
    %select_n3A_284 = arith.select %eq3A_282, %broadcast_in_dim3A_283, %select_n3A_239 : vector<16x1xi1>, vector<16x1xi32>
    %eq3A_285 = arith.constant 3 : i32
    %eq3A_286 = vector.broadcast %eq3A_285 : i32 to vector<1x16xi32>
    %eq3A_287 = arith.cmpi eq, %iota3A_132, %eq3A_286 : vector<1x16xi32>
    %broadcast_in_dim3A_288 = vector.broadcast %get3A_279 : i32 to vector<1x16xi32>
    %select_n3A_289 = arith.select %eq3A_287, %broadcast_in_dim3A_288, %select_n3A_244 : vector<1x16xi1>, vector<1x16xi32>
    %eq3A_290 = arith.constant 3 : i32
    %eq3A_291 = vector.broadcast %eq3A_290 : i32 to vector<16x1xi32>
    %eq3A_292 = arith.cmpi eq, %iota3A, %eq3A_291 : vector<16x1xi32>
    %get3A_293 = arith.constant 1 : index
    %get3A_294 = arith.constant 0 : index
    %get3A_295 = memref.load %arg3[%get3A_293, %get3A_294] : memref<32x2xf32, #tpu.memory_space<smem>>
    %broadcast_in_dim3A_296 = vector.broadcast %get3A_295 : f32 to vector<16x1xf32>
    %select_n3A_297 = arith.select %eq3A_292, %broadcast_in_dim3A_296, %select_n3A_252 : vector<16x1xi1>, vector<16x1xf32>
    %eq3A_298 = arith.constant 3 : i32
    %eq3A_299 = vector.broadcast %eq3A_298 : i32 to vector<16x1xi32>
    %eq3A_300 = arith.cmpi eq, %iota3A, %eq3A_299 : vector<16x1xi32>
    %get3A_301 = arith.constant 1 : index
    %get3A_302 = arith.constant 1 : index
    %get3A_303 = memref.load %arg3[%get3A_301, %get3A_302] : memref<32x2xf32, #tpu.memory_space<smem>>
    %broadcast_in_dim3A_304 = vector.broadcast %get3A_303 : f32 to vector<16x1xf32>
    %select_n3A_305 = arith.select %eq3A_300, %broadcast_in_dim3A_304, %select_n3A_260 : vector<16x1xi1>, vector<16x1xf32>
    %eq3A_306 = arith.constant 3 : i32
    %eq3A_307 = vector.broadcast %eq3A_306 : i32 to vector<16x1xi32>
    %eq3A_308 = arith.cmpi eq, %iota3A, %eq3A_307 : vector<16x1xi32>
    %get3A_309 = arith.constant 4 : index
    %get3A_310 = arith.constant 1 : index
    %get3A_311 = memref.load %arg2[%get3A_309, %get3A_310] : memref<32x16xf32, #tpu.memory_space<smem>>
    %broadcast_in_dim3A_312 = vector.broadcast %get3A_311 : f32 to vector<16x1xf32>
    %select_n3A_313 = arith.select %eq3A_308, %broadcast_in_dim3A_312, %select_n3A_268 : vector<16x1xi1>, vector<16x1xf32>
    %eq3A_314 = arith.constant 3 : i32
    %eq3A_315 = vector.broadcast %eq3A_314 : i32 to vector<16x1xi32>
    %eq3A_316 = arith.cmpi eq, %iota3A, %eq3A_315 : vector<16x1xi32>
    %get3A_317 = arith.constant 1 : index
    %get3A_318 = arith.constant 0 : index
    %get3A_319 = memref.load %arg4[%get3A_317, %get3A_318] : memref<8x1xf32, #tpu.memory_space<smem>>
    %broadcast_in_dim3A_320 = vector.broadcast %get3A_319 : f32 to vector<16x1xf32>
    %select_n3A_321 = arith.select %eq3A_316, %broadcast_in_dim3A_320, %select_n3A_276 : vector<16x1xi1>, vector<16x1xf32>
    %get3A_322 = arith.constant 8 : index
    %get3A_323 = arith.constant 0 : index
    %get3A_324 = memref.load %arg1[%get3A_322, %get3A_323] : memref<32x16xi32, #tpu.memory_space<smem>>
    %eq3A_325 = arith.constant 4 : i32
    %eq3A_326 = vector.broadcast %eq3A_325 : i32 to vector<16x1xi32>
    %eq3A_327 = arith.cmpi eq, %iota3A, %eq3A_326 : vector<16x1xi32>
    %broadcast_in_dim3A_328 = vector.broadcast %get3A_324 : i32 to vector<16x1xi32>
    %select_n3A_329 = arith.select %eq3A_327, %broadcast_in_dim3A_328, %select_n3A_284 : vector<16x1xi1>, vector<16x1xi32>
    %eq3A_330 = arith.constant 4 : i32
    %eq3A_331 = vector.broadcast %eq3A_330 : i32 to vector<1x16xi32>
    %eq3A_332 = arith.cmpi eq, %iota3A_132, %eq3A_331 : vector<1x16xi32>
    %broadcast_in_dim3A_333 = vector.broadcast %get3A_324 : i32 to vector<1x16xi32>
    %select_n3A_334 = arith.select %eq3A_332, %broadcast_in_dim3A_333, %select_n3A_289 : vector<1x16xi1>, vector<1x16xi32>
    %eq3A_335 = arith.constant 4 : i32
    %eq3A_336 = vector.broadcast %eq3A_335 : i32 to vector<16x1xi32>
    %eq3A_337 = arith.cmpi eq, %iota3A, %eq3A_336 : vector<16x1xi32>
    %get3A_338 = arith.constant 2 : index
    %get3A_339 = arith.constant 0 : index
    %get3A_340 = memref.load %arg3[%get3A_338, %get3A_339] : memref<32x2xf32, #tpu.memory_space<smem>>
    %broadcast_in_dim3A_341 = vector.broadcast %get3A_340 : f32 to vector<16x1xf32>
    %select_n3A_342 = arith.select %eq3A_337, %broadcast_in_dim3A_341, %select_n3A_297 : vector<16x1xi1>, vector<16x1xf32>
    %eq3A_343 = arith.constant 4 : i32
    %eq3A_344 = vector.broadcast %eq3A_343 : i32 to vector<16x1xi32>
    %eq3A_345 = arith.cmpi eq, %iota3A, %eq3A_344 : vector<16x1xi32>
    %get3A_346 = arith.constant 2 : index
    %get3A_347 = arith.constant 1 : index
    %get3A_348 = memref.load %arg3[%get3A_346, %get3A_347] : memref<32x2xf32, #tpu.memory_space<smem>>
    %broadcast_in_dim3A_349 = vector.broadcast %get3A_348 : f32 to vector<16x1xf32>
    %select_n3A_350 = arith.select %eq3A_345, %broadcast_in_dim3A_349, %select_n3A_305 : vector<16x1xi1>, vector<16x1xf32>
    %eq3A_351 = arith.constant 4 : i32
    %eq3A_352 = vector.broadcast %eq3A_351 : i32 to vector<16x1xi32>
    %eq3A_353 = arith.cmpi eq, %iota3A, %eq3A_352 : vector<16x1xi32>
    %get3A_354 = arith.constant 8 : index
    %get3A_355 = arith.constant 0 : index
    %get3A_356 = memref.load %arg2[%get3A_354, %get3A_355] : memref<32x16xf32, #tpu.memory_space<smem>>
    %broadcast_in_dim3A_357 = vector.broadcast %get3A_356 : f32 to vector<16x1xf32>
    %select_n3A_358 = arith.select %eq3A_353, %broadcast_in_dim3A_357, %select_n3A_313 : vector<16x1xi1>, vector<16x1xf32>
    %eq3A_359 = arith.constant 4 : i32
    %eq3A_360 = vector.broadcast %eq3A_359 : i32 to vector<16x1xi32>
    %eq3A_361 = arith.cmpi eq, %iota3A, %eq3A_360 : vector<16x1xi32>
    %get3A_362 = arith.constant 2 : index
    %get3A_363 = arith.constant 0 : index
    %get3A_364 = memref.load %arg4[%get3A_362, %get3A_363] : memref<8x1xf32, #tpu.memory_space<smem>>
    %broadcast_in_dim3A_365 = vector.broadcast %get3A_364 : f32 to vector<16x1xf32>
    %select_n3A_366 = arith.select %eq3A_361, %broadcast_in_dim3A_365, %select_n3A_321 : vector<16x1xi1>, vector<16x1xf32>
    %get3A_367 = arith.constant 8 : index
    %get3A_368 = arith.constant 1 : index
    %get3A_369 = memref.load %arg1[%get3A_367, %get3A_368] : memref<32x16xi32, #tpu.memory_space<smem>>
    %eq3A_370 = arith.constant 5 : i32
    %eq3A_371 = vector.broadcast %eq3A_370 : i32 to vector<16x1xi32>
    %eq3A_372 = arith.cmpi eq, %iota3A, %eq3A_371 : vector<16x1xi32>
    %broadcast_in_dim3A_373 = vector.broadcast %get3A_369 : i32 to vector<16x1xi32>
    %select_n3A_374 = arith.select %eq3A_372, %broadcast_in_dim3A_373, %select_n3A_329 : vector<16x1xi1>, vector<16x1xi32>
    %eq3A_375 = arith.constant 5 : i32
    %eq3A_376 = vector.broadcast %eq3A_375 : i32 to vector<1x16xi32>
    %eq3A_377 = arith.cmpi eq, %iota3A_132, %eq3A_376 : vector<1x16xi32>
    %broadcast_in_dim3A_378 = vector.broadcast %get3A_369 : i32 to vector<1x16xi32>
    %select_n3A_379 = arith.select %eq3A_377, %broadcast_in_dim3A_378, %select_n3A_334 : vector<1x16xi1>, vector<1x16xi32>
    %eq3A_380 = arith.constant 5 : i32
    %eq3A_381 = vector.broadcast %eq3A_380 : i32 to vector<16x1xi32>
    %eq3A_382 = arith.cmpi eq, %iota3A, %eq3A_381 : vector<16x1xi32>
    %get3A_383 = arith.constant 2 : index
    %get3A_384 = arith.constant 0 : index
    %get3A_385 = memref.load %arg3[%get3A_383, %get3A_384] : memref<32x2xf32, #tpu.memory_space<smem>>
    %broadcast_in_dim3A_386 = vector.broadcast %get3A_385 : f32 to vector<16x1xf32>
    %select_n3A_387 = arith.select %eq3A_382, %broadcast_in_dim3A_386, %select_n3A_342 : vector<16x1xi1>, vector<16x1xf32>
    %eq3A_388 = arith.constant 5 : i32
    %eq3A_389 = vector.broadcast %eq3A_388 : i32 to vector<16x1xi32>
    %eq3A_390 = arith.cmpi eq, %iota3A, %eq3A_389 : vector<16x1xi32>
    %get3A_391 = arith.constant 2 : index
    %get3A_392 = arith.constant 1 : index
    %get3A_393 = memref.load %arg3[%get3A_391, %get3A_392] : memref<32x2xf32, #tpu.memory_space<smem>>
    %broadcast_in_dim3A_394 = vector.broadcast %get3A_393 : f32 to vector<16x1xf32>
    %select_n3A_395 = arith.select %eq3A_390, %broadcast_in_dim3A_394, %select_n3A_350 : vector<16x1xi1>, vector<16x1xf32>
    %eq3A_396 = arith.constant 5 : i32
    %eq3A_397 = vector.broadcast %eq3A_396 : i32 to vector<16x1xi32>
    %eq3A_398 = arith.cmpi eq, %iota3A, %eq3A_397 : vector<16x1xi32>
    %get3A_399 = arith.constant 8 : index
    %get3A_400 = arith.constant 1 : index
    %get3A_401 = memref.load %arg2[%get3A_399, %get3A_400] : memref<32x16xf32, #tpu.memory_space<smem>>
    %broadcast_in_dim3A_402 = vector.broadcast %get3A_401 : f32 to vector<16x1xf32>
    %select_n3A_403 = arith.select %eq3A_398, %broadcast_in_dim3A_402, %select_n3A_358 : vector<16x1xi1>, vector<16x1xf32>
    %eq3A_404 = arith.constant 5 : i32
    %eq3A_405 = vector.broadcast %eq3A_404 : i32 to vector<16x1xi32>
    %eq3A_406 = arith.cmpi eq, %iota3A, %eq3A_405 : vector<16x1xi32>
    %get3A_407 = arith.constant 2 : index
    %get3A_408 = arith.constant 0 : index
    %get3A_409 = memref.load %arg4[%get3A_407, %get3A_408] : memref<8x1xf32, #tpu.memory_space<smem>>
    %broadcast_in_dim3A_410 = vector.broadcast %get3A_409 : f32 to vector<16x1xf32>
    %select_n3A_411 = arith.select %eq3A_406, %broadcast_in_dim3A_410, %select_n3A_366 : vector<16x1xi1>, vector<16x1xf32>
    %get3A_412 = arith.constant 12 : index
    %get3A_413 = arith.constant 0 : index
    %get3A_414 = memref.load %arg1[%get3A_412, %get3A_413] : memref<32x16xi32, #tpu.memory_space<smem>>
    %eq3A_415 = arith.constant 6 : i32
    %eq3A_416 = vector.broadcast %eq3A_415 : i32 to vector<16x1xi32>
    %eq3A_417 = arith.cmpi eq, %iota3A, %eq3A_416 : vector<16x1xi32>
    %broadcast_in_dim3A_418 = vector.broadcast %get3A_414 : i32 to vector<16x1xi32>
    %select_n3A_419 = arith.select %eq3A_417, %broadcast_in_dim3A_418, %select_n3A_374 : vector<16x1xi1>, vector<16x1xi32>
    %eq3A_420 = arith.constant 6 : i32
    %eq3A_421 = vector.broadcast %eq3A_420 : i32 to vector<1x16xi32>
    %eq3A_422 = arith.cmpi eq, %iota3A_132, %eq3A_421 : vector<1x16xi32>
    %broadcast_in_dim3A_423 = vector.broadcast %get3A_414 : i32 to vector<1x16xi32>
    %select_n3A_424 = arith.select %eq3A_422, %broadcast_in_dim3A_423, %select_n3A_379 : vector<1x16xi1>, vector<1x16xi32>
    %eq3A_425 = arith.constant 6 : i32
    %eq3A_426 = vector.broadcast %eq3A_425 : i32 to vector<16x1xi32>
    %eq3A_427 = arith.cmpi eq, %iota3A, %eq3A_426 : vector<16x1xi32>
    %get3A_428 = arith.constant 3 : index
    %get3A_429 = arith.constant 0 : index
    %get3A_430 = memref.load %arg3[%get3A_428, %get3A_429] : memref<32x2xf32, #tpu.memory_space<smem>>
    %broadcast_in_dim3A_431 = vector.broadcast %get3A_430 : f32 to vector<16x1xf32>
    %select_n3A_432 = arith.select %eq3A_427, %broadcast_in_dim3A_431, %select_n3A_387 : vector<16x1xi1>, vector<16x1xf32>
    %eq3A_433 = arith.constant 6 : i32
    %eq3A_434 = vector.broadcast %eq3A_433 : i32 to vector<16x1xi32>
    %eq3A_435 = arith.cmpi eq, %iota3A, %eq3A_434 : vector<16x1xi32>
    %get3A_436 = arith.constant 3 : index
    %get3A_437 = arith.constant 1 : index
    %get3A_438 = memref.load %arg3[%get3A_436, %get3A_437] : memref<32x2xf32, #tpu.memory_space<smem>>
    %broadcast_in_dim3A_439 = vector.broadcast %get3A_438 : f32 to vector<16x1xf32>
    %select_n3A_440 = arith.select %eq3A_435, %broadcast_in_dim3A_439, %select_n3A_395 : vector<16x1xi1>, vector<16x1xf32>
    %eq3A_441 = arith.constant 6 : i32
    %eq3A_442 = vector.broadcast %eq3A_441 : i32 to vector<16x1xi32>
    %eq3A_443 = arith.cmpi eq, %iota3A, %eq3A_442 : vector<16x1xi32>
    %get3A_444 = arith.constant 12 : index
    %get3A_445 = arith.constant 0 : index
    %get3A_446 = memref.load %arg2[%get3A_444, %get3A_445] : memref<32x16xf32, #tpu.memory_space<smem>>
    %broadcast_in_dim3A_447 = vector.broadcast %get3A_446 : f32 to vector<16x1xf32>
    %select_n3A_448 = arith.select %eq3A_443, %broadcast_in_dim3A_447, %select_n3A_403 : vector<16x1xi1>, vector<16x1xf32>
    %eq3A_449 = arith.constant 6 : i32
    %eq3A_450 = vector.broadcast %eq3A_449 : i32 to vector<16x1xi32>
    %eq3A_451 = arith.cmpi eq, %iota3A, %eq3A_450 : vector<16x1xi32>
    %get3A_452 = arith.constant 3 : index
    %get3A_453 = arith.constant 0 : index
    %get3A_454 = memref.load %arg4[%get3A_452, %get3A_453] : memref<8x1xf32, #tpu.memory_space<smem>>
    %broadcast_in_dim3A_455 = vector.broadcast %get3A_454 : f32 to vector<16x1xf32>
    %select_n3A_456 = arith.select %eq3A_451, %broadcast_in_dim3A_455, %select_n3A_411 : vector<16x1xi1>, vector<16x1xf32>
    %get3A_457 = arith.constant 12 : index
    %get3A_458 = arith.constant 1 : index
    %get3A_459 = memref.load %arg1[%get3A_457, %get3A_458] : memref<32x16xi32, #tpu.memory_space<smem>>
    %eq3A_460 = arith.constant 7 : i32
    %eq3A_461 = vector.broadcast %eq3A_460 : i32 to vector<16x1xi32>
    %eq3A_462 = arith.cmpi eq, %iota3A, %eq3A_461 : vector<16x1xi32>
    %broadcast_in_dim3A_463 = vector.broadcast %get3A_459 : i32 to vector<16x1xi32>
    %select_n3A_464 = arith.select %eq3A_462, %broadcast_in_dim3A_463, %select_n3A_419 : vector<16x1xi1>, vector<16x1xi32>
    %eq3A_465 = arith.constant 7 : i32
    %eq3A_466 = vector.broadcast %eq3A_465 : i32 to vector<1x16xi32>
    %eq3A_467 = arith.cmpi eq, %iota3A_132, %eq3A_466 : vector<1x16xi32>
    %broadcast_in_dim3A_468 = vector.broadcast %get3A_459 : i32 to vector<1x16xi32>
    %select_n3A_469 = arith.select %eq3A_467, %broadcast_in_dim3A_468, %select_n3A_424 : vector<1x16xi1>, vector<1x16xi32>
    %eq3A_470 = arith.constant 7 : i32
    %eq3A_471 = vector.broadcast %eq3A_470 : i32 to vector<16x1xi32>
    %eq3A_472 = arith.cmpi eq, %iota3A, %eq3A_471 : vector<16x1xi32>
    %get3A_473 = arith.constant 3 : index
    %get3A_474 = arith.constant 0 : index
    %get3A_475 = memref.load %arg3[%get3A_473, %get3A_474] : memref<32x2xf32, #tpu.memory_space<smem>>
    %broadcast_in_dim3A_476 = vector.broadcast %get3A_475 : f32 to vector<16x1xf32>
    %select_n3A_477 = arith.select %eq3A_472, %broadcast_in_dim3A_476, %select_n3A_432 : vector<16x1xi1>, vector<16x1xf32>
    %eq3A_478 = arith.constant 7 : i32
    %eq3A_479 = vector.broadcast %eq3A_478 : i32 to vector<16x1xi32>
    %eq3A_480 = arith.cmpi eq, %iota3A, %eq3A_479 : vector<16x1xi32>
    %get3A_481 = arith.constant 3 : index
    %get3A_482 = arith.constant 1 : index
    %get3A_483 = memref.load %arg3[%get3A_481, %get3A_482] : memref<32x2xf32, #tpu.memory_space<smem>>
    %broadcast_in_dim3A_484 = vector.broadcast %get3A_483 : f32 to vector<16x1xf32>
    %select_n3A_485 = arith.select %eq3A_480, %broadcast_in_dim3A_484, %select_n3A_440 : vector<16x1xi1>, vector<16x1xf32>
    %eq3A_486 = arith.constant 7 : i32
    %eq3A_487 = vector.broadcast %eq3A_486 : i32 to vector<16x1xi32>
    %eq3A_488 = arith.cmpi eq, %iota3A, %eq3A_487 : vector<16x1xi32>
    %get3A_489 = arith.constant 12 : index
    %get3A_490 = arith.constant 1 : index
    %get3A_491 = memref.load %arg2[%get3A_489, %get3A_490] : memref<32x16xf32, #tpu.memory_space<smem>>
    %broadcast_in_dim3A_492 = vector.broadcast %get3A_491 : f32 to vector<16x1xf32>
    %select_n3A_493 = arith.select %eq3A_488, %broadcast_in_dim3A_492, %select_n3A_448 : vector<16x1xi1>, vector<16x1xf32>
    %eq3A_494 = arith.constant 7 : i32
    %eq3A_495 = vector.broadcast %eq3A_494 : i32 to vector<16x1xi32>
    %eq3A_496 = arith.cmpi eq, %iota3A, %eq3A_495 : vector<16x1xi32>
    %get3A_497 = arith.constant 3 : index
    %get3A_498 = arith.constant 0 : index
    %get3A_499 = memref.load %arg4[%get3A_497, %get3A_498] : memref<8x1xf32, #tpu.memory_space<smem>>
    %broadcast_in_dim3A_500 = vector.broadcast %get3A_499 : f32 to vector<16x1xf32>
    %select_n3A_501 = arith.select %eq3A_496, %broadcast_in_dim3A_500, %select_n3A_456 : vector<16x1xi1>, vector<16x1xf32>
    %get3A_502 = arith.constant 16 : index
    %get3A_503 = arith.constant 0 : index
    %get3A_504 = memref.load %arg1[%get3A_502, %get3A_503] : memref<32x16xi32, #tpu.memory_space<smem>>
    %eq3A_505 = arith.constant 8 : i32
    %eq3A_506 = vector.broadcast %eq3A_505 : i32 to vector<16x1xi32>
    %eq3A_507 = arith.cmpi eq, %iota3A, %eq3A_506 : vector<16x1xi32>
    %broadcast_in_dim3A_508 = vector.broadcast %get3A_504 : i32 to vector<16x1xi32>
    %select_n3A_509 = arith.select %eq3A_507, %broadcast_in_dim3A_508, %select_n3A_464 : vector<16x1xi1>, vector<16x1xi32>
    %eq3A_510 = arith.constant 8 : i32
    %eq3A_511 = vector.broadcast %eq3A_510 : i32 to vector<1x16xi32>
    %eq3A_512 = arith.cmpi eq, %iota3A_132, %eq3A_511 : vector<1x16xi32>
    %broadcast_in_dim3A_513 = vector.broadcast %get3A_504 : i32 to vector<1x16xi32>
    %select_n3A_514 = arith.select %eq3A_512, %broadcast_in_dim3A_513, %select_n3A_469 : vector<1x16xi1>, vector<1x16xi32>
    %eq3A_515 = arith.constant 8 : i32
    %eq3A_516 = vector.broadcast %eq3A_515 : i32 to vector<16x1xi32>
    %eq3A_517 = arith.cmpi eq, %iota3A, %eq3A_516 : vector<16x1xi32>
    %get3A_518 = arith.constant 4 : index
    %get3A_519 = arith.constant 0 : index
    %get3A_520 = memref.load %arg3[%get3A_518, %get3A_519] : memref<32x2xf32, #tpu.memory_space<smem>>
    %broadcast_in_dim3A_521 = vector.broadcast %get3A_520 : f32 to vector<16x1xf32>
    %select_n3A_522 = arith.select %eq3A_517, %broadcast_in_dim3A_521, %select_n3A_477 : vector<16x1xi1>, vector<16x1xf32>
    %eq3A_523 = arith.constant 8 : i32
    %eq3A_524 = vector.broadcast %eq3A_523 : i32 to vector<16x1xi32>
    %eq3A_525 = arith.cmpi eq, %iota3A, %eq3A_524 : vector<16x1xi32>
    %get3A_526 = arith.constant 4 : index
    %get3A_527 = arith.constant 1 : index
    %get3A_528 = memref.load %arg3[%get3A_526, %get3A_527] : memref<32x2xf32, #tpu.memory_space<smem>>
    %broadcast_in_dim3A_529 = vector.broadcast %get3A_528 : f32 to vector<16x1xf32>
    %select_n3A_530 = arith.select %eq3A_525, %broadcast_in_dim3A_529, %select_n3A_485 : vector<16x1xi1>, vector<16x1xf32>
    %eq3A_531 = arith.constant 8 : i32
    %eq3A_532 = vector.broadcast %eq3A_531 : i32 to vector<16x1xi32>
    %eq3A_533 = arith.cmpi eq, %iota3A, %eq3A_532 : vector<16x1xi32>
    %get3A_534 = arith.constant 16 : index
    %get3A_535 = arith.constant 0 : index
    %get3A_536 = memref.load %arg2[%get3A_534, %get3A_535] : memref<32x16xf32, #tpu.memory_space<smem>>
    %broadcast_in_dim3A_537 = vector.broadcast %get3A_536 : f32 to vector<16x1xf32>
    %select_n3A_538 = arith.select %eq3A_533, %broadcast_in_dim3A_537, %select_n3A_493 : vector<16x1xi1>, vector<16x1xf32>
    %eq3A_539 = arith.constant 8 : i32
    %eq3A_540 = vector.broadcast %eq3A_539 : i32 to vector<16x1xi32>
    %eq3A_541 = arith.cmpi eq, %iota3A, %eq3A_540 : vector<16x1xi32>
    %get3A_542 = arith.constant 4 : index
    %get3A_543 = arith.constant 0 : index
    %get3A_544 = memref.load %arg4[%get3A_542, %get3A_543] : memref<8x1xf32, #tpu.memory_space<smem>>
    %broadcast_in_dim3A_545 = vector.broadcast %get3A_544 : f32 to vector<16x1xf32>
    %select_n3A_546 = arith.select %eq3A_541, %broadcast_in_dim3A_545, %select_n3A_501 : vector<16x1xi1>, vector<16x1xf32>
    %get3A_547 = arith.constant 16 : index
    %get3A_548 = arith.constant 1 : index
    %get3A_549 = memref.load %arg1[%get3A_547, %get3A_548] : memref<32x16xi32, #tpu.memory_space<smem>>
    %eq3A_550 = arith.constant 9 : i32
    %eq3A_551 = vector.broadcast %eq3A_550 : i32 to vector<16x1xi32>
    %eq3A_552 = arith.cmpi eq, %iota3A, %eq3A_551 : vector<16x1xi32>
    %broadcast_in_dim3A_553 = vector.broadcast %get3A_549 : i32 to vector<16x1xi32>
    %select_n3A_554 = arith.select %eq3A_552, %broadcast_in_dim3A_553, %select_n3A_509 : vector<16x1xi1>, vector<16x1xi32>
    %eq3A_555 = arith.constant 9 : i32
    %eq3A_556 = vector.broadcast %eq3A_555 : i32 to vector<1x16xi32>
    %eq3A_557 = arith.cmpi eq, %iota3A_132, %eq3A_556 : vector<1x16xi32>
    %broadcast_in_dim3A_558 = vector.broadcast %get3A_549 : i32 to vector<1x16xi32>
    %select_n3A_559 = arith.select %eq3A_557, %broadcast_in_dim3A_558, %select_n3A_514 : vector<1x16xi1>, vector<1x16xi32>
    %eq3A_560 = arith.constant 9 : i32
    %eq3A_561 = vector.broadcast %eq3A_560 : i32 to vector<16x1xi32>
    %eq3A_562 = arith.cmpi eq, %iota3A, %eq3A_561 : vector<16x1xi32>
    %get3A_563 = arith.constant 4 : index
    %get3A_564 = arith.constant 0 : index
    %get3A_565 = memref.load %arg3[%get3A_563, %get3A_564] : memref<32x2xf32, #tpu.memory_space<smem>>
    %broadcast_in_dim3A_566 = vector.broadcast %get3A_565 : f32 to vector<16x1xf32>
    %select_n3A_567 = arith.select %eq3A_562, %broadcast_in_dim3A_566, %select_n3A_522 : vector<16x1xi1>, vector<16x1xf32>
    %eq3A_568 = arith.constant 9 : i32
    %eq3A_569 = vector.broadcast %eq3A_568 : i32 to vector<16x1xi32>
    %eq3A_570 = arith.cmpi eq, %iota3A, %eq3A_569 : vector<16x1xi32>
    %get3A_571 = arith.constant 4 : index
    %get3A_572 = arith.constant 1 : index
    %get3A_573 = memref.load %arg3[%get3A_571, %get3A_572] : memref<32x2xf32, #tpu.memory_space<smem>>
    %broadcast_in_dim3A_574 = vector.broadcast %get3A_573 : f32 to vector<16x1xf32>
    %select_n3A_575 = arith.select %eq3A_570, %broadcast_in_dim3A_574, %select_n3A_530 : vector<16x1xi1>, vector<16x1xf32>
    %eq3A_576 = arith.constant 9 : i32
    %eq3A_577 = vector.broadcast %eq3A_576 : i32 to vector<16x1xi32>
    %eq3A_578 = arith.cmpi eq, %iota3A, %eq3A_577 : vector<16x1xi32>
    %get3A_579 = arith.constant 16 : index
    %get3A_580 = arith.constant 1 : index
    %get3A_581 = memref.load %arg2[%get3A_579, %get3A_580] : memref<32x16xf32, #tpu.memory_space<smem>>
    %broadcast_in_dim3A_582 = vector.broadcast %get3A_581 : f32 to vector<16x1xf32>
    %select_n3A_583 = arith.select %eq3A_578, %broadcast_in_dim3A_582, %select_n3A_538 : vector<16x1xi1>, vector<16x1xf32>
    %eq3A_584 = arith.constant 9 : i32
    %eq3A_585 = vector.broadcast %eq3A_584 : i32 to vector<16x1xi32>
    %eq3A_586 = arith.cmpi eq, %iota3A, %eq3A_585 : vector<16x1xi32>
    %get3A_587 = arith.constant 4 : index
    %get3A_588 = arith.constant 0 : index
    %get3A_589 = memref.load %arg4[%get3A_587, %get3A_588] : memref<8x1xf32, #tpu.memory_space<smem>>
    %broadcast_in_dim3A_590 = vector.broadcast %get3A_589 : f32 to vector<16x1xf32>
    %select_n3A_591 = arith.select %eq3A_586, %broadcast_in_dim3A_590, %select_n3A_546 : vector<16x1xi1>, vector<16x1xf32>
    %get3A_592 = arith.constant 20 : index
    %get3A_593 = arith.constant 0 : index
    %get3A_594 = memref.load %arg1[%get3A_592, %get3A_593] : memref<32x16xi32, #tpu.memory_space<smem>>
    %eq3A_595 = arith.constant 10 : i32
    %eq3A_596 = vector.broadcast %eq3A_595 : i32 to vector<16x1xi32>
    %eq3A_597 = arith.cmpi eq, %iota3A, %eq3A_596 : vector<16x1xi32>
    %broadcast_in_dim3A_598 = vector.broadcast %get3A_594 : i32 to vector<16x1xi32>
    %select_n3A_599 = arith.select %eq3A_597, %broadcast_in_dim3A_598, %select_n3A_554 : vector<16x1xi1>, vector<16x1xi32>
    %eq3A_600 = arith.constant 10 : i32
    %eq3A_601 = vector.broadcast %eq3A_600 : i32 to vector<1x16xi32>
    %eq3A_602 = arith.cmpi eq, %iota3A_132, %eq3A_601 : vector<1x16xi32>
    %broadcast_in_dim3A_603 = vector.broadcast %get3A_594 : i32 to vector<1x16xi32>
    %select_n3A_604 = arith.select %eq3A_602, %broadcast_in_dim3A_603, %select_n3A_559 : vector<1x16xi1>, vector<1x16xi32>
    %eq3A_605 = arith.constant 10 : i32
    %eq3A_606 = vector.broadcast %eq3A_605 : i32 to vector<16x1xi32>
    %eq3A_607 = arith.cmpi eq, %iota3A, %eq3A_606 : vector<16x1xi32>
    %get3A_608 = arith.constant 5 : index
    %get3A_609 = arith.constant 0 : index
    %get3A_610 = memref.load %arg3[%get3A_608, %get3A_609] : memref<32x2xf32, #tpu.memory_space<smem>>
    %broadcast_in_dim3A_611 = vector.broadcast %get3A_610 : f32 to vector<16x1xf32>
    %select_n3A_612 = arith.select %eq3A_607, %broadcast_in_dim3A_611, %select_n3A_567 : vector<16x1xi1>, vector<16x1xf32>
    %eq3A_613 = arith.constant 10 : i32
    %eq3A_614 = vector.broadcast %eq3A_613 : i32 to vector<16x1xi32>
    %eq3A_615 = arith.cmpi eq, %iota3A, %eq3A_614 : vector<16x1xi32>
    %get3A_616 = arith.constant 5 : index
    %get3A_617 = arith.constant 1 : index
    %get3A_618 = memref.load %arg3[%get3A_616, %get3A_617] : memref<32x2xf32, #tpu.memory_space<smem>>
    %broadcast_in_dim3A_619 = vector.broadcast %get3A_618 : f32 to vector<16x1xf32>
    %select_n3A_620 = arith.select %eq3A_615, %broadcast_in_dim3A_619, %select_n3A_575 : vector<16x1xi1>, vector<16x1xf32>
    %eq3A_621 = arith.constant 10 : i32
    %eq3A_622 = vector.broadcast %eq3A_621 : i32 to vector<16x1xi32>
    %eq3A_623 = arith.cmpi eq, %iota3A, %eq3A_622 : vector<16x1xi32>
    %get3A_624 = arith.constant 20 : index
    %get3A_625 = arith.constant 0 : index
    %get3A_626 = memref.load %arg2[%get3A_624, %get3A_625] : memref<32x16xf32, #tpu.memory_space<smem>>
    %broadcast_in_dim3A_627 = vector.broadcast %get3A_626 : f32 to vector<16x1xf32>
    %select_n3A_628 = arith.select %eq3A_623, %broadcast_in_dim3A_627, %select_n3A_583 : vector<16x1xi1>, vector<16x1xf32>
    %eq3A_629 = arith.constant 10 : i32
    %eq3A_630 = vector.broadcast %eq3A_629 : i32 to vector<16x1xi32>
    %eq3A_631 = arith.cmpi eq, %iota3A, %eq3A_630 : vector<16x1xi32>
    %get3A_632 = arith.constant 5 : index
    %get3A_633 = arith.constant 0 : index
    %get3A_634 = memref.load %arg4[%get3A_632, %get3A_633] : memref<8x1xf32, #tpu.memory_space<smem>>
    %broadcast_in_dim3A_635 = vector.broadcast %get3A_634 : f32 to vector<16x1xf32>
    %select_n3A_636 = arith.select %eq3A_631, %broadcast_in_dim3A_635, %select_n3A_591 : vector<16x1xi1>, vector<16x1xf32>
    %get3A_637 = arith.constant 20 : index
    %get3A_638 = arith.constant 1 : index
    %get3A_639 = memref.load %arg1[%get3A_637, %get3A_638] : memref<32x16xi32, #tpu.memory_space<smem>>
    %eq3A_640 = arith.constant 11 : i32
    %eq3A_641 = vector.broadcast %eq3A_640 : i32 to vector<16x1xi32>
    %eq3A_642 = arith.cmpi eq, %iota3A, %eq3A_641 : vector<16x1xi32>
    %broadcast_in_dim3A_643 = vector.broadcast %get3A_639 : i32 to vector<16x1xi32>
    %select_n3A_644 = arith.select %eq3A_642, %broadcast_in_dim3A_643, %select_n3A_599 : vector<16x1xi1>, vector<16x1xi32>
    %eq3A_645 = arith.constant 11 : i32
    %eq3A_646 = vector.broadcast %eq3A_645 : i32 to vector<1x16xi32>
    %eq3A_647 = arith.cmpi eq, %iota3A_132, %eq3A_646 : vector<1x16xi32>
    %broadcast_in_dim3A_648 = vector.broadcast %get3A_639 : i32 to vector<1x16xi32>
    %select_n3A_649 = arith.select %eq3A_647, %broadcast_in_dim3A_648, %select_n3A_604 : vector<1x16xi1>, vector<1x16xi32>
    %eq3A_650 = arith.constant 11 : i32
    %eq3A_651 = vector.broadcast %eq3A_650 : i32 to vector<16x1xi32>
    %eq3A_652 = arith.cmpi eq, %iota3A, %eq3A_651 : vector<16x1xi32>
    %get3A_653 = arith.constant 5 : index
    %get3A_654 = arith.constant 0 : index
    %get3A_655 = memref.load %arg3[%get3A_653, %get3A_654] : memref<32x2xf32, #tpu.memory_space<smem>>
    %broadcast_in_dim3A_656 = vector.broadcast %get3A_655 : f32 to vector<16x1xf32>
    %select_n3A_657 = arith.select %eq3A_652, %broadcast_in_dim3A_656, %select_n3A_612 : vector<16x1xi1>, vector<16x1xf32>
    %eq3A_658 = arith.constant 11 : i32
    %eq3A_659 = vector.broadcast %eq3A_658 : i32 to vector<16x1xi32>
    %eq3A_660 = arith.cmpi eq, %iota3A, %eq3A_659 : vector<16x1xi32>
    %get3A_661 = arith.constant 5 : index
    %get3A_662 = arith.constant 1 : index
    %get3A_663 = memref.load %arg3[%get3A_661, %get3A_662] : memref<32x2xf32, #tpu.memory_space<smem>>
    %broadcast_in_dim3A_664 = vector.broadcast %get3A_663 : f32 to vector<16x1xf32>
    %select_n3A_665 = arith.select %eq3A_660, %broadcast_in_dim3A_664, %select_n3A_620 : vector<16x1xi1>, vector<16x1xf32>
    %eq3A_666 = arith.constant 11 : i32
    %eq3A_667 = vector.broadcast %eq3A_666 : i32 to vector<16x1xi32>
    %eq3A_668 = arith.cmpi eq, %iota3A, %eq3A_667 : vector<16x1xi32>
    %get3A_669 = arith.constant 20 : index
    %get3A_670 = arith.constant 1 : index
    %get3A_671 = memref.load %arg2[%get3A_669, %get3A_670] : memref<32x16xf32, #tpu.memory_space<smem>>
    %broadcast_in_dim3A_672 = vector.broadcast %get3A_671 : f32 to vector<16x1xf32>
    %select_n3A_673 = arith.select %eq3A_668, %broadcast_in_dim3A_672, %select_n3A_628 : vector<16x1xi1>, vector<16x1xf32>
    %eq3A_674 = arith.constant 11 : i32
    %eq3A_675 = vector.broadcast %eq3A_674 : i32 to vector<16x1xi32>
    %eq3A_676 = arith.cmpi eq, %iota3A, %eq3A_675 : vector<16x1xi32>
    %get3A_677 = arith.constant 5 : index
    %get3A_678 = arith.constant 0 : index
    %get3A_679 = memref.load %arg4[%get3A_677, %get3A_678] : memref<8x1xf32, #tpu.memory_space<smem>>
    %broadcast_in_dim3A_680 = vector.broadcast %get3A_679 : f32 to vector<16x1xf32>
    %select_n3A_681 = arith.select %eq3A_676, %broadcast_in_dim3A_680, %select_n3A_636 : vector<16x1xi1>, vector<16x1xf32>
    %get3A_682 = arith.constant 24 : index
    %get3A_683 = arith.constant 0 : index
    %get3A_684 = memref.load %arg1[%get3A_682, %get3A_683] : memref<32x16xi32, #tpu.memory_space<smem>>
    %eq3A_685 = arith.constant 12 : i32
    %eq3A_686 = vector.broadcast %eq3A_685 : i32 to vector<16x1xi32>
    %eq3A_687 = arith.cmpi eq, %iota3A, %eq3A_686 : vector<16x1xi32>
    %broadcast_in_dim3A_688 = vector.broadcast %get3A_684 : i32 to vector<16x1xi32>
    %select_n3A_689 = arith.select %eq3A_687, %broadcast_in_dim3A_688, %select_n3A_644 : vector<16x1xi1>, vector<16x1xi32>
    %eq3A_690 = arith.constant 12 : i32
    %eq3A_691 = vector.broadcast %eq3A_690 : i32 to vector<1x16xi32>
    %eq3A_692 = arith.cmpi eq, %iota3A_132, %eq3A_691 : vector<1x16xi32>
    %broadcast_in_dim3A_693 = vector.broadcast %get3A_684 : i32 to vector<1x16xi32>
    %select_n3A_694 = arith.select %eq3A_692, %broadcast_in_dim3A_693, %select_n3A_649 : vector<1x16xi1>, vector<1x16xi32>
    %eq3A_695 = arith.constant 12 : i32
    %eq3A_696 = vector.broadcast %eq3A_695 : i32 to vector<16x1xi32>
    %eq3A_697 = arith.cmpi eq, %iota3A, %eq3A_696 : vector<16x1xi32>
    %get3A_698 = arith.constant 6 : index
    %get3A_699 = arith.constant 0 : index
    %get3A_700 = memref.load %arg3[%get3A_698, %get3A_699] : memref<32x2xf32, #tpu.memory_space<smem>>
    %broadcast_in_dim3A_701 = vector.broadcast %get3A_700 : f32 to vector<16x1xf32>
    %select_n3A_702 = arith.select %eq3A_697, %broadcast_in_dim3A_701, %select_n3A_657 : vector<16x1xi1>, vector<16x1xf32>
    %eq3A_703 = arith.constant 12 : i32
    %eq3A_704 = vector.broadcast %eq3A_703 : i32 to vector<16x1xi32>
    %eq3A_705 = arith.cmpi eq, %iota3A, %eq3A_704 : vector<16x1xi32>
    %get3A_706 = arith.constant 6 : index
    %get3A_707 = arith.constant 1 : index
    %get3A_708 = memref.load %arg3[%get3A_706, %get3A_707] : memref<32x2xf32, #tpu.memory_space<smem>>
    %broadcast_in_dim3A_709 = vector.broadcast %get3A_708 : f32 to vector<16x1xf32>
    %select_n3A_710 = arith.select %eq3A_705, %broadcast_in_dim3A_709, %select_n3A_665 : vector<16x1xi1>, vector<16x1xf32>
    %eq3A_711 = arith.constant 12 : i32
    %eq3A_712 = vector.broadcast %eq3A_711 : i32 to vector<16x1xi32>
    %eq3A_713 = arith.cmpi eq, %iota3A, %eq3A_712 : vector<16x1xi32>
    %get3A_714 = arith.constant 24 : index
    %get3A_715 = arith.constant 0 : index
    %get3A_716 = memref.load %arg2[%get3A_714, %get3A_715] : memref<32x16xf32, #tpu.memory_space<smem>>
    %broadcast_in_dim3A_717 = vector.broadcast %get3A_716 : f32 to vector<16x1xf32>
    %select_n3A_718 = arith.select %eq3A_713, %broadcast_in_dim3A_717, %select_n3A_673 : vector<16x1xi1>, vector<16x1xf32>
    %eq3A_719 = arith.constant 12 : i32
    %eq3A_720 = vector.broadcast %eq3A_719 : i32 to vector<16x1xi32>
    %eq3A_721 = arith.cmpi eq, %iota3A, %eq3A_720 : vector<16x1xi32>
    %get3A_722 = arith.constant 6 : index
    %get3A_723 = arith.constant 0 : index
    %get3A_724 = memref.load %arg4[%get3A_722, %get3A_723] : memref<8x1xf32, #tpu.memory_space<smem>>
    %broadcast_in_dim3A_725 = vector.broadcast %get3A_724 : f32 to vector<16x1xf32>
    %select_n3A_726 = arith.select %eq3A_721, %broadcast_in_dim3A_725, %select_n3A_681 : vector<16x1xi1>, vector<16x1xf32>
    %get3A_727 = arith.constant 24 : index
    %get3A_728 = arith.constant 1 : index
    %get3A_729 = memref.load %arg1[%get3A_727, %get3A_728] : memref<32x16xi32, #tpu.memory_space<smem>>
    %eq3A_730 = arith.constant 13 : i32
    %eq3A_731 = vector.broadcast %eq3A_730 : i32 to vector<16x1xi32>
    %eq3A_732 = arith.cmpi eq, %iota3A, %eq3A_731 : vector<16x1xi32>
    %broadcast_in_dim3A_733 = vector.broadcast %get3A_729 : i32 to vector<16x1xi32>
    %select_n3A_734 = arith.select %eq3A_732, %broadcast_in_dim3A_733, %select_n3A_689 : vector<16x1xi1>, vector<16x1xi32>
    %eq3A_735 = arith.constant 13 : i32
    %eq3A_736 = vector.broadcast %eq3A_735 : i32 to vector<1x16xi32>
    %eq3A_737 = arith.cmpi eq, %iota3A_132, %eq3A_736 : vector<1x16xi32>
    %broadcast_in_dim3A_738 = vector.broadcast %get3A_729 : i32 to vector<1x16xi32>
    %select_n3A_739 = arith.select %eq3A_737, %broadcast_in_dim3A_738, %select_n3A_694 : vector<1x16xi1>, vector<1x16xi32>
    %eq3A_740 = arith.constant 13 : i32
    %eq3A_741 = vector.broadcast %eq3A_740 : i32 to vector<16x1xi32>
    %eq3A_742 = arith.cmpi eq, %iota3A, %eq3A_741 : vector<16x1xi32>
    %get3A_743 = arith.constant 6 : index
    %get3A_744 = arith.constant 0 : index
    %get3A_745 = memref.load %arg3[%get3A_743, %get3A_744] : memref<32x2xf32, #tpu.memory_space<smem>>
    %broadcast_in_dim3A_746 = vector.broadcast %get3A_745 : f32 to vector<16x1xf32>
    %select_n3A_747 = arith.select %eq3A_742, %broadcast_in_dim3A_746, %select_n3A_702 : vector<16x1xi1>, vector<16x1xf32>
    %eq3A_748 = arith.constant 13 : i32
    %eq3A_749 = vector.broadcast %eq3A_748 : i32 to vector<16x1xi32>
    %eq3A_750 = arith.cmpi eq, %iota3A, %eq3A_749 : vector<16x1xi32>
    %get3A_751 = arith.constant 6 : index
    %get3A_752 = arith.constant 1 : index
    %get3A_753 = memref.load %arg3[%get3A_751, %get3A_752] : memref<32x2xf32, #tpu.memory_space<smem>>
    %broadcast_in_dim3A_754 = vector.broadcast %get3A_753 : f32 to vector<16x1xf32>
    %select_n3A_755 = arith.select %eq3A_750, %broadcast_in_dim3A_754, %select_n3A_710 : vector<16x1xi1>, vector<16x1xf32>
    %eq3A_756 = arith.constant 13 : i32
    %eq3A_757 = vector.broadcast %eq3A_756 : i32 to vector<16x1xi32>
    %eq3A_758 = arith.cmpi eq, %iota3A, %eq3A_757 : vector<16x1xi32>
    %get3A_759 = arith.constant 24 : index
    %get3A_760 = arith.constant 1 : index
    %get3A_761 = memref.load %arg2[%get3A_759, %get3A_760] : memref<32x16xf32, #tpu.memory_space<smem>>
    %broadcast_in_dim3A_762 = vector.broadcast %get3A_761 : f32 to vector<16x1xf32>
    %select_n3A_763 = arith.select %eq3A_758, %broadcast_in_dim3A_762, %select_n3A_718 : vector<16x1xi1>, vector<16x1xf32>
    %eq3A_764 = arith.constant 13 : i32
    %eq3A_765 = vector.broadcast %eq3A_764 : i32 to vector<16x1xi32>
    %eq3A_766 = arith.cmpi eq, %iota3A, %eq3A_765 : vector<16x1xi32>
    %get3A_767 = arith.constant 6 : index
    %get3A_768 = arith.constant 0 : index
    %get3A_769 = memref.load %arg4[%get3A_767, %get3A_768] : memref<8x1xf32, #tpu.memory_space<smem>>
    %broadcast_in_dim3A_770 = vector.broadcast %get3A_769 : f32 to vector<16x1xf32>
    %select_n3A_771 = arith.select %eq3A_766, %broadcast_in_dim3A_770, %select_n3A_726 : vector<16x1xi1>, vector<16x1xf32>
    %get3A_772 = arith.constant 28 : index
    %get3A_773 = arith.constant 0 : index
    %get3A_774 = memref.load %arg1[%get3A_772, %get3A_773] : memref<32x16xi32, #tpu.memory_space<smem>>
    %eq3A_775 = arith.constant 14 : i32
    %eq3A_776 = vector.broadcast %eq3A_775 : i32 to vector<16x1xi32>
    %eq3A_777 = arith.cmpi eq, %iota3A, %eq3A_776 : vector<16x1xi32>
    %broadcast_in_dim3A_778 = vector.broadcast %get3A_774 : i32 to vector<16x1xi32>
    %select_n3A_779 = arith.select %eq3A_777, %broadcast_in_dim3A_778, %select_n3A_734 : vector<16x1xi1>, vector<16x1xi32>
    %eq3A_780 = arith.constant 14 : i32
    %eq3A_781 = vector.broadcast %eq3A_780 : i32 to vector<1x16xi32>
    %eq3A_782 = arith.cmpi eq, %iota3A_132, %eq3A_781 : vector<1x16xi32>
    %broadcast_in_dim3A_783 = vector.broadcast %get3A_774 : i32 to vector<1x16xi32>
    %select_n3A_784 = arith.select %eq3A_782, %broadcast_in_dim3A_783, %select_n3A_739 : vector<1x16xi1>, vector<1x16xi32>
    %eq3A_785 = arith.constant 14 : i32
    %eq3A_786 = vector.broadcast %eq3A_785 : i32 to vector<16x1xi32>
    %eq3A_787 = arith.cmpi eq, %iota3A, %eq3A_786 : vector<16x1xi32>
    %get3A_788 = arith.constant 7 : index
    %get3A_789 = arith.constant 0 : index
    %get3A_790 = memref.load %arg3[%get3A_788, %get3A_789] : memref<32x2xf32, #tpu.memory_space<smem>>
    %broadcast_in_dim3A_791 = vector.broadcast %get3A_790 : f32 to vector<16x1xf32>
    %select_n3A_792 = arith.select %eq3A_787, %broadcast_in_dim3A_791, %select_n3A_747 : vector<16x1xi1>, vector<16x1xf32>
    %eq3A_793 = arith.constant 14 : i32
    %eq3A_794 = vector.broadcast %eq3A_793 : i32 to vector<16x1xi32>
    %eq3A_795 = arith.cmpi eq, %iota3A, %eq3A_794 : vector<16x1xi32>
    %get3A_796 = arith.constant 7 : index
    %get3A_797 = arith.constant 1 : index
    %get3A_798 = memref.load %arg3[%get3A_796, %get3A_797] : memref<32x2xf32, #tpu.memory_space<smem>>
    %broadcast_in_dim3A_799 = vector.broadcast %get3A_798 : f32 to vector<16x1xf32>
    %select_n3A_800 = arith.select %eq3A_795, %broadcast_in_dim3A_799, %select_n3A_755 : vector<16x1xi1>, vector<16x1xf32>
    %eq3A_801 = arith.constant 14 : i32
    %eq3A_802 = vector.broadcast %eq3A_801 : i32 to vector<16x1xi32>
    %eq3A_803 = arith.cmpi eq, %iota3A, %eq3A_802 : vector<16x1xi32>
    %get3A_804 = arith.constant 28 : index
    %get3A_805 = arith.constant 0 : index
    %get3A_806 = memref.load %arg2[%get3A_804, %get3A_805] : memref<32x16xf32, #tpu.memory_space<smem>>
    %broadcast_in_dim3A_807 = vector.broadcast %get3A_806 : f32 to vector<16x1xf32>
    %select_n3A_808 = arith.select %eq3A_803, %broadcast_in_dim3A_807, %select_n3A_763 : vector<16x1xi1>, vector<16x1xf32>
    %eq3A_809 = arith.constant 14 : i32
    %eq3A_810 = vector.broadcast %eq3A_809 : i32 to vector<16x1xi32>
    %eq3A_811 = arith.cmpi eq, %iota3A, %eq3A_810 : vector<16x1xi32>
    %get3A_812 = arith.constant 7 : index
    %get3A_813 = arith.constant 0 : index
    %get3A_814 = memref.load %arg4[%get3A_812, %get3A_813] : memref<8x1xf32, #tpu.memory_space<smem>>
    %broadcast_in_dim3A_815 = vector.broadcast %get3A_814 : f32 to vector<16x1xf32>
    %select_n3A_816 = arith.select %eq3A_811, %broadcast_in_dim3A_815, %select_n3A_771 : vector<16x1xi1>, vector<16x1xf32>
    %get3A_817 = arith.constant 28 : index
    %get3A_818 = arith.constant 1 : index
    %get3A_819 = memref.load %arg1[%get3A_817, %get3A_818] : memref<32x16xi32, #tpu.memory_space<smem>>
    %eq3A_820 = arith.constant 15 : i32
    %eq3A_821 = vector.broadcast %eq3A_820 : i32 to vector<16x1xi32>
    %eq3A_822 = arith.cmpi eq, %iota3A, %eq3A_821 : vector<16x1xi32>
    %broadcast_in_dim3A_823 = vector.broadcast %get3A_819 : i32 to vector<16x1xi32>
    %select_n3A_824 = arith.select %eq3A_822, %broadcast_in_dim3A_823, %select_n3A_779 : vector<16x1xi1>, vector<16x1xi32>
    %eq3A_825 = arith.constant 15 : i32
    %eq3A_826 = vector.broadcast %eq3A_825 : i32 to vector<1x16xi32>
    %eq3A_827 = arith.cmpi eq, %iota3A_132, %eq3A_826 : vector<1x16xi32>
    %broadcast_in_dim3A_828 = vector.broadcast %get3A_819 : i32 to vector<1x16xi32>
    %select_n3A_829 = arith.select %eq3A_827, %broadcast_in_dim3A_828, %select_n3A_784 : vector<1x16xi1>, vector<1x16xi32>
    %eq3A_830 = arith.constant 15 : i32
    %eq3A_831 = vector.broadcast %eq3A_830 : i32 to vector<16x1xi32>
    %eq3A_832 = arith.cmpi eq, %iota3A, %eq3A_831 : vector<16x1xi32>
    %get3A_833 = arith.constant 7 : index
    %get3A_834 = arith.constant 0 : index
    %get3A_835 = memref.load %arg3[%get3A_833, %get3A_834] : memref<32x2xf32, #tpu.memory_space<smem>>
    %broadcast_in_dim3A_836 = vector.broadcast %get3A_835 : f32 to vector<16x1xf32>
    %select_n3A_837 = arith.select %eq3A_832, %broadcast_in_dim3A_836, %select_n3A_792 : vector<16x1xi1>, vector<16x1xf32>
    %eq3A_838 = arith.constant 15 : i32
    %eq3A_839 = vector.broadcast %eq3A_838 : i32 to vector<16x1xi32>
    %eq3A_840 = arith.cmpi eq, %iota3A, %eq3A_839 : vector<16x1xi32>
    %get3A_841 = arith.constant 7 : index
    %get3A_842 = arith.constant 1 : index
    %get3A_843 = memref.load %arg3[%get3A_841, %get3A_842] : memref<32x2xf32, #tpu.memory_space<smem>>
    %broadcast_in_dim3A_844 = vector.broadcast %get3A_843 : f32 to vector<16x1xf32>
    %select_n3A_845 = arith.select %eq3A_840, %broadcast_in_dim3A_844, %select_n3A_800 : vector<16x1xi1>, vector<16x1xf32>
    %eq3A_846 = arith.constant 15 : i32
    %eq3A_847 = vector.broadcast %eq3A_846 : i32 to vector<16x1xi32>
    %eq3A_848 = arith.cmpi eq, %iota3A, %eq3A_847 : vector<16x1xi32>
    %get3A_849 = arith.constant 28 : index
    %get3A_850 = arith.constant 1 : index
    %get3A_851 = memref.load %arg2[%get3A_849, %get3A_850] : memref<32x16xf32, #tpu.memory_space<smem>>
    %broadcast_in_dim3A_852 = vector.broadcast %get3A_851 : f32 to vector<16x1xf32>
    %select_n3A_853 = arith.select %eq3A_848, %broadcast_in_dim3A_852, %select_n3A_808 : vector<16x1xi1>, vector<16x1xf32>
    %eq3A_854 = arith.constant 15 : i32
    %eq3A_855 = vector.broadcast %eq3A_854 : i32 to vector<16x1xi32>
    %eq3A_856 = arith.cmpi eq, %iota3A, %eq3A_855 : vector<16x1xi32>
    %get3A_857 = arith.constant 7 : index
    %get3A_858 = arith.constant 0 : index
    %get3A_859 = memref.load %arg4[%get3A_857, %get3A_858] : memref<8x1xf32, #tpu.memory_space<smem>>
    %broadcast_in_dim3A_860 = vector.broadcast %get3A_859 : f32 to vector<16x1xf32>
    %select_n3A_861 = arith.select %eq3A_856, %broadcast_in_dim3A_860, %select_n3A_816 : vector<16x1xi1>, vector<16x1xf32>
    %sub3A = arith.subf %select_n3A_837, %select_n3A_853 : vector<16x1xf32>
    %exp3A = math.exp %sub3A : vector<16x1xf32>
    %mul3A = arith.mulf %select_n3A_845, %exp3A : vector<16x1xf32>
    %get3A_862 = arith.constant 0 : index
    %get3A_863 = arith.constant 0 : index
    %get3A_864 = arith.constant 0 : index
    %get3A_865 = vector.load %arg8[%get3A_862, %get3A_863, %get3A_864] : memref<4x16x768xf32, #tpu.memory_space<vmem>>, vector<1x16x768xf32>
    %get3A_866 = vector.shape_cast %get3A_865 : vector<1x16x768xf32> to vector<16x768xf32>
    %add3A = vector.broadcast %select_n3A_861 : vector<16x1xf32> to vector<16x768xf32>
    %add3A_867 = arith.addf %get3A_866, %add3A : vector<16x768xf32>
    %mul3A_868 = vector.broadcast %mul3A : vector<16x1xf32> to vector<16x768xf32>
    %mul3A_869 = arith.mulf %add3A_867, %mul3A_868 : vector<16x768xf32>
    %eq3A_870 = vector.broadcast %select_n3A_824 : vector<16x1xi32> to vector<16x16xi32>
    %eq3A_871 = vector.broadcast %select_n3A_829 : vector<1x16xi32> to vector<16x16xi32>
    %eq3A_872 = arith.cmpi eq, %eq3A_870, %eq3A_871 : vector<16x16xi32>
    %convert_element_type3A = arith.extui %eq3A_872 : vector<16x16xi1> to vector<16x16xi32>
    %convert_element_type3A_873 = arith.sitofp %convert_element_type3A : vector<16x16xi32> to vector<16x16xf32>
    %dot_general3A_874 = arith.constant dense<0.000000e+00> : vector<16x768xf32>
    %dot_general3A_875 = tpu.matmul %convert_element_type3A_873, %mul3A_869, %dot_general3A_874 {dimension_numbers = #tpu.dot_dimension_numbers<[1], [0], [0], [1], [0, 0, 1, 1], [], []>, precision = #tpu.contract_precision<fp32>, transpose_lhs_hint = false} : vector<16x16xf32>, vector<16x768xf32>, vector<16x768xf32> -> vector<16x768xf32>
    %swap3A_876 = arith.constant 0 : index
    %swap3A_877 = arith.constant 0 : index
    %swap3A_878 = arith.constant 0 : index
    %swap3A_879 = vector.load %arg9[%swap3A_876, %swap3A_877, %swap3A_878] : memref<4x16x768xf32, #tpu.memory_space<vmem>>, vector<1x16x768xf32>
    %swap3A_880 = vector.shape_cast %swap3A_879 : vector<1x16x768xf32> to vector<16x768xf32>
    %swap3A_881 = vector.shape_cast %dot_general3A_875 : vector<16x768xf32> to vector<1x16x768xf32>
    tpu.vector_store %arg9[%swap3A_876, %swap3A_877, %swap3A_878], %swap3A_881 {strides = array<i32>} : memref<4x16x768xf32, #tpu.memory_space<vmem>>, vector<1x16x768xf32>,
    %broadcast_in_dim3A_882 = arith.constant 0 : i32
    %broadcast_in_dim3A_883 = vector.broadcast %broadcast_in_dim3A_882 : i32 to vector<16x1xi32>
    %broadcast_in_dim3A_884 = arith.constant 0 : i32
    %broadcast_in_dim3A_885 = vector.broadcast %broadcast_in_dim3A_884 : i32 to vector<1x16xi32>
    %broadcast_in_dim3A_886 = arith.constant 0.000000e+00 : f32
    %broadcast_in_dim3A_887 = vector.broadcast %broadcast_in_dim3A_886 : f32 to vector<16x1xf32>
    %broadcast_in_dim3A_888 = arith.constant 0.000000e+00 : f32
    %broadcast_in_dim3A_889 = vector.broadcast %broadcast_in_dim3A_888 : f32 to vector<16x1xf32>
    %broadcast_in_dim3A_890 = arith.constant 0.000000e+00 : f32
    %broadcast_in_dim3A_891 = vector.broadcast %broadcast_in_dim3A_890 : f32 to vector<16x1xf32>
    %broadcast_in_dim3A_892 = arith.constant 0.000000e+00 : f32
    %broadcast_in_dim3A_893 = vector.broadcast %broadcast_in_dim3A_892 : f32 to vector<16x1xf32>
    %get3A_894 = arith.constant 1 : index
    %get3A_895 = arith.constant 0 : index
    %get3A_896 = memref.load %arg1[%get3A_894, %get3A_895] : memref<32x16xi32, #tpu.memory_space<smem>>
    %eq3A_897 = arith.constant 0 : i32
    %eq3A_898 = vector.broadcast %eq3A_897 : i32 to vector<16x1xi32>
    %eq3A_899 = arith.cmpi eq, %iota3A, %eq3A_898 : vector<16x1xi32>
    %broadcast_in_dim3A_900 = vector.broadcast %get3A_896 : i32 to vector<16x1xi32>
    %select_n3A_901 = arith.select %eq3A_899, %broadcast_in_dim3A_900, %broadcast_in_dim3A_883 : vector<16x1xi1>, vector<16x1xi32>
    %eq3A_902 = arith.constant 0 : i32
    %eq3A_903 = vector.broadcast %eq3A_902 : i32 to vector<1x16xi32>
    %eq3A_904 = arith.cmpi eq, %iota3A_132, %eq3A_903 : vector<1x16xi32>
    %broadcast_in_dim3A_905 = vector.broadcast %get3A_896 : i32 to vector<1x16xi32>
    %select_n3A_906 = arith.select %eq3A_904, %broadcast_in_dim3A_905, %broadcast_in_dim3A_885 : vector<1x16xi1>, vector<1x16xi32>
    %eq3A_907 = arith.constant 0 : i32
    %eq3A_908 = vector.broadcast %eq3A_907 : i32 to vector<16x1xi32>
    %eq3A_909 = arith.cmpi eq, %iota3A, %eq3A_908 : vector<16x1xi32>
    %get3A_910 = arith.constant 8 : index
    %get3A_911 = arith.constant 0 : index
    %get3A_912 = memref.load %arg3[%get3A_910, %get3A_911] : memref<32x2xf32, #tpu.memory_space<smem>>
    %broadcast_in_dim3A_913 = vector.broadcast %get3A_912 : f32 to vector<16x1xf32>
    %select_n3A_914 = arith.select %eq3A_909, %broadcast_in_dim3A_913, %broadcast_in_dim3A_887 : vector<16x1xi1>, vector<16x1xf32>
    %eq3A_915 = arith.constant 0 : i32
    %eq3A_916 = vector.broadcast %eq3A_915 : i32 to vector<16x1xi32>
    %eq3A_917 = arith.cmpi eq, %iota3A, %eq3A_916 : vector<16x1xi32>
    %get3A_918 = arith.constant 8 : index
    %get3A_919 = arith.constant 1 : index
    %get3A_920 = memref.load %arg3[%get3A_918, %get3A_919] : memref<32x2xf32, #tpu.memory_space<smem>>
    %broadcast_in_dim3A_921 = vector.broadcast %get3A_920 : f32 to vector<16x1xf32>
    %select_n3A_922 = arith.select %eq3A_917, %broadcast_in_dim3A_921, %broadcast_in_dim3A_889 : vector<16x1xi1>, vector<16x1xf32>
    %eq3A_923 = arith.constant 0 : i32
    %eq3A_924 = vector.broadcast %eq3A_923 : i32 to vector<16x1xi32>
    %eq3A_925 = arith.cmpi eq, %iota3A, %eq3A_924 : vector<16x1xi32>
    %get3A_926 = arith.constant 1 : index
    %get3A_927 = arith.constant 0 : index
    %get3A_928 = memref.load %arg2[%get3A_926, %get3A_927] : memref<32x16xf32, #tpu.memory_space<smem>>
    %broadcast_in_dim3A_929 = vector.broadcast %get3A_928 : f32 to vector<16x1xf32>
    %select_n3A_930 = arith.select %eq3A_925, %broadcast_in_dim3A_929, %broadcast_in_dim3A_891 : vector<16x1xi1>, vector<16x1xf32>
    %eq3A_931 = arith.constant 0 : i32
    %eq3A_932 = vector.broadcast %eq3A_931 : i32 to vector<16x1xi32>
    %eq3A_933 = arith.cmpi eq, %iota3A, %eq3A_932 : vector<16x1xi32>
    %get3A_934 = arith.constant 0 : index
    %get3A_935 = arith.constant 0 : index
    %get3A_936 = memref.load %arg4[%get3A_934, %get3A_935] : memref<8x1xf32, #tpu.memory_space<smem>>
    %broadcast_in_dim3A_937 = vector.broadcast %get3A_936 : f32 to vector<16x1xf32>
    %select_n3A_938 = arith.select %eq3A_933, %broadcast_in_dim3A_937, %broadcast_in_dim3A_893 : vector<16x1xi1>, vector<16x1xf32>
    %get3A_939 = arith.constant 1 : index
    %get3A_940 = arith.constant 1 : index
    %get3A_941 = memref.load %arg1[%get3A_939, %get3A_940] : memref<32x16xi32, #tpu.memory_space<smem>>
    %eq3A_942 = arith.constant 1 : i32
    %eq3A_943 = vector.broadcast %eq3A_942 : i32 to vector<16x1xi32>
    %eq3A_944 = arith.cmpi eq, %iota3A, %eq3A_943 : vector<16x1xi32>
    %broadcast_in_dim3A_945 = vector.broadcast %get3A_941 : i32 to vector<16x1xi32>
    %select_n3A_946 = arith.select %eq3A_944, %broadcast_in_dim3A_945, %select_n3A_901 : vector<16x1xi1>, vector<16x1xi32>
    %eq3A_947 = arith.constant 1 : i32
    %eq3A_948 = vector.broadcast %eq3A_947 : i32 to vector<1x16xi32>
    %eq3A_949 = arith.cmpi eq, %iota3A_132, %eq3A_948 : vector<1x16xi32>
    %broadcast_in_dim3A_950 = vector.broadcast %get3A_941 : i32 to vector<1x16xi32>
    %select_n3A_951 = arith.select %eq3A_949, %broadcast_in_dim3A_950, %select_n3A_906 : vector<1x16xi1>, vector<1x16xi32>
    %eq3A_952 = arith.constant 1 : i32
    %eq3A_953 = vector.broadcast %eq3A_952 : i32 to vector<16x1xi32>
    %eq3A_954 = arith.cmpi eq, %iota3A, %eq3A_953 : vector<16x1xi32>
    %get3A_955 = arith.constant 8 : index
    %get3A_956 = arith.constant 0 : index
    %get3A_957 = memref.load %arg3[%get3A_955, %get3A_956] : memref<32x2xf32, #tpu.memory_space<smem>>
    %broadcast_in_dim3A_958 = vector.broadcast %get3A_957 : f32 to vector<16x1xf32>
    %select_n3A_959 = arith.select %eq3A_954, %broadcast_in_dim3A_958, %select_n3A_914 : vector<16x1xi1>, vector<16x1xf32>
    %eq3A_960 = arith.constant 1 : i32
    %eq3A_961 = vector.broadcast %eq3A_960 : i32 to vector<16x1xi32>
    %eq3A_962 = arith.cmpi eq, %iota3A, %eq3A_961 : vector<16x1xi32>
    %get3A_963 = arith.constant 8 : index
    %get3A_964 = arith.constant 1 : index
    %get3A_965 = memref.load %arg3[%get3A_963, %get3A_964] : memref<32x2xf32, #tpu.memory_space<smem>>
    %broadcast_in_dim3A_966 = vector.broadcast %get3A_965 : f32 to vector<16x1xf32>
    %select_n3A_967 = arith.select %eq3A_962, %broadcast_in_dim3A_966, %select_n3A_922 : vector<16x1xi1>, vector<16x1xf32>
    %eq3A_968 = arith.constant 1 : i32
    %eq3A_969 = vector.broadcast %eq3A_968 : i32 to vector<16x1xi32>
    %eq3A_970 = arith.cmpi eq, %iota3A, %eq3A_969 : vector<16x1xi32>
    %get3A_971 = arith.constant 1 : index
    %get3A_972 = arith.constant 1 : index
    %get3A_973 = memref.load %arg2[%get3A_971, %get3A_972] : memref<32x16xf32, #tpu.memory_space<smem>>
    %broadcast_in_dim3A_974 = vector.broadcast %get3A_973 : f32 to vector<16x1xf32>
    %select_n3A_975 = arith.select %eq3A_970, %broadcast_in_dim3A_974, %select_n3A_930 : vector<16x1xi1>, vector<16x1xf32>
    %eq3A_976 = arith.constant 1 : i32
    %eq3A_977 = vector.broadcast %eq3A_976 : i32 to vector<16x1xi32>
    %eq3A_978 = arith.cmpi eq, %iota3A, %eq3A_977 : vector<16x1xi32>
    %get3A_979 = arith.constant 0 : index
    %get3A_980 = arith.constant 0 : index
    %get3A_981 = memref.load %arg4[%get3A_979, %get3A_980] : memref<8x1xf32, #tpu.memory_space<smem>>
    %broadcast_in_dim3A_982 = vector.broadcast %get3A_981 : f32 to vector<16x1xf32>
    %select_n3A_983 = arith.select %eq3A_978, %broadcast_in_dim3A_982, %select_n3A_938 : vector<16x1xi1>, vector<16x1xf32>
    %get3A_984 = arith.constant 5 : index
    %get3A_985 = arith.constant 0 : index
    %get3A_986 = memref.load %arg1[%get3A_984, %get3A_985] : memref<32x16xi32, #tpu.memory_space<smem>>
    %eq3A_987 = arith.constant 2 : i32
    %eq3A_988 = vector.broadcast %eq3A_987 : i32 to vector<16x1xi32>
    %eq3A_989 = arith.cmpi eq, %iota3A, %eq3A_988 : vector<16x1xi32>
    %broadcast_in_dim3A_990 = vector.broadcast %get3A_986 : i32 to vector<16x1xi32>
    %select_n3A_991 = arith.select %eq3A_989, %broadcast_in_dim3A_990, %select_n3A_946 : vector<16x1xi1>, vector<16x1xi32>
    %eq3A_992 = arith.constant 2 : i32
    %eq3A_993 = vector.broadcast %eq3A_992 : i32 to vector<1x16xi32>
    %eq3A_994 = arith.cmpi eq, %iota3A_132, %eq3A_993 : vector<1x16xi32>
    %broadcast_in_dim3A_995 = vector.broadcast %get3A_986 : i32 to vector<1x16xi32>
    %select_n3A_996 = arith.select %eq3A_994, %broadcast_in_dim3A_995, %select_n3A_951 : vector<1x16xi1>, vector<1x16xi32>
    %eq3A_997 = arith.constant 2 : i32
    %eq3A_998 = vector.broadcast %eq3A_997 : i32 to vector<16x1xi32>
    %eq3A_999 = arith.cmpi eq, %iota3A, %eq3A_998 : vector<16x1xi32>
    %get3A_1000 = arith.constant 9 : index
    %get3A_1001 = arith.constant 0 : index
    %get3A_1002 = memref.load %arg3[%get3A_1000, %get3A_1001] : memref<32x2xf32, #tpu.memory_space<smem>>
    %broadcast_in_dim3A_1003 = vector.broadcast %get3A_1002 : f32 to vector<16x1xf32>
    %select_n3A_1004 = arith.select %eq3A_999, %broadcast_in_dim3A_1003, %select_n3A_959 : vector<16x1xi1>, vector<16x1xf32>
    %eq3A_1005 = arith.constant 2 : i32
    %eq3A_1006 = vector.broadcast %eq3A_1005 : i32 to vector<16x1xi32>
    %eq3A_1007 = arith.cmpi eq, %iota3A, %eq3A_1006 : vector<16x1xi32>
    %get3A_1008 = arith.constant 9 : index
    %get3A_1009 = arith.constant 1 : index
    %get3A_1010 = memref.load %arg3[%get3A_1008, %get3A_1009] : memref<32x2xf32, #tpu.memory_space<smem>>
    %broadcast_in_dim3A_1011 = vector.broadcast %get3A_1010 : f32 to vector<16x1xf32>
    %select_n3A_1012 = arith.select %eq3A_1007, %broadcast_in_dim3A_1011, %select_n3A_967 : vector<16x1xi1>, vector<16x1xf32>
    %eq3A_1013 = arith.constant 2 : i32
    %eq3A_1014 = vector.broadcast %eq3A_1013 : i32 to vector<16x1xi32>
    %eq3A_1015 = arith.cmpi eq, %iota3A, %eq3A_1014 : vector<16x1xi32>
    %get3A_1016 = arith.constant 5 : index
    %get3A_1017 = arith.constant 0 : index
    %get3A_1018 = memref.load %arg2[%get3A_1016, %get3A_1017] : memref<32x16xf32, #tpu.memory_space<smem>>
    %broadcast_in_dim3A_1019 = vector.broadcast %get3A_1018 : f32 to vector<16x1xf32>
    %select_n3A_1020 = arith.select %eq3A_1015, %broadcast_in_dim3A_1019, %select_n3A_975 : vector<16x1xi1>, vector<16x1xf32>
    %eq3A_1021 = arith.constant 2 : i32
    %eq3A_1022 = vector.broadcast %eq3A_1021 : i32 to vector<16x1xi32>
    %eq3A_1023 = arith.cmpi eq, %iota3A, %eq3A_1022 : vector<16x1xi32>
    %get3A_1024 = arith.constant 1 : index
    %get3A_1025 = arith.constant 0 : index
    %get3A_1026 = memref.load %arg4[%get3A_1024, %get3A_1025] : memref<8x1xf32, #tpu.memory_space<smem>>
    %broadcast_in_dim3A_1027 = vector.broadcast %get3A_1026 : f32 to vector<16x1xf32>
    %select_n3A_1028 = arith.select %eq3A_1023, %broadcast_in_dim3A_1027, %select_n3A_983 : vector<16x1xi1>, vector<16x1xf32>
    %get3A_1029 = arith.constant 5 : index
    %get3A_1030 = arith.constant 1 : index
    %get3A_1031 = memref.load %arg1[%get3A_1029, %get3A_1030] : memref<32x16xi32, #tpu.memory_space<smem>>
    %eq3A_1032 = arith.constant 3 : i32
    %eq3A_1033 = vector.broadcast %eq3A_1032 : i32 to vector<16x1xi32>
    %eq3A_1034 = arith.cmpi eq, %iota3A, %eq3A_1033 : vector<16x1xi32>
    %broadcast_in_dim3A_1035 = vector.broadcast %get3A_1031 : i32 to vector<16x1xi32>
    %select_n3A_1036 = arith.select %eq3A_1034, %broadcast_in_dim3A_1035, %select_n3A_991 : vector<16x1xi1>, vector<16x1xi32>
    %eq3A_1037 = arith.constant 3 : i32
    %eq3A_1038 = vector.broadcast %eq3A_1037 : i32 to vector<1x16xi32>
    %eq3A_1039 = arith.cmpi eq, %iota3A_132, %eq3A_1038 : vector<1x16xi32>
    %broadcast_in_dim3A_1040 = vector.broadcast %get3A_1031 : i32 to vector<1x16xi32>
    %select_n3A_1041 = arith.select %eq3A_1039, %broadcast_in_dim3A_1040, %select_n3A_996 : vector<1x16xi1>, vector<1x16xi32>
    %eq3A_1042 = arith.constant 3 : i32
    %eq3A_1043 = vector.broadcast %eq3A_1042 : i32 to vector<16x1xi32>
    %eq3A_1044 = arith.cmpi eq, %iota3A, %eq3A_1043 : vector<16x1xi32>
    %get3A_1045 = arith.constant 9 : index
    %get3A_1046 = arith.constant 0 : index
    %get3A_1047 = memref.load %arg3[%get3A_1045, %get3A_1046] : memref<32x2xf32, #tpu.memory_space<smem>>
    %broadcast_in_dim3A_1048 = vector.broadcast %get3A_1047 : f32 to vector<16x1xf32>
    %select_n3A_1049 = arith.select %eq3A_1044, %broadcast_in_dim3A_1048, %select_n3A_1004 : vector<16x1xi1>, vector<16x1xf32>
    %eq3A_1050 = arith.constant 3 : i32
    %eq3A_1051 = vector.broadcast %eq3A_1050 : i32 to vector<16x1xi32>
    %eq3A_1052 = arith.cmpi eq, %iota3A, %eq3A_1051 : vector<16x1xi32>
    %get3A_1053 = arith.constant 9 : index
    %get3A_1054 = arith.constant 1 : index
    %get3A_1055 = memref.load %arg3[%get3A_1053, %get3A_1054] : memref<32x2xf32, #tpu.memory_space<smem>>
    %broadcast_in_dim3A_1056 = vector.broadcast %get3A_1055 : f32 to vector<16x1xf32>
    %select_n3A_1057 = arith.select %eq3A_1052, %broadcast_in_dim3A_1056, %select_n3A_1012 : vector<16x1xi1>, vector<16x1xf32>
    %eq3A_1058 = arith.constant 3 : i32
    %eq3A_1059 = vector.broadcast %eq3A_1058 : i32 to vector<16x1xi32>
    %eq3A_1060 = arith.cmpi eq, %iota3A, %eq3A_1059 : vector<16x1xi32>
    %get3A_1061 = arith.constant 5 : index
    %get3A_1062 = arith.constant 1 : index
    %get3A_1063 = memref.load %arg2[%get3A_1061, %get3A_1062] : memref<32x16xf32, #tpu.memory_space<smem>>
    %broadcast_in_dim3A_1064 = vector.broadcast %get3A_1063 : f32 to vector<16x1xf32>
    %select_n3A_1065 = arith.select %eq3A_1060, %broadcast_in_dim3A_1064, %select_n3A_1020 : vector<16x1xi1>, vector<16x1xf32>
    %eq3A_1066 = arith.constant 3 : i32
    %eq3A_1067 = vector.broadcast %eq3A_1066 : i32 to vector<16x1xi32>
    %eq3A_1068 = arith.cmpi eq, %iota3A, %eq3A_1067 : vector<16x1xi32>
    %get3A_1069 = arith.constant 1 : index
    %get3A_1070 = arith.constant 0 : index
    %get3A_1071 = memref.load %arg4[%get3A_1069, %get3A_1070] : memref<8x1xf32, #tpu.memory_space<smem>>
    %broadcast_in_dim3A_1072 = vector.broadcast %get3A_1071 : f32 to vector<16x1xf32>
    %select_n3A_1073 = arith.select %eq3A_1068, %broadcast_in_dim3A_1072, %select_n3A_1028 : vector<16x1xi1>, vector<16x1xf32>
    %get3A_1074 = arith.constant 9 : index
    %get3A_1075 = arith.constant 0 : index
    %get3A_1076 = memref.load %arg1[%get3A_1074, %get3A_1075] : memref<32x16xi32, #tpu.memory_space<smem>>
    %eq3A_1077 = arith.constant 4 : i32
    %eq3A_1078 = vector.broadcast %eq3A_1077 : i32 to vector<16x1xi32>
    %eq3A_1079 = arith.cmpi eq, %iota3A, %eq3A_1078 : vector<16x1xi32>
    %broadcast_in_dim3A_1080 = vector.broadcast %get3A_1076 : i32 to vector<16x1xi32>
    %select_n3A_1081 = arith.select %eq3A_1079, %broadcast_in_dim3A_1080, %select_n3A_1036 : vector<16x1xi1>, vector<16x1xi32>
    %eq3A_1082 = arith.constant 4 : i32
    %eq3A_1083 = vector.broadcast %eq3A_1082 : i32 to vector<1x16xi32>
    %eq3A_1084 = arith.cmpi eq, %iota3A_132, %eq3A_1083 : vector<1x16xi32>
    %broadcast_in_dim3A_1085 = vector.broadcast %get3A_1076 : i32 to vector<1x16xi32>
    %select_n3A_1086 = arith.select %eq3A_1084, %broadcast_in_dim3A_1085, %select_n3A_1041 : vector<1x16xi1>, vector<1x16xi32>
    %eq3A_1087 = arith.constant 4 : i32
    %eq3A_1088 = vector.broadcast %eq3A_1087 : i32 to vector<16x1xi32>
    %eq3A_1089 = arith.cmpi eq, %iota3A, %eq3A_1088 : vector<16x1xi32>
    %get3A_1090 = arith.constant 10 : index
    %get3A_1091 = arith.constant 0 : index
    %get3A_1092 = memref.load %arg3[%get3A_1090, %get3A_1091] : memref<32x2xf32, #tpu.memory_space<smem>>
    %broadcast_in_dim3A_1093 = vector.broadcast %get3A_1092 : f32 to vector<16x1xf32>
    %select_n3A_1094 = arith.select %eq3A_1089, %broadcast_in_dim3A_1093, %select_n3A_1049 : vector<16x1xi1>, vector<16x1xf32>
    %eq3A_1095 = arith.constant 4 : i32
    %eq3A_1096 = vector.broadcast %eq3A_1095 : i32 to vector<16x1xi32>
    %eq3A_1097 = arith.cmpi eq, %iota3A, %eq3A_1096 : vector<16x1xi32>
    %get3A_1098 = arith.constant 10 : index
    %get3A_1099 = arith.constant 1 : index
    %get3A_1100 = memref.load %arg3[%get3A_1098, %get3A_1099] : memref<32x2xf32, #tpu.memory_space<smem>>
    %broadcast_in_dim3A_1101 = vector.broadcast %get3A_1100 : f32 to vector<16x1xf32>
    %select_n3A_1102 = arith.select %eq3A_1097, %broadcast_in_dim3A_1101, %select_n3A_1057 : vector<16x1xi1>, vector<16x1xf32>
    %eq3A_1103 = arith.constant 4 : i32
    %eq3A_1104 = vector.broadcast %eq3A_1103 : i32 to vector<16x1xi32>
    %eq3A_1105 = arith.cmpi eq, %iota3A, %eq3A_1104 : vector<16x1xi32>
    %get3A_1106 = arith.constant 9 : index
    %get3A_1107 = arith.constant 0 : index
    %get3A_1108 = memref.load %arg2[%get3A_1106, %get3A_1107] : memref<32x16xf32, #tpu.memory_space<smem>>
    %broadcast_in_dim3A_1109 = vector.broadcast %get3A_1108 : f32 to vector<16x1xf32>
    %select_n3A_1110 = arith.select %eq3A_1105, %broadcast_in_dim3A_1109, %select_n3A_1065 : vector<16x1xi1>, vector<16x1xf32>
    %eq3A_1111 = arith.constant 4 : i32
    %eq3A_1112 = vector.broadcast %eq3A_1111 : i32 to vector<16x1xi32>
    %eq3A_1113 = arith.cmpi eq, %iota3A, %eq3A_1112 : vector<16x1xi32>
    %get3A_1114 = arith.constant 2 : index
    %get3A_1115 = arith.constant 0 : index
    %get3A_1116 = memref.load %arg4[%get3A_1114, %get3A_1115] : memref<8x1xf32, #tpu.memory_space<smem>>
    %broadcast_in_dim3A_1117 = vector.broadcast %get3A_1116 : f32 to vector<16x1xf32>
    %select_n3A_1118 = arith.select %eq3A_1113, %broadcast_in_dim3A_1117, %select_n3A_1073 : vector<16x1xi1>, vector<16x1xf32>
    %get3A_1119 = arith.constant 9 : index
    %get3A_1120 = arith.constant 1 : index
    %get3A_1121 = memref.load %arg1[%get3A_1119, %get3A_1120] : memref<32x16xi32, #tpu.memory_space<smem>>
    %eq3A_1122 = arith.constant 5 : i32
    %eq3A_1123 = vector.broadcast %eq3A_1122 : i32 to vector<16x1xi32>
    %eq3A_1124 = arith.cmpi eq, %iota3A, %eq3A_1123 : vector<16x1xi32>
    %broadcast_in_dim3A_1125 = vector.broadcast %get3A_1121 : i32 to vector<16x1xi32>
    %select_n3A_1126 = arith.select %eq3A_1124, %broadcast_in_dim3A_1125, %select_n3A_1081 : vector<16x1xi1>, vector<16x1xi32>
    %eq3A_1127 = arith.constant 5 : i32
    %eq3A_1128 = vector.broadcast %eq3A_1127 : i32 to vector<1x16xi32>
    %eq3A_1129 = arith.cmpi eq, %iota3A_132, %eq3A_1128 : vector<1x16xi32>
    %broadcast_in_dim3A_1130 = vector.broadcast %get3A_1121 : i32 to vector<1x16xi32>
    %select_n3A_1131 = arith.select %eq3A_1129, %broadcast_in_dim3A_1130, %select_n3A_1086 : vector<1x16xi1>, vector<1x16xi32>
    %eq3A_1132 = arith.constant 5 : i32
    %eq3A_1133 = vector.broadcast %eq3A_1132 : i32 to vector<16x1xi32>
    %eq3A_1134 = arith.cmpi eq, %iota3A, %eq3A_1133 : vector<16x1xi32>
    %get3A_1135 = arith.constant 10 : index
    %get3A_1136 = arith.constant 0 : index
    %get3A_1137 = memref.load %arg3[%get3A_1135, %get3A_1136] : memref<32x2xf32, #tpu.memory_space<smem>>
    %broadcast_in_dim3A_1138 = vector.broadcast %get3A_1137 : f32 to vector<16x1xf32>
    %select_n3A_1139 = arith.select %eq3A_1134, %broadcast_in_dim3A_1138, %select_n3A_1094 : vector<16x1xi1>, vector<16x1xf32>
    %eq3A_1140 = arith.constant 5 : i32
    %eq3A_1141 = vector.broadcast %eq3A_1140 : i32 to vector<16x1xi32>
    %eq3A_1142 = arith.cmpi eq, %iota3A, %eq3A_1141 : vector<16x1xi32>
    %get3A_1143 = arith.constant 10 : index
    %get3A_1144 = arith.constant 1 : index
    %get3A_1145 = memref.load %arg3[%get3A_1143, %get3A_1144] : memref<32x2xf32, #tpu.memory_space<smem>>
    %broadcast_in_dim3A_1146 = vector.broadcast %get3A_1145 : f32 to vector<16x1xf32>
    %select_n3A_1147 = arith.select %eq3A_1142, %broadcast_in_dim3A_1146, %select_n3A_1102 : vector<16x1xi1>, vector<16x1xf32>
    %eq3A_1148 = arith.constant 5 : i32
    %eq3A_1149 = vector.broadcast %eq3A_1148 : i32 to vector<16x1xi32>
    %eq3A_1150 = arith.cmpi eq, %iota3A, %eq3A_1149 : vector<16x1xi32>
    %get3A_1151 = arith.constant 9 : index
    %get3A_1152 = arith.constant 1 : index
    %get3A_1153 = memref.load %arg2[%get3A_1151, %get3A_1152] : memref<32x16xf32, #tpu.memory_space<smem>>
    %broadcast_in_dim3A_1154 = vector.broadcast %get3A_1153 : f32 to vector<16x1xf32>
    %select_n3A_1155 = arith.select %eq3A_1150, %broadcast_in_dim3A_1154, %select_n3A_1110 : vector<16x1xi1>, vector<16x1xf32>
    %eq3A_1156 = arith.constant 5 : i32
    %eq3A_1157 = vector.broadcast %eq3A_1156 : i32 to vector<16x1xi32>
    %eq3A_1158 = arith.cmpi eq, %iota3A, %eq3A_1157 : vector<16x1xi32>
    %get3A_1159 = arith.constant 2 : index
    %get3A_1160 = arith.constant 0 : index
    %get3A_1161 = memref.load %arg4[%get3A_1159, %get3A_1160] : memref<8x1xf32, #tpu.memory_space<smem>>
    %broadcast_in_dim3A_1162 = vector.broadcast %get3A_1161 : f32 to vector<16x1xf32>
    %select_n3A_1163 = arith.select %eq3A_1158, %broadcast_in_dim3A_1162, %select_n3A_1118 : vector<16x1xi1>, vector<16x1xf32>
    %get3A_1164 = arith.constant 13 : index
    %get3A_1165 = arith.constant 0 : index
    %get3A_1166 = memref.load %arg1[%get3A_1164, %get3A_1165] : memref<32x16xi32, #tpu.memory_space<smem>>
    %eq3A_1167 = arith.constant 6 : i32
    %eq3A_1168 = vector.broadcast %eq3A_1167 : i32 to vector<16x1xi32>
    %eq3A_1169 = arith.cmpi eq, %iota3A, %eq3A_1168 : vector<16x1xi32>
    %broadcast_in_dim3A_1170 = vector.broadcast %get3A_1166 : i32 to vector<16x1xi32>
    %select_n3A_1171 = arith.select %eq3A_1169, %broadcast_in_dim3A_1170, %select_n3A_1126 : vector<16x1xi1>, vector<16x1xi32>
    %eq3A_1172 = arith.constant 6 : i32
    %eq3A_1173 = vector.broadcast %eq3A_1172 : i32 to vector<1x16xi32>
    %eq3A_1174 = arith.cmpi eq, %iota3A_132, %eq3A_1173 : vector<1x16xi32>
    %broadcast_in_dim3A_1175 = vector.broadcast %get3A_1166 : i32 to vector<1x16xi32>
    %select_n3A_1176 = arith.select %eq3A_1174, %broadcast_in_dim3A_1175, %select_n3A_1131 : vector<1x16xi1>, vector<1x16xi32>
    %eq3A_1177 = arith.constant 6 : i32
    %eq3A_1178 = vector.broadcast %eq3A_1177 : i32 to vector<16x1xi32>
    %eq3A_1179 = arith.cmpi eq, %iota3A, %eq3A_1178 : vector<16x1xi32>
    %get3A_1180 = arith.constant 11 : index
    %get3A_1181 = arith.constant 0 : index
    %get3A_1182 = memref.load %arg3[%get3A_1180, %get3A_1181] : memref<32x2xf32, #tpu.memory_space<smem>>
    %broadcast_in_dim3A_1183 = vector.broadcast %get3A_1182 : f32 to vector<16x1xf32>
    %select_n3A_1184 = arith.select %eq3A_1179, %broadcast_in_dim3A_1183, %select_n3A_1139 : vector<16x1xi1>, vector<16x1xf32>
    %eq3A_1185 = arith.constant 6 : i32
    %eq3A_1186 = vector.broadcast %eq3A_1185 : i32 to vector<16x1xi32>
    %eq3A_1187 = arith.cmpi eq, %iota3A, %eq3A_1186 : vector<16x1xi32>
    %get3A_1188 = arith.constant 11 : index
    %get3A_1189 = arith.constant 1 : index
    %get3A_1190 = memref.load %arg3[%get3A_1188, %get3A_1189] : memref<32x2xf32, #tpu.memory_space<smem>>
    %broadcast_in_dim3A_1191 = vector.broadcast %get3A_1190 : f32 to vector<16x1xf32>
    %select_n3A_1192 = arith.select %eq3A_1187, %broadcast_in_dim3A_1191, %select_n3A_1147 : vector<16x1xi1>, vector<16x1xf32>
    %eq3A_1193 = arith.constant 6 : i32
    %eq3A_1194 = vector.broadcast %eq3A_1193 : i32 to vector<16x1xi32>
    %eq3A_1195 = arith.cmpi eq, %iota3A, %eq3A_1194 : vector<16x1xi32>
    %get3A_1196 = arith.constant 13 : index
    %get3A_1197 = arith.constant 0 : index
    %get3A_1198 = memref.load %arg2[%get3A_1196, %get3A_1197] : memref<32x16xf32, #tpu.memory_space<smem>>
    %broadcast_in_dim3A_1199 = vector.broadcast %get3A_1198 : f32 to vector<16x1xf32>
    %select_n3A_1200 = arith.select %eq3A_1195, %broadcast_in_dim3A_1199, %select_n3A_1155 : vector<16x1xi1>, vector<16x1xf32>
    %eq3A_1201 = arith.constant 6 : i32
    %eq3A_1202 = vector.broadcast %eq3A_1201 : i32 to vector<16x1xi32>
    %eq3A_1203 = arith.cmpi eq, %iota3A, %eq3A_1202 : vector<16x1xi32>
    %get3A_1204 = arith.constant 3 : index
    %get3A_1205 = arith.constant 0 : index
    %get3A_1206 = memref.load %arg4[%get3A_1204, %get3A_1205] : memref<8x1xf32, #tpu.memory_space<smem>>
    %broadcast_in_dim3A_1207 = vector.broadcast %get3A_1206 : f32 to vector<16x1xf32>
    %select_n3A_1208 = arith.select %eq3A_1203, %broadcast_in_dim3A_1207, %select_n3A_1163 : vector<16x1xi1>, vector<16x1xf32>
    %get3A_1209 = arith.constant 13 : index
    %get3A_1210 = arith.constant 1 : index
    %get3A_1211 = memref.load %arg1[%get3A_1209, %get3A_1210] : memref<32x16xi32, #tpu.memory_space<smem>>
    %eq3A_1212 = arith.constant 7 : i32
    %eq3A_1213 = vector.broadcast %eq3A_1212 : i32 to vector<16x1xi32>
    %eq3A_1214 = arith.cmpi eq, %iota3A, %eq3A_1213 : vector<16x1xi32>
    %broadcast_in_dim3A_1215 = vector.broadcast %get3A_1211 : i32 to vector<16x1xi32>
    %select_n3A_1216 = arith.select %eq3A_1214, %broadcast_in_dim3A_1215, %select_n3A_1171 : vector<16x1xi1>, vector<16x1xi32>
    %eq3A_1217 = arith.constant 7 : i32
    %eq3A_1218 = vector.broadcast %eq3A_1217 : i32 to vector<1x16xi32>
    %eq3A_1219 = arith.cmpi eq, %iota3A_132, %eq3A_1218 : vector<1x16xi32>
    %broadcast_in_dim3A_1220 = vector.broadcast %get3A_1211 : i32 to vector<1x16xi32>
    %select_n3A_1221 = arith.select %eq3A_1219, %broadcast_in_dim3A_1220, %select_n3A_1176 : vector<1x16xi1>, vector<1x16xi32>
    %eq3A_1222 = arith.constant 7 : i32
    %eq3A_1223 = vector.broadcast %eq3A_1222 : i32 to vector<16x1xi32>
    %eq3A_1224 = arith.cmpi eq, %iota3A, %eq3A_1223 : vector<16x1xi32>
    %get3A_1225 = arith.constant 11 : index
    %get3A_1226 = arith.constant 0 : index
    %get3A_1227 = memref.load %arg3[%get3A_1225, %get3A_1226] : memref<32x2xf32, #tpu.memory_space<smem>>
    %broadcast_in_dim3A_1228 = vector.broadcast %get3A_1227 : f32 to vector<16x1xf32>
    %select_n3A_1229 = arith.select %eq3A_1224, %broadcast_in_dim3A_1228, %select_n3A_1184 : vector<16x1xi1>, vector<16x1xf32>
    %eq3A_1230 = arith.constant 7 : i32
    %eq3A_1231 = vector.broadcast %eq3A_1230 : i32 to vector<16x1xi32>
    %eq3A_1232 = arith.cmpi eq, %iota3A, %eq3A_1231 : vector<16x1xi32>
    %get3A_1233 = arith.constant 11 : index
    %get3A_1234 = arith.constant 1 : index
    %get3A_1235 = memref.load %arg3[%get3A_1233, %get3A_1234] : memref<32x2xf32, #tpu.memory_space<smem>>
    %broadcast_in_dim3A_1236 = vector.broadcast %get3A_1235 : f32 to vector<16x1xf32>
    %select_n3A_1237 = arith.select %eq3A_1232, %broadcast_in_dim3A_1236, %select_n3A_1192 : vector<16x1xi1>, vector<16x1xf32>
    %eq3A_1238 = arith.constant 7 : i32
    %eq3A_1239 = vector.broadcast %eq3A_1238 : i32 to vector<16x1xi32>
    %eq3A_1240 = arith.cmpi eq, %iota3A, %eq3A_1239 : vector<16x1xi32>
    %get3A_1241 = arith.constant 13 : index
    %get3A_1242 = arith.constant 1 : index
    %get3A_1243 = memref.load %arg2[%get3A_1241, %get3A_1242] : memref<32x16xf32, #tpu.memory_space<smem>>
    %broadcast_in_dim3A_1244 = vector.broadcast %get3A_1243 : f32 to vector<16x1xf32>
    %select_n3A_1245 = arith.select %eq3A_1240, %broadcast_in_dim3A_1244, %select_n3A_1200 : vector<16x1xi1>, vector<16x1xf32>
    %eq3A_1246 = arith.constant 7 : i32
    %eq3A_1247 = vector.broadcast %eq3A_1246 : i32 to vector<16x1xi32>
    %eq3A_1248 = arith.cmpi eq, %iota3A, %eq3A_1247 : vector<16x1xi32>
    %get3A_1249 = arith.constant 3 : index
    %get3A_1250 = arith.constant 0 : index
    %get3A_1251 = memref.load %arg4[%get3A_1249, %get3A_1250] : memref<8x1xf32, #tpu.memory_space<smem>>
    %broadcast_in_dim3A_1252 = vector.broadcast %get3A_1251 : f32 to vector<16x1xf32>
    %select_n3A_1253 = arith.select %eq3A_1248, %broadcast_in_dim3A_1252, %select_n3A_1208 : vector<16x1xi1>, vector<16x1xf32>
    %get3A_1254 = arith.constant 17 : index
    %get3A_1255 = arith.constant 0 : index
    %get3A_1256 = memref.load %arg1[%get3A_1254, %get3A_1255] : memref<32x16xi32, #tpu.memory_space<smem>>
    %eq3A_1257 = arith.constant 8 : i32
    %eq3A_1258 = vector.broadcast %eq3A_1257 : i32 to vector<16x1xi32>
    %eq3A_1259 = arith.cmpi eq, %iota3A, %eq3A_1258 : vector<16x1xi32>
    %broadcast_in_dim3A_1260 = vector.broadcast %get3A_1256 : i32 to vector<16x1xi32>
    %select_n3A_1261 = arith.select %eq3A_1259, %broadcast_in_dim3A_1260, %select_n3A_1216 : vector<16x1xi1>, vector<16x1xi32>
    %eq3A_1262 = arith.constant 8 : i32
    %eq3A_1263 = vector.broadcast %eq3A_1262 : i32 to vector<1x16xi32>
    %eq3A_1264 = arith.cmpi eq, %iota3A_132, %eq3A_1263 : vector<1x16xi32>
    %broadcast_in_dim3A_1265 = vector.broadcast %get3A_1256 : i32 to vector<1x16xi32>
    %select_n3A_1266 = arith.select %eq3A_1264, %broadcast_in_dim3A_1265, %select_n3A_1221 : vector<1x16xi1>, vector<1x16xi32>
    %eq3A_1267 = arith.constant 8 : i32
    %eq3A_1268 = vector.broadcast %eq3A_1267 : i32 to vector<16x1xi32>
    %eq3A_1269 = arith.cmpi eq, %iota3A, %eq3A_1268 : vector<16x1xi32>
    %get3A_1270 = arith.constant 12 : index
    %get3A_1271 = arith.constant 0 : index
    %get3A_1272 = memref.load %arg3[%get3A_1270, %get3A_1271] : memref<32x2xf32, #tpu.memory_space<smem>>
    %broadcast_in_dim3A_1273 = vector.broadcast %get3A_1272 : f32 to vector<16x1xf32>
    %select_n3A_1274 = arith.select %eq3A_1269, %broadcast_in_dim3A_1273, %select_n3A_1229 : vector<16x1xi1>, vector<16x1xf32>
    %eq3A_1275 = arith.constant 8 : i32
    %eq3A_1276 = vector.broadcast %eq3A_1275 : i32 to vector<16x1xi32>
    %eq3A_1277 = arith.cmpi eq, %iota3A, %eq3A_1276 : vector<16x1xi32>
    %get3A_1278 = arith.constant 12 : index
    %get3A_1279 = arith.constant 1 : index
    %get3A_1280 = memref.load %arg3[%get3A_1278, %get3A_1279] : memref<32x2xf32, #tpu.memory_space<smem>>
    %broadcast_in_dim3A_1281 = vector.broadcast %get3A_1280 : f32 to vector<16x1xf32>
    %select_n3A_1282 = arith.select %eq3A_1277, %broadcast_in_dim3A_1281, %select_n3A_1237 : vector<16x1xi1>, vector<16x1xf32>
    %eq3A_1283 = arith.constant 8 : i32
    %eq3A_1284 = vector.broadcast %eq3A_1283 : i32 to vector<16x1xi32>
    %eq3A_1285 = arith.cmpi eq, %iota3A, %eq3A_1284 : vector<16x1xi32>
    %get3A_1286 = arith.constant 17 : index
    %get3A_1287 = arith.constant 0 : index
    %get3A_1288 = memref.load %arg2[%get3A_1286, %get3A_1287] : memref<32x16xf32, #tpu.memory_space<smem>>
    %broadcast_in_dim3A_1289 = vector.broadcast %get3A_1288 : f32 to vector<16x1xf32>
    %select_n3A_1290 = arith.select %eq3A_1285, %broadcast_in_dim3A_1289, %select_n3A_1245 : vector<16x1xi1>, vector<16x1xf32>
    %eq3A_1291 = arith.constant 8 : i32
    %eq3A_1292 = vector.broadcast %eq3A_1291 : i32 to vector<16x1xi32>
    %eq3A_1293 = arith.cmpi eq, %iota3A, %eq3A_1292 : vector<16x1xi32>
    %get3A_1294 = arith.constant 4 : index
    %get3A_1295 = arith.constant 0 : index
    %get3A_1296 = memref.load %arg4[%get3A_1294, %get3A_1295] : memref<8x1xf32, #tpu.memory_space<smem>>
    %broadcast_in_dim3A_1297 = vector.broadcast %get3A_1296 : f32 to vector<16x1xf32>
    %select_n3A_1298 = arith.select %eq3A_1293, %broadcast_in_dim3A_1297, %select_n3A_1253 : vector<16x1xi1>, vector<16x1xf32>
    %get3A_1299 = arith.constant 17 : index
    %get3A_1300 = arith.constant 1 : index
    %get3A_1301 = memref.load %arg1[%get3A_1299, %get3A_1300] : memref<32x16xi32, #tpu.memory_space<smem>>
    %eq3A_1302 = arith.constant 9 : i32
    %eq3A_1303 = vector.broadcast %eq3A_1302 : i32 to vector<16x1xi32>
    %eq3A_1304 = arith.cmpi eq, %iota3A, %eq3A_1303 : vector<16x1xi32>
    %broadcast_in_dim3A_1305 = vector.broadcast %get3A_1301 : i32 to vector<16x1xi32>
    %select_n3A_1306 = arith.select %eq3A_1304, %broadcast_in_dim3A_1305, %select_n3A_1261 : vector<16x1xi1>, vector<16x1xi32>
    %eq3A_1307 = arith.constant 9 : i32
    %eq3A_1308 = vector.broadcast %eq3A_1307 : i32 to vector<1x16xi32>
    %eq3A_1309 = arith.cmpi eq, %iota3A_132, %eq3A_1308 : vector<1x16xi32>
    %broadcast_in_dim3A_1310 = vector.broadcast %get3A_1301 : i32 to vector<1x16xi32>
    %select_n3A_1311 = arith.select %eq3A_1309, %broadcast_in_dim3A_1310, %select_n3A_1266 : vector<1x16xi1>, vector<1x16xi32>
    %eq3A_1312 = arith.constant 9 : i32
    %eq3A_1313 = vector.broadcast %eq3A_1312 : i32 to vector<16x1xi32>
    %eq3A_1314 = arith.cmpi eq, %iota3A, %eq3A_1313 : vector<16x1xi32>
    %get3A_1315 = arith.constant 12 : index
    %get3A_1316 = arith.constant 0 : index
    %get3A_1317 = memref.load %arg3[%get3A_1315, %get3A_1316] : memref<32x2xf32, #tpu.memory_space<smem>>
    %broadcast_in_dim3A_1318 = vector.broadcast %get3A_1317 : f32 to vector<16x1xf32>
    %select_n3A_1319 = arith.select %eq3A_1314, %broadcast_in_dim3A_1318, %select_n3A_1274 : vector<16x1xi1>, vector<16x1xf32>
    %eq3A_1320 = arith.constant 9 : i32
    %eq3A_1321 = vector.broadcast %eq3A_1320 : i32 to vector<16x1xi32>
    %eq3A_1322 = arith.cmpi eq, %iota3A, %eq3A_1321 : vector<16x1xi32>
    %get3A_1323 = arith.constant 12 : index
    %get3A_1324 = arith.constant 1 : index
    %get3A_1325 = memref.load %arg3[%get3A_1323, %get3A_1324] : memref<32x2xf32, #tpu.memory_space<smem>>
    %broadcast_in_dim3A_1326 = vector.broadcast %get3A_1325 : f32 to vector<16x1xf32>
    %select_n3A_1327 = arith.select %eq3A_1322, %broadcast_in_dim3A_1326, %select_n3A_1282 : vector<16x1xi1>, vector<16x1xf32>
    %eq3A_1328 = arith.constant 9 : i32
    %eq3A_1329 = vector.broadcast %eq3A_1328 : i32 to vector<16x1xi32>
    %eq3A_1330 = arith.cmpi eq, %iota3A, %eq3A_1329 : vector<16x1xi32>
    %get3A_1331 = arith.constant 17 : index
    %get3A_1332 = arith.constant 1 : index
    %get3A_1333 = memref.load %arg2[%get3A_1331, %get3A_1332] : memref<32x16xf32, #tpu.memory_space<smem>>
    %broadcast_in_dim3A_1334 = vector.broadcast %get3A_1333 : f32 to vector<16x1xf32>
    %select_n3A_1335 = arith.select %eq3A_1330, %broadcast_in_dim3A_1334, %select_n3A_1290 : vector<16x1xi1>, vector<16x1xf32>
    %eq3A_1336 = arith.constant 9 : i32
    %eq3A_1337 = vector.broadcast %eq3A_1336 : i32 to vector<16x1xi32>
    %eq3A_1338 = arith.cmpi eq, %iota3A, %eq3A_1337 : vector<16x1xi32>
    %get3A_1339 = arith.constant 4 : index
    %get3A_1340 = arith.constant 0 : index
    %get3A_1341 = memref.load %arg4[%get3A_1339, %get3A_1340] : memref<8x1xf32, #tpu.memory_space<smem>>
    %broadcast_in_dim3A_1342 = vector.broadcast %get3A_1341 : f32 to vector<16x1xf32>
    %select_n3A_1343 = arith.select %eq3A_1338, %broadcast_in_dim3A_1342, %select_n3A_1298 : vector<16x1xi1>, vector<16x1xf32>
    %get3A_1344 = arith.constant 21 : index
    %get3A_1345 = arith.constant 0 : index
    %get3A_1346 = memref.load %arg1[%get3A_1344, %get3A_1345] : memref<32x16xi32, #tpu.memory_space<smem>>
    %eq3A_1347 = arith.constant 10 : i32
    %eq3A_1348 = vector.broadcast %eq3A_1347 : i32 to vector<16x1xi32>
    %eq3A_1349 = arith.cmpi eq, %iota3A, %eq3A_1348 : vector<16x1xi32>
    %broadcast_in_dim3A_1350 = vector.broadcast %get3A_1346 : i32 to vector<16x1xi32>
    %select_n3A_1351 = arith.select %eq3A_1349, %broadcast_in_dim3A_1350, %select_n3A_1306 : vector<16x1xi1>, vector<16x1xi32>
    %eq3A_1352 = arith.constant 10 : i32
    %eq3A_1353 = vector.broadcast %eq3A_1352 : i32 to vector<1x16xi32>
    %eq3A_1354 = arith.cmpi eq, %iota3A_132, %eq3A_1353 : vector<1x16xi32>
    %broadcast_in_dim3A_1355 = vector.broadcast %get3A_1346 : i32 to vector<1x16xi32>
    %select_n3A_1356 = arith.select %eq3A_1354, %broadcast_in_dim3A_1355, %select_n3A_1311 : vector<1x16xi1>, vector<1x16xi32>
    %eq3A_1357 = arith.constant 10 : i32
    %eq3A_1358 = vector.broadcast %eq3A_1357 : i32 to vector<16x1xi32>
    %eq3A_1359 = arith.cmpi eq, %iota3A, %eq3A_1358 : vector<16x1xi32>
    %get3A_1360 = arith.constant 13 : index
    %get3A_1361 = arith.constant 0 : index
    %get3A_1362 = memref.load %arg3[%get3A_1360, %get3A_1361] : memref<32x2xf32, #tpu.memory_space<smem>>
    %broadcast_in_dim3A_1363 = vector.broadcast %get3A_1362 : f32 to vector<16x1xf32>
    %select_n3A_1364 = arith.select %eq3A_1359, %broadcast_in_dim3A_1363, %select_n3A_1319 : vector<16x1xi1>, vector<16x1xf32>
    %eq3A_1365 = arith.constant 10 : i32
    %eq3A_1366 = vector.broadcast %eq3A_1365 : i32 to vector<16x1xi32>
    %eq3A_1367 = arith.cmpi eq, %iota3A, %eq3A_1366 : vector<16x1xi32>
    %get3A_1368 = arith.constant 13 : index
    %get3A_1369 = arith.constant 1 : index
    %get3A_1370 = memref.load %arg3[%get3A_1368, %get3A_1369] : memref<32x2xf32, #tpu.memory_space<smem>>
    %broadcast_in_dim3A_1371 = vector.broadcast %get3A_1370 : f32 to vector<16x1xf32>
    %select_n3A_1372 = arith.select %eq3A_1367, %broadcast_in_dim3A_1371, %select_n3A_1327 : vector<16x1xi1>, vector<16x1xf32>
    %eq3A_1373 = arith.constant 10 : i32
    %eq3A_1374 = vector.broadcast %eq3A_1373 : i32 to vector<16x1xi32>
    %eq3A_1375 = arith.cmpi eq, %iota3A, %eq3A_1374 : vector<16x1xi32>
    %get3A_1376 = arith.constant 21 : index
    %get3A_1377 = arith.constant 0 : index
    %get3A_1378 = memref.load %arg2[%get3A_1376, %get3A_1377] : memref<32x16xf32, #tpu.memory_space<smem>>
    %broadcast_in_dim3A_1379 = vector.broadcast %get3A_1378 : f32 to vector<16x1xf32>
    %select_n3A_1380 = arith.select %eq3A_1375, %broadcast_in_dim3A_1379, %select_n3A_1335 : vector<16x1xi1>, vector<16x1xf32>
    %eq3A_1381 = arith.constant 10 : i32
    %eq3A_1382 = vector.broadcast %eq3A_1381 : i32 to vector<16x1xi32>
    %eq3A_1383 = arith.cmpi eq, %iota3A, %eq3A_1382 : vector<16x1xi32>
    %get3A_1384 = arith.constant 5 : index
    %get3A_1385 = arith.constant 0 : index
    %get3A_1386 = memref.load %arg4[%get3A_1384, %get3A_1385] : memref<8x1xf32, #tpu.memory_space<smem>>
    %broadcast_in_dim3A_1387 = vector.broadcast %get3A_1386 : f32 to vector<16x1xf32>
    %select_n3A_1388 = arith.select %eq3A_1383, %broadcast_in_dim3A_1387, %select_n3A_1343 : vector<16x1xi1>, vector<16x1xf32>
    %get3A_1389 = arith.constant 21 : index
    %get3A_1390 = arith.constant 1 : index
    %get3A_1391 = memref.load %arg1[%get3A_1389, %get3A_1390] : memref<32x16xi32, #tpu.memory_space<smem>>
    %eq3A_1392 = arith.constant 11 : i32
    %eq3A_1393 = vector.broadcast %eq3A_1392 : i32 to vector<16x1xi32>
    %eq3A_1394 = arith.cmpi eq, %iota3A, %eq3A_1393 : vector<16x1xi32>
    %broadcast_in_dim3A_1395 = vector.broadcast %get3A_1391 : i32 to vector<16x1xi32>
    %select_n3A_1396 = arith.select %eq3A_1394, %broadcast_in_dim3A_1395, %select_n3A_1351 : vector<16x1xi1>, vector<16x1xi32>
    %eq3A_1397 = arith.constant 11 : i32
    %eq3A_1398 = vector.broadcast %eq3A_1397 : i32 to vector<1x16xi32>
    %eq3A_1399 = arith.cmpi eq, %iota3A_132, %eq3A_1398 : vector<1x16xi32>
    %broadcast_in_dim3A_1400 = vector.broadcast %get3A_1391 : i32 to vector<1x16xi32>
    %select_n3A_1401 = arith.select %eq3A_1399, %broadcast_in_dim3A_1400, %select_n3A_1356 : vector<1x16xi1>, vector<1x16xi32>
    %eq3A_1402 = arith.constant 11 : i32
    %eq3A_1403 = vector.broadcast %eq3A_1402 : i32 to vector<16x1xi32>
    %eq3A_1404 = arith.cmpi eq, %iota3A, %eq3A_1403 : vector<16x1xi32>
    %get3A_1405 = arith.constant 13 : index
    %get3A_1406 = arith.constant 0 : index
    %get3A_1407 = memref.load %arg3[%get3A_1405, %get3A_1406] : memref<32x2xf32, #tpu.memory_space<smem>>
    %broadcast_in_dim3A_1408 = vector.broadcast %get3A_1407 : f32 to vector<16x1xf32>
    %select_n3A_1409 = arith.select %eq3A_1404, %broadcast_in_dim3A_1408, %select_n3A_1364 : vector<16x1xi1>, vector<16x1xf32>
    %eq3A_1410 = arith.constant 11 : i32
    %eq3A_1411 = vector.broadcast %eq3A_1410 : i32 to vector<16x1xi32>
    %eq3A_1412 = arith.cmpi eq, %iota3A, %eq3A_1411 : vector<16x1xi32>
    %get3A_1413 = arith.constant 13 : index
    %get3A_1414 = arith.constant 1 : index
    %get3A_1415 = memref.load %arg3[%get3A_1413, %get3A_1414] : memref<32x2xf32, #tpu.memory_space<smem>>
    %broadcast_in_dim3A_1416 = vector.broadcast %get3A_1415 : f32 to vector<16x1xf32>
    %select_n3A_1417 = arith.select %eq3A_1412, %broadcast_in_dim3A_1416, %select_n3A_1372 : vector<16x1xi1>, vector<16x1xf32>
    %eq3A_1418 = arith.constant 11 : i32
    %eq3A_1419 = vector.broadcast %eq3A_1418 : i32 to vector<16x1xi32>
    %eq3A_1420 = arith.cmpi eq, %iota3A, %eq3A_1419 : vector<16x1xi32>
    %get3A_1421 = arith.constant 21 : index
    %get3A_1422 = arith.constant 1 : index
    %get3A_1423 = memref.load %arg2[%get3A_1421, %get3A_1422] : memref<32x16xf32, #tpu.memory_space<smem>>
    %broadcast_in_dim3A_1424 = vector.broadcast %get3A_1423 : f32 to vector<16x1xf32>
    %select_n3A_1425 = arith.select %eq3A_1420, %broadcast_in_dim3A_1424, %select_n3A_1380 : vector<16x1xi1>, vector<16x1xf32>
    %eq3A_1426 = arith.constant 11 : i32
    %eq3A_1427 = vector.broadcast %eq3A_1426 : i32 to vector<16x1xi32>
    %eq3A_1428 = arith.cmpi eq, %iota3A, %eq3A_1427 : vector<16x1xi32>
    %get3A_1429 = arith.constant 5 : index
    %get3A_1430 = arith.constant 0 : index
    %get3A_1431 = memref.load %arg4[%get3A_1429, %get3A_1430] : memref<8x1xf32, #tpu.memory_space<smem>>
    %broadcast_in_dim3A_1432 = vector.broadcast %get3A_1431 : f32 to vector<16x1xf32>
    %select_n3A_1433 = arith.select %eq3A_1428, %broadcast_in_dim3A_1432, %select_n3A_1388 : vector<16x1xi1>, vector<16x1xf32>
    %get3A_1434 = arith.constant 25 : index
    %get3A_1435 = arith.constant 0 : index
    %get3A_1436 = memref.load %arg1[%get3A_1434, %get3A_1435] : memref<32x16xi32, #tpu.memory_space<smem>>
    %eq3A_1437 = arith.constant 12 : i32
    %eq3A_1438 = vector.broadcast %eq3A_1437 : i32 to vector<16x1xi32>
    %eq3A_1439 = arith.cmpi eq, %iota3A, %eq3A_1438 : vector<16x1xi32>
    %broadcast_in_dim3A_1440 = vector.broadcast %get3A_1436 : i32 to vector<16x1xi32>
    %select_n3A_1441 = arith.select %eq3A_1439, %broadcast_in_dim3A_1440, %select_n3A_1396 : vector<16x1xi1>, vector<16x1xi32>
    %eq3A_1442 = arith.constant 12 : i32
    %eq3A_1443 = vector.broadcast %eq3A_1442 : i32 to vector<1x16xi32>
    %eq3A_1444 = arith.cmpi eq, %iota3A_132, %eq3A_1443 : vector<1x16xi32>
    %broadcast_in_dim3A_1445 = vector.broadcast %get3A_1436 : i32 to vector<1x16xi32>
    %select_n3A_1446 = arith.select %eq3A_1444, %broadcast_in_dim3A_1445, %select_n3A_1401 : vector<1x16xi1>, vector<1x16xi32>
    %eq3A_1447 = arith.constant 12 : i32
    %eq3A_1448 = vector.broadcast %eq3A_1447 : i32 to vector<16x1xi32>
    %eq3A_1449 = arith.cmpi eq, %iota3A, %eq3A_1448 : vector<16x1xi32>
    %get3A_1450 = arith.constant 14 : index
    %get3A_1451 = arith.constant 0 : index
    %get3A_1452 = memref.load %arg3[%get3A_1450, %get3A_1451] : memref<32x2xf32, #tpu.memory_space<smem>>
    %broadcast_in_dim3A_1453 = vector.broadcast %get3A_1452 : f32 to vector<16x1xf32>
    %select_n3A_1454 = arith.select %eq3A_1449, %broadcast_in_dim3A_1453, %select_n3A_1409 : vector<16x1xi1>, vector<16x1xf32>
    %eq3A_1455 = arith.constant 12 : i32
    %eq3A_1456 = vector.broadcast %eq3A_1455 : i32 to vector<16x1xi32>
    %eq3A_1457 = arith.cmpi eq, %iota3A, %eq3A_1456 : vector<16x1xi32>
    %get3A_1458 = arith.constant 14 : index
    %get3A_1459 = arith.constant 1 : index
    %get3A_1460 = memref.load %arg3[%get3A_1458, %get3A_1459] : memref<32x2xf32, #tpu.memory_space<smem>>
    %broadcast_in_dim3A_1461 = vector.broadcast %get3A_1460 : f32 to vector<16x1xf32>
    %select_n3A_1462 = arith.select %eq3A_1457, %broadcast_in_dim3A_1461, %select_n3A_1417 : vector<16x1xi1>, vector<16x1xf32>
    %eq3A_1463 = arith.constant 12 : i32
    %eq3A_1464 = vector.broadcast %eq3A_1463 : i32 to vector<16x1xi32>
    %eq3A_1465 = arith.cmpi eq, %iota3A, %eq3A_1464 : vector<16x1xi32>
    %get3A_1466 = arith.constant 25 : index
    %get3A_1467 = arith.constant 0 : index
    %get3A_1468 = memref.load %arg2[%get3A_1466, %get3A_1467] : memref<32x16xf32, #tpu.memory_space<smem>>
    %broadcast_in_dim3A_1469 = vector.broadcast %get3A_1468 : f32 to vector<16x1xf32>
    %select_n3A_1470 = arith.select %eq3A_1465, %broadcast_in_dim3A_1469, %select_n3A_1425 : vector<16x1xi1>, vector<16x1xf32>
    %eq3A_1471 = arith.constant 12 : i32
    %eq3A_1472 = vector.broadcast %eq3A_1471 : i32 to vector<16x1xi32>
    %eq3A_1473 = arith.cmpi eq, %iota3A, %eq3A_1472 : vector<16x1xi32>
    %get3A_1474 = arith.constant 6 : index
    %get3A_1475 = arith.constant 0 : index
    %get3A_1476 = memref.load %arg4[%get3A_1474, %get3A_1475] : memref<8x1xf32, #tpu.memory_space<smem>>
    %broadcast_in_dim3A_1477 = vector.broadcast %get3A_1476 : f32 to vector<16x1xf32>
    %select_n3A_1478 = arith.select %eq3A_1473, %broadcast_in_dim3A_1477, %select_n3A_1433 : vector<16x1xi1>, vector<16x1xf32>
    %get3A_1479 = arith.constant 25 : index
    %get3A_1480 = arith.constant 1 : index
    %get3A_1481 = memref.load %arg1[%get3A_1479, %get3A_1480] : memref<32x16xi32, #tpu.memory_space<smem>>
    %eq3A_1482 = arith.constant 13 : i32
    %eq3A_1483 = vector.broadcast %eq3A_1482 : i32 to vector<16x1xi32>
    %eq3A_1484 = arith.cmpi eq, %iota3A, %eq3A_1483 : vector<16x1xi32>
    %broadcast_in_dim3A_1485 = vector.broadcast %get3A_1481 : i32 to vector<16x1xi32>
    %select_n3A_1486 = arith.select %eq3A_1484, %broadcast_in_dim3A_1485, %select_n3A_1441 : vector<16x1xi1>, vector<16x1xi32>
    %eq3A_1487 = arith.constant 13 : i32
    %eq3A_1488 = vector.broadcast %eq3A_1487 : i32 to vector<1x16xi32>
    %eq3A_1489 = arith.cmpi eq, %iota3A_132, %eq3A_1488 : vector<1x16xi32>
    %broadcast_in_dim3A_1490 = vector.broadcast %get3A_1481 : i32 to vector<1x16xi32>
    %select_n3A_1491 = arith.select %eq3A_1489, %broadcast_in_dim3A_1490, %select_n3A_1446 : vector<1x16xi1>, vector<1x16xi32>
    %eq3A_1492 = arith.constant 13 : i32
    %eq3A_1493 = vector.broadcast %eq3A_1492 : i32 to vector<16x1xi32>
    %eq3A_1494 = arith.cmpi eq, %iota3A, %eq3A_1493 : vector<16x1xi32>
    %get3A_1495 = arith.constant 14 : index
    %get3A_1496 = arith.constant 0 : index
    %get3A_1497 = memref.load %arg3[%get3A_1495, %get3A_1496] : memref<32x2xf32, #tpu.memory_space<smem>>
    %broadcast_in_dim3A_1498 = vector.broadcast %get3A_1497 : f32 to vector<16x1xf32>
    %select_n3A_1499 = arith.select %eq3A_1494, %broadcast_in_dim3A_1498, %select_n3A_1454 : vector<16x1xi1>, vector<16x1xf32>
    %eq3A_1500 = arith.constant 13 : i32
    %eq3A_1501 = vector.broadcast %eq3A_1500 : i32 to vector<16x1xi32>
    %eq3A_1502 = arith.cmpi eq, %iota3A, %eq3A_1501 : vector<16x1xi32>
    %get3A_1503 = arith.constant 14 : index
    %get3A_1504 = arith.constant 1 : index
    %get3A_1505 = memref.load %arg3[%get3A_1503, %get3A_1504] : memref<32x2xf32, #tpu.memory_space<smem>>
    %broadcast_in_dim3A_1506 = vector.broadcast %get3A_1505 : f32 to vector<16x1xf32>
    %select_n3A_1507 = arith.select %eq3A_1502, %broadcast_in_dim3A_1506, %select_n3A_1462 : vector<16x1xi1>, vector<16x1xf32>
    %eq3A_1508 = arith.constant 13 : i32
    %eq3A_1509 = vector.broadcast %eq3A_1508 : i32 to vector<16x1xi32>
    %eq3A_1510 = arith.cmpi eq, %iota3A, %eq3A_1509 : vector<16x1xi32>
    %get3A_1511 = arith.constant 25 : index
    %get3A_1512 = arith.constant 1 : index
    %get3A_1513 = memref.load %arg2[%get3A_1511, %get3A_1512] : memref<32x16xf32, #tpu.memory_space<smem>>
    %broadcast_in_dim3A_1514 = vector.broadcast %get3A_1513 : f32 to vector<16x1xf32>
    %select_n3A_1515 = arith.select %eq3A_1510, %broadcast_in_dim3A_1514, %select_n3A_1470 : vector<16x1xi1>, vector<16x1xf32>
    %eq3A_1516 = arith.constant 13 : i32
    %eq3A_1517 = vector.broadcast %eq3A_1516 : i32 to vector<16x1xi32>
    %eq3A_1518 = arith.cmpi eq, %iota3A, %eq3A_1517 : vector<16x1xi32>
    %get3A_1519 = arith.constant 6 : index
    %get3A_1520 = arith.constant 0 : index
    %get3A_1521 = memref.load %arg4[%get3A_1519, %get3A_1520] : memref<8x1xf32, #tpu.memory_space<smem>>
    %broadcast_in_dim3A_1522 = vector.broadcast %get3A_1521 : f32 to vector<16x1xf32>
    %select_n3A_1523 = arith.select %eq3A_1518, %broadcast_in_dim3A_1522, %select_n3A_1478 : vector<16x1xi1>, vector<16x1xf32>
    %get3A_1524 = arith.constant 29 : index
    %get3A_1525 = arith.constant 0 : index
    %get3A_1526 = memref.load %arg1[%get3A_1524, %get3A_1525] : memref<32x16xi32, #tpu.memory_space<smem>>
    %eq3A_1527 = arith.constant 14 : i32
    %eq3A_1528 = vector.broadcast %eq3A_1527 : i32 to vector<16x1xi32>
    %eq3A_1529 = arith.cmpi eq, %iota3A, %eq3A_1528 : vector<16x1xi32>
    %broadcast_in_dim3A_1530 = vector.broadcast %get3A_1526 : i32 to vector<16x1xi32>
    %select_n3A_1531 = arith.select %eq3A_1529, %broadcast_in_dim3A_1530, %select_n3A_1486 : vector<16x1xi1>, vector<16x1xi32>
    %eq3A_1532 = arith.constant 14 : i32
    %eq3A_1533 = vector.broadcast %eq3A_1532 : i32 to vector<1x16xi32>
    %eq3A_1534 = arith.cmpi eq, %iota3A_132, %eq3A_1533 : vector<1x16xi32>
    %broadcast_in_dim3A_1535 = vector.broadcast %get3A_1526 : i32 to vector<1x16xi32>
    %select_n3A_1536 = arith.select %eq3A_1534, %broadcast_in_dim3A_1535, %select_n3A_1491 : vector<1x16xi1>, vector<1x16xi32>
    %eq3A_1537 = arith.constant 14 : i32
    %eq3A_1538 = vector.broadcast %eq3A_1537 : i32 to vector<16x1xi32>
    %eq3A_1539 = arith.cmpi eq, %iota3A, %eq3A_1538 : vector<16x1xi32>
    %get3A_1540 = arith.constant 15 : index
    %get3A_1541 = arith.constant 0 : index
    %get3A_1542 = memref.load %arg3[%get3A_1540, %get3A_1541] : memref<32x2xf32, #tpu.memory_space<smem>>
    %broadcast_in_dim3A_1543 = vector.broadcast %get3A_1542 : f32 to vector<16x1xf32>
    %select_n3A_1544 = arith.select %eq3A_1539, %broadcast_in_dim3A_1543, %select_n3A_1499 : vector<16x1xi1>, vector<16x1xf32>
    %eq3A_1545 = arith.constant 14 : i32
    %eq3A_1546 = vector.broadcast %eq3A_1545 : i32 to vector<16x1xi32>
    %eq3A_1547 = arith.cmpi eq, %iota3A, %eq3A_1546 : vector<16x1xi32>
    %get3A_1548 = arith.constant 15 : index
    %get3A_1549 = arith.constant 1 : index
    %get3A_1550 = memref.load %arg3[%get3A_1548, %get3A_1549] : memref<32x2xf32, #tpu.memory_space<smem>>
    %broadcast_in_dim3A_1551 = vector.broadcast %get3A_1550 : f32 to vector<16x1xf32>
    %select_n3A_1552 = arith.select %eq3A_1547, %broadcast_in_dim3A_1551, %select_n3A_1507 : vector<16x1xi1>, vector<16x1xf32>
    %eq3A_1553 = arith.constant 14 : i32
    %eq3A_1554 = vector.broadcast %eq3A_1553 : i32 to vector<16x1xi32>
    %eq3A_1555 = arith.cmpi eq, %iota3A, %eq3A_1554 : vector<16x1xi32>
    %get3A_1556 = arith.constant 29 : index
    %get3A_1557 = arith.constant 0 : index
    %get3A_1558 = memref.load %arg2[%get3A_1556, %get3A_1557] : memref<32x16xf32, #tpu.memory_space<smem>>
    %broadcast_in_dim3A_1559 = vector.broadcast %get3A_1558 : f32 to vector<16x1xf32>
    %select_n3A_1560 = arith.select %eq3A_1555, %broadcast_in_dim3A_1559, %select_n3A_1515 : vector<16x1xi1>, vector<16x1xf32>
    %eq3A_1561 = arith.constant 14 : i32
    %eq3A_1562 = vector.broadcast %eq3A_1561 : i32 to vector<16x1xi32>
    %eq3A_1563 = arith.cmpi eq, %iota3A, %eq3A_1562 : vector<16x1xi32>
    %get3A_1564 = arith.constant 7 : index
    %get3A_1565 = arith.constant 0 : index
    %get3A_1566 = memref.load %arg4[%get3A_1564, %get3A_1565] : memref<8x1xf32, #tpu.memory_space<smem>>
    %broadcast_in_dim3A_1567 = vector.broadcast %get3A_1566 : f32 to vector<16x1xf32>
    %select_n3A_1568 = arith.select %eq3A_1563, %broadcast_in_dim3A_1567, %select_n3A_1523 : vector<16x1xi1>, vector<16x1xf32>
    %get3A_1569 = arith.constant 29 : index
    %get3A_1570 = arith.constant 1 : index
    %get3A_1571 = memref.load %arg1[%get3A_1569, %get3A_1570] : memref<32x16xi32, #tpu.memory_space<smem>>
    %eq3A_1572 = arith.constant 15 : i32
    %eq3A_1573 = vector.broadcast %eq3A_1572 : i32 to vector<16x1xi32>
    %eq3A_1574 = arith.cmpi eq, %iota3A, %eq3A_1573 : vector<16x1xi32>
    %broadcast_in_dim3A_1575 = vector.broadcast %get3A_1571 : i32 to vector<16x1xi32>
    %select_n3A_1576 = arith.select %eq3A_1574, %broadcast_in_dim3A_1575, %select_n3A_1531 : vector<16x1xi1>, vector<16x1xi32>
    %eq3A_1577 = arith.constant 15 : i32
    %eq3A_1578 = vector.broadcast %eq3A_1577 : i32 to vector<1x16xi32>
    %eq3A_1579 = arith.cmpi eq, %iota3A_132, %eq3A_1578 : vector<1x16xi32>
    %broadcast_in_dim3A_1580 = vector.broadcast %get3A_1571 : i32 to vector<1x16xi32>
    %select_n3A_1581 = arith.select %eq3A_1579, %broadcast_in_dim3A_1580, %select_n3A_1536 : vector<1x16xi1>, vector<1x16xi32>
    %eq3A_1582 = arith.constant 15 : i32
    %eq3A_1583 = vector.broadcast %eq3A_1582 : i32 to vector<16x1xi32>
    %eq3A_1584 = arith.cmpi eq, %iota3A, %eq3A_1583 : vector<16x1xi32>
    %get3A_1585 = arith.constant 15 : index
    %get3A_1586 = arith.constant 0 : index
    %get3A_1587 = memref.load %arg3[%get3A_1585, %get3A_1586] : memref<32x2xf32, #tpu.memory_space<smem>>
    %broadcast_in_dim3A_1588 = vector.broadcast %get3A_1587 : f32 to vector<16x1xf32>
    %select_n3A_1589 = arith.select %eq3A_1584, %broadcast_in_dim3A_1588, %select_n3A_1544 : vector<16x1xi1>, vector<16x1xf32>
    %eq3A_1590 = arith.constant 15 : i32
    %eq3A_1591 = vector.broadcast %eq3A_1590 : i32 to vector<16x1xi32>
    %eq3A_1592 = arith.cmpi eq, %iota3A, %eq3A_1591 : vector<16x1xi32>
    %get3A_1593 = arith.constant 15 : index
    %get3A_1594 = arith.constant 1 : index
    %get3A_1595 = memref.load %arg3[%get3A_1593, %get3A_1594] : memref<32x2xf32, #tpu.memory_space<smem>>
    %broadcast_in_dim3A_1596 = vector.broadcast %get3A_1595 : f32 to vector<16x1xf32>
    %select_n3A_1597 = arith.select %eq3A_1592, %broadcast_in_dim3A_1596, %select_n3A_1552 : vector<16x1xi1>, vector<16x1xf32>
    %eq3A_1598 = arith.constant 15 : i32
    %eq3A_1599 = vector.broadcast %eq3A_1598 : i32 to vector<16x1xi32>
    %eq3A_1600 = arith.cmpi eq, %iota3A, %eq3A_1599 : vector<16x1xi32>
    %get3A_1601 = arith.constant 29 : index
    %get3A_1602 = arith.constant 1 : index
    %get3A_1603 = memref.load %arg2[%get3A_1601, %get3A_1602] : memref<32x16xf32, #tpu.memory_space<smem>>
    %broadcast_in_dim3A_1604 = vector.broadcast %get3A_1603 : f32 to vector<16x1xf32>
    %select_n3A_1605 = arith.select %eq3A_1600, %broadcast_in_dim3A_1604, %select_n3A_1560 : vector<16x1xi1>, vector<16x1xf32>
    %eq3A_1606 = arith.constant 15 : i32
    %eq3A_1607 = vector.broadcast %eq3A_1606 : i32 to vector<16x1xi32>
    %eq3A_1608 = arith.cmpi eq, %iota3A, %eq3A_1607 : vector<16x1xi32>
    %get3A_1609 = arith.constant 7 : index
    %get3A_1610 = arith.constant 0 : index
    %get3A_1611 = memref.load %arg4[%get3A_1609, %get3A_1610] : memref<8x1xf32, #tpu.memory_space<smem>>
    %broadcast_in_dim3A_1612 = vector.broadcast %get3A_1611 : f32 to vector<16x1xf32>
    %select_n3A_1613 = arith.select %eq3A_1608, %broadcast_in_dim3A_1612, %select_n3A_1568 : vector<16x1xi1>, vector<16x1xf32>
    %sub3A_1614 = arith.subf %select_n3A_1589, %select_n3A_1605 : vector<16x1xf32>
    %exp3A_1615 = math.exp %sub3A_1614 : vector<16x1xf32>
    %mul3A_1616 = arith.mulf %select_n3A_1597, %exp3A_1615 : vector<16x1xf32>
    %get3A_1617 = arith.constant 1 : index
    %get3A_1618 = arith.constant 0 : index
    %get3A_1619 = arith.constant 0 : index
    %get3A_1620 = vector.load %arg8[%get3A_1617, %get3A_1618, %get3A_1619] : memref<4x16x768xf32, #tpu.memory_space<vmem>>, vector<1x16x768xf32>
    %get3A_1621 = vector.shape_cast %get3A_1620 : vector<1x16x768xf32> to vector<16x768xf32>
    %add3A_1622 = vector.broadcast %select_n3A_1613 : vector<16x1xf32> to vector<16x768xf32>
    %add3A_1623 = arith.addf %get3A_1621, %add3A_1622 : vector<16x768xf32>
    %mul3A_1624 = vector.broadcast %mul3A_1616 : vector<16x1xf32> to vector<16x768xf32>
    %mul3A_1625 = arith.mulf %add3A_1623, %mul3A_1624 : vector<16x768xf32>
    %eq3A_1626 = vector.broadcast %select_n3A_1576 : vector<16x1xi32> to vector<16x16xi32>
    %eq3A_1627 = vector.broadcast %select_n3A_1581 : vector<1x16xi32> to vector<16x16xi32>
    %eq3A_1628 = arith.cmpi eq, %eq3A_1626, %eq3A_1627 : vector<16x16xi32>
    %convert_element_type3A_1629 = arith.extui %eq3A_1628 : vector<16x16xi1> to vector<16x16xi32>
    %convert_element_type3A_1630 = arith.sitofp %convert_element_type3A_1629 : vector<16x16xi32> to vector<16x16xf32>
    %dot_general3A_1631 = arith.constant dense<0.000000e+00> : vector<16x768xf32>
    %dot_general3A_1632 = tpu.matmul %convert_element_type3A_1630, %mul3A_1625, %dot_general3A_1631 {dimension_numbers = #tpu.dot_dimension_numbers<[1], [0], [0], [1], [0, 0, 1, 1], [], []>, precision = #tpu.contract_precision<fp32>, transpose_lhs_hint = false} : vector<16x16xf32>, vector<16x768xf32>, vector<16x768xf32> -> vector<16x768xf32>
    %swap3A_1633 = arith.constant 1 : index
    %swap3A_1634 = arith.constant 0 : index
    %swap3A_1635 = arith.constant 0 : index
    %swap3A_1636 = vector.load %arg9[%swap3A_1633, %swap3A_1634, %swap3A_1635] : memref<4x16x768xf32, #tpu.memory_space<vmem>>, vector<1x16x768xf32>
    %swap3A_1637 = vector.shape_cast %swap3A_1636 : vector<1x16x768xf32> to vector<16x768xf32>
    %swap3A_1638 = vector.shape_cast %dot_general3A_1632 : vector<16x768xf32> to vector<1x16x768xf32>
    tpu.vector_store %arg9[%swap3A_1633, %swap3A_1634, %swap3A_1635], %swap3A_1638 {strides = array<i32>} : memref<4x16x768xf32, #tpu.memory_space<vmem>>, vector<1x16x768xf32>,
    %broadcast_in_dim3A_1639 = arith.constant 0 : i32
    %broadcast_in_dim3A_1640 = vector.broadcast %broadcast_in_dim3A_1639 : i32 to vector<16x1xi32>
    %broadcast_in_dim3A_1641 = arith.constant 0 : i32
    %broadcast_in_dim3A_1642 = vector.broadcast %broadcast_in_dim3A_1641 : i32 to vector<1x16xi32>
    %broadcast_in_dim3A_1643 = arith.constant 0.000000e+00 : f32
    %broadcast_in_dim3A_1644 = vector.broadcast %broadcast_in_dim3A_1643 : f32 to vector<16x1xf32>
    %broadcast_in_dim3A_1645 = arith.constant 0.000000e+00 : f32
    %broadcast_in_dim3A_1646 = vector.broadcast %broadcast_in_dim3A_1645 : f32 to vector<16x1xf32>
    %broadcast_in_dim3A_1647 = arith.constant 0.000000e+00 : f32
    %broadcast_in_dim3A_1648 = vector.broadcast %broadcast_in_dim3A_1647 : f32 to vector<16x1xf32>
    %broadcast_in_dim3A_1649 = arith.constant 0.000000e+00 : f32
    %broadcast_in_dim3A_1650 = vector.broadcast %broadcast_in_dim3A_1649 : f32 to vector<16x1xf32>
    %get3A_1651 = arith.constant 2 : index
    %get3A_1652 = arith.constant 0 : index
    %get3A_1653 = memref.load %arg1[%get3A_1651, %get3A_1652] : memref<32x16xi32, #tpu.memory_space<smem>>
    %eq3A_1654 = arith.constant 0 : i32
    %eq3A_1655 = vector.broadcast %eq3A_1654 : i32 to vector<16x1xi32>
    %eq3A_1656 = arith.cmpi eq, %iota3A, %eq3A_1655 : vector<16x1xi32>
    %broadcast_in_dim3A_1657 = vector.broadcast %get3A_1653 : i32 to vector<16x1xi32>
    %select_n3A_1658 = arith.select %eq3A_1656, %broadcast_in_dim3A_1657, %broadcast_in_dim3A_1640 : vector<16x1xi1>, vector<16x1xi32>
    %eq3A_1659 = arith.constant 0 : i32
    %eq3A_1660 = vector.broadcast %eq3A_1659 : i32 to vector<1x16xi32>
    %eq3A_1661 = arith.cmpi eq, %iota3A_132, %eq3A_1660 : vector<1x16xi32>
    %broadcast_in_dim3A_1662 = vector.broadcast %get3A_1653 : i32 to vector<1x16xi32>
    %select_n3A_1663 = arith.select %eq3A_1661, %broadcast_in_dim3A_1662, %broadcast_in_dim3A_1642 : vector<1x16xi1>, vector<1x16xi32>
    %eq3A_1664 = arith.constant 0 : i32
    %eq3A_1665 = vector.broadcast %eq3A_1664 : i32 to vector<16x1xi32>
    %eq3A_1666 = arith.cmpi eq, %iota3A, %eq3A_1665 : vector<16x1xi32>
    %get3A_1667 = arith.constant 16 : index
    %get3A_1668 = arith.constant 0 : index
    %get3A_1669 = memref.load %arg3[%get3A_1667, %get3A_1668] : memref<32x2xf32, #tpu.memory_space<smem>>
    %broadcast_in_dim3A_1670 = vector.broadcast %get3A_1669 : f32 to vector<16x1xf32>
    %select_n3A_1671 = arith.select %eq3A_1666, %broadcast_in_dim3A_1670, %broadcast_in_dim3A_1644 : vector<16x1xi1>, vector<16x1xf32>
    %eq3A_1672 = arith.constant 0 : i32
    %eq3A_1673 = vector.broadcast %eq3A_1672 : i32 to vector<16x1xi32>
    %eq3A_1674 = arith.cmpi eq, %iota3A, %eq3A_1673 : vector<16x1xi32>
    %get3A_1675 = arith.constant 16 : index
    %get3A_1676 = arith.constant 1 : index
    %get3A_1677 = memref.load %arg3[%get3A_1675, %get3A_1676] : memref<32x2xf32, #tpu.memory_space<smem>>
    %broadcast_in_dim3A_1678 = vector.broadcast %get3A_1677 : f32 to vector<16x1xf32>
    %select_n3A_1679 = arith.select %eq3A_1674, %broadcast_in_dim3A_1678, %broadcast_in_dim3A_1646 : vector<16x1xi1>, vector<16x1xf32>
    %eq3A_1680 = arith.constant 0 : i32
    %eq3A_1681 = vector.broadcast %eq3A_1680 : i32 to vector<16x1xi32>
    %eq3A_1682 = arith.cmpi eq, %iota3A, %eq3A_1681 : vector<16x1xi32>
    %get3A_1683 = arith.constant 2 : index
    %get3A_1684 = arith.constant 0 : index
    %get3A_1685 = memref.load %arg2[%get3A_1683, %get3A_1684] : memref<32x16xf32, #tpu.memory_space<smem>>
    %broadcast_in_dim3A_1686 = vector.broadcast %get3A_1685 : f32 to vector<16x1xf32>
    %select_n3A_1687 = arith.select %eq3A_1682, %broadcast_in_dim3A_1686, %broadcast_in_dim3A_1648 : vector<16x1xi1>, vector<16x1xf32>
    %eq3A_1688 = arith.constant 0 : i32
    %eq3A_1689 = vector.broadcast %eq3A_1688 : i32 to vector<16x1xi32>
    %eq3A_1690 = arith.cmpi eq, %iota3A, %eq3A_1689 : vector<16x1xi32>
    %get3A_1691 = arith.constant 0 : index
    %get3A_1692 = arith.constant 0 : index
    %get3A_1693 = memref.load %arg4[%get3A_1691, %get3A_1692] : memref<8x1xf32, #tpu.memory_space<smem>>
    %broadcast_in_dim3A_1694 = vector.broadcast %get3A_1693 : f32 to vector<16x1xf32>
    %select_n3A_1695 = arith.select %eq3A_1690, %broadcast_in_dim3A_1694, %broadcast_in_dim3A_1650 : vector<16x1xi1>, vector<16x1xf32>
    %get3A_1696 = arith.constant 2 : index
    %get3A_1697 = arith.constant 1 : index
    %get3A_1698 = memref.load %arg1[%get3A_1696, %get3A_1697] : memref<32x16xi32, #tpu.memory_space<smem>>
    %eq3A_1699 = arith.constant 1 : i32
    %eq3A_1700 = vector.broadcast %eq3A_1699 : i32 to vector<16x1xi32>
    %eq3A_1701 = arith.cmpi eq, %iota3A, %eq3A_1700 : vector<16x1xi32>
    %broadcast_in_dim3A_1702 = vector.broadcast %get3A_1698 : i32 to vector<16x1xi32>
    %select_n3A_1703 = arith.select %eq3A_1701, %broadcast_in_dim3A_1702, %select_n3A_1658 : vector<16x1xi1>, vector<16x1xi32>
    %eq3A_1704 = arith.constant 1 : i32
    %eq3A_1705 = vector.broadcast %eq3A_1704 : i32 to vector<1x16xi32>
    %eq3A_1706 = arith.cmpi eq, %iota3A_132, %eq3A_1705 : vector<1x16xi32>
    %broadcast_in_dim3A_1707 = vector.broadcast %get3A_1698 : i32 to vector<1x16xi32>
    %select_n3A_1708 = arith.select %eq3A_1706, %broadcast_in_dim3A_1707, %select_n3A_1663 : vector<1x16xi1>, vector<1x16xi32>
    %eq3A_1709 = arith.constant 1 : i32
    %eq3A_1710 = vector.broadcast %eq3A_1709 : i32 to vector<16x1xi32>
    %eq3A_1711 = arith.cmpi eq, %iota3A, %eq3A_1710 : vector<16x1xi32>
    %get3A_1712 = arith.constant 16 : index
    %get3A_1713 = arith.constant 0 : index
    %get3A_1714 = memref.load %arg3[%get3A_1712, %get3A_1713] : memref<32x2xf32, #tpu.memory_space<smem>>
    %broadcast_in_dim3A_1715 = vector.broadcast %get3A_1714 : f32 to vector<16x1xf32>
    %select_n3A_1716 = arith.select %eq3A_1711, %broadcast_in_dim3A_1715, %select_n3A_1671 : vector<16x1xi1>, vector<16x1xf32>
    %eq3A_1717 = arith.constant 1 : i32
    %eq3A_1718 = vector.broadcast %eq3A_1717 : i32 to vector<16x1xi32>
    %eq3A_1719 = arith.cmpi eq, %iota3A, %eq3A_1718 : vector<16x1xi32>
    %get3A_1720 = arith.constant 16 : index
    %get3A_1721 = arith.constant 1 : index
    %get3A_1722 = memref.load %arg3[%get3A_1720, %get3A_1721] : memref<32x2xf32, #tpu.memory_space<smem>>
    %broadcast_in_dim3A_1723 = vector.broadcast %get3A_1722 : f32 to vector<16x1xf32>
    %select_n3A_1724 = arith.select %eq3A_1719, %broadcast_in_dim3A_1723, %select_n3A_1679 : vector<16x1xi1>, vector<16x1xf32>
    %eq3A_1725 = arith.constant 1 : i32
    %eq3A_1726 = vector.broadcast %eq3A_1725 : i32 to vector<16x1xi32>
    %eq3A_1727 = arith.cmpi eq, %iota3A, %eq3A_1726 : vector<16x1xi32>
    %get3A_1728 = arith.constant 2 : index
    %get3A_1729 = arith.constant 1 : index
    %get3A_1730 = memref.load %arg2[%get3A_1728, %get3A_1729] : memref<32x16xf32, #tpu.memory_space<smem>>
    %broadcast_in_dim3A_1731 = vector.broadcast %get3A_1730 : f32 to vector<16x1xf32>
    %select_n3A_1732 = arith.select %eq3A_1727, %broadcast_in_dim3A_1731, %select_n3A_1687 : vector<16x1xi1>, vector<16x1xf32>
    %eq3A_1733 = arith.constant 1 : i32
    %eq3A_1734 = vector.broadcast %eq3A_1733 : i32 to vector<16x1xi32>
    %eq3A_1735 = arith.cmpi eq, %iota3A, %eq3A_1734 : vector<16x1xi32>
    %get3A_1736 = arith.constant 0 : index
    %get3A_1737 = arith.constant 0 : index
    %get3A_1738 = memref.load %arg4[%get3A_1736, %get3A_1737] : memref<8x1xf32, #tpu.memory_space<smem>>
    %broadcast_in_dim3A_1739 = vector.broadcast %get3A_1738 : f32 to vector<16x1xf32>
    %select_n3A_1740 = arith.select %eq3A_1735, %broadcast_in_dim3A_1739, %select_n3A_1695 : vector<16x1xi1>, vector<16x1xf32>
    %get3A_1741 = arith.constant 6 : index
    %get3A_1742 = arith.constant 0 : index
    %get3A_1743 = memref.load %arg1[%get3A_1741, %get3A_1742] : memref<32x16xi32, #tpu.memory_space<smem>>
    %eq3A_1744 = arith.constant 2 : i32
    %eq3A_1745 = vector.broadcast %eq3A_1744 : i32 to vector<16x1xi32>
    %eq3A_1746 = arith.cmpi eq, %iota3A, %eq3A_1745 : vector<16x1xi32>
    %broadcast_in_dim3A_1747 = vector.broadcast %get3A_1743 : i32 to vector<16x1xi32>
    %select_n3A_1748 = arith.select %eq3A_1746, %broadcast_in_dim3A_1747, %select_n3A_1703 : vector<16x1xi1>, vector<16x1xi32>
    %eq3A_1749 = arith.constant 2 : i32
    %eq3A_1750 = vector.broadcast %eq3A_1749 : i32 to vector<1x16xi32>
    %eq3A_1751 = arith.cmpi eq, %iota3A_132, %eq3A_1750 : vector<1x16xi32>
    %broadcast_in_dim3A_1752 = vector.broadcast %get3A_1743 : i32 to vector<1x16xi32>
    %select_n3A_1753 = arith.select %eq3A_1751, %broadcast_in_dim3A_1752, %select_n3A_1708 : vector<1x16xi1>, vector<1x16xi32>
    %eq3A_1754 = arith.constant 2 : i32
    %eq3A_1755 = vector.broadcast %eq3A_1754 : i32 to vector<16x1xi32>
    %eq3A_1756 = arith.cmpi eq, %iota3A, %eq3A_1755 : vector<16x1xi32>
    %get3A_1757 = arith.constant 17 : index
    %get3A_1758 = arith.constant 0 : index
    %get3A_1759 = memref.load %arg3[%get3A_1757, %get3A_1758] : memref<32x2xf32, #tpu.memory_space<smem>>
    %broadcast_in_dim3A_1760 = vector.broadcast %get3A_1759 : f32 to vector<16x1xf32>
    %select_n3A_1761 = arith.select %eq3A_1756, %broadcast_in_dim3A_1760, %select_n3A_1716 : vector<16x1xi1>, vector<16x1xf32>
    %eq3A_1762 = arith.constant 2 : i32
    %eq3A_1763 = vector.broadcast %eq3A_1762 : i32 to vector<16x1xi32>
    %eq3A_1764 = arith.cmpi eq, %iota3A, %eq3A_1763 : vector<16x1xi32>
    %get3A_1765 = arith.constant 17 : index
    %get3A_1766 = arith.constant 1 : index
    %get3A_1767 = memref.load %arg3[%get3A_1765, %get3A_1766] : memref<32x2xf32, #tpu.memory_space<smem>>
    %broadcast_in_dim3A_1768 = vector.broadcast %get3A_1767 : f32 to vector<16x1xf32>
    %select_n3A_1769 = arith.select %eq3A_1764, %broadcast_in_dim3A_1768, %select_n3A_1724 : vector<16x1xi1>, vector<16x1xf32>
    %eq3A_1770 = arith.constant 2 : i32
    %eq3A_1771 = vector.broadcast %eq3A_1770 : i32 to vector<16x1xi32>
    %eq3A_1772 = arith.cmpi eq, %iota3A, %eq3A_1771 : vector<16x1xi32>
    %get3A_1773 = arith.constant 6 : index
    %get3A_1774 = arith.constant 0 : index
    %get3A_1775 = memref.load %arg2[%get3A_1773, %get3A_1774] : memref<32x16xf32, #tpu.memory_space<smem>>
    %broadcast_in_dim3A_1776 = vector.broadcast %get3A_1775 : f32 to vector<16x1xf32>
    %select_n3A_1777 = arith.select %eq3A_1772, %broadcast_in_dim3A_1776, %select_n3A_1732 : vector<16x1xi1>, vector<16x1xf32>
    %eq3A_1778 = arith.constant 2 : i32
    %eq3A_1779 = vector.broadcast %eq3A_1778 : i32 to vector<16x1xi32>
    %eq3A_1780 = arith.cmpi eq, %iota3A, %eq3A_1779 : vector<16x1xi32>
    %get3A_1781 = arith.constant 1 : index
    %get3A_1782 = arith.constant 0 : index
    %get3A_1783 = memref.load %arg4[%get3A_1781, %get3A_1782] : memref<8x1xf32, #tpu.memory_space<smem>>
    %broadcast_in_dim3A_1784 = vector.broadcast %get3A_1783 : f32 to vector<16x1xf32>
    %select_n3A_1785 = arith.select %eq3A_1780, %broadcast_in_dim3A_1784, %select_n3A_1740 : vector<16x1xi1>, vector<16x1xf32>
    %get3A_1786 = arith.constant 6 : index
    %get3A_1787 = arith.constant 1 : index
    %get3A_1788 = memref.load %arg1[%get3A_1786, %get3A_1787] : memref<32x16xi32, #tpu.memory_space<smem>>
    %eq3A_1789 = arith.constant 3 : i32
    %eq3A_1790 = vector.broadcast %eq3A_1789 : i32 to vector<16x1xi32>
    %eq3A_1791 = arith.cmpi eq, %iota3A, %eq3A_1790 : vector<16x1xi32>
    %broadcast_in_dim3A_1792 = vector.broadcast %get3A_1788 : i32 to vector<16x1xi32>
    %select_n3A_1793 = arith.select %eq3A_1791, %broadcast_in_dim3A_1792, %select_n3A_1748 : vector<16x1xi1>, vector<16x1xi32>
    %eq3A_1794 = arith.constant 3 : i32
    %eq3A_1795 = vector.broadcast %eq3A_1794 : i32 to vector<1x16xi32>
    %eq3A_1796 = arith.cmpi eq, %iota3A_132, %eq3A_1795 : vector<1x16xi32>
    %broadcast_in_dim3A_1797 = vector.broadcast %get3A_1788 : i32 to vector<1x16xi32>
    %select_n3A_1798 = arith.select %eq3A_1796, %broadcast_in_dim3A_1797, %select_n3A_1753 : vector<1x16xi1>, vector<1x16xi32>
    %eq3A_1799 = arith.constant 3 : i32
    %eq3A_1800 = vector.broadcast %eq3A_1799 : i32 to vector<16x1xi32>
    %eq3A_1801 = arith.cmpi eq, %iota3A, %eq3A_1800 : vector<16x1xi32>
    %get3A_1802 = arith.constant 17 : index
    %get3A_1803 = arith.constant 0 : index
    %get3A_1804 = memref.load %arg3[%get3A_1802, %get3A_1803] : memref<32x2xf32, #tpu.memory_space<smem>>
    %broadcast_in_dim3A_1805 = vector.broadcast %get3A_1804 : f32 to vector<16x1xf32>
    %select_n3A_1806 = arith.select %eq3A_1801, %broadcast_in_dim3A_1805, %select_n3A_1761 : vector<16x1xi1>, vector<16x1xf32>
    %eq3A_1807 = arith.constant 3 : i32
    %eq3A_1808 = vector.broadcast %eq3A_1807 : i32 to vector<16x1xi32>
    %eq3A_1809 = arith.cmpi eq, %iota3A, %eq3A_1808 : vector<16x1xi32>
    %get3A_1810 = arith.constant 17 : index
    %get3A_1811 = arith.constant 1 : index
    %get3A_1812 = memref.load %arg3[%get3A_1810, %get3A_1811] : memref<32x2xf32, #tpu.memory_space<smem>>
    %broadcast_in_dim3A_1813 = vector.broadcast %get3A_1812 : f32 to vector<16x1xf32>
    %select_n3A_1814 = arith.select %eq3A_1809, %broadcast_in_dim3A_1813, %select_n3A_1769 : vector<16x1xi1>, vector<16x1xf32>
    %eq3A_1815 = arith.constant 3 : i32
    %eq3A_1816 = vector.broadcast %eq3A_1815 : i32 to vector<16x1xi32>
    %eq3A_1817 = arith.cmpi eq, %iota3A, %eq3A_1816 : vector<16x1xi32>
    %get3A_1818 = arith.constant 6 : index
    %get3A_1819 = arith.constant 1 : index
    %get3A_1820 = memref.load %arg2[%get3A_1818, %get3A_1819] : memref<32x16xf32, #tpu.memory_space<smem>>
    %broadcast_in_dim3A_1821 = vector.broadcast %get3A_1820 : f32 to vector<16x1xf32>
    %select_n3A_1822 = arith.select %eq3A_1817, %broadcast_in_dim3A_1821, %select_n3A_1777 : vector<16x1xi1>, vector<16x1xf32>
    %eq3A_1823 = arith.constant 3 : i32
    %eq3A_1824 = vector.broadcast %eq3A_1823 : i32 to vector<16x1xi32>
    %eq3A_1825 = arith.cmpi eq, %iota3A, %eq3A_1824 : vector<16x1xi32>
    %get3A_1826 = arith.constant 1 : index
    %get3A_1827 = arith.constant 0 : index
    %get3A_1828 = memref.load %arg4[%get3A_1826, %get3A_1827] : memref<8x1xf32, #tpu.memory_space<smem>>
    %broadcast_in_dim3A_1829 = vector.broadcast %get3A_1828 : f32 to vector<16x1xf32>
    %select_n3A_1830 = arith.select %eq3A_1825, %broadcast_in_dim3A_1829, %select_n3A_1785 : vector<16x1xi1>, vector<16x1xf32>
    %get3A_1831 = arith.constant 10 : index
    %get3A_1832 = arith.constant 0 : index
    %get3A_1833 = memref.load %arg1[%get3A_1831, %get3A_1832] : memref<32x16xi32, #tpu.memory_space<smem>>
    %eq3A_1834 = arith.constant 4 : i32
    %eq3A_1835 = vector.broadcast %eq3A_1834 : i32 to vector<16x1xi32>
    %eq3A_1836 = arith.cmpi eq, %iota3A, %eq3A_1835 : vector<16x1xi32>
    %broadcast_in_dim3A_1837 = vector.broadcast %get3A_1833 : i32 to vector<16x1xi32>
    %select_n3A_1838 = arith.select %eq3A_1836, %broadcast_in_dim3A_1837, %select_n3A_1793 : vector<16x1xi1>, vector<16x1xi32>
    %eq3A_1839 = arith.constant 4 : i32
    %eq3A_1840 = vector.broadcast %eq3A_1839 : i32 to vector<1x16xi32>
    %eq3A_1841 = arith.cmpi eq, %iota3A_132, %eq3A_1840 : vector<1x16xi32>
    %broadcast_in_dim3A_1842 = vector.broadcast %get3A_1833 : i32 to vector<1x16xi32>
    %select_n3A_1843 = arith.select %eq3A_1841, %broadcast_in_dim3A_1842, %select_n3A_1798 : vector<1x16xi1>, vector<1x16xi32>
    %eq3A_1844 = arith.constant 4 : i32
    %eq3A_1845 = vector.broadcast %eq3A_1844 : i32 to vector<16x1xi32>
    %eq3A_1846 = arith.cmpi eq, %iota3A, %eq3A_1845 : vector<16x1xi32>
    %get3A_1847 = arith.constant 18 : index
    %get3A_1848 = arith.constant 0 : index
    %get3A_1849 = memref.load %arg3[%get3A_1847, %get3A_1848] : memref<32x2xf32, #tpu.memory_space<smem>>
    %broadcast_in_dim3A_1850 = vector.broadcast %get3A_1849 : f32 to vector<16x1xf32>
    %select_n3A_1851 = arith.select %eq3A_1846, %broadcast_in_dim3A_1850, %select_n3A_1806 : vector<16x1xi1>, vector<16x1xf32>
    %eq3A_1852 = arith.constant 4 : i32
    %eq3A_1853 = vector.broadcast %eq3A_1852 : i32 to vector<16x1xi32>
    %eq3A_1854 = arith.cmpi eq, %iota3A, %eq3A_1853 : vector<16x1xi32>
    %get3A_1855 = arith.constant 18 : index
    %get3A_1856 = arith.constant 1 : index
    %get3A_1857 = memref.load %arg3[%get3A_1855, %get3A_1856] : memref<32x2xf32, #tpu.memory_space<smem>>
    %broadcast_in_dim3A_1858 = vector.broadcast %get3A_1857 : f32 to vector<16x1xf32>
    %select_n3A_1859 = arith.select %eq3A_1854, %broadcast_in_dim3A_1858, %select_n3A_1814 : vector<16x1xi1>, vector<16x1xf32>
    %eq3A_1860 = arith.constant 4 : i32
    %eq3A_1861 = vector.broadcast %eq3A_1860 : i32 to vector<16x1xi32>
    %eq3A_1862 = arith.cmpi eq, %iota3A, %eq3A_1861 : vector<16x1xi32>
    %get3A_1863 = arith.constant 10 : index
    %get3A_1864 = arith.constant 0 : index
    %get3A_1865 = memref.load %arg2[%get3A_1863, %get3A_1864] : memref<32x16xf32, #tpu.memory_space<smem>>
    %broadcast_in_dim3A_1866 = vector.broadcast %get3A_1865 : f32 to vector<16x1xf32>
    %select_n3A_1867 = arith.select %eq3A_1862, %broadcast_in_dim3A_1866, %select_n3A_1822 : vector<16x1xi1>, vector<16x1xf32>
    %eq3A_1868 = arith.constant 4 : i32
    %eq3A_1869 = vector.broadcast %eq3A_1868 : i32 to vector<16x1xi32>
    %eq3A_1870 = arith.cmpi eq, %iota3A, %eq3A_1869 : vector<16x1xi32>
    %get3A_1871 = arith.constant 2 : index
    %get3A_1872 = arith.constant 0 : index
    %get3A_1873 = memref.load %arg4[%get3A_1871, %get3A_1872] : memref<8x1xf32, #tpu.memory_space<smem>>
    %broadcast_in_dim3A_1874 = vector.broadcast %get3A_1873 : f32 to vector<16x1xf32>
    %select_n3A_1875 = arith.select %eq3A_1870, %broadcast_in_dim3A_1874, %select_n3A_1830 : vector<16x1xi1>, vector<16x1xf32>
    %get3A_1876 = arith.constant 10 : index
    %get3A_1877 = arith.constant 1 : index
    %get3A_1878 = memref.load %arg1[%get3A_1876, %get3A_1877] : memref<32x16xi32, #tpu.memory_space<smem>>
    %eq3A_1879 = arith.constant 5 : i32
    %eq3A_1880 = vector.broadcast %eq3A_1879 : i32 to vector<16x1xi32>
    %eq3A_1881 = arith.cmpi eq, %iota3A, %eq3A_1880 : vector<16x1xi32>
    %broadcast_in_dim3A_1882 = vector.broadcast %get3A_1878 : i32 to vector<16x1xi32>
    %select_n3A_1883 = arith.select %eq3A_1881, %broadcast_in_dim3A_1882, %select_n3A_1838 : vector<16x1xi1>, vector<16x1xi32>
    %eq3A_1884 = arith.constant 5 : i32
    %eq3A_1885 = vector.broadcast %eq3A_1884 : i32 to vector<1x16xi32>
    %eq3A_1886 = arith.cmpi eq, %iota3A_132, %eq3A_1885 : vector<1x16xi32>
    %broadcast_in_dim3A_1887 = vector.broadcast %get3A_1878 : i32 to vector<1x16xi32>
    %select_n3A_1888 = arith.select %eq3A_1886, %broadcast_in_dim3A_1887, %select_n3A_1843 : vector<1x16xi1>, vector<1x16xi32>
    %eq3A_1889 = arith.constant 5 : i32
    %eq3A_1890 = vector.broadcast %eq3A_1889 : i32 to vector<16x1xi32>
    %eq3A_1891 = arith.cmpi eq, %iota3A, %eq3A_1890 : vector<16x1xi32>
    %get3A_1892 = arith.constant 18 : index
    %get3A_1893 = arith.constant 0 : index
    %get3A_1894 = memref.load %arg3[%get3A_1892, %get3A_1893] : memref<32x2xf32, #tpu.memory_space<smem>>
    %broadcast_in_dim3A_1895 = vector.broadcast %get3A_1894 : f32 to vector<16x1xf32>
    %select_n3A_1896 = arith.select %eq3A_1891, %broadcast_in_dim3A_1895, %select_n3A_1851 : vector<16x1xi1>, vector<16x1xf32>
    %eq3A_1897 = arith.constant 5 : i32
    %eq3A_1898 = vector.broadcast %eq3A_1897 : i32 to vector<16x1xi32>
    %eq3A_1899 = arith.cmpi eq, %iota3A, %eq3A_1898 : vector<16x1xi32>
    %get3A_1900 = arith.constant 18 : index
    %get3A_1901 = arith.constant 1 : index
    %get3A_1902 = memref.load %arg3[%get3A_1900, %get3A_1901] : memref<32x2xf32, #tpu.memory_space<smem>>
    %broadcast_in_dim3A_1903 = vector.broadcast %get3A_1902 : f32 to vector<16x1xf32>
    %select_n3A_1904 = arith.select %eq3A_1899, %broadcast_in_dim3A_1903, %select_n3A_1859 : vector<16x1xi1>, vector<16x1xf32>
    %eq3A_1905 = arith.constant 5 : i32
    %eq3A_1906 = vector.broadcast %eq3A_1905 : i32 to vector<16x1xi32>
    %eq3A_1907 = arith.cmpi eq, %iota3A, %eq3A_1906 : vector<16x1xi32>
    %get3A_1908 = arith.constant 10 : index
    %get3A_1909 = arith.constant 1 : index
    %get3A_1910 = memref.load %arg2[%get3A_1908, %get3A_1909] : memref<32x16xf32, #tpu.memory_space<smem>>
    %broadcast_in_dim3A_1911 = vector.broadcast %get3A_1910 : f32 to vector<16x1xf32>
    %select_n3A_1912 = arith.select %eq3A_1907, %broadcast_in_dim3A_1911, %select_n3A_1867 : vector<16x1xi1>, vector<16x1xf32>
    %eq3A_1913 = arith.constant 5 : i32
    %eq3A_1914 = vector.broadcast %eq3A_1913 : i32 to vector<16x1xi32>
    %eq3A_1915 = arith.cmpi eq, %iota3A, %eq3A_1914 : vector<16x1xi32>
    %get3A_1916 = arith.constant 2 : index
    %get3A_1917 = arith.constant 0 : index
    %get3A_1918 = memref.load %arg4[%get3A_1916, %get3A_1917] : memref<8x1xf32, #tpu.memory_space<smem>>
    %broadcast_in_dim3A_1919 = vector.broadcast %get3A_1918 : f32 to vector<16x1xf32>
    %select_n3A_1920 = arith.select %eq3A_1915, %broadcast_in_dim3A_1919, %select_n3A_1875 : vector<16x1xi1>, vector<16x1xf32>
    %get3A_1921 = arith.constant 14 : index
    %get3A_1922 = arith.constant 0 : index
    %get3A_1923 = memref.load %arg1[%get3A_1921, %get3A_1922] : memref<32x16xi32, #tpu.memory_space<smem>>
    %eq3A_1924 = arith.constant 6 : i32
    %eq3A_1925 = vector.broadcast %eq3A_1924 : i32 to vector<16x1xi32>
    %eq3A_1926 = arith.cmpi eq, %iota3A, %eq3A_1925 : vector<16x1xi32>
    %broadcast_in_dim3A_1927 = vector.broadcast %get3A_1923 : i32 to vector<16x1xi32>
    %select_n3A_1928 = arith.select %eq3A_1926, %broadcast_in_dim3A_1927, %select_n3A_1883 : vector<16x1xi1>, vector<16x1xi32>
    %eq3A_1929 = arith.constant 6 : i32
    %eq3A_1930 = vector.broadcast %eq3A_1929 : i32 to vector<1x16xi32>
    %eq3A_1931 = arith.cmpi eq, %iota3A_132, %eq3A_1930 : vector<1x16xi32>
    %broadcast_in_dim3A_1932 = vector.broadcast %get3A_1923 : i32 to vector<1x16xi32>
    %select_n3A_1933 = arith.select %eq3A_1931, %broadcast_in_dim3A_1932, %select_n3A_1888 : vector<1x16xi1>, vector<1x16xi32>
    %eq3A_1934 = arith.constant 6 : i32
    %eq3A_1935 = vector.broadcast %eq3A_1934 : i32 to vector<16x1xi32>
    %eq3A_1936 = arith.cmpi eq, %iota3A, %eq3A_1935 : vector<16x1xi32>
    %get3A_1937 = arith.constant 19 : index
    %get3A_1938 = arith.constant 0 : index
    %get3A_1939 = memref.load %arg3[%get3A_1937, %get3A_1938] : memref<32x2xf32, #tpu.memory_space<smem>>
    %broadcast_in_dim3A_1940 = vector.broadcast %get3A_1939 : f32 to vector<16x1xf32>
    %select_n3A_1941 = arith.select %eq3A_1936, %broadcast_in_dim3A_1940, %select_n3A_1896 : vector<16x1xi1>, vector<16x1xf32>
    %eq3A_1942 = arith.constant 6 : i32
    %eq3A_1943 = vector.broadcast %eq3A_1942 : i32 to vector<16x1xi32>
    %eq3A_1944 = arith.cmpi eq, %iota3A, %eq3A_1943 : vector<16x1xi32>
    %get3A_1945 = arith.constant 19 : index
    %get3A_1946 = arith.constant 1 : index
    %get3A_1947 = memref.load %arg3[%get3A_1945, %get3A_1946] : memref<32x2xf32, #tpu.memory_space<smem>>
    %broadcast_in_dim3A_1948 = vector.broadcast %get3A_1947 : f32 to vector<16x1xf32>
    %select_n3A_1949 = arith.select %eq3A_1944, %broadcast_in_dim3A_1948, %select_n3A_1904 : vector<16x1xi1>, vector<16x1xf32>
    %eq3A_1950 = arith.constant 6 : i32
    %eq3A_1951 = vector.broadcast %eq3A_1950 : i32 to vector<16x1xi32>
    %eq3A_1952 = arith.cmpi eq, %iota3A, %eq3A_1951 : vector<16x1xi32>
    %get3A_1953 = arith.constant 14 : index
    %get3A_1954 = arith.constant 0 : index
    %get3A_1955 = memref.load %arg2[%get3A_1953, %get3A_1954] : memref<32x16xf32, #tpu.memory_space<smem>>
    %broadcast_in_dim3A_1956 = vector.broadcast %get3A_1955 : f32 to vector<16x1xf32>
    %select_n3A_1957 = arith.select %eq3A_1952, %broadcast_in_dim3A_1956, %select_n3A_1912 : vector<16x1xi1>, vector<16x1xf32>
    %eq3A_1958 = arith.constant 6 : i32
    %eq3A_1959 = vector.broadcast %eq3A_1958 : i32 to vector<16x1xi32>
    %eq3A_1960 = arith.cmpi eq, %iota3A, %eq3A_1959 : vector<16x1xi32>
    %get3A_1961 = arith.constant 3 : index
    %get3A_1962 = arith.constant 0 : index
    %get3A_1963 = memref.load %arg4[%get3A_1961, %get3A_1962] : memref<8x1xf32, #tpu.memory_space<smem>>
    %broadcast_in_dim3A_1964 = vector.broadcast %get3A_1963 : f32 to vector<16x1xf32>
    %select_n3A_1965 = arith.select %eq3A_1960, %broadcast_in_dim3A_1964, %select_n3A_1920 : vector<16x1xi1>, vector<16x1xf32>
    %get3A_1966 = arith.constant 14 : index
    %get3A_1967 = arith.constant 1 : index
    %get3A_1968 = memref.load %arg1[%get3A_1966, %get3A_1967] : memref<32x16xi32, #tpu.memory_space<smem>>
    %eq3A_1969 = arith.constant 7 : i32
    %eq3A_1970 = vector.broadcast %eq3A_1969 : i32 to vector<16x1xi32>
    %eq3A_1971 = arith.cmpi eq, %iota3A, %eq3A_1970 : vector<16x1xi32>
    %broadcast_in_dim3A_1972 = vector.broadcast %get3A_1968 : i32 to vector<16x1xi32>
    %select_n3A_1973 = arith.select %eq3A_1971, %broadcast_in_dim3A_1972, %select_n3A_1928 : vector<16x1xi1>, vector<16x1xi32>
    %eq3A_1974 = arith.constant 7 : i32
    %eq3A_1975 = vector.broadcast %eq3A_1974 : i32 to vector<1x16xi32>
    %eq3A_1976 = arith.cmpi eq, %iota3A_132, %eq3A_1975 : vector<1x16xi32>
    %broadcast_in_dim3A_1977 = vector.broadcast %get3A_1968 : i32 to vector<1x16xi32>
    %select_n3A_1978 = arith.select %eq3A_1976, %broadcast_in_dim3A_1977, %select_n3A_1933 : vector<1x16xi1>, vector<1x16xi32>
    %eq3A_1979 = arith.constant 7 : i32
    %eq3A_1980 = vector.broadcast %eq3A_1979 : i32 to vector<16x1xi32>
    %eq3A_1981 = arith.cmpi eq, %iota3A, %eq3A_1980 : vector<16x1xi32>
    %get3A_1982 = arith.constant 19 : index
    %get3A_1983 = arith.constant 0 : index
    %get3A_1984 = memref.load %arg3[%get3A_1982, %get3A_1983] : memref<32x2xf32, #tpu.memory_space<smem>>
    %broadcast_in_dim3A_1985 = vector.broadcast %get3A_1984 : f32 to vector<16x1xf32>
    %select_n3A_1986 = arith.select %eq3A_1981, %broadcast_in_dim3A_1985, %select_n3A_1941 : vector<16x1xi1>, vector<16x1xf32>
    %eq3A_1987 = arith.constant 7 : i32
    %eq3A_1988 = vector.broadcast %eq3A_1987 : i32 to vector<16x1xi32>
    %eq3A_1989 = arith.cmpi eq, %iota3A, %eq3A_1988 : vector<16x1xi32>
    %get3A_1990 = arith.constant 19 : index
    %get3A_1991 = arith.constant 1 : index
    %get3A_1992 = memref.load %arg3[%get3A_1990, %get3A_1991] : memref<32x2xf32, #tpu.memory_space<smem>>
    %broadcast_in_dim3A_1993 = vector.broadcast %get3A_1992 : f32 to vector<16x1xf32>
    %select_n3A_1994 = arith.select %eq3A_1989, %broadcast_in_dim3A_1993, %select_n3A_1949 : vector<16x1xi1>, vector<16x1xf32>
    %eq3A_1995 = arith.constant 7 : i32
    %eq3A_1996 = vector.broadcast %eq3A_1995 : i32 to vector<16x1xi32>
    %eq3A_1997 = arith.cmpi eq, %iota3A, %eq3A_1996 : vector<16x1xi32>
    %get3A_1998 = arith.constant 14 : index
    %get3A_1999 = arith.constant 1 : index
    %get3A_2000 = memref.load %arg2[%get3A_1998, %get3A_1999] : memref<32x16xf32, #tpu.memory_space<smem>>
    %broadcast_in_dim3A_2001 = vector.broadcast %get3A_2000 : f32 to vector<16x1xf32>
    %select_n3A_2002 = arith.select %eq3A_1997, %broadcast_in_dim3A_2001, %select_n3A_1957 : vector<16x1xi1>, vector<16x1xf32>
    %eq3A_2003 = arith.constant 7 : i32
    %eq3A_2004 = vector.broadcast %eq3A_2003 : i32 to vector<16x1xi32>
    %eq3A_2005 = arith.cmpi eq, %iota3A, %eq3A_2004 : vector<16x1xi32>
    %get3A_2006 = arith.constant 3 : index
    %get3A_2007 = arith.constant 0 : index
    %get3A_2008 = memref.load %arg4[%get3A_2006, %get3A_2007] : memref<8x1xf32, #tpu.memory_space<smem>>
    %broadcast_in_dim3A_2009 = vector.broadcast %get3A_2008 : f32 to vector<16x1xf32>
    %select_n3A_2010 = arith.select %eq3A_2005, %broadcast_in_dim3A_2009, %select_n3A_1965 : vector<16x1xi1>, vector<16x1xf32>
    %get3A_2011 = arith.constant 18 : index
    %get3A_2012 = arith.constant 0 : index
    %get3A_2013 = memref.load %arg1[%get3A_2011, %get3A_2012] : memref<32x16xi32, #tpu.memory_space<smem>>
    %eq3A_2014 = arith.constant 8 : i32
    %eq3A_2015 = vector.broadcast %eq3A_2014 : i32 to vector<16x1xi32>
    %eq3A_2016 = arith.cmpi eq, %iota3A, %eq3A_2015 : vector<16x1xi32>
    %broadcast_in_dim3A_2017 = vector.broadcast %get3A_2013 : i32 to vector<16x1xi32>
    %select_n3A_2018 = arith.select %eq3A_2016, %broadcast_in_dim3A_2017, %select_n3A_1973 : vector<16x1xi1>, vector<16x1xi32>
    %eq3A_2019 = arith.constant 8 : i32
    %eq3A_2020 = vector.broadcast %eq3A_2019 : i32 to vector<1x16xi32>
    %eq3A_2021 = arith.cmpi eq, %iota3A_132, %eq3A_2020 : vector<1x16xi32>
    %broadcast_in_dim3A_2022 = vector.broadcast %get3A_2013 : i32 to vector<1x16xi32>
    %select_n3A_2023 = arith.select %eq3A_2021, %broadcast_in_dim3A_2022, %select_n3A_1978 : vector<1x16xi1>, vector<1x16xi32>
    %eq3A_2024 = arith.constant 8 : i32
    %eq3A_2025 = vector.broadcast %eq3A_2024 : i32 to vector<16x1xi32>
    %eq3A_2026 = arith.cmpi eq, %iota3A, %eq3A_2025 : vector<16x1xi32>
    %get3A_2027 = arith.constant 20 : index
    %get3A_2028 = arith.constant 0 : index
    %get3A_2029 = memref.load %arg3[%get3A_2027, %get3A_2028] : memref<32x2xf32, #tpu.memory_space<smem>>
    %broadcast_in_dim3A_2030 = vector.broadcast %get3A_2029 : f32 to vector<16x1xf32>
    %select_n3A_2031 = arith.select %eq3A_2026, %broadcast_in_dim3A_2030, %select_n3A_1986 : vector<16x1xi1>, vector<16x1xf32>
    %eq3A_2032 = arith.constant 8 : i32
    %eq3A_2033 = vector.broadcast %eq3A_2032 : i32 to vector<16x1xi32>
    %eq3A_2034 = arith.cmpi eq, %iota3A, %eq3A_2033 : vector<16x1xi32>
    %get3A_2035 = arith.constant 20 : index
    %get3A_2036 = arith.constant 1 : index
    %get3A_2037 = memref.load %arg3[%get3A_2035, %get3A_2036] : memref<32x2xf32, #tpu.memory_space<smem>>
    %broadcast_in_dim3A_2038 = vector.broadcast %get3A_2037 : f32 to vector<16x1xf32>
    %select_n3A_2039 = arith.select %eq3A_2034, %broadcast_in_dim3A_2038, %select_n3A_1994 : vector<16x1xi1>, vector<16x1xf32>
    %eq3A_2040 = arith.constant 8 : i32
    %eq3A_2041 = vector.broadcast %eq3A_2040 : i32 to vector<16x1xi32>
    %eq3A_2042 = arith.cmpi eq, %iota3A, %eq3A_2041 : vector<16x1xi32>
    %get3A_2043 = arith.constant 18 : index
    %get3A_2044 = arith.constant 0 : index
    %get3A_2045 = memref.load %arg2[%get3A_2043, %get3A_2044] : memref<32x16xf32, #tpu.memory_space<smem>>
    %broadcast_in_dim3A_2046 = vector.broadcast %get3A_2045 : f32 to vector<16x1xf32>
    %select_n3A_2047 = arith.select %eq3A_2042, %broadcast_in_dim3A_2046, %select_n3A_2002 : vector<16x1xi1>, vector<16x1xf32>
    %eq3A_2048 = arith.constant 8 : i32
    %eq3A_2049 = vector.broadcast %eq3A_2048 : i32 to vector<16x1xi32>
    %eq3A_2050 = arith.cmpi eq, %iota3A, %eq3A_2049 : vector<16x1xi32>
    %get3A_2051 = arith.constant 4 : index
    %get3A_2052 = arith.constant 0 : index
    %get3A_2053 = memref.load %arg4[%get3A_2051, %get3A_2052] : memref<8x1xf32, #tpu.memory_space<smem>>
    %broadcast_in_dim3A_2054 = vector.broadcast %get3A_2053 : f32 to vector<16x1xf32>
    %select_n3A_2055 = arith.select %eq3A_2050, %broadcast_in_dim3A_2054, %select_n3A_2010 : vector<16x1xi1>, vector<16x1xf32>
    %get3A_2056 = arith.constant 18 : index
    %get3A_2057 = arith.constant 1 : index
    %get3A_2058 = memref.load %arg1[%get3A_2056, %get3A_2057] : memref<32x16xi32, #tpu.memory_space<smem>>
    %eq3A_2059 = arith.constant 9 : i32
    %eq3A_2060 = vector.broadcast %eq3A_2059 : i32 to vector<16x1xi32>
    %eq3A_2061 = arith.cmpi eq, %iota3A, %eq3A_2060 : vector<16x1xi32>
    %broadcast_in_dim3A_2062 = vector.broadcast %get3A_2058 : i32 to vector<16x1xi32>
    %select_n3A_2063 = arith.select %eq3A_2061, %broadcast_in_dim3A_2062, %select_n3A_2018 : vector<16x1xi1>, vector<16x1xi32>
    %eq3A_2064 = arith.constant 9 : i32
    %eq3A_2065 = vector.broadcast %eq3A_2064 : i32 to vector<1x16xi32>
    %eq3A_2066 = arith.cmpi eq, %iota3A_132, %eq3A_2065 : vector<1x16xi32>
    %broadcast_in_dim3A_2067 = vector.broadcast %get3A_2058 : i32 to vector<1x16xi32>
    %select_n3A_2068 = arith.select %eq3A_2066, %broadcast_in_dim3A_2067, %select_n3A_2023 : vector<1x16xi1>, vector<1x16xi32>
    %eq3A_2069 = arith.constant 9 : i32
    %eq3A_2070 = vector.broadcast %eq3A_2069 : i32 to vector<16x1xi32>
    %eq3A_2071 = arith.cmpi eq, %iota3A, %eq3A_2070 : vector<16x1xi32>
    %get3A_2072 = arith.constant 20 : index
    %get3A_2073 = arith.constant 0 : index
    %get3A_2074 = memref.load %arg3[%get3A_2072, %get3A_2073] : memref<32x2xf32, #tpu.memory_space<smem>>
    %broadcast_in_dim3A_2075 = vector.broadcast %get3A_2074 : f32 to vector<16x1xf32>
    %select_n3A_2076 = arith.select %eq3A_2071, %broadcast_in_dim3A_2075, %select_n3A_2031 : vector<16x1xi1>, vector<16x1xf32>
    %eq3A_2077 = arith.constant 9 : i32
    %eq3A_2078 = vector.broadcast %eq3A_2077 : i32 to vector<16x1xi32>
    %eq3A_2079 = arith.cmpi eq, %iota3A, %eq3A_2078 : vector<16x1xi32>
    %get3A_2080 = arith.constant 20 : index
    %get3A_2081 = arith.constant 1 : index
    %get3A_2082 = memref.load %arg3[%get3A_2080, %get3A_2081] : memref<32x2xf32, #tpu.memory_space<smem>>
    %broadcast_in_dim3A_2083 = vector.broadcast %get3A_2082 : f32 to vector<16x1xf32>
    %select_n3A_2084 = arith.select %eq3A_2079, %broadcast_in_dim3A_2083, %select_n3A_2039 : vector<16x1xi1>, vector<16x1xf32>
    %eq3A_2085 = arith.constant 9 : i32
    %eq3A_2086 = vector.broadcast %eq3A_2085 : i32 to vector<16x1xi32>
    %eq3A_2087 = arith.cmpi eq, %iota3A, %eq3A_2086 : vector<16x1xi32>
    %get3A_2088 = arith.constant 18 : index
    %get3A_2089 = arith.constant 1 : index
    %get3A_2090 = memref.load %arg2[%get3A_2088, %get3A_2089] : memref<32x16xf32, #tpu.memory_space<smem>>
    %broadcast_in_dim3A_2091 = vector.broadcast %get3A_2090 : f32 to vector<16x1xf32>
    %select_n3A_2092 = arith.select %eq3A_2087, %broadcast_in_dim3A_2091, %select_n3A_2047 : vector<16x1xi1>, vector<16x1xf32>
    %eq3A_2093 = arith.constant 9 : i32
    %eq3A_2094 = vector.broadcast %eq3A_2093 : i32 to vector<16x1xi32>
    %eq3A_2095 = arith.cmpi eq, %iota3A, %eq3A_2094 : vector<16x1xi32>
    %get3A_2096 = arith.constant 4 : index
    %get3A_2097 = arith.constant 0 : index
    %get3A_2098 = memref.load %arg4[%get3A_2096, %get3A_2097] : memref<8x1xf32, #tpu.memory_space<smem>>
    %broadcast_in_dim3A_2099 = vector.broadcast %get3A_2098 : f32 to vector<16x1xf32>
    %select_n3A_2100 = arith.select %eq3A_2095, %broadcast_in_dim3A_2099, %select_n3A_2055 : vector<16x1xi1>, vector<16x1xf32>
    %get3A_2101 = arith.constant 22 : index
    %get3A_2102 = arith.constant 0 : index
    %get3A_2103 = memref.load %arg1[%get3A_2101, %get3A_2102] : memref<32x16xi32, #tpu.memory_space<smem>>
    %eq3A_2104 = arith.constant 10 : i32
    %eq3A_2105 = vector.broadcast %eq3A_2104 : i32 to vector<16x1xi32>
    %eq3A_2106 = arith.cmpi eq, %iota3A, %eq3A_2105 : vector<16x1xi32>
    %broadcast_in_dim3A_2107 = vector.broadcast %get3A_2103 : i32 to vector<16x1xi32>
    %select_n3A_2108 = arith.select %eq3A_2106, %broadcast_in_dim3A_2107, %select_n3A_2063 : vector<16x1xi1>, vector<16x1xi32>
    %eq3A_2109 = arith.constant 10 : i32
    %eq3A_2110 = vector.broadcast %eq3A_2109 : i32 to vector<1x16xi32>
    %eq3A_2111 = arith.cmpi eq, %iota3A_132, %eq3A_2110 : vector<1x16xi32>
    %broadcast_in_dim3A_2112 = vector.broadcast %get3A_2103 : i32 to vector<1x16xi32>
    %select_n3A_2113 = arith.select %eq3A_2111, %broadcast_in_dim3A_2112, %select_n3A_2068 : vector<1x16xi1>, vector<1x16xi32>
    %eq3A_2114 = arith.constant 10 : i32
    %eq3A_2115 = vector.broadcast %eq3A_2114 : i32 to vector<16x1xi32>
    %eq3A_2116 = arith.cmpi eq, %iota3A, %eq3A_2115 : vector<16x1xi32>
    %get3A_2117 = arith.constant 21 : index
    %get3A_2118 = arith.constant 0 : index
    %get3A_2119 = memref.load %arg3[%get3A_2117, %get3A_2118] : memref<32x2xf32, #tpu.memory_space<smem>>
    %broadcast_in_dim3A_2120 = vector.broadcast %get3A_2119 : f32 to vector<16x1xf32>
    %select_n3A_2121 = arith.select %eq3A_2116, %broadcast_in_dim3A_2120, %select_n3A_2076 : vector<16x1xi1>, vector<16x1xf32>
    %eq3A_2122 = arith.constant 10 : i32
    %eq3A_2123 = vector.broadcast %eq3A_2122 : i32 to vector<16x1xi32>
    %eq3A_2124 = arith.cmpi eq, %iota3A, %eq3A_2123 : vector<16x1xi32>
    %get3A_2125 = arith.constant 21 : index
    %get3A_2126 = arith.constant 1 : index
    %get3A_2127 = memref.load %arg3[%get3A_2125, %get3A_2126] : memref<32x2xf32, #tpu.memory_space<smem>>
    %broadcast_in_dim3A_2128 = vector.broadcast %get3A_2127 : f32 to vector<16x1xf32>
    %select_n3A_2129 = arith.select %eq3A_2124, %broadcast_in_dim3A_2128, %select_n3A_2084 : vector<16x1xi1>, vector<16x1xf32>
    %eq3A_2130 = arith.constant 10 : i32
    %eq3A_2131 = vector.broadcast %eq3A_2130 : i32 to vector<16x1xi32>
    %eq3A_2132 = arith.cmpi eq, %iota3A, %eq3A_2131 : vector<16x1xi32>
    %get3A_2133 = arith.constant 22 : index
    %get3A_2134 = arith.constant 0 : index
    %get3A_2135 = memref.load %arg2[%get3A_2133, %get3A_2134] : memref<32x16xf32, #tpu.memory_space<smem>>
    %broadcast_in_dim3A_2136 = vector.broadcast %get3A_2135 : f32 to vector<16x1xf32>
    %select_n3A_2137 = arith.select %eq3A_2132, %broadcast_in_dim3A_2136, %select_n3A_2092 : vector<16x1xi1>, vector<16x1xf32>
    %eq3A_2138 = arith.constant 10 : i32
    %eq3A_2139 = vector.broadcast %eq3A_2138 : i32 to vector<16x1xi32>
    %eq3A_2140 = arith.cmpi eq, %iota3A, %eq3A_2139 : vector<16x1xi32>
    %get3A_2141 = arith.constant 5 : index
    %get3A_2142 = arith.constant 0 : index
    %get3A_2143 = memref.load %arg4[%get3A_2141, %get3A_2142] : memref<8x1xf32, #tpu.memory_space<smem>>
    %broadcast_in_dim3A_2144 = vector.broadcast %get3A_2143 : f32 to vector<16x1xf32>
    %select_n3A_2145 = arith.select %eq3A_2140, %broadcast_in_dim3A_2144, %select_n3A_2100 : vector<16x1xi1>, vector<16x1xf32>
    %get3A_2146 = arith.constant 22 : index
    %get3A_2147 = arith.constant 1 : index
    %get3A_2148 = memref.load %arg1[%get3A_2146, %get3A_2147] : memref<32x16xi32, #tpu.memory_space<smem>>
    %eq3A_2149 = arith.constant 11 : i32
    %eq3A_2150 = vector.broadcast %eq3A_2149 : i32 to vector<16x1xi32>
    %eq3A_2151 = arith.cmpi eq, %iota3A, %eq3A_2150 : vector<16x1xi32>
    %broadcast_in_dim3A_2152 = vector.broadcast %get3A_2148 : i32 to vector<16x1xi32>
    %select_n3A_2153 = arith.select %eq3A_2151, %broadcast_in_dim3A_2152, %select_n3A_2108 : vector<16x1xi1>, vector<16x1xi32>
    %eq3A_2154 = arith.constant 11 : i32
    %eq3A_2155 = vector.broadcast %eq3A_2154 : i32 to vector<1x16xi32>
    %eq3A_2156 = arith.cmpi eq, %iota3A_132, %eq3A_2155 : vector<1x16xi32>
    %broadcast_in_dim3A_2157 = vector.broadcast %get3A_2148 : i32 to vector<1x16xi32>
    %select_n3A_2158 = arith.select %eq3A_2156, %broadcast_in_dim3A_2157, %select_n3A_2113 : vector<1x16xi1>, vector<1x16xi32>
    %eq3A_2159 = arith.constant 11 : i32
    %eq3A_2160 = vector.broadcast %eq3A_2159 : i32 to vector<16x1xi32>
    %eq3A_2161 = arith.cmpi eq, %iota3A, %eq3A_2160 : vector<16x1xi32>
    %get3A_2162 = arith.constant 21 : index
    %get3A_2163 = arith.constant 0 : index
    %get3A_2164 = memref.load %arg3[%get3A_2162, %get3A_2163] : memref<32x2xf32, #tpu.memory_space<smem>>
    %broadcast_in_dim3A_2165 = vector.broadcast %get3A_2164 : f32 to vector<16x1xf32>
    %select_n3A_2166 = arith.select %eq3A_2161, %broadcast_in_dim3A_2165, %select_n3A_2121 : vector<16x1xi1>, vector<16x1xf32>
    %eq3A_2167 = arith.constant 11 : i32
    %eq3A_2168 = vector.broadcast %eq3A_2167 : i32 to vector<16x1xi32>
    %eq3A_2169 = arith.cmpi eq, %iota3A, %eq3A_2168 : vector<16x1xi32>
    %get3A_2170 = arith.constant 21 : index
    %get3A_2171 = arith.constant 1 : index
    %get3A_2172 = memref.load %arg3[%get3A_2170, %get3A_2171] : memref<32x2xf32, #tpu.memory_space<smem>>
    %broadcast_in_dim3A_2173 = vector.broadcast %get3A_2172 : f32 to vector<16x1xf32>
    %select_n3A_2174 = arith.select %eq3A_2169, %broadcast_in_dim3A_2173, %select_n3A_2129 : vector<16x1xi1>, vector<16x1xf32>
    %eq3A_2175 = arith.constant 11 : i32
    %eq3A_2176 = vector.broadcast %eq3A_2175 : i32 to vector<16x1xi32>
    %eq3A_2177 = arith.cmpi eq, %iota3A, %eq3A_2176 : vector<16x1xi32>
    %get3A_2178 = arith.constant 22 : index
    %get3A_2179 = arith.constant 1 : index
    %get3A_2180 = memref.load %arg2[%get3A_2178, %get3A_2179] : memref<32x16xf32, #tpu.memory_space<smem>>
    %broadcast_in_dim3A_2181 = vector.broadcast %get3A_2180 : f32 to vector<16x1xf32>
    %select_n3A_2182 = arith.select %eq3A_2177, %broadcast_in_dim3A_2181, %select_n3A_2137 : vector<16x1xi1>, vector<16x1xf32>
    %eq3A_2183 = arith.constant 11 : i32
    %eq3A_2184 = vector.broadcast %eq3A_2183 : i32 to vector<16x1xi32>
    %eq3A_2185 = arith.cmpi eq, %iota3A, %eq3A_2184 : vector<16x1xi32>
    %get3A_2186 = arith.constant 5 : index
    %get3A_2187 = arith.constant 0 : index
    %get3A_2188 = memref.load %arg4[%get3A_2186, %get3A_2187] : memref<8x1xf32, #tpu.memory_space<smem>>
    %broadcast_in_dim3A_2189 = vector.broadcast %get3A_2188 : f32 to vector<16x1xf32>
    %select_n3A_2190 = arith.select %eq3A_2185, %broadcast_in_dim3A_2189, %select_n3A_2145 : vector<16x1xi1>, vector<16x1xf32>
    %get3A_2191 = arith.constant 26 : index
    %get3A_2192 = arith.constant 0 : index
    %get3A_2193 = memref.load %arg1[%get3A_2191, %get3A_2192] : memref<32x16xi32, #tpu.memory_space<smem>>
    %eq3A_2194 = arith.constant 12 : i32
    %eq3A_2195 = vector.broadcast %eq3A_2194 : i32 to vector<16x1xi32>
    %eq3A_2196 = arith.cmpi eq, %iota3A, %eq3A_2195 : vector<16x1xi32>
    %broadcast_in_dim3A_2197 = vector.broadcast %get3A_2193 : i32 to vector<16x1xi32>
    %select_n3A_2198 = arith.select %eq3A_2196, %broadcast_in_dim3A_2197, %select_n3A_2153 : vector<16x1xi1>, vector<16x1xi32>
    %eq3A_2199 = arith.constant 12 : i32
    %eq3A_2200 = vector.broadcast %eq3A_2199 : i32 to vector<1x16xi32>
    %eq3A_2201 = arith.cmpi eq, %iota3A_132, %eq3A_2200 : vector<1x16xi32>
    %broadcast_in_dim3A_2202 = vector.broadcast %get3A_2193 : i32 to vector<1x16xi32>
    %select_n3A_2203 = arith.select %eq3A_2201, %broadcast_in_dim3A_2202, %select_n3A_2158 : vector<1x16xi1>, vector<1x16xi32>
    %eq3A_2204 = arith.constant 12 : i32
    %eq3A_2205 = vector.broadcast %eq3A_2204 : i32 to vector<16x1xi32>
    %eq3A_2206 = arith.cmpi eq, %iota3A, %eq3A_2205 : vector<16x1xi32>
    %get3A_2207 = arith.constant 22 : index
    %get3A_2208 = arith.constant 0 : index
    %get3A_2209 = memref.load %arg3[%get3A_2207, %get3A_2208] : memref<32x2xf32, #tpu.memory_space<smem>>
    %broadcast_in_dim3A_2210 = vector.broadcast %get3A_2209 : f32 to vector<16x1xf32>
    %select_n3A_2211 = arith.select %eq3A_2206, %broadcast_in_dim3A_2210, %select_n3A_2166 : vector<16x1xi1>, vector<16x1xf32>
    %eq3A_2212 = arith.constant 12 : i32
    %eq3A_2213 = vector.broadcast %eq3A_2212 : i32 to vector<16x1xi32>
    %eq3A_2214 = arith.cmpi eq, %iota3A, %eq3A_2213 : vector<16x1xi32>
    %get3A_2215 = arith.constant 22 : index
    %get3A_2216 = arith.constant 1 : index
    %get3A_2217 = memref.load %arg3[%get3A_2215, %get3A_2216] : memref<32x2xf32, #tpu.memory_space<smem>>
    %broadcast_in_dim3A_2218 = vector.broadcast %get3A_2217 : f32 to vector<16x1xf32>
    %select_n3A_2219 = arith.select %eq3A_2214, %broadcast_in_dim3A_2218, %select_n3A_2174 : vector<16x1xi1>, vector<16x1xf32>
    %eq3A_2220 = arith.constant 12 : i32
    %eq3A_2221 = vector.broadcast %eq3A_2220 : i32 to vector<16x1xi32>
    %eq3A_2222 = arith.cmpi eq, %iota3A, %eq3A_2221 : vector<16x1xi32>
    %get3A_2223 = arith.constant 26 : index
    %get3A_2224 = arith.constant 0 : index
    %get3A_2225 = memref.load %arg2[%get3A_2223, %get3A_2224] : memref<32x16xf32, #tpu.memory_space<smem>>
    %broadcast_in_dim3A_2226 = vector.broadcast %get3A_2225 : f32 to vector<16x1xf32>
    %select_n3A_2227 = arith.select %eq3A_2222, %broadcast_in_dim3A_2226, %select_n3A_2182 : vector<16x1xi1>, vector<16x1xf32>
    %eq3A_2228 = arith.constant 12 : i32
    %eq3A_2229 = vector.broadcast %eq3A_2228 : i32 to vector<16x1xi32>
    %eq3A_2230 = arith.cmpi eq, %iota3A, %eq3A_2229 : vector<16x1xi32>
    %get3A_2231 = arith.constant 6 : index
    %get3A_2232 = arith.constant 0 : index
    %get3A_2233 = memref.load %arg4[%get3A_2231, %get3A_2232] : memref<8x1xf32, #tpu.memory_space<smem>>
    %broadcast_in_dim3A_2234 = vector.broadcast %get3A_2233 : f32 to vector<16x1xf32>
    %select_n3A_2235 = arith.select %eq3A_2230, %broadcast_in_dim3A_2234, %select_n3A_2190 : vector<16x1xi1>, vector<16x1xf32>
    %get3A_2236 = arith.constant 26 : index
    %get3A_2237 = arith.constant 1 : index
    %get3A_2238 = memref.load %arg1[%get3A_2236, %get3A_2237] : memref<32x16xi32, #tpu.memory_space<smem>>
    %eq3A_2239 = arith.constant 13 : i32
    %eq3A_2240 = vector.broadcast %eq3A_2239 : i32 to vector<16x1xi32>
    %eq3A_2241 = arith.cmpi eq, %iota3A, %eq3A_2240 : vector<16x1xi32>
    %broadcast_in_dim3A_2242 = vector.broadcast %get3A_2238 : i32 to vector<16x1xi32>
    %select_n3A_2243 = arith.select %eq3A_2241, %broadcast_in_dim3A_2242, %select_n3A_2198 : vector<16x1xi1>, vector<16x1xi32>
    %eq3A_2244 = arith.constant 13 : i32
    %eq3A_2245 = vector.broadcast %eq3A_2244 : i32 to vector<1x16xi32>
    %eq3A_2246 = arith.cmpi eq, %iota3A_132, %eq3A_2245 : vector<1x16xi32>
    %broadcast_in_dim3A_2247 = vector.broadcast %get3A_2238 : i32 to vector<1x16xi32>
    %select_n3A_2248 = arith.select %eq3A_2246, %broadcast_in_dim3A_2247, %select_n3A_2203 : vector<1x16xi1>, vector<1x16xi32>
    %eq3A_2249 = arith.constant 13 : i32
    %eq3A_2250 = vector.broadcast %eq3A_2249 : i32 to vector<16x1xi32>
    %eq3A_2251 = arith.cmpi eq, %iota3A, %eq3A_2250 : vector<16x1xi32>
    %get3A_2252 = arith.constant 22 : index
    %get3A_2253 = arith.constant 0 : index
    %get3A_2254 = memref.load %arg3[%get3A_2252, %get3A_2253] : memref<32x2xf32, #tpu.memory_space<smem>>
    %broadcast_in_dim3A_2255 = vector.broadcast %get3A_2254 : f32 to vector<16x1xf32>
    %select_n3A_2256 = arith.select %eq3A_2251, %broadcast_in_dim3A_2255, %select_n3A_2211 : vector<16x1xi1>, vector<16x1xf32>
    %eq3A_2257 = arith.constant 13 : i32
    %eq3A_2258 = vector.broadcast %eq3A_2257 : i32 to vector<16x1xi32>
    %eq3A_2259 = arith.cmpi eq, %iota3A, %eq3A_2258 : vector<16x1xi32>
    %get3A_2260 = arith.constant 22 : index
    %get3A_2261 = arith.constant 1 : index
    %get3A_2262 = memref.load %arg3[%get3A_2260, %get3A_2261] : memref<32x2xf32, #tpu.memory_space<smem>>
    %broadcast_in_dim3A_2263 = vector.broadcast %get3A_2262 : f32 to vector<16x1xf32>
    %select_n3A_2264 = arith.select %eq3A_2259, %broadcast_in_dim3A_2263, %select_n3A_2219 : vector<16x1xi1>, vector<16x1xf32>
    %eq3A_2265 = arith.constant 13 : i32
    %eq3A_2266 = vector.broadcast %eq3A_2265 : i32 to vector<16x1xi32>
    %eq3A_2267 = arith.cmpi eq, %iota3A, %eq3A_2266 : vector<16x1xi32>
    %get3A_2268 = arith.constant 26 : index
    %get3A_2269 = arith.constant 1 : index
    %get3A_2270 = memref.load %arg2[%get3A_2268, %get3A_2269] : memref<32x16xf32, #tpu.memory_space<smem>>
    %broadcast_in_dim3A_2271 = vector.broadcast %get3A_2270 : f32 to vector<16x1xf32>
    %select_n3A_2272 = arith.select %eq3A_2267, %broadcast_in_dim3A_2271, %select_n3A_2227 : vector<16x1xi1>, vector<16x1xf32>
    %eq3A_2273 = arith.constant 13 : i32
    %eq3A_2274 = vector.broadcast %eq3A_2273 : i32 to vector<16x1xi32>
    %eq3A_2275 = arith.cmpi eq, %iota3A, %eq3A_2274 : vector<16x1xi32>
    %get3A_2276 = arith.constant 6 : index
    %get3A_2277 = arith.constant 0 : index
    %get3A_2278 = memref.load %arg4[%get3A_2276, %get3A_2277] : memref<8x1xf32, #tpu.memory_space<smem>>
    %broadcast_in_dim3A_2279 = vector.broadcast %get3A_2278 : f32 to vector<16x1xf32>
    %select_n3A_2280 = arith.select %eq3A_2275, %broadcast_in_dim3A_2279, %select_n3A_2235 : vector<16x1xi1>, vector<16x1xf32>
    %get3A_2281 = arith.constant 30 : index
    %get3A_2282 = arith.constant 0 : index
    %get3A_2283 = memref.load %arg1[%get3A_2281, %get3A_2282] : memref<32x16xi32, #tpu.memory_space<smem>>
    %eq3A_2284 = arith.constant 14 : i32
    %eq3A_2285 = vector.broadcast %eq3A_2284 : i32 to vector<16x1xi32>
    %eq3A_2286 = arith.cmpi eq, %iota3A, %eq3A_2285 : vector<16x1xi32>
    %broadcast_in_dim3A_2287 = vector.broadcast %get3A_2283 : i32 to vector<16x1xi32>
    %select_n3A_2288 = arith.select %eq3A_2286, %broadcast_in_dim3A_2287, %select_n3A_2243 : vector<16x1xi1>, vector<16x1xi32>
    %eq3A_2289 = arith.constant 14 : i32
    %eq3A_2290 = vector.broadcast %eq3A_2289 : i32 to vector<1x16xi32>
    %eq3A_2291 = arith.cmpi eq, %iota3A_132, %eq3A_2290 : vector<1x16xi32>
    %broadcast_in_dim3A_2292 = vector.broadcast %get3A_2283 : i32 to vector<1x16xi32>
    %select_n3A_2293 = arith.select %eq3A_2291, %broadcast_in_dim3A_2292, %select_n3A_2248 : vector<1x16xi1>, vector<1x16xi32>
    %eq3A_2294 = arith.constant 14 : i32
    %eq3A_2295 = vector.broadcast %eq3A_2294 : i32 to vector<16x1xi32>
    %eq3A_2296 = arith.cmpi eq, %iota3A, %eq3A_2295 : vector<16x1xi32>
    %get3A_2297 = arith.constant 23 : index
    %get3A_2298 = arith.constant 0 : index
    %get3A_2299 = memref.load %arg3[%get3A_2297, %get3A_2298] : memref<32x2xf32, #tpu.memory_space<smem>>
    %broadcast_in_dim3A_2300 = vector.broadcast %get3A_2299 : f32 to vector<16x1xf32>
    %select_n3A_2301 = arith.select %eq3A_2296, %broadcast_in_dim3A_2300, %select_n3A_2256 : vector<16x1xi1>, vector<16x1xf32>
    %eq3A_2302 = arith.constant 14 : i32
    %eq3A_2303 = vector.broadcast %eq3A_2302 : i32 to vector<16x1xi32>
    %eq3A_2304 = arith.cmpi eq, %iota3A, %eq3A_2303 : vector<16x1xi32>
    %get3A_2305 = arith.constant 23 : index
    %get3A_2306 = arith.constant 1 : index
    %get3A_2307 = memref.load %arg3[%get3A_2305, %get3A_2306] : memref<32x2xf32, #tpu.memory_space<smem>>
    %broadcast_in_dim3A_2308 = vector.broadcast %get3A_2307 : f32 to vector<16x1xf32>
    %select_n3A_2309 = arith.select %eq3A_2304, %broadcast_in_dim3A_2308, %select_n3A_2264 : vector<16x1xi1>, vector<16x1xf32>
    %eq3A_2310 = arith.constant 14 : i32
    %eq3A_2311 = vector.broadcast %eq3A_2310 : i32 to vector<16x1xi32>
    %eq3A_2312 = arith.cmpi eq, %iota3A, %eq3A_2311 : vector<16x1xi32>
    %get3A_2313 = arith.constant 30 : index
    %get3A_2314 = arith.constant 0 : index
    %get3A_2315 = memref.load %arg2[%get3A_2313, %get3A_2314] : memref<32x16xf32, #tpu.memory_space<smem>>
    %broadcast_in_dim3A_2316 = vector.broadcast %get3A_2315 : f32 to vector<16x1xf32>
    %select_n3A_2317 = arith.select %eq3A_2312, %broadcast_in_dim3A_2316, %select_n3A_2272 : vector<16x1xi1>, vector<16x1xf32>
    %eq3A_2318 = arith.constant 14 : i32
    %eq3A_2319 = vector.broadcast %eq3A_2318 : i32 to vector<16x1xi32>
    %eq3A_2320 = arith.cmpi eq, %iota3A, %eq3A_2319 : vector<16x1xi32>
    %get3A_2321 = arith.constant 7 : index
    %get3A_2322 = arith.constant 0 : index
    %get3A_2323 = memref.load %arg4[%get3A_2321, %get3A_2322] : memref<8x1xf32, #tpu.memory_space<smem>>
    %broadcast_in_dim3A_2324 = vector.broadcast %get3A_2323 : f32 to vector<16x1xf32>
    %select_n3A_2325 = arith.select %eq3A_2320, %broadcast_in_dim3A_2324, %select_n3A_2280 : vector<16x1xi1>, vector<16x1xf32>
    %get3A_2326 = arith.constant 30 : index
    %get3A_2327 = arith.constant 1 : index
    %get3A_2328 = memref.load %arg1[%get3A_2326, %get3A_2327] : memref<32x16xi32, #tpu.memory_space<smem>>
    %eq3A_2329 = arith.constant 15 : i32
    %eq3A_2330 = vector.broadcast %eq3A_2329 : i32 to vector<16x1xi32>
    %eq3A_2331 = arith.cmpi eq, %iota3A, %eq3A_2330 : vector<16x1xi32>
    %broadcast_in_dim3A_2332 = vector.broadcast %get3A_2328 : i32 to vector<16x1xi32>
    %select_n3A_2333 = arith.select %eq3A_2331, %broadcast_in_dim3A_2332, %select_n3A_2288 : vector<16x1xi1>, vector<16x1xi32>
    %eq3A_2334 = arith.constant 15 : i32
    %eq3A_2335 = vector.broadcast %eq3A_2334 : i32 to vector<1x16xi32>
    %eq3A_2336 = arith.cmpi eq, %iota3A_132, %eq3A_2335 : vector<1x16xi32>
    %broadcast_in_dim3A_2337 = vector.broadcast %get3A_2328 : i32 to vector<1x16xi32>
    %select_n3A_2338 = arith.select %eq3A_2336, %broadcast_in_dim3A_2337, %select_n3A_2293 : vector<1x16xi1>, vector<1x16xi32>
    %eq3A_2339 = arith.constant 15 : i32
    %eq3A_2340 = vector.broadcast %eq3A_2339 : i32 to vector<16x1xi32>
    %eq3A_2341 = arith.cmpi eq, %iota3A, %eq3A_2340 : vector<16x1xi32>
    %get3A_2342 = arith.constant 23 : index
    %get3A_2343 = arith.constant 0 : index
    %get3A_2344 = memref.load %arg3[%get3A_2342, %get3A_2343] : memref<32x2xf32, #tpu.memory_space<smem>>
    %broadcast_in_dim3A_2345 = vector.broadcast %get3A_2344 : f32 to vector<16x1xf32>
    %select_n3A_2346 = arith.select %eq3A_2341, %broadcast_in_dim3A_2345, %select_n3A_2301 : vector<16x1xi1>, vector<16x1xf32>
    %eq3A_2347 = arith.constant 15 : i32
    %eq3A_2348 = vector.broadcast %eq3A_2347 : i32 to vector<16x1xi32>
    %eq3A_2349 = arith.cmpi eq, %iota3A, %eq3A_2348 : vector<16x1xi32>
    %get3A_2350 = arith.constant 23 : index
    %get3A_2351 = arith.constant 1 : index
    %get3A_2352 = memref.load %arg3[%get3A_2350, %get3A_2351] : memref<32x2xf32, #tpu.memory_space<smem>>
    %broadcast_in_dim3A_2353 = vector.broadcast %get3A_2352 : f32 to vector<16x1xf32>
    %select_n3A_2354 = arith.select %eq3A_2349, %broadcast_in_dim3A_2353, %select_n3A_2309 : vector<16x1xi1>, vector<16x1xf32>
    %eq3A_2355 = arith.constant 15 : i32
    %eq3A_2356 = vector.broadcast %eq3A_2355 : i32 to vector<16x1xi32>
    %eq3A_2357 = arith.cmpi eq, %iota3A, %eq3A_2356 : vector<16x1xi32>
    %get3A_2358 = arith.constant 30 : index
    %get3A_2359 = arith.constant 1 : index
    %get3A_2360 = memref.load %arg2[%get3A_2358, %get3A_2359] : memref<32x16xf32, #tpu.memory_space<smem>>
    %broadcast_in_dim3A_2361 = vector.broadcast %get3A_2360 : f32 to vector<16x1xf32>
    %select_n3A_2362 = arith.select %eq3A_2357, %broadcast_in_dim3A_2361, %select_n3A_2317 : vector<16x1xi1>, vector<16x1xf32>
    %eq3A_2363 = arith.constant 15 : i32
    %eq3A_2364 = vector.broadcast %eq3A_2363 : i32 to vector<16x1xi32>
    %eq3A_2365 = arith.cmpi eq, %iota3A, %eq3A_2364 : vector<16x1xi32>
    %get3A_2366 = arith.constant 7 : index
    %get3A_2367 = arith.constant 0 : index
    %get3A_2368 = memref.load %arg4[%get3A_2366, %get3A_2367] : memref<8x1xf32, #tpu.memory_space<smem>>
    %broadcast_in_dim3A_2369 = vector.broadcast %get3A_2368 : f32 to vector<16x1xf32>
    %select_n3A_2370 = arith.select %eq3A_2365, %broadcast_in_dim3A_2369, %select_n3A_2325 : vector<16x1xi1>, vector<16x1xf32>
    %sub3A_2371 = arith.subf %select_n3A_2346, %select_n3A_2362 : vector<16x1xf32>
    %exp3A_2372 = math.exp %sub3A_2371 : vector<16x1xf32>
    %mul3A_2373 = arith.mulf %select_n3A_2354, %exp3A_2372 : vector<16x1xf32>
    %get3A_2374 = arith.constant 2 : index
    %get3A_2375 = arith.constant 0 : index
    %get3A_2376 = arith.constant 0 : index
    %get3A_2377 = vector.load %arg8[%get3A_2374, %get3A_2375, %get3A_2376] : memref<4x16x768xf32, #tpu.memory_space<vmem>>, vector<1x16x768xf32>
    %get3A_2378 = vector.shape_cast %get3A_2377 : vector<1x16x768xf32> to vector<16x768xf32>
    %add3A_2379 = vector.broadcast %select_n3A_2370 : vector<16x1xf32> to vector<16x768xf32>
    %add3A_2380 = arith.addf %get3A_2378, %add3A_2379 : vector<16x768xf32>
    %mul3A_2381 = vector.broadcast %mul3A_2373 : vector<16x1xf32> to vector<16x768xf32>
    %mul3A_2382 = arith.mulf %add3A_2380, %mul3A_2381 : vector<16x768xf32>
    %eq3A_2383 = vector.broadcast %select_n3A_2333 : vector<16x1xi32> to vector<16x16xi32>
    %eq3A_2384 = vector.broadcast %select_n3A_2338 : vector<1x16xi32> to vector<16x16xi32>
    %eq3A_2385 = arith.cmpi eq, %eq3A_2383, %eq3A_2384 : vector<16x16xi32>
    %convert_element_type3A_2386 = arith.extui %eq3A_2385 : vector<16x16xi1> to vector<16x16xi32>
    %convert_element_type3A_2387 = arith.sitofp %convert_element_type3A_2386 : vector<16x16xi32> to vector<16x16xf32>
    %dot_general3A_2388 = arith.constant dense<0.000000e+00> : vector<16x768xf32>
    %dot_general3A_2389 = tpu.matmul %convert_element_type3A_2387, %mul3A_2382, %dot_general3A_2388 {dimension_numbers = #tpu.dot_dimension_numbers<[1], [0], [0], [1], [0, 0, 1, 1], [], []>, precision = #tpu.contract_precision<fp32>, transpose_lhs_hint = false} : vector<16x16xf32>, vector<16x768xf32>, vector<16x768xf32> -> vector<16x768xf32>
    %swap3A_2390 = arith.constant 2 : index
    %swap3A_2391 = arith.constant 0 : index
    %swap3A_2392 = arith.constant 0 : index
    %swap3A_2393 = vector.load %arg9[%swap3A_2390, %swap3A_2391, %swap3A_2392] : memref<4x16x768xf32, #tpu.memory_space<vmem>>, vector<1x16x768xf32>
    %swap3A_2394 = vector.shape_cast %swap3A_2393 : vector<1x16x768xf32> to vector<16x768xf32>
    %swap3A_2395 = vector.shape_cast %dot_general3A_2389 : vector<16x768xf32> to vector<1x16x768xf32>
    tpu.vector_store %arg9[%swap3A_2390, %swap3A_2391, %swap3A_2392], %swap3A_2395 {strides = array<i32>} : memref<4x16x768xf32, #tpu.memory_space<vmem>>, vector<1x16x768xf32>,
    %broadcast_in_dim3A_2396 = arith.constant 0 : i32
    %broadcast_in_dim3A_2397 = vector.broadcast %broadcast_in_dim3A_2396 : i32 to vector<16x1xi32>
    %broadcast_in_dim3A_2398 = arith.constant 0 : i32
    %broadcast_in_dim3A_2399 = vector.broadcast %broadcast_in_dim3A_2398 : i32 to vector<1x16xi32>
    %broadcast_in_dim3A_2400 = arith.constant 0.000000e+00 : f32
    %broadcast_in_dim3A_2401 = vector.broadcast %broadcast_in_dim3A_2400 : f32 to vector<16x1xf32>
    %broadcast_in_dim3A_2402 = arith.constant 0.000000e+00 : f32
    %broadcast_in_dim3A_2403 = vector.broadcast %broadcast_in_dim3A_2402 : f32 to vector<16x1xf32>
    %broadcast_in_dim3A_2404 = arith.constant 0.000000e+00 : f32
    %broadcast_in_dim3A_2405 = vector.broadcast %broadcast_in_dim3A_2404 : f32 to vector<16x1xf32>
    %broadcast_in_dim3A_2406 = arith.constant 0.000000e+00 : f32
    %broadcast_in_dim3A_2407 = vector.broadcast %broadcast_in_dim3A_2406 : f32 to vector<16x1xf32>
    %get3A_2408 = arith.constant 3 : index
    %get3A_2409 = arith.constant 0 : index
    %get3A_2410 = memref.load %arg1[%get3A_2408, %get3A_2409] : memref<32x16xi32, #tpu.memory_space<smem>>
    %eq3A_2411 = arith.constant 0 : i32
    %eq3A_2412 = vector.broadcast %eq3A_2411 : i32 to vector<16x1xi32>
    %eq3A_2413 = arith.cmpi eq, %iota3A, %eq3A_2412 : vector<16x1xi32>
    %broadcast_in_dim3A_2414 = vector.broadcast %get3A_2410 : i32 to vector<16x1xi32>
    %select_n3A_2415 = arith.select %eq3A_2413, %broadcast_in_dim3A_2414, %broadcast_in_dim3A_2397 : vector<16x1xi1>, vector<16x1xi32>
    %eq3A_2416 = arith.constant 0 : i32
    %eq3A_2417 = vector.broadcast %eq3A_2416 : i32 to vector<1x16xi32>
    %eq3A_2418 = arith.cmpi eq, %iota3A_132, %eq3A_2417 : vector<1x16xi32>
    %broadcast_in_dim3A_2419 = vector.broadcast %get3A_2410 : i32 to vector<1x16xi32>
    %select_n3A_2420 = arith.select %eq3A_2418, %broadcast_in_dim3A_2419, %broadcast_in_dim3A_2399 : vector<1x16xi1>, vector<1x16xi32>
    %eq3A_2421 = arith.constant 0 : i32
    %eq3A_2422 = vector.broadcast %eq3A_2421 : i32 to vector<16x1xi32>
    %eq3A_2423 = arith.cmpi eq, %iota3A, %eq3A_2422 : vector<16x1xi32>
    %get3A_2424 = arith.constant 24 : index
    %get3A_2425 = arith.constant 0 : index
    %get3A_2426 = memref.load %arg3[%get3A_2424, %get3A_2425] : memref<32x2xf32, #tpu.memory_space<smem>>
    %broadcast_in_dim3A_2427 = vector.broadcast %get3A_2426 : f32 to vector<16x1xf32>
    %select_n3A_2428 = arith.select %eq3A_2423, %broadcast_in_dim3A_2427, %broadcast_in_dim3A_2401 : vector<16x1xi1>, vector<16x1xf32>
    %eq3A_2429 = arith.constant 0 : i32
    %eq3A_2430 = vector.broadcast %eq3A_2429 : i32 to vector<16x1xi32>
    %eq3A_2431 = arith.cmpi eq, %iota3A, %eq3A_2430 : vector<16x1xi32>
    %get3A_2432 = arith.constant 24 : index
    %get3A_2433 = arith.constant 1 : index
    %get3A_2434 = memref.load %arg3[%get3A_2432, %get3A_2433] : memref<32x2xf32, #tpu.memory_space<smem>>
    %broadcast_in_dim3A_2435 = vector.broadcast %get3A_2434 : f32 to vector<16x1xf32>
    %select_n3A_2436 = arith.select %eq3A_2431, %broadcast_in_dim3A_2435, %broadcast_in_dim3A_2403 : vector<16x1xi1>, vector<16x1xf32>
    %eq3A_2437 = arith.constant 0 : i32
    %eq3A_2438 = vector.broadcast %eq3A_2437 : i32 to vector<16x1xi32>
    %eq3A_2439 = arith.cmpi eq, %iota3A, %eq3A_2438 : vector<16x1xi32>
    %get3A_2440 = arith.constant 3 : index
    %get3A_2441 = arith.constant 0 : index
    %get3A_2442 = memref.load %arg2[%get3A_2440, %get3A_2441] : memref<32x16xf32, #tpu.memory_space<smem>>
    %broadcast_in_dim3A_2443 = vector.broadcast %get3A_2442 : f32 to vector<16x1xf32>
    %select_n3A_2444 = arith.select %eq3A_2439, %broadcast_in_dim3A_2443, %broadcast_in_dim3A_2405 : vector<16x1xi1>, vector<16x1xf32>
    %eq3A_2445 = arith.constant 0 : i32
    %eq3A_2446 = vector.broadcast %eq3A_2445 : i32 to vector<16x1xi32>
    %eq3A_2447 = arith.cmpi eq, %iota3A, %eq3A_2446 : vector<16x1xi32>
    %get3A_2448 = arith.constant 0 : index
    %get3A_2449 = arith.constant 0 : index
    %get3A_2450 = memref.load %arg4[%get3A_2448, %get3A_2449] : memref<8x1xf32, #tpu.memory_space<smem>>
    %broadcast_in_dim3A_2451 = vector.broadcast %get3A_2450 : f32 to vector<16x1xf32>
    %select_n3A_2452 = arith.select %eq3A_2447, %broadcast_in_dim3A_2451, %broadcast_in_dim3A_2407 : vector<16x1xi1>, vector<16x1xf32>
    %get3A_2453 = arith.constant 3 : index
    %get3A_2454 = arith.constant 1 : index
    %get3A_2455 = memref.load %arg1[%get3A_2453, %get3A_2454] : memref<32x16xi32, #tpu.memory_space<smem>>
    %eq3A_2456 = arith.constant 1 : i32
    %eq3A_2457 = vector.broadcast %eq3A_2456 : i32 to vector<16x1xi32>
    %eq3A_2458 = arith.cmpi eq, %iota3A, %eq3A_2457 : vector<16x1xi32>
    %broadcast_in_dim3A_2459 = vector.broadcast %get3A_2455 : i32 to vector<16x1xi32>
    %select_n3A_2460 = arith.select %eq3A_2458, %broadcast_in_dim3A_2459, %select_n3A_2415 : vector<16x1xi1>, vector<16x1xi32>
    %eq3A_2461 = arith.constant 1 : i32
    %eq3A_2462 = vector.broadcast %eq3A_2461 : i32 to vector<1x16xi32>
    %eq3A_2463 = arith.cmpi eq, %iota3A_132, %eq3A_2462 : vector<1x16xi32>
    %broadcast_in_dim3A_2464 = vector.broadcast %get3A_2455 : i32 to vector<1x16xi32>
    %select_n3A_2465 = arith.select %eq3A_2463, %broadcast_in_dim3A_2464, %select_n3A_2420 : vector<1x16xi1>, vector<1x16xi32>
    %eq3A_2466 = arith.constant 1 : i32
    %eq3A_2467 = vector.broadcast %eq3A_2466 : i32 to vector<16x1xi32>
    %eq3A_2468 = arith.cmpi eq, %iota3A, %eq3A_2467 : vector<16x1xi32>
    %get3A_2469 = arith.constant 24 : index
    %get3A_2470 = arith.constant 0 : index
    %get3A_2471 = memref.load %arg3[%get3A_2469, %get3A_2470] : memref<32x2xf32, #tpu.memory_space<smem>>
    %broadcast_in_dim3A_2472 = vector.broadcast %get3A_2471 : f32 to vector<16x1xf32>
    %select_n3A_2473 = arith.select %eq3A_2468, %broadcast_in_dim3A_2472, %select_n3A_2428 : vector<16x1xi1>, vector<16x1xf32>
    %eq3A_2474 = arith.constant 1 : i32
    %eq3A_2475 = vector.broadcast %eq3A_2474 : i32 to vector<16x1xi32>
    %eq3A_2476 = arith.cmpi eq, %iota3A, %eq3A_2475 : vector<16x1xi32>
    %get3A_2477 = arith.constant 24 : index
    %get3A_2478 = arith.constant 1 : index
    %get3A_2479 = memref.load %arg3[%get3A_2477, %get3A_2478] : memref<32x2xf32, #tpu.memory_space<smem>>
    %broadcast_in_dim3A_2480 = vector.broadcast %get3A_2479 : f32 to vector<16x1xf32>
    %select_n3A_2481 = arith.select %eq3A_2476, %broadcast_in_dim3A_2480, %select_n3A_2436 : vector<16x1xi1>, vector<16x1xf32>
    %eq3A_2482 = arith.constant 1 : i32
    %eq3A_2483 = vector.broadcast %eq3A_2482 : i32 to vector<16x1xi32>
    %eq3A_2484 = arith.cmpi eq, %iota3A, %eq3A_2483 : vector<16x1xi32>
    %get3A_2485 = arith.constant 3 : index
    %get3A_2486 = arith.constant 1 : index
    %get3A_2487 = memref.load %arg2[%get3A_2485, %get3A_2486] : memref<32x16xf32, #tpu.memory_space<smem>>
    %broadcast_in_dim3A_2488 = vector.broadcast %get3A_2487 : f32 to vector<16x1xf32>
    %select_n3A_2489 = arith.select %eq3A_2484, %broadcast_in_dim3A_2488, %select_n3A_2444 : vector<16x1xi1>, vector<16x1xf32>
    %eq3A_2490 = arith.constant 1 : i32
    %eq3A_2491 = vector.broadcast %eq3A_2490 : i32 to vector<16x1xi32>
    %eq3A_2492 = arith.cmpi eq, %iota3A, %eq3A_2491 : vector<16x1xi32>
    %get3A_2493 = arith.constant 0 : index
    %get3A_2494 = arith.constant 0 : index
    %get3A_2495 = memref.load %arg4[%get3A_2493, %get3A_2494] : memref<8x1xf32, #tpu.memory_space<smem>>
    %broadcast_in_dim3A_2496 = vector.broadcast %get3A_2495 : f32 to vector<16x1xf32>
    %select_n3A_2497 = arith.select %eq3A_2492, %broadcast_in_dim3A_2496, %select_n3A_2452 : vector<16x1xi1>, vector<16x1xf32>
    %get3A_2498 = arith.constant 7 : index
    %get3A_2499 = arith.constant 0 : index
    %get3A_2500 = memref.load %arg1[%get3A_2498, %get3A_2499] : memref<32x16xi32, #tpu.memory_space<smem>>
    %eq3A_2501 = arith.constant 2 : i32
    %eq3A_2502 = vector.broadcast %eq3A_2501 : i32 to vector<16x1xi32>
    %eq3A_2503 = arith.cmpi eq, %iota3A, %eq3A_2502 : vector<16x1xi32>
    %broadcast_in_dim3A_2504 = vector.broadcast %get3A_2500 : i32 to vector<16x1xi32>
    %select_n3A_2505 = arith.select %eq3A_2503, %broadcast_in_dim3A_2504, %select_n3A_2460 : vector<16x1xi1>, vector<16x1xi32>
    %eq3A_2506 = arith.constant 2 : i32
    %eq3A_2507 = vector.broadcast %eq3A_2506 : i32 to vector<1x16xi32>
    %eq3A_2508 = arith.cmpi eq, %iota3A_132, %eq3A_2507 : vector<1x16xi32>
    %broadcast_in_dim3A_2509 = vector.broadcast %get3A_2500 : i32 to vector<1x16xi32>
    %select_n3A_2510 = arith.select %eq3A_2508, %broadcast_in_dim3A_2509, %select_n3A_2465 : vector<1x16xi1>, vector<1x16xi32>
    %eq3A_2511 = arith.constant 2 : i32
    %eq3A_2512 = vector.broadcast %eq3A_2511 : i32 to vector<16x1xi32>
    %eq3A_2513 = arith.cmpi eq, %iota3A, %eq3A_2512 : vector<16x1xi32>
    %get3A_2514 = arith.constant 25 : index
    %get3A_2515 = arith.constant 0 : index
    %get3A_2516 = memref.load %arg3[%get3A_2514, %get3A_2515] : memref<32x2xf32, #tpu.memory_space<smem>>
    %broadcast_in_dim3A_2517 = vector.broadcast %get3A_2516 : f32 to vector<16x1xf32>
    %select_n3A_2518 = arith.select %eq3A_2513, %broadcast_in_dim3A_2517, %select_n3A_2473 : vector<16x1xi1>, vector<16x1xf32>
    %eq3A_2519 = arith.constant 2 : i32
    %eq3A_2520 = vector.broadcast %eq3A_2519 : i32 to vector<16x1xi32>
    %eq3A_2521 = arith.cmpi eq, %iota3A, %eq3A_2520 : vector<16x1xi32>
    %get3A_2522 = arith.constant 25 : index
    %get3A_2523 = arith.constant 1 : index
    %get3A_2524 = memref.load %arg3[%get3A_2522, %get3A_2523] : memref<32x2xf32, #tpu.memory_space<smem>>
    %broadcast_in_dim3A_2525 = vector.broadcast %get3A_2524 : f32 to vector<16x1xf32>
    %select_n3A_2526 = arith.select %eq3A_2521, %broadcast_in_dim3A_2525, %select_n3A_2481 : vector<16x1xi1>, vector<16x1xf32>
    %eq3A_2527 = arith.constant 2 : i32
    %eq3A_2528 = vector.broadcast %eq3A_2527 : i32 to vector<16x1xi32>
    %eq3A_2529 = arith.cmpi eq, %iota3A, %eq3A_2528 : vector<16x1xi32>
    %get3A_2530 = arith.constant 7 : index
    %get3A_2531 = arith.constant 0 : index
    %get3A_2532 = memref.load %arg2[%get3A_2530, %get3A_2531] : memref<32x16xf32, #tpu.memory_space<smem>>
    %broadcast_in_dim3A_2533 = vector.broadcast %get3A_2532 : f32 to vector<16x1xf32>
    %select_n3A_2534 = arith.select %eq3A_2529, %broadcast_in_dim3A_2533, %select_n3A_2489 : vector<16x1xi1>, vector<16x1xf32>
    %eq3A_2535 = arith.constant 2 : i32
    %eq3A_2536 = vector.broadcast %eq3A_2535 : i32 to vector<16x1xi32>
    %eq3A_2537 = arith.cmpi eq, %iota3A, %eq3A_2536 : vector<16x1xi32>
    %get3A_2538 = arith.constant 1 : index
    %get3A_2539 = arith.constant 0 : index
    %get3A_2540 = memref.load %arg4[%get3A_2538, %get3A_2539] : memref<8x1xf32, #tpu.memory_space<smem>>
    %broadcast_in_dim3A_2541 = vector.broadcast %get3A_2540 : f32 to vector<16x1xf32>
    %select_n3A_2542 = arith.select %eq3A_2537, %broadcast_in_dim3A_2541, %select_n3A_2497 : vector<16x1xi1>, vector<16x1xf32>
    %get3A_2543 = arith.constant 7 : index
    %get3A_2544 = arith.constant 1 : index
    %get3A_2545 = memref.load %arg1[%get3A_2543, %get3A_2544] : memref<32x16xi32, #tpu.memory_space<smem>>
    %eq3A_2546 = arith.constant 3 : i32
    %eq3A_2547 = vector.broadcast %eq3A_2546 : i32 to vector<16x1xi32>
    %eq3A_2548 = arith.cmpi eq, %iota3A, %eq3A_2547 : vector<16x1xi32>
    %broadcast_in_dim3A_2549 = vector.broadcast %get3A_2545 : i32 to vector<16x1xi32>
    %select_n3A_2550 = arith.select %eq3A_2548, %broadcast_in_dim3A_2549, %select_n3A_2505 : vector<16x1xi1>, vector<16x1xi32>
    %eq3A_2551 = arith.constant 3 : i32
    %eq3A_2552 = vector.broadcast %eq3A_2551 : i32 to vector<1x16xi32>
    %eq3A_2553 = arith.cmpi eq, %iota3A_132, %eq3A_2552 : vector<1x16xi32>
    %broadcast_in_dim3A_2554 = vector.broadcast %get3A_2545 : i32 to vector<1x16xi32>
    %select_n3A_2555 = arith.select %eq3A_2553, %broadcast_in_dim3A_2554, %select_n3A_2510 : vector<1x16xi1>, vector<1x16xi32>
    %eq3A_2556 = arith.constant 3 : i32
    %eq3A_2557 = vector.broadcast %eq3A_2556 : i32 to vector<16x1xi32>
    %eq3A_2558 = arith.cmpi eq, %iota3A, %eq3A_2557 : vector<16x1xi32>
    %get3A_2559 = arith.constant 25 : index
    %get3A_2560 = arith.constant 0 : index
    %get3A_2561 = memref.load %arg3[%get3A_2559, %get3A_2560] : memref<32x2xf32, #tpu.memory_space<smem>>
    %broadcast_in_dim3A_2562 = vector.broadcast %get3A_2561 : f32 to vector<16x1xf32>
    %select_n3A_2563 = arith.select %eq3A_2558, %broadcast_in_dim3A_2562, %select_n3A_2518 : vector<16x1xi1>, vector<16x1xf32>
    %eq3A_2564 = arith.constant 3 : i32
    %eq3A_2565 = vector.broadcast %eq3A_2564 : i32 to vector<16x1xi32>
    %eq3A_2566 = arith.cmpi eq, %iota3A, %eq3A_2565 : vector<16x1xi32>
    %get3A_2567 = arith.constant 25 : index
    %get3A_2568 = arith.constant 1 : index
    %get3A_2569 = memref.load %arg3[%get3A_2567, %get3A_2568] : memref<32x2xf32, #tpu.memory_space<smem>>
    %broadcast_in_dim3A_2570 = vector.broadcast %get3A_2569 : f32 to vector<16x1xf32>
    %select_n3A_2571 = arith.select %eq3A_2566, %broadcast_in_dim3A_2570, %select_n3A_2526 : vector<16x1xi1>, vector<16x1xf32>
    %eq3A_2572 = arith.constant 3 : i32
    %eq3A_2573 = vector.broadcast %eq3A_2572 : i32 to vector<16x1xi32>
    %eq3A_2574 = arith.cmpi eq, %iota3A, %eq3A_2573 : vector<16x1xi32>
    %get3A_2575 = arith.constant 7 : index
    %get3A_2576 = arith.constant 1 : index
    %get3A_2577 = memref.load %arg2[%get3A_2575, %get3A_2576] : memref<32x16xf32, #tpu.memory_space<smem>>
    %broadcast_in_dim3A_2578 = vector.broadcast %get3A_2577 : f32 to vector<16x1xf32>
    %select_n3A_2579 = arith.select %eq3A_2574, %broadcast_in_dim3A_2578, %select_n3A_2534 : vector<16x1xi1>, vector<16x1xf32>
    %eq3A_2580 = arith.constant 3 : i32
    %eq3A_2581 = vector.broadcast %eq3A_2580 : i32 to vector<16x1xi32>
    %eq3A_2582 = arith.cmpi eq, %iota3A, %eq3A_2581 : vector<16x1xi32>
    %get3A_2583 = arith.constant 1 : index
    %get3A_2584 = arith.constant 0 : index
    %get3A_2585 = memref.load %arg4[%get3A_2583, %get3A_2584] : memref<8x1xf32, #tpu.memory_space<smem>>
    %broadcast_in_dim3A_2586 = vector.broadcast %get3A_2585 : f32 to vector<16x1xf32>
    %select_n3A_2587 = arith.select %eq3A_2582, %broadcast_in_dim3A_2586, %select_n3A_2542 : vector<16x1xi1>, vector<16x1xf32>
    %get3A_2588 = arith.constant 11 : index
    %get3A_2589 = arith.constant 0 : index
    %get3A_2590 = memref.load %arg1[%get3A_2588, %get3A_2589] : memref<32x16xi32, #tpu.memory_space<smem>>
    %eq3A_2591 = arith.constant 4 : i32
    %eq3A_2592 = vector.broadcast %eq3A_2591 : i32 to vector<16x1xi32>
    %eq3A_2593 = arith.cmpi eq, %iota3A, %eq3A_2592 : vector<16x1xi32>
    %broadcast_in_dim3A_2594 = vector.broadcast %get3A_2590 : i32 to vector<16x1xi32>
    %select_n3A_2595 = arith.select %eq3A_2593, %broadcast_in_dim3A_2594, %select_n3A_2550 : vector<16x1xi1>, vector<16x1xi32>
    %eq3A_2596 = arith.constant 4 : i32
    %eq3A_2597 = vector.broadcast %eq3A_2596 : i32 to vector<1x16xi32>
    %eq3A_2598 = arith.cmpi eq, %iota3A_132, %eq3A_2597 : vector<1x16xi32>
    %broadcast_in_dim3A_2599 = vector.broadcast %get3A_2590 : i32 to vector<1x16xi32>
    %select_n3A_2600 = arith.select %eq3A_2598, %broadcast_in_dim3A_2599, %select_n3A_2555 : vector<1x16xi1>, vector<1x16xi32>
    %eq3A_2601 = arith.constant 4 : i32
    %eq3A_2602 = vector.broadcast %eq3A_2601 : i32 to vector<16x1xi32>
    %eq3A_2603 = arith.cmpi eq, %iota3A, %eq3A_2602 : vector<16x1xi32>
    %get3A_2604 = arith.constant 26 : index
    %get3A_2605 = arith.constant 0 : index
    %get3A_2606 = memref.load %arg3[%get3A_2604, %get3A_2605] : memref<32x2xf32, #tpu.memory_space<smem>>
    %broadcast_in_dim3A_2607 = vector.broadcast %get3A_2606 : f32 to vector<16x1xf32>
    %select_n3A_2608 = arith.select %eq3A_2603, %broadcast_in_dim3A_2607, %select_n3A_2563 : vector<16x1xi1>, vector<16x1xf32>
    %eq3A_2609 = arith.constant 4 : i32
    %eq3A_2610 = vector.broadcast %eq3A_2609 : i32 to vector<16x1xi32>
    %eq3A_2611 = arith.cmpi eq, %iota3A, %eq3A_2610 : vector<16x1xi32>
    %get3A_2612 = arith.constant 26 : index
    %get3A_2613 = arith.constant 1 : index
    %get3A_2614 = memref.load %arg3[%get3A_2612, %get3A_2613] : memref<32x2xf32, #tpu.memory_space<smem>>
    %broadcast_in_dim3A_2615 = vector.broadcast %get3A_2614 : f32 to vector<16x1xf32>
    %select_n3A_2616 = arith.select %eq3A_2611, %broadcast_in_dim3A_2615, %select_n3A_2571 : vector<16x1xi1>, vector<16x1xf32>
    %eq3A_2617 = arith.constant 4 : i32
    %eq3A_2618 = vector.broadcast %eq3A_2617 : i32 to vector<16x1xi32>
    %eq3A_2619 = arith.cmpi eq, %iota3A, %eq3A_2618 : vector<16x1xi32>
    %get3A_2620 = arith.constant 11 : index
    %get3A_2621 = arith.constant 0 : index
    %get3A_2622 = memref.load %arg2[%get3A_2620, %get3A_2621] : memref<32x16xf32, #tpu.memory_space<smem>>
    %broadcast_in_dim3A_2623 = vector.broadcast %get3A_2622 : f32 to vector<16x1xf32>
    %select_n3A_2624 = arith.select %eq3A_2619, %broadcast_in_dim3A_2623, %select_n3A_2579 : vector<16x1xi1>, vector<16x1xf32>
    %eq3A_2625 = arith.constant 4 : i32
    %eq3A_2626 = vector.broadcast %eq3A_2625 : i32 to vector<16x1xi32>
    %eq3A_2627 = arith.cmpi eq, %iota3A, %eq3A_2626 : vector<16x1xi32>
    %get3A_2628 = arith.constant 2 : index
    %get3A_2629 = arith.constant 0 : index
    %get3A_2630 = memref.load %arg4[%get3A_2628, %get3A_2629] : memref<8x1xf32, #tpu.memory_space<smem>>
    %broadcast_in_dim3A_2631 = vector.broadcast %get3A_2630 : f32 to vector<16x1xf32>
    %select_n3A_2632 = arith.select %eq3A_2627, %broadcast_in_dim3A_2631, %select_n3A_2587 : vector<16x1xi1>, vector<16x1xf32>
    %get3A_2633 = arith.constant 11 : index
    %get3A_2634 = arith.constant 1 : index
    %get3A_2635 = memref.load %arg1[%get3A_2633, %get3A_2634] : memref<32x16xi32, #tpu.memory_space<smem>>
    %eq3A_2636 = arith.constant 5 : i32
    %eq3A_2637 = vector.broadcast %eq3A_2636 : i32 to vector<16x1xi32>
    %eq3A_2638 = arith.cmpi eq, %iota3A, %eq3A_2637 : vector<16x1xi32>
    %broadcast_in_dim3A_2639 = vector.broadcast %get3A_2635 : i32 to vector<16x1xi32>
    %select_n3A_2640 = arith.select %eq3A_2638, %broadcast_in_dim3A_2639, %select_n3A_2595 : vector<16x1xi1>, vector<16x1xi32>
    %eq3A_2641 = arith.constant 5 : i32
    %eq3A_2642 = vector.broadcast %eq3A_2641 : i32 to vector<1x16xi32>
    %eq3A_2643 = arith.cmpi eq, %iota3A_132, %eq3A_2642 : vector<1x16xi32>
    %broadcast_in_dim3A_2644 = vector.broadcast %get3A_2635 : i32 to vector<1x16xi32>
    %select_n3A_2645 = arith.select %eq3A_2643, %broadcast_in_dim3A_2644, %select_n3A_2600 : vector<1x16xi1>, vector<1x16xi32>
    %eq3A_2646 = arith.constant 5 : i32
    %eq3A_2647 = vector.broadcast %eq3A_2646 : i32 to vector<16x1xi32>
    %eq3A_2648 = arith.cmpi eq, %iota3A, %eq3A_2647 : vector<16x1xi32>
    %get3A_2649 = arith.constant 26 : index
    %get3A_2650 = arith.constant 0 : index
    %get3A_2651 = memref.load %arg3[%get3A_2649, %get3A_2650] : memref<32x2xf32, #tpu.memory_space<smem>>
    %broadcast_in_dim3A_2652 = vector.broadcast %get3A_2651 : f32 to vector<16x1xf32>
    %select_n3A_2653 = arith.select %eq3A_2648, %broadcast_in_dim3A_2652, %select_n3A_2608 : vector<16x1xi1>, vector<16x1xf32>
    %eq3A_2654 = arith.constant 5 : i32
    %eq3A_2655 = vector.broadcast %eq3A_2654 : i32 to vector<16x1xi32>
    %eq3A_2656 = arith.cmpi eq, %iota3A, %eq3A_2655 : vector<16x1xi32>
    %get3A_2657 = arith.constant 26 : index
    %get3A_2658 = arith.constant 1 : index
    %get3A_2659 = memref.load %arg3[%get3A_2657, %get3A_2658] : memref<32x2xf32, #tpu.memory_space<smem>>
    %broadcast_in_dim3A_2660 = vector.broadcast %get3A_2659 : f32 to vector<16x1xf32>
    %select_n3A_2661 = arith.select %eq3A_2656, %broadcast_in_dim3A_2660, %select_n3A_2616 : vector<16x1xi1>, vector<16x1xf32>
    %eq3A_2662 = arith.constant 5 : i32
    %eq3A_2663 = vector.broadcast %eq3A_2662 : i32 to vector<16x1xi32>
    %eq3A_2664 = arith.cmpi eq, %iota3A, %eq3A_2663 : vector<16x1xi32>
    %get3A_2665 = arith.constant 11 : index
    %get3A_2666 = arith.constant 1 : index
    %get3A_2667 = memref.load %arg2[%get3A_2665, %get3A_2666] : memref<32x16xf32, #tpu.memory_space<smem>>
    %broadcast_in_dim3A_2668 = vector.broadcast %get3A_2667 : f32 to vector<16x1xf32>
    %select_n3A_2669 = arith.select %eq3A_2664, %broadcast_in_dim3A_2668, %select_n3A_2624 : vector<16x1xi1>, vector<16x1xf32>
    %eq3A_2670 = arith.constant 5 : i32
    %eq3A_2671 = vector.broadcast %eq3A_2670 : i32 to vector<16x1xi32>
    %eq3A_2672 = arith.cmpi eq, %iota3A, %eq3A_2671 : vector<16x1xi32>
    %get3A_2673 = arith.constant 2 : index
    %get3A_2674 = arith.constant 0 : index
    %get3A_2675 = memref.load %arg4[%get3A_2673, %get3A_2674] : memref<8x1xf32, #tpu.memory_space<smem>>
    %broadcast_in_dim3A_2676 = vector.broadcast %get3A_2675 : f32 to vector<16x1xf32>
    %select_n3A_2677 = arith.select %eq3A_2672, %broadcast_in_dim3A_2676, %select_n3A_2632 : vector<16x1xi1>, vector<16x1xf32>
    %get3A_2678 = arith.constant 15 : index
    %get3A_2679 = arith.constant 0 : index
    %get3A_2680 = memref.load %arg1[%get3A_2678, %get3A_2679] : memref<32x16xi32, #tpu.memory_space<smem>>
    %eq3A_2681 = arith.constant 6 : i32
    %eq3A_2682 = vector.broadcast %eq3A_2681 : i32 to vector<16x1xi32>
    %eq3A_2683 = arith.cmpi eq, %iota3A, %eq3A_2682 : vector<16x1xi32>
    %broadcast_in_dim3A_2684 = vector.broadcast %get3A_2680 : i32 to vector<16x1xi32>
    %select_n3A_2685 = arith.select %eq3A_2683, %broadcast_in_dim3A_2684, %select_n3A_2640 : vector<16x1xi1>, vector<16x1xi32>
    %eq3A_2686 = arith.constant 6 : i32
    %eq3A_2687 = vector.broadcast %eq3A_2686 : i32 to vector<1x16xi32>
    %eq3A_2688 = arith.cmpi eq, %iota3A_132, %eq3A_2687 : vector<1x16xi32>
    %broadcast_in_dim3A_2689 = vector.broadcast %get3A_2680 : i32 to vector<1x16xi32>
    %select_n3A_2690 = arith.select %eq3A_2688, %broadcast_in_dim3A_2689, %select_n3A_2645 : vector<1x16xi1>, vector<1x16xi32>
    %eq3A_2691 = arith.constant 6 : i32
    %eq3A_2692 = vector.broadcast %eq3A_2691 : i32 to vector<16x1xi32>
    %eq3A_2693 = arith.cmpi eq, %iota3A, %eq3A_2692 : vector<16x1xi32>
    %get3A_2694 = arith.constant 27 : index
    %get3A_2695 = arith.constant 0 : index
    %get3A_2696 = memref.load %arg3[%get3A_2694, %get3A_2695] : memref<32x2xf32, #tpu.memory_space<smem>>
    %broadcast_in_dim3A_2697 = vector.broadcast %get3A_2696 : f32 to vector<16x1xf32>
    %select_n3A_2698 = arith.select %eq3A_2693, %broadcast_in_dim3A_2697, %select_n3A_2653 : vector<16x1xi1>, vector<16x1xf32>
    %eq3A_2699 = arith.constant 6 : i32
    %eq3A_2700 = vector.broadcast %eq3A_2699 : i32 to vector<16x1xi32>
    %eq3A_2701 = arith.cmpi eq, %iota3A, %eq3A_2700 : vector<16x1xi32>
    %get3A_2702 = arith.constant 27 : index
    %get3A_2703 = arith.constant 1 : index
    %get3A_2704 = memref.load %arg3[%get3A_2702, %get3A_2703] : memref<32x2xf32, #tpu.memory_space<smem>>
    %broadcast_in_dim3A_2705 = vector.broadcast %get3A_2704 : f32 to vector<16x1xf32>
    %select_n3A_2706 = arith.select %eq3A_2701, %broadcast_in_dim3A_2705, %select_n3A_2661 : vector<16x1xi1>, vector<16x1xf32>
    %eq3A_2707 = arith.constant 6 : i32
    %eq3A_2708 = vector.broadcast %eq3A_2707 : i32 to vector<16x1xi32>
    %eq3A_2709 = arith.cmpi eq, %iota3A, %eq3A_2708 : vector<16x1xi32>
    %get3A_2710 = arith.constant 15 : index
    %get3A_2711 = arith.constant 0 : index
    %get3A_2712 = memref.load %arg2[%get3A_2710, %get3A_2711] : memref<32x16xf32, #tpu.memory_space<smem>>
    %broadcast_in_dim3A_2713 = vector.broadcast %get3A_2712 : f32 to vector<16x1xf32>
    %select_n3A_2714 = arith.select %eq3A_2709, %broadcast_in_dim3A_2713, %select_n3A_2669 : vector<16x1xi1>, vector<16x1xf32>
    %eq3A_2715 = arith.constant 6 : i32
    %eq3A_2716 = vector.broadcast %eq3A_2715 : i32 to vector<16x1xi32>
    %eq3A_2717 = arith.cmpi eq, %iota3A, %eq3A_2716 : vector<16x1xi32>
    %get3A_2718 = arith.constant 3 : index
    %get3A_2719 = arith.constant 0 : index
    %get3A_2720 = memref.load %arg4[%get3A_2718, %get3A_2719] : memref<8x1xf32, #tpu.memory_space<smem>>
    %broadcast_in_dim3A_2721 = vector.broadcast %get3A_2720 : f32 to vector<16x1xf32>
    %select_n3A_2722 = arith.select %eq3A_2717, %broadcast_in_dim3A_2721, %select_n3A_2677 : vector<16x1xi1>, vector<16x1xf32>
    %get3A_2723 = arith.constant 15 : index
    %get3A_2724 = arith.constant 1 : index
    %get3A_2725 = memref.load %arg1[%get3A_2723, %get3A_2724] : memref<32x16xi32, #tpu.memory_space<smem>>
    %eq3A_2726 = arith.constant 7 : i32
    %eq3A_2727 = vector.broadcast %eq3A_2726 : i32 to vector<16x1xi32>
    %eq3A_2728 = arith.cmpi eq, %iota3A, %eq3A_2727 : vector<16x1xi32>
    %broadcast_in_dim3A_2729 = vector.broadcast %get3A_2725 : i32 to vector<16x1xi32>
    %select_n3A_2730 = arith.select %eq3A_2728, %broadcast_in_dim3A_2729, %select_n3A_2685 : vector<16x1xi1>, vector<16x1xi32>
    %eq3A_2731 = arith.constant 7 : i32
    %eq3A_2732 = vector.broadcast %eq3A_2731 : i32 to vector<1x16xi32>
    %eq3A_2733 = arith.cmpi eq, %iota3A_132, %eq3A_2732 : vector<1x16xi32>
    %broadcast_in_dim3A_2734 = vector.broadcast %get3A_2725 : i32 to vector<1x16xi32>
    %select_n3A_2735 = arith.select %eq3A_2733, %broadcast_in_dim3A_2734, %select_n3A_2690 : vector<1x16xi1>, vector<1x16xi32>
    %eq3A_2736 = arith.constant 7 : i32
    %eq3A_2737 = vector.broadcast %eq3A_2736 : i32 to vector<16x1xi32>
    %eq3A_2738 = arith.cmpi eq, %iota3A, %eq3A_2737 : vector<16x1xi32>
    %get3A_2739 = arith.constant 27 : index
    %get3A_2740 = arith.constant 0 : index
    %get3A_2741 = memref.load %arg3[%get3A_2739, %get3A_2740] : memref<32x2xf32, #tpu.memory_space<smem>>
    %broadcast_in_dim3A_2742 = vector.broadcast %get3A_2741 : f32 to vector<16x1xf32>
    %select_n3A_2743 = arith.select %eq3A_2738, %broadcast_in_dim3A_2742, %select_n3A_2698 : vector<16x1xi1>, vector<16x1xf32>
    %eq3A_2744 = arith.constant 7 : i32
    %eq3A_2745 = vector.broadcast %eq3A_2744 : i32 to vector<16x1xi32>
    %eq3A_2746 = arith.cmpi eq, %iota3A, %eq3A_2745 : vector<16x1xi32>
    %get3A_2747 = arith.constant 27 : index
    %get3A_2748 = arith.constant 1 : index
    %get3A_2749 = memref.load %arg3[%get3A_2747, %get3A_2748] : memref<32x2xf32, #tpu.memory_space<smem>>
    %broadcast_in_dim3A_2750 = vector.broadcast %get3A_2749 : f32 to vector<16x1xf32>
    %select_n3A_2751 = arith.select %eq3A_2746, %broadcast_in_dim3A_2750, %select_n3A_2706 : vector<16x1xi1>, vector<16x1xf32>
    %eq3A_2752 = arith.constant 7 : i32
    %eq3A_2753 = vector.broadcast %eq3A_2752 : i32 to vector<16x1xi32>
    %eq3A_2754 = arith.cmpi eq, %iota3A, %eq3A_2753 : vector<16x1xi32>
    %get3A_2755 = arith.constant 15 : index
    %get3A_2756 = arith.constant 1 : index
    %get3A_2757 = memref.load %arg2[%get3A_2755, %get3A_2756] : memref<32x16xf32, #tpu.memory_space<smem>>
    %broadcast_in_dim3A_2758 = vector.broadcast %get3A_2757 : f32 to vector<16x1xf32>
    %select_n3A_2759 = arith.select %eq3A_2754, %broadcast_in_dim3A_2758, %select_n3A_2714 : vector<16x1xi1>, vector<16x1xf32>
    %eq3A_2760 = arith.constant 7 : i32
    %eq3A_2761 = vector.broadcast %eq3A_2760 : i32 to vector<16x1xi32>
    %eq3A_2762 = arith.cmpi eq, %iota3A, %eq3A_2761 : vector<16x1xi32>
    %get3A_2763 = arith.constant 3 : index
    %get3A_2764 = arith.constant 0 : index
    %get3A_2765 = memref.load %arg4[%get3A_2763, %get3A_2764] : memref<8x1xf32, #tpu.memory_space<smem>>
    %broadcast_in_dim3A_2766 = vector.broadcast %get3A_2765 : f32 to vector<16x1xf32>
    %select_n3A_2767 = arith.select %eq3A_2762, %broadcast_in_dim3A_2766, %select_n3A_2722 : vector<16x1xi1>, vector<16x1xf32>
    %get3A_2768 = arith.constant 19 : index
    %get3A_2769 = arith.constant 0 : index
    %get3A_2770 = memref.load %arg1[%get3A_2768, %get3A_2769] : memref<32x16xi32, #tpu.memory_space<smem>>
    %eq3A_2771 = arith.constant 8 : i32
    %eq3A_2772 = vector.broadcast %eq3A_2771 : i32 to vector<16x1xi32>
    %eq3A_2773 = arith.cmpi eq, %iota3A, %eq3A_2772 : vector<16x1xi32>
    %broadcast_in_dim3A_2774 = vector.broadcast %get3A_2770 : i32 to vector<16x1xi32>
    %select_n3A_2775 = arith.select %eq3A_2773, %broadcast_in_dim3A_2774, %select_n3A_2730 : vector<16x1xi1>, vector<16x1xi32>
    %eq3A_2776 = arith.constant 8 : i32
    %eq3A_2777 = vector.broadcast %eq3A_2776 : i32 to vector<1x16xi32>
    %eq3A_2778 = arith.cmpi eq, %iota3A_132, %eq3A_2777 : vector<1x16xi32>
    %broadcast_in_dim3A_2779 = vector.broadcast %get3A_2770 : i32 to vector<1x16xi32>
    %select_n3A_2780 = arith.select %eq3A_2778, %broadcast_in_dim3A_2779, %select_n3A_2735 : vector<1x16xi1>, vector<1x16xi32>
    %eq3A_2781 = arith.constant 8 : i32
    %eq3A_2782 = vector.broadcast %eq3A_2781 : i32 to vector<16x1xi32>
    %eq3A_2783 = arith.cmpi eq, %iota3A, %eq3A_2782 : vector<16x1xi32>
    %get3A_2784 = arith.constant 28 : index
    %get3A_2785 = arith.constant 0 : index
    %get3A_2786 = memref.load %arg3[%get3A_2784, %get3A_2785] : memref<32x2xf32, #tpu.memory_space<smem>>
    %broadcast_in_dim3A_2787 = vector.broadcast %get3A_2786 : f32 to vector<16x1xf32>
    %select_n3A_2788 = arith.select %eq3A_2783, %broadcast_in_dim3A_2787, %select_n3A_2743 : vector<16x1xi1>, vector<16x1xf32>
    %eq3A_2789 = arith.constant 8 : i32
    %eq3A_2790 = vector.broadcast %eq3A_2789 : i32 to vector<16x1xi32>
    %eq3A_2791 = arith.cmpi eq, %iota3A, %eq3A_2790 : vector<16x1xi32>
    %get3A_2792 = arith.constant 28 : index
    %get3A_2793 = arith.constant 1 : index
    %get3A_2794 = memref.load %arg3[%get3A_2792, %get3A_2793] : memref<32x2xf32, #tpu.memory_space<smem>>
    %broadcast_in_dim3A_2795 = vector.broadcast %get3A_2794 : f32 to vector<16x1xf32>
    %select_n3A_2796 = arith.select %eq3A_2791, %broadcast_in_dim3A_2795, %select_n3A_2751 : vector<16x1xi1>, vector<16x1xf32>
    %eq3A_2797 = arith.constant 8 : i32
    %eq3A_2798 = vector.broadcast %eq3A_2797 : i32 to vector<16x1xi32>
    %eq3A_2799 = arith.cmpi eq, %iota3A, %eq3A_2798 : vector<16x1xi32>
    %get3A_2800 = arith.constant 19 : index
    %get3A_2801 = arith.constant 0 : index
    %get3A_2802 = memref.load %arg2[%get3A_2800, %get3A_2801] : memref<32x16xf32, #tpu.memory_space<smem>>
    %broadcast_in_dim3A_2803 = vector.broadcast %get3A_2802 : f32 to vector<16x1xf32>
    %select_n3A_2804 = arith.select %eq3A_2799, %broadcast_in_dim3A_2803, %select_n3A_2759 : vector<16x1xi1>, vector<16x1xf32>
    %eq3A_2805 = arith.constant 8 : i32
    %eq3A_2806 = vector.broadcast %eq3A_2805 : i32 to vector<16x1xi32>
    %eq3A_2807 = arith.cmpi eq, %iota3A, %eq3A_2806 : vector<16x1xi32>
    %get3A_2808 = arith.constant 4 : index
    %get3A_2809 = arith.constant 0 : index
    %get3A_2810 = memref.load %arg4[%get3A_2808, %get3A_2809] : memref<8x1xf32, #tpu.memory_space<smem>>
    %broadcast_in_dim3A_2811 = vector.broadcast %get3A_2810 : f32 to vector<16x1xf32>
    %select_n3A_2812 = arith.select %eq3A_2807, %broadcast_in_dim3A_2811, %select_n3A_2767 : vector<16x1xi1>, vector<16x1xf32>
    %get3A_2813 = arith.constant 19 : index
    %get3A_2814 = arith.constant 1 : index
    %get3A_2815 = memref.load %arg1[%get3A_2813, %get3A_2814] : memref<32x16xi32, #tpu.memory_space<smem>>
    %eq3A_2816 = arith.constant 9 : i32
    %eq3A_2817 = vector.broadcast %eq3A_2816 : i32 to vector<16x1xi32>
    %eq3A_2818 = arith.cmpi eq, %iota3A, %eq3A_2817 : vector<16x1xi32>
    %broadcast_in_dim3A_2819 = vector.broadcast %get3A_2815 : i32 to vector<16x1xi32>
    %select_n3A_2820 = arith.select %eq3A_2818, %broadcast_in_dim3A_2819, %select_n3A_2775 : vector<16x1xi1>, vector<16x1xi32>
    %eq3A_2821 = arith.constant 9 : i32
    %eq3A_2822 = vector.broadcast %eq3A_2821 : i32 to vector<1x16xi32>
    %eq3A_2823 = arith.cmpi eq, %iota3A_132, %eq3A_2822 : vector<1x16xi32>
    %broadcast_in_dim3A_2824 = vector.broadcast %get3A_2815 : i32 to vector<1x16xi32>
    %select_n3A_2825 = arith.select %eq3A_2823, %broadcast_in_dim3A_2824, %select_n3A_2780 : vector<1x16xi1>, vector<1x16xi32>
    %eq3A_2826 = arith.constant 9 : i32
    %eq3A_2827 = vector.broadcast %eq3A_2826 : i32 to vector<16x1xi32>
    %eq3A_2828 = arith.cmpi eq, %iota3A, %eq3A_2827 : vector<16x1xi32>
    %get3A_2829 = arith.constant 28 : index
    %get3A_2830 = arith.constant 0 : index
    %get3A_2831 = memref.load %arg3[%get3A_2829, %get3A_2830] : memref<32x2xf32, #tpu.memory_space<smem>>
    %broadcast_in_dim3A_2832 = vector.broadcast %get3A_2831 : f32 to vector<16x1xf32>
    %select_n3A_2833 = arith.select %eq3A_2828, %broadcast_in_dim3A_2832, %select_n3A_2788 : vector<16x1xi1>, vector<16x1xf32>
    %eq3A_2834 = arith.constant 9 : i32
    %eq3A_2835 = vector.broadcast %eq3A_2834 : i32 to vector<16x1xi32>
    %eq3A_2836 = arith.cmpi eq, %iota3A, %eq3A_2835 : vector<16x1xi32>
    %get3A_2837 = arith.constant 28 : index
    %get3A_2838 = arith.constant 1 : index
    %get3A_2839 = memref.load %arg3[%get3A_2837, %get3A_2838] : memref<32x2xf32, #tpu.memory_space<smem>>
    %broadcast_in_dim3A_2840 = vector.broadcast %get3A_2839 : f32 to vector<16x1xf32>
    %select_n3A_2841 = arith.select %eq3A_2836, %broadcast_in_dim3A_2840, %select_n3A_2796 : vector<16x1xi1>, vector<16x1xf32>
    %eq3A_2842 = arith.constant 9 : i32
    %eq3A_2843 = vector.broadcast %eq3A_2842 : i32 to vector<16x1xi32>
    %eq3A_2844 = arith.cmpi eq, %iota3A, %eq3A_2843 : vector<16x1xi32>
    %get3A_2845 = arith.constant 19 : index
    %get3A_2846 = arith.constant 1 : index
    %get3A_2847 = memref.load %arg2[%get3A_2845, %get3A_2846] : memref<32x16xf32, #tpu.memory_space<smem>>
    %broadcast_in_dim3A_2848 = vector.broadcast %get3A_2847 : f32 to vector<16x1xf32>
    %select_n3A_2849 = arith.select %eq3A_2844, %broadcast_in_dim3A_2848, %select_n3A_2804 : vector<16x1xi1>, vector<16x1xf32>
    %eq3A_2850 = arith.constant 9 : i32
    %eq3A_2851 = vector.broadcast %eq3A_2850 : i32 to vector<16x1xi32>
    %eq3A_2852 = arith.cmpi eq, %iota3A, %eq3A_2851 : vector<16x1xi32>
    %get3A_2853 = arith.constant 4 : index
    %get3A_2854 = arith.constant 0 : index
    %get3A_2855 = memref.load %arg4[%get3A_2853, %get3A_2854] : memref<8x1xf32, #tpu.memory_space<smem>>
    %broadcast_in_dim3A_2856 = vector.broadcast %get3A_2855 : f32 to vector<16x1xf32>
    %select_n3A_2857 = arith.select %eq3A_2852, %broadcast_in_dim3A_2856, %select_n3A_2812 : vector<16x1xi1>, vector<16x1xf32>
    %get3A_2858 = arith.constant 23 : index
    %get3A_2859 = arith.constant 0 : index
    %get3A_2860 = memref.load %arg1[%get3A_2858, %get3A_2859] : memref<32x16xi32, #tpu.memory_space<smem>>
    %eq3A_2861 = arith.constant 10 : i32
    %eq3A_2862 = vector.broadcast %eq3A_2861 : i32 to vector<16x1xi32>
    %eq3A_2863 = arith.cmpi eq, %iota3A, %eq3A_2862 : vector<16x1xi32>
    %broadcast_in_dim3A_2864 = vector.broadcast %get3A_2860 : i32 to vector<16x1xi32>
    %select_n3A_2865 = arith.select %eq3A_2863, %broadcast_in_dim3A_2864, %select_n3A_2820 : vector<16x1xi1>, vector<16x1xi32>
    %eq3A_2866 = arith.constant 10 : i32
    %eq3A_2867 = vector.broadcast %eq3A_2866 : i32 to vector<1x16xi32>
    %eq3A_2868 = arith.cmpi eq, %iota3A_132, %eq3A_2867 : vector<1x16xi32>
    %broadcast_in_dim3A_2869 = vector.broadcast %get3A_2860 : i32 to vector<1x16xi32>
    %select_n3A_2870 = arith.select %eq3A_2868, %broadcast_in_dim3A_2869, %select_n3A_2825 : vector<1x16xi1>, vector<1x16xi32>
    %eq3A_2871 = arith.constant 10 : i32
    %eq3A_2872 = vector.broadcast %eq3A_2871 : i32 to vector<16x1xi32>
    %eq3A_2873 = arith.cmpi eq, %iota3A, %eq3A_2872 : vector<16x1xi32>
    %get3A_2874 = arith.constant 29 : index
    %get3A_2875 = arith.constant 0 : index
    %get3A_2876 = memref.load %arg3[%get3A_2874, %get3A_2875] : memref<32x2xf32, #tpu.memory_space<smem>>
    %broadcast_in_dim3A_2877 = vector.broadcast %get3A_2876 : f32 to vector<16x1xf32>
    %select_n3A_2878 = arith.select %eq3A_2873, %broadcast_in_dim3A_2877, %select_n3A_2833 : vector<16x1xi1>, vector<16x1xf32>
    %eq3A_2879 = arith.constant 10 : i32
    %eq3A_2880 = vector.broadcast %eq3A_2879 : i32 to vector<16x1xi32>
    %eq3A_2881 = arith.cmpi eq, %iota3A, %eq3A_2880 : vector<16x1xi32>
    %get3A_2882 = arith.constant 29 : index
    %get3A_2883 = arith.constant 1 : index
    %get3A_2884 = memref.load %arg3[%get3A_2882, %get3A_2883] : memref<32x2xf32, #tpu.memory_space<smem>>
    %broadcast_in_dim3A_2885 = vector.broadcast %get3A_2884 : f32 to vector<16x1xf32>
    %select_n3A_2886 = arith.select %eq3A_2881, %broadcast_in_dim3A_2885, %select_n3A_2841 : vector<16x1xi1>, vector<16x1xf32>
    %eq3A_2887 = arith.constant 10 : i32
    %eq3A_2888 = vector.broadcast %eq3A_2887 : i32 to vector<16x1xi32>
    %eq3A_2889 = arith.cmpi eq, %iota3A, %eq3A_2888 : vector<16x1xi32>
    %get3A_2890 = arith.constant 23 : index
    %get3A_2891 = arith.constant 0 : index
    %get3A_2892 = memref.load %arg2[%get3A_2890, %get3A_2891] : memref<32x16xf32, #tpu.memory_space<smem>>
    %broadcast_in_dim3A_2893 = vector.broadcast %get3A_2892 : f32 to vector<16x1xf32>
    %select_n3A_2894 = arith.select %eq3A_2889, %broadcast_in_dim3A_2893, %select_n3A_2849 : vector<16x1xi1>, vector<16x1xf32>
    %eq3A_2895 = arith.constant 10 : i32
    %eq3A_2896 = vector.broadcast %eq3A_2895 : i32 to vector<16x1xi32>
    %eq3A_2897 = arith.cmpi eq, %iota3A, %eq3A_2896 : vector<16x1xi32>
    %get3A_2898 = arith.constant 5 : index
    %get3A_2899 = arith.constant 0 : index
    %get3A_2900 = memref.load %arg4[%get3A_2898, %get3A_2899] : memref<8x1xf32, #tpu.memory_space<smem>>
    %broadcast_in_dim3A_2901 = vector.broadcast %get3A_2900 : f32 to vector<16x1xf32>
    %select_n3A_2902 = arith.select %eq3A_2897, %broadcast_in_dim3A_2901, %select_n3A_2857 : vector<16x1xi1>, vector<16x1xf32>
    %get3A_2903 = arith.constant 23 : index
    %get3A_2904 = arith.constant 1 : index
    %get3A_2905 = memref.load %arg1[%get3A_2903, %get3A_2904] : memref<32x16xi32, #tpu.memory_space<smem>>
    %eq3A_2906 = arith.constant 11 : i32
    %eq3A_2907 = vector.broadcast %eq3A_2906 : i32 to vector<16x1xi32>
    %eq3A_2908 = arith.cmpi eq, %iota3A, %eq3A_2907 : vector<16x1xi32>
    %broadcast_in_dim3A_2909 = vector.broadcast %get3A_2905 : i32 to vector<16x1xi32>
    %select_n3A_2910 = arith.select %eq3A_2908, %broadcast_in_dim3A_2909, %select_n3A_2865 : vector<16x1xi1>, vector<16x1xi32>
    %eq3A_2911 = arith.constant 11 : i32
    %eq3A_2912 = vector.broadcast %eq3A_2911 : i32 to vector<1x16xi32>
    %eq3A_2913 = arith.cmpi eq, %iota3A_132, %eq3A_2912 : vector<1x16xi32>
    %broadcast_in_dim3A_2914 = vector.broadcast %get3A_2905 : i32 to vector<1x16xi32>
    %select_n3A_2915 = arith.select %eq3A_2913, %broadcast_in_dim3A_2914, %select_n3A_2870 : vector<1x16xi1>, vector<1x16xi32>
    %eq3A_2916 = arith.constant 11 : i32
    %eq3A_2917 = vector.broadcast %eq3A_2916 : i32 to vector<16x1xi32>
    %eq3A_2918 = arith.cmpi eq, %iota3A, %eq3A_2917 : vector<16x1xi32>
    %get3A_2919 = arith.constant 29 : index
    %get3A_2920 = arith.constant 0 : index
    %get3A_2921 = memref.load %arg3[%get3A_2919, %get3A_2920] : memref<32x2xf32, #tpu.memory_space<smem>>
    %broadcast_in_dim3A_2922 = vector.broadcast %get3A_2921 : f32 to vector<16x1xf32>
    %select_n3A_2923 = arith.select %eq3A_2918, %broadcast_in_dim3A_2922, %select_n3A_2878 : vector<16x1xi1>, vector<16x1xf32>
    %eq3A_2924 = arith.constant 11 : i32
    %eq3A_2925 = vector.broadcast %eq3A_2924 : i32 to vector<16x1xi32>
    %eq3A_2926 = arith.cmpi eq, %iota3A, %eq3A_2925 : vector<16x1xi32>
    %get3A_2927 = arith.constant 29 : index
    %get3A_2928 = arith.constant 1 : index
    %get3A_2929 = memref.load %arg3[%get3A_2927, %get3A_2928] : memref<32x2xf32, #tpu.memory_space<smem>>
    %broadcast_in_dim3A_2930 = vector.broadcast %get3A_2929 : f32 to vector<16x1xf32>
    %select_n3A_2931 = arith.select %eq3A_2926, %broadcast_in_dim3A_2930, %select_n3A_2886 : vector<16x1xi1>, vector<16x1xf32>
    %eq3A_2932 = arith.constant 11 : i32
    %eq3A_2933 = vector.broadcast %eq3A_2932 : i32 to vector<16x1xi32>
    %eq3A_2934 = arith.cmpi eq, %iota3A, %eq3A_2933 : vector<16x1xi32>
    %get3A_2935 = arith.constant 23 : index
    %get3A_2936 = arith.constant 1 : index
    %get3A_2937 = memref.load %arg2[%get3A_2935, %get3A_2936] : memref<32x16xf32, #tpu.memory_space<smem>>
    %broadcast_in_dim3A_2938 = vector.broadcast %get3A_2937 : f32 to vector<16x1xf32>
    %select_n3A_2939 = arith.select %eq3A_2934, %broadcast_in_dim3A_2938, %select_n3A_2894 : vector<16x1xi1>, vector<16x1xf32>
    %eq3A_2940 = arith.constant 11 : i32
    %eq3A_2941 = vector.broadcast %eq3A_2940 : i32 to vector<16x1xi32>
    %eq3A_2942 = arith.cmpi eq, %iota3A, %eq3A_2941 : vector<16x1xi32>
    %get3A_2943 = arith.constant 5 : index
    %get3A_2944 = arith.constant 0 : index
    %get3A_2945 = memref.load %arg4[%get3A_2943, %get3A_2944] : memref<8x1xf32, #tpu.memory_space<smem>>
    %broadcast_in_dim3A_2946 = vector.broadcast %get3A_2945 : f32 to vector<16x1xf32>
    %select_n3A_2947 = arith.select %eq3A_2942, %broadcast_in_dim3A_2946, %select_n3A_2902 : vector<16x1xi1>, vector<16x1xf32>
    %get3A_2948 = arith.constant 27 : index
    %get3A_2949 = arith.constant 0 : index
    %get3A_2950 = memref.load %arg1[%get3A_2948, %get3A_2949] : memref<32x16xi32, #tpu.memory_space<smem>>
    %eq3A_2951 = arith.constant 12 : i32
    %eq3A_2952 = vector.broadcast %eq3A_2951 : i32 to vector<16x1xi32>
    %eq3A_2953 = arith.cmpi eq, %iota3A, %eq3A_2952 : vector<16x1xi32>
    %broadcast_in_dim3A_2954 = vector.broadcast %get3A_2950 : i32 to vector<16x1xi32>
    %select_n3A_2955 = arith.select %eq3A_2953, %broadcast_in_dim3A_2954, %select_n3A_2910 : vector<16x1xi1>, vector<16x1xi32>
    %eq3A_2956 = arith.constant 12 : i32
    %eq3A_2957 = vector.broadcast %eq3A_2956 : i32 to vector<1x16xi32>
    %eq3A_2958 = arith.cmpi eq, %iota3A_132, %eq3A_2957 : vector<1x16xi32>
    %broadcast_in_dim3A_2959 = vector.broadcast %get3A_2950 : i32 to vector<1x16xi32>
    %select_n3A_2960 = arith.select %eq3A_2958, %broadcast_in_dim3A_2959, %select_n3A_2915 : vector<1x16xi1>, vector<1x16xi32>
    %eq3A_2961 = arith.constant 12 : i32
    %eq3A_2962 = vector.broadcast %eq3A_2961 : i32 to vector<16x1xi32>
    %eq3A_2963 = arith.cmpi eq, %iota3A, %eq3A_2962 : vector<16x1xi32>
    %get3A_2964 = arith.constant 30 : index
    %get3A_2965 = arith.constant 0 : index
    %get3A_2966 = memref.load %arg3[%get3A_2964, %get3A_2965] : memref<32x2xf32, #tpu.memory_space<smem>>
    %broadcast_in_dim3A_2967 = vector.broadcast %get3A_2966 : f32 to vector<16x1xf32>
    %select_n3A_2968 = arith.select %eq3A_2963, %broadcast_in_dim3A_2967, %select_n3A_2923 : vector<16x1xi1>, vector<16x1xf32>
    %eq3A_2969 = arith.constant 12 : i32
    %eq3A_2970 = vector.broadcast %eq3A_2969 : i32 to vector<16x1xi32>
    %eq3A_2971 = arith.cmpi eq, %iota3A, %eq3A_2970 : vector<16x1xi32>
    %get3A_2972 = arith.constant 30 : index
    %get3A_2973 = arith.constant 1 : index
    %get3A_2974 = memref.load %arg3[%get3A_2972, %get3A_2973] : memref<32x2xf32, #tpu.memory_space<smem>>
    %broadcast_in_dim3A_2975 = vector.broadcast %get3A_2974 : f32 to vector<16x1xf32>
    %select_n3A_2976 = arith.select %eq3A_2971, %broadcast_in_dim3A_2975, %select_n3A_2931 : vector<16x1xi1>, vector<16x1xf32>
    %eq3A_2977 = arith.constant 12 : i32
    %eq3A_2978 = vector.broadcast %eq3A_2977 : i32 to vector<16x1xi32>
    %eq3A_2979 = arith.cmpi eq, %iota3A, %eq3A_2978 : vector<16x1xi32>
    %get3A_2980 = arith.constant 27 : index
    %get3A_2981 = arith.constant 0 : index
    %get3A_2982 = memref.load %arg2[%get3A_2980, %get3A_2981] : memref<32x16xf32, #tpu.memory_space<smem>>
    %broadcast_in_dim3A_2983 = vector.broadcast %get3A_2982 : f32 to vector<16x1xf32>
    %select_n3A_2984 = arith.select %eq3A_2979, %broadcast_in_dim3A_2983, %select_n3A_2939 : vector<16x1xi1>, vector<16x1xf32>
    %eq3A_2985 = arith.constant 12 : i32
    %eq3A_2986 = vector.broadcast %eq3A_2985 : i32 to vector<16x1xi32>
    %eq3A_2987 = arith.cmpi eq, %iota3A, %eq3A_2986 : vector<16x1xi32>
    %get3A_2988 = arith.constant 6 : index
    %get3A_2989 = arith.constant 0 : index
    %get3A_2990 = memref.load %arg4[%get3A_2988, %get3A_2989] : memref<8x1xf32, #tpu.memory_space<smem>>
    %broadcast_in_dim3A_2991 = vector.broadcast %get3A_2990 : f32 to vector<16x1xf32>
    %select_n3A_2992 = arith.select %eq3A_2987, %broadcast_in_dim3A_2991, %select_n3A_2947 : vector<16x1xi1>, vector<16x1xf32>
    %get3A_2993 = arith.constant 27 : index
    %get3A_2994 = arith.constant 1 : index
    %get3A_2995 = memref.load %arg1[%get3A_2993, %get3A_2994] : memref<32x16xi32, #tpu.memory_space<smem>>
    %eq3A_2996 = arith.constant 13 : i32
    %eq3A_2997 = vector.broadcast %eq3A_2996 : i32 to vector<16x1xi32>
    %eq3A_2998 = arith.cmpi eq, %iota3A, %eq3A_2997 : vector<16x1xi32>
    %broadcast_in_dim3A_2999 = vector.broadcast %get3A_2995 : i32 to vector<16x1xi32>
    %select_n3A_3000 = arith.select %eq3A_2998, %broadcast_in_dim3A_2999, %select_n3A_2955 : vector<16x1xi1>, vector<16x1xi32>
    %eq3A_3001 = arith.constant 13 : i32
    %eq3A_3002 = vector.broadcast %eq3A_3001 : i32 to vector<1x16xi32>
    %eq3A_3003 = arith.cmpi eq, %iota3A_132, %eq3A_3002 : vector<1x16xi32>
    %broadcast_in_dim3A_3004 = vector.broadcast %get3A_2995 : i32 to vector<1x16xi32>
    %select_n3A_3005 = arith.select %eq3A_3003, %broadcast_in_dim3A_3004, %select_n3A_2960 : vector<1x16xi1>, vector<1x16xi32>
    %eq3A_3006 = arith.constant 13 : i32
    %eq3A_3007 = vector.broadcast %eq3A_3006 : i32 to vector<16x1xi32>
    %eq3A_3008 = arith.cmpi eq, %iota3A, %eq3A_3007 : vector<16x1xi32>
    %get3A_3009 = arith.constant 30 : index
    %get3A_3010 = arith.constant 0 : index
    %get3A_3011 = memref.load %arg3[%get3A_3009, %get3A_3010] : memref<32x2xf32, #tpu.memory_space<smem>>
    %broadcast_in_dim3A_3012 = vector.broadcast %get3A_3011 : f32 to vector<16x1xf32>
    %select_n3A_3013 = arith.select %eq3A_3008, %broadcast_in_dim3A_3012, %select_n3A_2968 : vector<16x1xi1>, vector<16x1xf32>
    %eq3A_3014 = arith.constant 13 : i32
    %eq3A_3015 = vector.broadcast %eq3A_3014 : i32 to vector<16x1xi32>
    %eq3A_3016 = arith.cmpi eq, %iota3A, %eq3A_3015 : vector<16x1xi32>
    %get3A_3017 = arith.constant 30 : index
    %get3A_3018 = arith.constant 1 : index
    %get3A_3019 = memref.load %arg3[%get3A_3017, %get3A_3018] : memref<32x2xf32, #tpu.memory_space<smem>>
    %broadcast_in_dim3A_3020 = vector.broadcast %get3A_3019 : f32 to vector<16x1xf32>
    %select_n3A_3021 = arith.select %eq3A_3016, %broadcast_in_dim3A_3020, %select_n3A_2976 : vector<16x1xi1>, vector<16x1xf32>
    %eq3A_3022 = arith.constant 13 : i32
    %eq3A_3023 = vector.broadcast %eq3A_3022 : i32 to vector<16x1xi32>
    %eq3A_3024 = arith.cmpi eq, %iota3A, %eq3A_3023 : vector<16x1xi32>
    %get3A_3025 = arith.constant 27 : index
    %get3A_3026 = arith.constant 1 : index
    %get3A_3027 = memref.load %arg2[%get3A_3025, %get3A_3026] : memref<32x16xf32, #tpu.memory_space<smem>>
    %broadcast_in_dim3A_3028 = vector.broadcast %get3A_3027 : f32 to vector<16x1xf32>
    %select_n3A_3029 = arith.select %eq3A_3024, %broadcast_in_dim3A_3028, %select_n3A_2984 : vector<16x1xi1>, vector<16x1xf32>
    %eq3A_3030 = arith.constant 13 : i32
    %eq3A_3031 = vector.broadcast %eq3A_3030 : i32 to vector<16x1xi32>
    %eq3A_3032 = arith.cmpi eq, %iota3A, %eq3A_3031 : vector<16x1xi32>
    %get3A_3033 = arith.constant 6 : index
    %get3A_3034 = arith.constant 0 : index
    %get3A_3035 = memref.load %arg4[%get3A_3033, %get3A_3034] : memref<8x1xf32, #tpu.memory_space<smem>>
    %broadcast_in_dim3A_3036 = vector.broadcast %get3A_3035 : f32 to vector<16x1xf32>
    %select_n3A_3037 = arith.select %eq3A_3032, %broadcast_in_dim3A_3036, %select_n3A_2992 : vector<16x1xi1>, vector<16x1xf32>
    %get3A_3038 = arith.constant 31 : index
    %get3A_3039 = arith.constant 0 : index
    %get3A_3040 = memref.load %arg1[%get3A_3038, %get3A_3039] : memref<32x16xi32, #tpu.memory_space<smem>>
    %eq3A_3041 = arith.constant 14 : i32
    %eq3A_3042 = vector.broadcast %eq3A_3041 : i32 to vector<16x1xi32>
    %eq3A_3043 = arith.cmpi eq, %iota3A, %eq3A_3042 : vector<16x1xi32>
    %broadcast_in_dim3A_3044 = vector.broadcast %get3A_3040 : i32 to vector<16x1xi32>
    %select_n3A_3045 = arith.select %eq3A_3043, %broadcast_in_dim3A_3044, %select_n3A_3000 : vector<16x1xi1>, vector<16x1xi32>
    %eq3A_3046 = arith.constant 14 : i32
    %eq3A_3047 = vector.broadcast %eq3A_3046 : i32 to vector<1x16xi32>
    %eq3A_3048 = arith.cmpi eq, %iota3A_132, %eq3A_3047 : vector<1x16xi32>
    %broadcast_in_dim3A_3049 = vector.broadcast %get3A_3040 : i32 to vector<1x16xi32>
    %select_n3A_3050 = arith.select %eq3A_3048, %broadcast_in_dim3A_3049, %select_n3A_3005 : vector<1x16xi1>, vector<1x16xi32>
    %eq3A_3051 = arith.constant 14 : i32
    %eq3A_3052 = vector.broadcast %eq3A_3051 : i32 to vector<16x1xi32>
    %eq3A_3053 = arith.cmpi eq, %iota3A, %eq3A_3052 : vector<16x1xi32>
    %get3A_3054 = arith.constant 31 : index
    %get3A_3055 = arith.constant 0 : index
    %get3A_3056 = memref.load %arg3[%get3A_3054, %get3A_3055] : memref<32x2xf32, #tpu.memory_space<smem>>
    %broadcast_in_dim3A_3057 = vector.broadcast %get3A_3056 : f32 to vector<16x1xf32>
    %select_n3A_3058 = arith.select %eq3A_3053, %broadcast_in_dim3A_3057, %select_n3A_3013 : vector<16x1xi1>, vector<16x1xf32>
    %eq3A_3059 = arith.constant 14 : i32
    %eq3A_3060 = vector.broadcast %eq3A_3059 : i32 to vector<16x1xi32>
    %eq3A_3061 = arith.cmpi eq, %iota3A, %eq3A_3060 : vector<16x1xi32>
    %get3A_3062 = arith.constant 31 : index
    %get3A_3063 = arith.constant 1 : index
    %get3A_3064 = memref.load %arg3[%get3A_3062, %get3A_3063] : memref<32x2xf32, #tpu.memory_space<smem>>
    %broadcast_in_dim3A_3065 = vector.broadcast %get3A_3064 : f32 to vector<16x1xf32>
    %select_n3A_3066 = arith.select %eq3A_3061, %broadcast_in_dim3A_3065, %select_n3A_3021 : vector<16x1xi1>, vector<16x1xf32>
    %eq3A_3067 = arith.constant 14 : i32
    %eq3A_3068 = vector.broadcast %eq3A_3067 : i32 to vector<16x1xi32>
    %eq3A_3069 = arith.cmpi eq, %iota3A, %eq3A_3068 : vector<16x1xi32>
    %get3A_3070 = arith.constant 31 : index
    %get3A_3071 = arith.constant 0 : index
    %get3A_3072 = memref.load %arg2[%get3A_3070, %get3A_3071] : memref<32x16xf32, #tpu.memory_space<smem>>
    %broadcast_in_dim3A_3073 = vector.broadcast %get3A_3072 : f32 to vector<16x1xf32>
    %select_n3A_3074 = arith.select %eq3A_3069, %broadcast_in_dim3A_3073, %select_n3A_3029 : vector<16x1xi1>, vector<16x1xf32>
    %eq3A_3075 = arith.constant 14 : i32
    %eq3A_3076 = vector.broadcast %eq3A_3075 : i32 to vector<16x1xi32>
    %eq3A_3077 = arith.cmpi eq, %iota3A, %eq3A_3076 : vector<16x1xi32>
    %get3A_3078 = arith.constant 7 : index
    %get3A_3079 = arith.constant 0 : index
    %get3A_3080 = memref.load %arg4[%get3A_3078, %get3A_3079] : memref<8x1xf32, #tpu.memory_space<smem>>
    %broadcast_in_dim3A_3081 = vector.broadcast %get3A_3080 : f32 to vector<16x1xf32>
    %select_n3A_3082 = arith.select %eq3A_3077, %broadcast_in_dim3A_3081, %select_n3A_3037 : vector<16x1xi1>, vector<16x1xf32>
    %get3A_3083 = arith.constant 31 : index
    %get3A_3084 = arith.constant 1 : index
    %get3A_3085 = memref.load %arg1[%get3A_3083, %get3A_3084] : memref<32x16xi32, #tpu.memory_space<smem>>
    %eq3A_3086 = arith.constant 15 : i32
    %eq3A_3087 = vector.broadcast %eq3A_3086 : i32 to vector<16x1xi32>
    %eq3A_3088 = arith.cmpi eq, %iota3A, %eq3A_3087 : vector<16x1xi32>
    %broadcast_in_dim3A_3089 = vector.broadcast %get3A_3085 : i32 to vector<16x1xi32>
    %select_n3A_3090 = arith.select %eq3A_3088, %broadcast_in_dim3A_3089, %select_n3A_3045 : vector<16x1xi1>, vector<16x1xi32>
    %eq3A_3091 = arith.constant 15 : i32
    %eq3A_3092 = vector.broadcast %eq3A_3091 : i32 to vector<1x16xi32>
    %eq3A_3093 = arith.cmpi eq, %iota3A_132, %eq3A_3092 : vector<1x16xi32>
    %broadcast_in_dim3A_3094 = vector.broadcast %get3A_3085 : i32 to vector<1x16xi32>
    %select_n3A_3095 = arith.select %eq3A_3093, %broadcast_in_dim3A_3094, %select_n3A_3050 : vector<1x16xi1>, vector<1x16xi32>
    %eq3A_3096 = arith.constant 15 : i32
    %eq3A_3097 = vector.broadcast %eq3A_3096 : i32 to vector<16x1xi32>
    %eq3A_3098 = arith.cmpi eq, %iota3A, %eq3A_3097 : vector<16x1xi32>
    %get3A_3099 = arith.constant 31 : index
    %get3A_3100 = arith.constant 0 : index
    %get3A_3101 = memref.load %arg3[%get3A_3099, %get3A_3100] : memref<32x2xf32, #tpu.memory_space<smem>>
    %broadcast_in_dim3A_3102 = vector.broadcast %get3A_3101 : f32 to vector<16x1xf32>
    %select_n3A_3103 = arith.select %eq3A_3098, %broadcast_in_dim3A_3102, %select_n3A_3058 : vector<16x1xi1>, vector<16x1xf32>
    %eq3A_3104 = arith.constant 15 : i32
    %eq3A_3105 = vector.broadcast %eq3A_3104 : i32 to vector<16x1xi32>
    %eq3A_3106 = arith.cmpi eq, %iota3A, %eq3A_3105 : vector<16x1xi32>
    %get3A_3107 = arith.constant 31 : index
    %get3A_3108 = arith.constant 1 : index
    %get3A_3109 = memref.load %arg3[%get3A_3107, %get3A_3108] : memref<32x2xf32, #tpu.memory_space<smem>>
    %broadcast_in_dim3A_3110 = vector.broadcast %get3A_3109 : f32 to vector<16x1xf32>
    %select_n3A_3111 = arith.select %eq3A_3106, %broadcast_in_dim3A_3110, %select_n3A_3066 : vector<16x1xi1>, vector<16x1xf32>
    %eq3A_3112 = arith.constant 15 : i32
    %eq3A_3113 = vector.broadcast %eq3A_3112 : i32 to vector<16x1xi32>
    %eq3A_3114 = arith.cmpi eq, %iota3A, %eq3A_3113 : vector<16x1xi32>
    %get3A_3115 = arith.constant 31 : index
    %get3A_3116 = arith.constant 1 : index
    %get3A_3117 = memref.load %arg2[%get3A_3115, %get3A_3116] : memref<32x16xf32, #tpu.memory_space<smem>>
    %broadcast_in_dim3A_3118 = vector.broadcast %get3A_3117 : f32 to vector<16x1xf32>
    %select_n3A_3119 = arith.select %eq3A_3114, %broadcast_in_dim3A_3118, %select_n3A_3074 : vector<16x1xi1>, vector<16x1xf32>
    %eq3A_3120 = arith.constant 15 : i32
    %eq3A_3121 = vector.broadcast %eq3A_3120 : i32 to vector<16x1xi32>
    %eq3A_3122 = arith.cmpi eq, %iota3A, %eq3A_3121 : vector<16x1xi32>
    %get3A_3123 = arith.constant 7 : index
    %get3A_3124 = arith.constant 0 : index
    %get3A_3125 = memref.load %arg4[%get3A_3123, %get3A_3124] : memref<8x1xf32, #tpu.memory_space<smem>>
    %broadcast_in_dim3A_3126 = vector.broadcast %get3A_3125 : f32 to vector<16x1xf32>
    %select_n3A_3127 = arith.select %eq3A_3122, %broadcast_in_dim3A_3126, %select_n3A_3082 : vector<16x1xi1>, vector<16x1xf32>
    %sub3A_3128 = arith.subf %select_n3A_3103, %select_n3A_3119 : vector<16x1xf32>
    %exp3A_3129 = math.exp %sub3A_3128 : vector<16x1xf32>
    %mul3A_3130 = arith.mulf %select_n3A_3111, %exp3A_3129 : vector<16x1xf32>
    %get3A_3131 = arith.constant 3 : index
    %get3A_3132 = arith.constant 0 : index
    %get3A_3133 = arith.constant 0 : index
    %get3A_3134 = vector.load %arg8[%get3A_3131, %get3A_3132, %get3A_3133] : memref<4x16x768xf32, #tpu.memory_space<vmem>>, vector<1x16x768xf32>
    %get3A_3135 = vector.shape_cast %get3A_3134 : vector<1x16x768xf32> to vector<16x768xf32>
    %add3A_3136 = vector.broadcast %select_n3A_3127 : vector<16x1xf32> to vector<16x768xf32>
    %add3A_3137 = arith.addf %get3A_3135, %add3A_3136 : vector<16x768xf32>
    %mul3A_3138 = vector.broadcast %mul3A_3130 : vector<16x1xf32> to vector<16x768xf32>
    %mul3A_3139 = arith.mulf %add3A_3137, %mul3A_3138 : vector<16x768xf32>
    %eq3A_3140 = vector.broadcast %select_n3A_3090 : vector<16x1xi32> to vector<16x16xi32>
    %eq3A_3141 = vector.broadcast %select_n3A_3095 : vector<1x16xi32> to vector<16x16xi32>
    %eq3A_3142 = arith.cmpi eq, %eq3A_3140, %eq3A_3141 : vector<16x16xi32>
    %convert_element_type3A_3143 = arith.extui %eq3A_3142 : vector<16x16xi1> to vector<16x16xi32>
    %convert_element_type3A_3144 = arith.sitofp %convert_element_type3A_3143 : vector<16x16xi32> to vector<16x16xf32>
    %dot_general3A_3145 = arith.constant dense<0.000000e+00> : vector<16x768xf32>
    %dot_general3A_3146 = tpu.matmul %convert_element_type3A_3144, %mul3A_3139, %dot_general3A_3145 {dimension_numbers = #tpu.dot_dimension_numbers<[1], [0], [0], [1], [0, 0, 1, 1], [], []>, precision = #tpu.contract_precision<fp32>, transpose_lhs_hint = false} : vector<16x16xf32>, vector<16x768xf32>, vector<16x768xf32> -> vector<16x768xf32>
    %swap3A_3147 = arith.constant 3 : index
    %swap3A_3148 = arith.constant 0 : index
    %swap3A_3149 = arith.constant 0 : index
    %swap3A_3150 = vector.load %arg9[%swap3A_3147, %swap3A_3148, %swap3A_3149] : memref<4x16x768xf32, #tpu.memory_space<vmem>>, vector<1x16x768xf32>
    %swap3A_3151 = vector.shape_cast %swap3A_3150 : vector<1x16x768xf32> to vector<16x768xf32>
    %swap3A_3152 = vector.shape_cast %dot_general3A_3146 : vector<16x768xf32> to vector<1x16x768xf32>
    tpu.vector_store %arg9[%swap3A_3147, %swap3A_3148, %swap3A_3149], %swap3A_3152 {strides = array<i32>} : memref<4x16x768xf32, #tpu.memory_space<vmem>>, vector<1x16x768xf32>,
    %get3A_3153 = arith.constant 0 : index
    %get3A_3154 = arith.constant 0 : index
    %get3A_3155 = memref.load %arg1[%get3A_3153, %get3A_3154] : memref<32x16xi32, #tpu.memory_space<smem>>
    %dma_start3A = arith.constant 0 : i32
    %dma_start3A_3156 = arith.constant 0 : i32
    %dma_start3A_3157 = arith.constant 0 : i32
    %dma_start3A_3158 = tpu.memref_slice %arg7[%dma_start3A_3156, %get3A_3155, %dma_start3A_3157] : memref<4x2048x768xf32, #tpu.memory_space<hbm>> -> memref<1x1x768xf32, #tpu.memory_space<hbm>>
    %dma_start3A_3159 = tpu.memref_squeeze %dma_start3A_3158 : memref<1x1x768xf32, #tpu.memory_space<hbm>> -> memref<1x768xf32, #tpu.memory_space<hbm>>
    %dma_start3A_3160 = arith.constant 0 : i32
    %dma_start3A_3161 = arith.constant 0 : i32
    %dma_start3A_3162 = tpu.memref_slice %arg9[%dma_start3A, %dma_start3A_3160, %dma_start3A_3161] : memref<4x16x768xf32, #tpu.memory_space<vmem>> -> memref<1x1x768xf32, #tpu.memory_space<vmem>>
    %dma_start3A_3163 = tpu.memref_squeeze %dma_start3A_3162 : memref<1x1x768xf32, #tpu.memory_space<vmem>> -> memref<1x768xf32, #tpu.memory_space<vmem>>
    tpu.enqueue_dma source(%dma_start3A_3163 : memref<1x768xf32, #tpu.memory_space<vmem>>) target(%dma_start3A_3159 : memref<1x768xf32, #tpu.memory_space<hbm>>) target_semaphore(%arg10 : memref<!tpu.dma_semaphore, #tpu.memory_space<semaphore_mem>>)
    %get3A_3164 = arith.constant 0 : index
    %get3A_3165 = arith.constant 1 : index
    %get3A_3166 = memref.load %arg1[%get3A_3164, %get3A_3165] : memref<32x16xi32, #tpu.memory_space<smem>>
    %dma_start3A_3167 = arith.constant 0 : i32
    %dma_start3A_3168 = arith.constant 0 : i32
    %dma_start3A_3169 = arith.constant 0 : i32
    %dma_start3A_3170 = tpu.memref_slice %arg7[%dma_start3A_3168, %get3A_3166, %dma_start3A_3169] : memref<4x2048x768xf32, #tpu.memory_space<hbm>> -> memref<1x1x768xf32, #tpu.memory_space<hbm>>
    %dma_start3A_3171 = tpu.memref_squeeze %dma_start3A_3170 : memref<1x1x768xf32, #tpu.memory_space<hbm>> -> memref<1x768xf32, #tpu.memory_space<hbm>>
    %dma_start3A_3172 = arith.constant 1 : i32
    %dma_start3A_3173 = arith.constant 0 : i32
    %dma_start3A_3174 = tpu.memref_slice %arg9[%dma_start3A_3167, %dma_start3A_3172, %dma_start3A_3173] : memref<4x16x768xf32, #tpu.memory_space<vmem>> -> memref<1x1x768xf32, #tpu.memory_space<vmem>>
    %dma_start3A_3175 = tpu.memref_squeeze %dma_start3A_3174 : memref<1x1x768xf32, #tpu.memory_space<vmem>> -> memref<1x768xf32, #tpu.memory_space<vmem>>
    tpu.enqueue_dma source(%dma_start3A_3175 : memref<1x768xf32, #tpu.memory_space<vmem>>) target(%dma_start3A_3171 : memref<1x768xf32, #tpu.memory_space<hbm>>) target_semaphore(%arg10 : memref<!tpu.dma_semaphore, #tpu.memory_space<semaphore_mem>>)
    %get3A_3176 = arith.constant 4 : index
    %get3A_3177 = arith.constant 0 : index
    %get3A_3178 = memref.load %arg1[%get3A_3176, %get3A_3177] : memref<32x16xi32, #tpu.memory_space<smem>>
    %dma_start3A_3179 = arith.constant 0 : i32
    %dma_start3A_3180 = arith.constant 0 : i32
    %dma_start3A_3181 = arith.constant 0 : i32
    %dma_start3A_3182 = tpu.memref_slice %arg7[%dma_start3A_3180, %get3A_3178, %dma_start3A_3181] : memref<4x2048x768xf32, #tpu.memory_space<hbm>> -> memref<1x1x768xf32, #tpu.memory_space<hbm>>
    %dma_start3A_3183 = tpu.memref_squeeze %dma_start3A_3182 : memref<1x1x768xf32, #tpu.memory_space<hbm>> -> memref<1x768xf32, #tpu.memory_space<hbm>>
    %dma_start3A_3184 = arith.constant 2 : i32
    %dma_start3A_3185 = arith.constant 0 : i32
    %dma_start3A_3186 = tpu.memref_slice %arg9[%dma_start3A_3179, %dma_start3A_3184, %dma_start3A_3185] : memref<4x16x768xf32, #tpu.memory_space<vmem>> -> memref<1x1x768xf32, #tpu.memory_space<vmem>>
    %dma_start3A_3187 = tpu.memref_squeeze %dma_start3A_3186 : memref<1x1x768xf32, #tpu.memory_space<vmem>> -> memref<1x768xf32, #tpu.memory_space<vmem>>
    tpu.enqueue_dma source(%dma_start3A_3187 : memref<1x768xf32, #tpu.memory_space<vmem>>) target(%dma_start3A_3183 : memref<1x768xf32, #tpu.memory_space<hbm>>) target_semaphore(%arg10 : memref<!tpu.dma_semaphore, #tpu.memory_space<semaphore_mem>>)
    %get3A_3188 = arith.constant 4 : index
    %get3A_3189 = arith.constant 1 : index
    %get3A_3190 = memref.load %arg1[%get3A_3188, %get3A_3189] : memref<32x16xi32, #tpu.memory_space<smem>>
    %dma_start3A_3191 = arith.constant 0 : i32
    %dma_start3A_3192 = arith.constant 0 : i32
    %dma_start3A_3193 = arith.constant 0 : i32
    %dma_start3A_3194 = tpu.memref_slice %arg7[%dma_start3A_3192, %get3A_3190, %dma_start3A_3193] : memref<4x2048x768xf32, #tpu.memory_space<hbm>> -> memref<1x1x768xf32, #tpu.memory_space<hbm>>
    %dma_start3A_3195 = tpu.memref_squeeze %dma_start3A_3194 : memref<1x1x768xf32, #tpu.memory_space<hbm>> -> memref<1x768xf32, #tpu.memory_space<hbm>>
    %dma_start3A_3196 = arith.constant 3 : i32
    %dma_start3A_3197 = arith.constant 0 : i32
    %dma_start3A_3198 = tpu.memref_slice %arg9[%dma_start3A_3191, %dma_start3A_3196, %dma_start3A_3197] : memref<4x16x768xf32, #tpu.memory_space<vmem>> -> memref<1x1x768xf32, #tpu.memory_space<vmem>>
    %dma_start3A_3199 = tpu.memref_squeeze %dma_start3A_3198 : memref<1x1x768xf32, #tpu.memory_space<vmem>> -> memref<1x768xf32, #tpu.memory_space<vmem>>
    tpu.enqueue_dma source(%dma_start3A_3199 : memref<1x768xf32, #tpu.memory_space<vmem>>) target(%dma_start3A_3195 : memref<1x768xf32, #tpu.memory_space<hbm>>) target_semaphore(%arg10 : memref<!tpu.dma_semaphore, #tpu.memory_space<semaphore_mem>>)
    %get3A_3200 = arith.constant 8 : index
    %get3A_3201 = arith.constant 0 : index
    %get3A_3202 = memref.load %arg1[%get3A_3200, %get3A_3201] : memref<32x16xi32, #tpu.memory_space<smem>>
    %dma_start3A_3203 = arith.constant 0 : i32
    %dma_start3A_3204 = arith.constant 0 : i32
    %dma_start3A_3205 = arith.constant 0 : i32
    %dma_start3A_3206 = tpu.memref_slice %arg7[%dma_start3A_3204, %get3A_3202, %dma_start3A_3205] : memref<4x2048x768xf32, #tpu.memory_space<hbm>> -> memref<1x1x768xf32, #tpu.memory_space<hbm>>
    %dma_start3A_3207 = tpu.memref_squeeze %dma_start3A_3206 : memref<1x1x768xf32, #tpu.memory_space<hbm>> -> memref<1x768xf32, #tpu.memory_space<hbm>>
    %dma_start3A_3208 = arith.constant 4 : i32
    %dma_start3A_3209 = arith.constant 0 : i32
    %dma_start3A_3210 = tpu.memref_slice %arg9[%dma_start3A_3203, %dma_start3A_3208, %dma_start3A_3209] : memref<4x16x768xf32, #tpu.memory_space<vmem>> -> memref<1x1x768xf32, #tpu.memory_space<vmem>>
    %dma_start3A_3211 = tpu.memref_squeeze %dma_start3A_3210 : memref<1x1x768xf32, #tpu.memory_space<vmem>> -> memref<1x768xf32, #tpu.memory_space<vmem>>
    tpu.enqueue_dma source(%dma_start3A_3211 : memref<1x768xf32, #tpu.memory_space<vmem>>) target(%dma_start3A_3207 : memref<1x768xf32, #tpu.memory_space<hbm>>) target_semaphore(%arg10 : memref<!tpu.dma_semaphore, #tpu.memory_space<semaphore_mem>>)
    %get3A_3212 = arith.constant 8 : index
    %get3A_3213 = arith.constant 1 : index
    %get3A_3214 = memref.load %arg1[%get3A_3212, %get3A_3213] : memref<32x16xi32, #tpu.memory_space<smem>>
    %dma_start3A_3215 = arith.constant 0 : i32
    %dma_start3A_3216 = arith.constant 0 : i32
    %dma_start3A_3217 = arith.constant 0 : i32
    %dma_start3A_3218 = tpu.memref_slice %arg7[%dma_start3A_3216, %get3A_3214, %dma_start3A_3217] : memref<4x2048x768xf32, #tpu.memory_space<hbm>> -> memref<1x1x768xf32, #tpu.memory_space<hbm>>
    %dma_start3A_3219 = tpu.memref_squeeze %dma_start3A_3218 : memref<1x1x768xf32, #tpu.memory_space<hbm>> -> memref<1x768xf32, #tpu.memory_space<hbm>>
    %dma_start3A_3220 = arith.constant 5 : i32
    %dma_start3A_3221 = arith.constant 0 : i32
    %dma_start3A_3222 = tpu.memref_slice %arg9[%dma_start3A_3215, %dma_start3A_3220, %dma_start3A_3221] : memref<4x16x768xf32, #tpu.memory_space<vmem>> -> memref<1x1x768xf32, #tpu.memory_space<vmem>>
    %dma_start3A_3223 = tpu.memref_squeeze %dma_start3A_3222 : memref<1x1x768xf32, #tpu.memory_space<vmem>> -> memref<1x768xf32, #tpu.memory_space<vmem>>
    tpu.enqueue_dma source(%dma_start3A_3223 : memref<1x768xf32, #tpu.memory_space<vmem>>) target(%dma_start3A_3219 : memref<1x768xf32, #tpu.memory_space<hbm>>) target_semaphore(%arg10 : memref<!tpu.dma_semaphore, #tpu.memory_space<semaphore_mem>>)
    %get3A_3224 = arith.constant 12 : index
    %get3A_3225 = arith.constant 0 : index
    %get3A_3226 = memref.load %arg1[%get3A_3224, %get3A_3225] : memref<32x16xi32, #tpu.memory_space<smem>>
    %dma_start3A_3227 = arith.constant 0 : i32
    %dma_start3A_3228 = arith.constant 0 : i32
    %dma_start3A_3229 = arith.constant 0 : i32
    %dma_start3A_3230 = tpu.memref_slice %arg7[%dma_start3A_3228, %get3A_3226, %dma_start3A_3229] : memref<4x2048x768xf32, #tpu.memory_space<hbm>> -> memref<1x1x768xf32, #tpu.memory_space<hbm>>
    %dma_start3A_3231 = tpu.memref_squeeze %dma_start3A_3230 : memref<1x1x768xf32, #tpu.memory_space<hbm>> -> memref<1x768xf32, #tpu.memory_space<hbm>>
    %dma_start3A_3232 = arith.constant 6 : i32
    %dma_start3A_3233 = arith.constant 0 : i32
    %dma_start3A_3234 = tpu.memref_slice %arg9[%dma_start3A_3227, %dma_start3A_3232, %dma_start3A_3233] : memref<4x16x768xf32, #tpu.memory_space<vmem>> -> memref<1x1x768xf32, #tpu.memory_space<vmem>>
    %dma_start3A_3235 = tpu.memref_squeeze %dma_start3A_3234 : memref<1x1x768xf32, #tpu.memory_space<vmem>> -> memref<1x768xf32, #tpu.memory_space<vmem>>
    tpu.enqueue_dma source(%dma_start3A_3235 : memref<1x768xf32, #tpu.memory_space<vmem>>) target(%dma_start3A_3231 : memref<1x768xf32, #tpu.memory_space<hbm>>) target_semaphore(%arg10 : memref<!tpu.dma_semaphore, #tpu.memory_space<semaphore_mem>>)
    %get3A_3236 = arith.constant 12 : index
    %get3A_3237 = arith.constant 1 : index
    %get3A_3238 = memref.load %arg1[%get3A_3236, %get3A_3237] : memref<32x16xi32, #tpu.memory_space<smem>>
    %dma_start3A_3239 = arith.constant 0 : i32
    %dma_start3A_3240 = arith.constant 0 : i32
    %dma_start3A_3241 = arith.constant 0 : i32
    %dma_start3A_3242 = tpu.memref_slice %arg7[%dma_start3A_3240, %get3A_3238, %dma_start3A_3241] : memref<4x2048x768xf32, #tpu.memory_space<hbm>> -> memref<1x1x768xf32, #tpu.memory_space<hbm>>
    %dma_start3A_3243 = tpu.memref_squeeze %dma_start3A_3242 : memref<1x1x768xf32, #tpu.memory_space<hbm>> -> memref<1x768xf32, #tpu.memory_space<hbm>>
    %dma_start3A_3244 = arith.constant 7 : i32
    %dma_start3A_3245 = arith.constant 0 : i32
    %dma_start3A_3246 = tpu.memref_slice %arg9[%dma_start3A_3239, %dma_start3A_3244, %dma_start3A_3245] : memref<4x16x768xf32, #tpu.memory_space<vmem>> -> memref<1x1x768xf32, #tpu.memory_space<vmem>>
    %dma_start3A_3247 = tpu.memref_squeeze %dma_start3A_3246 : memref<1x1x768xf32, #tpu.memory_space<vmem>> -> memref<1x768xf32, #tpu.memory_space<vmem>>
    tpu.enqueue_dma source(%dma_start3A_3247 : memref<1x768xf32, #tpu.memory_space<vmem>>) target(%dma_start3A_3243 : memref<1x768xf32, #tpu.memory_space<hbm>>) target_semaphore(%arg10 : memref<!tpu.dma_semaphore, #tpu.memory_space<semaphore_mem>>)
    %get3A_3248 = arith.constant 16 : index
    %get3A_3249 = arith.constant 0 : index
    %get3A_3250 = memref.load %arg1[%get3A_3248, %get3A_3249] : memref<32x16xi32, #tpu.memory_space<smem>>
    %dma_start3A_3251 = arith.constant 0 : i32
    %dma_start3A_3252 = arith.constant 0 : i32
    %dma_start3A_3253 = arith.constant 0 : i32
    %dma_start3A_3254 = tpu.memref_slice %arg7[%dma_start3A_3252, %get3A_3250, %dma_start3A_3253] : memref<4x2048x768xf32, #tpu.memory_space<hbm>> -> memref<1x1x768xf32, #tpu.memory_space<hbm>>
    %dma_start3A_3255 = tpu.memref_squeeze %dma_start3A_3254 : memref<1x1x768xf32, #tpu.memory_space<hbm>> -> memref<1x768xf32, #tpu.memory_space<hbm>>
    %dma_start3A_3256 = arith.constant 8 : i32
    %dma_start3A_3257 = arith.constant 0 : i32
    %dma_start3A_3258 = tpu.memref_slice %arg9[%dma_start3A_3251, %dma_start3A_3256, %dma_start3A_3257] : memref<4x16x768xf32, #tpu.memory_space<vmem>> -> memref<1x1x768xf32, #tpu.memory_space<vmem>>
    %dma_start3A_3259 = tpu.memref_squeeze %dma_start3A_3258 : memref<1x1x768xf32, #tpu.memory_space<vmem>> -> memref<1x768xf32, #tpu.memory_space<vmem>>
    tpu.enqueue_dma source(%dma_start3A_3259 : memref<1x768xf32, #tpu.memory_space<vmem>>) target(%dma_start3A_3255 : memref<1x768xf32, #tpu.memory_space<hbm>>) target_semaphore(%arg10 : memref<!tpu.dma_semaphore, #tpu.memory_space<semaphore_mem>>)
    %get3A_3260 = arith.constant 16 : index
    %get3A_3261 = arith.constant 1 : index
    %get3A_3262 = memref.load %arg1[%get3A_3260, %get3A_3261] : memref<32x16xi32, #tpu.memory_space<smem>>
    %dma_start3A_3263 = arith.constant 0 : i32
    %dma_start3A_3264 = arith.constant 0 : i32
    %dma_start3A_3265 = arith.constant 0 : i32
    %dma_start3A_3266 = tpu.memref_slice %arg7[%dma_start3A_3264, %get3A_3262, %dma_start3A_3265] : memref<4x2048x768xf32, #tpu.memory_space<hbm>> -> memref<1x1x768xf32, #tpu.memory_space<hbm>>
    %dma_start3A_3267 = tpu.memref_squeeze %dma_start3A_3266 : memref<1x1x768xf32, #tpu.memory_space<hbm>> -> memref<1x768xf32, #tpu.memory_space<hbm>>
    %dma_start3A_3268 = arith.constant 9 : i32
    %dma_start3A_3269 = arith.constant 0 : i32
    %dma_start3A_3270 = tpu.memref_slice %arg9[%dma_start3A_3263, %dma_start3A_3268, %dma_start3A_3269] : memref<4x16x768xf32, #tpu.memory_space<vmem>> -> memref<1x1x768xf32, #tpu.memory_space<vmem>>
    %dma_start3A_3271 = tpu.memref_squeeze %dma_start3A_3270 : memref<1x1x768xf32, #tpu.memory_space<vmem>> -> memref<1x768xf32, #tpu.memory_space<vmem>>
    tpu.enqueue_dma source(%dma_start3A_3271 : memref<1x768xf32, #tpu.memory_space<vmem>>) target(%dma_start3A_3267 : memref<1x768xf32, #tpu.memory_space<hbm>>) target_semaphore(%arg10 : memref<!tpu.dma_semaphore, #tpu.memory_space<semaphore_mem>>)
    %get3A_3272 = arith.constant 20 : index
    %get3A_3273 = arith.constant 0 : index
    %get3A_3274 = memref.load %arg1[%get3A_3272, %get3A_3273] : memref<32x16xi32, #tpu.memory_space<smem>>
    %dma_start3A_3275 = arith.constant 0 : i32
    %dma_start3A_3276 = arith.constant 0 : i32
    %dma_start3A_3277 = arith.constant 0 : i32
    %dma_start3A_3278 = tpu.memref_slice %arg7[%dma_start3A_3276, %get3A_3274, %dma_start3A_3277] : memref<4x2048x768xf32, #tpu.memory_space<hbm>> -> memref<1x1x768xf32, #tpu.memory_space<hbm>>
    %dma_start3A_3279 = tpu.memref_squeeze %dma_start3A_3278 : memref<1x1x768xf32, #tpu.memory_space<hbm>> -> memref<1x768xf32, #tpu.memory_space<hbm>>
    %dma_start3A_3280 = arith.constant 10 : i32
    %dma_start3A_3281 = arith.constant 0 : i32
    %dma_start3A_3282 = tpu.memref_slice %arg9[%dma_start3A_3275, %dma_start3A_3280, %dma_start3A_3281] : memref<4x16x768xf32, #tpu.memory_space<vmem>> -> memref<1x1x768xf32, #tpu.memory_space<vmem>>
    %dma_start3A_3283 = tpu.memref_squeeze %dma_start3A_3282 : memref<1x1x768xf32, #tpu.memory_space<vmem>> -> memref<1x768xf32, #tpu.memory_space<vmem>>
    tpu.enqueue_dma source(%dma_start3A_3283 : memref<1x768xf32, #tpu.memory_space<vmem>>) target(%dma_start3A_3279 : memref<1x768xf32, #tpu.memory_space<hbm>>) target_semaphore(%arg10 : memref<!tpu.dma_semaphore, #tpu.memory_space<semaphore_mem>>)
    %get3A_3284 = arith.constant 20 : index
    %get3A_3285 = arith.constant 1 : index
    %get3A_3286 = memref.load %arg1[%get3A_3284, %get3A_3285] : memref<32x16xi32, #tpu.memory_space<smem>>
    %dma_start3A_3287 = arith.constant 0 : i32
    %dma_start3A_3288 = arith.constant 0 : i32
    %dma_start3A_3289 = arith.constant 0 : i32
    %dma_start3A_3290 = tpu.memref_slice %arg7[%dma_start3A_3288, %get3A_3286, %dma_start3A_3289] : memref<4x2048x768xf32, #tpu.memory_space<hbm>> -> memref<1x1x768xf32, #tpu.memory_space<hbm>>
    %dma_start3A_3291 = tpu.memref_squeeze %dma_start3A_3290 : memref<1x1x768xf32, #tpu.memory_space<hbm>> -> memref<1x768xf32, #tpu.memory_space<hbm>>
    %dma_start3A_3292 = arith.constant 11 : i32
    %dma_start3A_3293 = arith.constant 0 : i32
    %dma_start3A_3294 = tpu.memref_slice %arg9[%dma_start3A_3287, %dma_start3A_3292, %dma_start3A_3293] : memref<4x16x768xf32, #tpu.memory_space<vmem>> -> memref<1x1x768xf32, #tpu.memory_space<vmem>>
    %dma_start3A_3295 = tpu.memref_squeeze %dma_start3A_3294 : memref<1x1x768xf32, #tpu.memory_space<vmem>> -> memref<1x768xf32, #tpu.memory_space<vmem>>
    tpu.enqueue_dma source(%dma_start3A_3295 : memref<1x768xf32, #tpu.memory_space<vmem>>) target(%dma_start3A_3291 : memref<1x768xf32, #tpu.memory_space<hbm>>) target_semaphore(%arg10 : memref<!tpu.dma_semaphore, #tpu.memory_space<semaphore_mem>>)
    %get3A_3296 = arith.constant 24 : index
    %get3A_3297 = arith.constant 0 : index
    %get3A_3298 = memref.load %arg1[%get3A_3296, %get3A_3297] : memref<32x16xi32, #tpu.memory_space<smem>>
    %dma_start3A_3299 = arith.constant 0 : i32
    %dma_start3A_3300 = arith.constant 0 : i32
    %dma_start3A_3301 = arith.constant 0 : i32
    %dma_start3A_3302 = tpu.memref_slice %arg7[%dma_start3A_3300, %get3A_3298, %dma_start3A_3301] : memref<4x2048x768xf32, #tpu.memory_space<hbm>> -> memref<1x1x768xf32, #tpu.memory_space<hbm>>
    %dma_start3A_3303 = tpu.memref_squeeze %dma_start3A_3302 : memref<1x1x768xf32, #tpu.memory_space<hbm>> -> memref<1x768xf32, #tpu.memory_space<hbm>>
    %dma_start3A_3304 = arith.constant 12 : i32
    %dma_start3A_3305 = arith.constant 0 : i32
    %dma_start3A_3306 = tpu.memref_slice %arg9[%dma_start3A_3299, %dma_start3A_3304, %dma_start3A_3305] : memref<4x16x768xf32, #tpu.memory_space<vmem>> -> memref<1x1x768xf32, #tpu.memory_space<vmem>>
    %dma_start3A_3307 = tpu.memref_squeeze %dma_start3A_3306 : memref<1x1x768xf32, #tpu.memory_space<vmem>> -> memref<1x768xf32, #tpu.memory_space<vmem>>
    tpu.enqueue_dma source(%dma_start3A_3307 : memref<1x768xf32, #tpu.memory_space<vmem>>) target(%dma_start3A_3303 : memref<1x768xf32, #tpu.memory_space<hbm>>) target_semaphore(%arg10 : memref<!tpu.dma_semaphore, #tpu.memory_space<semaphore_mem>>)
    %get3A_3308 = arith.constant 24 : index
    %get3A_3309 = arith.constant 1 : index
    %get3A_3310 = memref.load %arg1[%get3A_3308, %get3A_3309] : memref<32x16xi32, #tpu.memory_space<smem>>
    %dma_start3A_3311 = arith.constant 0 : i32
    %dma_start3A_3312 = arith.constant 0 : i32
    %dma_start3A_3313 = arith.constant 0 : i32
    %dma_start3A_3314 = tpu.memref_slice %arg7[%dma_start3A_3312, %get3A_3310, %dma_start3A_3313] : memref<4x2048x768xf32, #tpu.memory_space<hbm>> -> memref<1x1x768xf32, #tpu.memory_space<hbm>>
    %dma_start3A_3315 = tpu.memref_squeeze %dma_start3A_3314 : memref<1x1x768xf32, #tpu.memory_space<hbm>> -> memref<1x768xf32, #tpu.memory_space<hbm>>
    %dma_start3A_3316 = arith.constant 13 : i32
    %dma_start3A_3317 = arith.constant 0 : i32
    %dma_start3A_3318 = tpu.memref_slice %arg9[%dma_start3A_3311, %dma_start3A_3316, %dma_start3A_3317] : memref<4x16x768xf32, #tpu.memory_space<vmem>> -> memref<1x1x768xf32, #tpu.memory_space<vmem>>
    %dma_start3A_3319 = tpu.memref_squeeze %dma_start3A_3318 : memref<1x1x768xf32, #tpu.memory_space<vmem>> -> memref<1x768xf32, #tpu.memory_space<vmem>>
    tpu.enqueue_dma source(%dma_start3A_3319 : memref<1x768xf32, #tpu.memory_space<vmem>>) target(%dma_start3A_3315 : memref<1x768xf32, #tpu.memory_space<hbm>>) target_semaphore(%arg10 : memref<!tpu.dma_semaphore, #tpu.memory_space<semaphore_mem>>)
    %get3A_3320 = arith.constant 28 : index
    %get3A_3321 = arith.constant 0 : index
    %get3A_3322 = memref.load %arg1[%get3A_3320, %get3A_3321] : memref<32x16xi32, #tpu.memory_space<smem>>
    %dma_start3A_3323 = arith.constant 0 : i32
    %dma_start3A_3324 = arith.constant 0 : i32
    %dma_start3A_3325 = arith.constant 0 : i32
    %dma_start3A_3326 = tpu.memref_slice %arg7[%dma_start3A_3324, %get3A_3322, %dma_start3A_3325] : memref<4x2048x768xf32, #tpu.memory_space<hbm>> -> memref<1x1x768xf32, #tpu.memory_space<hbm>>
    %dma_start3A_3327 = tpu.memref_squeeze %dma_start3A_3326 : memref<1x1x768xf32, #tpu.memory_space<hbm>> -> memref<1x768xf32, #tpu.memory_space<hbm>>
    %dma_start3A_3328 = arith.constant 14 : i32
    %dma_start3A_3329 = arith.constant 0 : i32
    %dma_start3A_3330 = tpu.memref_slice %arg9[%dma_start3A_3323, %dma_start3A_3328, %dma_start3A_3329] : memref<4x16x768xf32, #tpu.memory_space<vmem>> -> memref<1x1x768xf32, #tpu.memory_space<vmem>>
    %dma_start3A_3331 = tpu.memref_squeeze %dma_start3A_3330 : memref<1x1x768xf32, #tpu.memory_space<vmem>> -> memref<1x768xf32, #tpu.memory_space<vmem>>
    tpu.enqueue_dma source(%dma_start3A_3331 : memref<1x768xf32, #tpu.memory_space<vmem>>) target(%dma_start3A_3327 : memref<1x768xf32, #tpu.memory_space<hbm>>) target_semaphore(%arg10 : memref<!tpu.dma_semaphore, #tpu.memory_space<semaphore_mem>>)
    %get3A_3332 = arith.constant 28 : index
    %get3A_3333 = arith.constant 1 : index
    %get3A_3334 = memref.load %arg1[%get3A_3332, %get3A_3333] : memref<32x16xi32, #tpu.memory_space<smem>>
    %dma_start3A_3335 = arith.constant 0 : i32
    %dma_start3A_3336 = arith.constant 0 : i32
    %dma_start3A_3337 = arith.constant 0 : i32
    %dma_start3A_3338 = tpu.memref_slice %arg7[%dma_start3A_3336, %get3A_3334, %dma_start3A_3337] : memref<4x2048x768xf32, #tpu.memory_space<hbm>> -> memref<1x1x768xf32, #tpu.memory_space<hbm>>
    %dma_start3A_3339 = tpu.memref_squeeze %dma_start3A_3338 : memref<1x1x768xf32, #tpu.memory_space<hbm>> -> memref<1x768xf32, #tpu.memory_space<hbm>>
    %dma_start3A_3340 = arith.constant 15 : i32
    %dma_start3A_3341 = arith.constant 0 : i32
    %dma_start3A_3342 = tpu.memref_slice %arg9[%dma_start3A_3335, %dma_start3A_3340, %dma_start3A_3341] : memref<4x16x768xf32, #tpu.memory_space<vmem>> -> memref<1x1x768xf32, #tpu.memory_space<vmem>>
    %dma_start3A_3343 = tpu.memref_squeeze %dma_start3A_3342 : memref<1x1x768xf32, #tpu.memory_space<vmem>> -> memref<1x768xf32, #tpu.memory_space<vmem>>
    tpu.enqueue_dma source(%dma_start3A_3343 : memref<1x768xf32, #tpu.memory_space<vmem>>) target(%dma_start3A_3339 : memref<1x768xf32, #tpu.memory_space<hbm>>) target_semaphore(%arg10 : memref<!tpu.dma_semaphore, #tpu.memory_space<semaphore_mem>>)
    %get3A_3344 = arith.constant 1 : index
    %get3A_3345 = arith.constant 0 : index
    %get3A_3346 = memref.load %arg1[%get3A_3344, %get3A_3345] : memref<32x16xi32, #tpu.memory_space<smem>>
    %dma_start3A_3347 = arith.constant 1 : i32
    %dma_start3A_3348 = arith.constant 1 : i32
    %dma_start3A_3349 = arith.constant 0 : i32
    %dma_start3A_3350 = tpu.memref_slice %arg7[%dma_start3A_3348, %get3A_3346, %dma_start3A_3349] : memref<4x2048x768xf32, #tpu.memory_space<hbm>> -> memref<1x1x768xf32, #tpu.memory_space<hbm>>
    %dma_start3A_3351 = tpu.memref_squeeze %dma_start3A_3350 : memref<1x1x768xf32, #tpu.memory_space<hbm>> -> memref<1x768xf32, #tpu.memory_space<hbm>>
    %dma_start3A_3352 = arith.constant 0 : i32
    %dma_start3A_3353 = arith.constant 0 : i32
    %dma_start3A_3354 = tpu.memref_slice %arg9[%dma_start3A_3347, %dma_start3A_3352, %dma_start3A_3353] : memref<4x16x768xf32, #tpu.memory_space<vmem>> -> memref<1x1x768xf32, #tpu.memory_space<vmem>>
    %dma_start3A_3355 = tpu.memref_squeeze %dma_start3A_3354 : memref<1x1x768xf32, #tpu.memory_space<vmem>> -> memref<1x768xf32, #tpu.memory_space<vmem>>
    tpu.enqueue_dma source(%dma_start3A_3355 : memref<1x768xf32, #tpu.memory_space<vmem>>) target(%dma_start3A_3351 : memref<1x768xf32, #tpu.memory_space<hbm>>) target_semaphore(%arg10 : memref<!tpu.dma_semaphore, #tpu.memory_space<semaphore_mem>>)
    %get3A_3356 = arith.constant 1 : index
    %get3A_3357 = arith.constant 1 : index
    %get3A_3358 = memref.load %arg1[%get3A_3356, %get3A_3357] : memref<32x16xi32, #tpu.memory_space<smem>>
    %dma_start3A_3359 = arith.constant 1 : i32
    %dma_start3A_3360 = arith.constant 1 : i32
    %dma_start3A_3361 = arith.constant 0 : i32
    %dma_start3A_3362 = tpu.memref_slice %arg7[%dma_start3A_3360, %get3A_3358, %dma_start3A_3361] : memref<4x2048x768xf32, #tpu.memory_space<hbm>> -> memref<1x1x768xf32, #tpu.memory_space<hbm>>
    %dma_start3A_3363 = tpu.memref_squeeze %dma_start3A_3362 : memref<1x1x768xf32, #tpu.memory_space<hbm>> -> memref<1x768xf32, #tpu.memory_space<hbm>>
    %dma_start3A_3364 = arith.constant 1 : i32
    %dma_start3A_3365 = arith.constant 0 : i32
    %dma_start3A_3366 = tpu.memref_slice %arg9[%dma_start3A_3359, %dma_start3A_3364, %dma_start3A_3365] : memref<4x16x768xf32, #tpu.memory_space<vmem>> -> memref<1x1x768xf32, #tpu.memory_space<vmem>>
    %dma_start3A_3367 = tpu.memref_squeeze %dma_start3A_3366 : memref<1x1x768xf32, #tpu.memory_space<vmem>> -> memref<1x768xf32, #tpu.memory_space<vmem>>
    tpu.enqueue_dma source(%dma_start3A_3367 : memref<1x768xf32, #tpu.memory_space<vmem>>) target(%dma_start3A_3363 : memref<1x768xf32, #tpu.memory_space<hbm>>) target_semaphore(%arg10 : memref<!tpu.dma_semaphore, #tpu.memory_space<semaphore_mem>>)
    %get3A_3368 = arith.constant 5 : index
    %get3A_3369 = arith.constant 0 : index
    %get3A_3370 = memref.load %arg1[%get3A_3368, %get3A_3369] : memref<32x16xi32, #tpu.memory_space<smem>>
    %dma_start3A_3371 = arith.constant 1 : i32
    %dma_start3A_3372 = arith.constant 1 : i32
    %dma_start3A_3373 = arith.constant 0 : i32
    %dma_start3A_3374 = tpu.memref_slice %arg7[%dma_start3A_3372, %get3A_3370, %dma_start3A_3373] : memref<4x2048x768xf32, #tpu.memory_space<hbm>> -> memref<1x1x768xf32, #tpu.memory_space<hbm>>
    %dma_start3A_3375 = tpu.memref_squeeze %dma_start3A_3374 : memref<1x1x768xf32, #tpu.memory_space<hbm>> -> memref<1x768xf32, #tpu.memory_space<hbm>>
    %dma_start3A_3376 = arith.constant 2 : i32
    %dma_start3A_3377 = arith.constant 0 : i32
    %dma_start3A_3378 = tpu.memref_slice %arg9[%dma_start3A_3371, %dma_start3A_3376, %dma_start3A_3377] : memref<4x16x768xf32, #tpu.memory_space<vmem>> -> memref<1x1x768xf32, #tpu.memory_space<vmem>>
    %dma_start3A_3379 = tpu.memref_squeeze %dma_start3A_3378 : memref<1x1x768xf32, #tpu.memory_space<vmem>> -> memref<1x768xf32, #tpu.memory_space<vmem>>
    tpu.enqueue_dma source(%dma_start3A_3379 : memref<1x768xf32, #tpu.memory_space<vmem>>) target(%dma_start3A_3375 : memref<1x768xf32, #tpu.memory_space<hbm>>) target_semaphore(%arg10 : memref<!tpu.dma_semaphore, #tpu.memory_space<semaphore_mem>>)
    %get3A_3380 = arith.constant 5 : index
    %get3A_3381 = arith.constant 1 : index
    %get3A_3382 = memref.load %arg1[%get3A_3380, %get3A_3381] : memref<32x16xi32, #tpu.memory_space<smem>>
    %dma_start3A_3383 = arith.constant 1 : i32
    %dma_start3A_3384 = arith.constant 1 : i32
    %dma_start3A_3385 = arith.constant 0 : i32
    %dma_start3A_3386 = tpu.memref_slice %arg7[%dma_start3A_3384, %get3A_3382, %dma_start3A_3385] : memref<4x2048x768xf32, #tpu.memory_space<hbm>> -> memref<1x1x768xf32, #tpu.memory_space<hbm>>
    %dma_start3A_3387 = tpu.memref_squeeze %dma_start3A_3386 : memref<1x1x768xf32, #tpu.memory_space<hbm>> -> memref<1x768xf32, #tpu.memory_space<hbm>>
    %dma_start3A_3388 = arith.constant 3 : i32
    %dma_start3A_3389 = arith.constant 0 : i32
    %dma_start3A_3390 = tpu.memref_slice %arg9[%dma_start3A_3383, %dma_start3A_3388, %dma_start3A_3389] : memref<4x16x768xf32, #tpu.memory_space<vmem>> -> memref<1x1x768xf32, #tpu.memory_space<vmem>>
    %dma_start3A_3391 = tpu.memref_squeeze %dma_start3A_3390 : memref<1x1x768xf32, #tpu.memory_space<vmem>> -> memref<1x768xf32, #tpu.memory_space<vmem>>
    tpu.enqueue_dma source(%dma_start3A_3391 : memref<1x768xf32, #tpu.memory_space<vmem>>) target(%dma_start3A_3387 : memref<1x768xf32, #tpu.memory_space<hbm>>) target_semaphore(%arg10 : memref<!tpu.dma_semaphore, #tpu.memory_space<semaphore_mem>>)
    %get3A_3392 = arith.constant 9 : index
    %get3A_3393 = arith.constant 0 : index
    %get3A_3394 = memref.load %arg1[%get3A_3392, %get3A_3393] : memref<32x16xi32, #tpu.memory_space<smem>>
    %dma_start3A_3395 = arith.constant 1 : i32
    %dma_start3A_3396 = arith.constant 1 : i32
    %dma_start3A_3397 = arith.constant 0 : i32
    %dma_start3A_3398 = tpu.memref_slice %arg7[%dma_start3A_3396, %get3A_3394, %dma_start3A_3397] : memref<4x2048x768xf32, #tpu.memory_space<hbm>> -> memref<1x1x768xf32, #tpu.memory_space<hbm>>
    %dma_start3A_3399 = tpu.memref_squeeze %dma_start3A_3398 : memref<1x1x768xf32, #tpu.memory_space<hbm>> -> memref<1x768xf32, #tpu.memory_space<hbm>>
    %dma_start3A_3400 = arith.constant 4 : i32
    %dma_start3A_3401 = arith.constant 0 : i32
    %dma_start3A_3402 = tpu.memref_slice %arg9[%dma_start3A_3395, %dma_start3A_3400, %dma_start3A_3401] : memref<4x16x768xf32, #tpu.memory_space<vmem>> -> memref<1x1x768xf32, #tpu.memory_space<vmem>>
    %dma_start3A_3403 = tpu.memref_squeeze %dma_start3A_3402 : memref<1x1x768xf32, #tpu.memory_space<vmem>> -> memref<1x768xf32, #tpu.memory_space<vmem>>
    tpu.enqueue_dma source(%dma_start3A_3403 : memref<1x768xf32, #tpu.memory_space<vmem>>) target(%dma_start3A_3399 : memref<1x768xf32, #tpu.memory_space<hbm>>) target_semaphore(%arg10 : memref<!tpu.dma_semaphore, #tpu.memory_space<semaphore_mem>>)
    %get3A_3404 = arith.constant 9 : index
    %get3A_3405 = arith.constant 1 : index
    %get3A_3406 = memref.load %arg1[%get3A_3404, %get3A_3405] : memref<32x16xi32, #tpu.memory_space<smem>>
    %dma_start3A_3407 = arith.constant 1 : i32
    %dma_start3A_3408 = arith.constant 1 : i32
    %dma_start3A_3409 = arith.constant 0 : i32
    %dma_start3A_3410 = tpu.memref_slice %arg7[%dma_start3A_3408, %get3A_3406, %dma_start3A_3409] : memref<4x2048x768xf32, #tpu.memory_space<hbm>> -> memref<1x1x768xf32, #tpu.memory_space<hbm>>
    %dma_start3A_3411 = tpu.memref_squeeze %dma_start3A_3410 : memref<1x1x768xf32, #tpu.memory_space<hbm>> -> memref<1x768xf32, #tpu.memory_space<hbm>>
    %dma_start3A_3412 = arith.constant 5 : i32
    %dma_start3A_3413 = arith.constant 0 : i32
    %dma_start3A_3414 = tpu.memref_slice %arg9[%dma_start3A_3407, %dma_start3A_3412, %dma_start3A_3413] : memref<4x16x768xf32, #tpu.memory_space<vmem>> -> memref<1x1x768xf32, #tpu.memory_space<vmem>>
    %dma_start3A_3415 = tpu.memref_squeeze %dma_start3A_3414 : memref<1x1x768xf32, #tpu.memory_space<vmem>> -> memref<1x768xf32, #tpu.memory_space<vmem>>
    tpu.enqueue_dma source(%dma_start3A_3415 : memref<1x768xf32, #tpu.memory_space<vmem>>) target(%dma_start3A_3411 : memref<1x768xf32, #tpu.memory_space<hbm>>) target_semaphore(%arg10 : memref<!tpu.dma_semaphore, #tpu.memory_space<semaphore_mem>>)
    %get3A_3416 = arith.constant 13 : index
    %get3A_3417 = arith.constant 0 : index
    %get3A_3418 = memref.load %arg1[%get3A_3416, %get3A_3417] : memref<32x16xi32, #tpu.memory_space<smem>>
    %dma_start3A_3419 = arith.constant 1 : i32
    %dma_start3A_3420 = arith.constant 1 : i32
    %dma_start3A_3421 = arith.constant 0 : i32
    %dma_start3A_3422 = tpu.memref_slice %arg7[%dma_start3A_3420, %get3A_3418, %dma_start3A_3421] : memref<4x2048x768xf32, #tpu.memory_space<hbm>> -> memref<1x1x768xf32, #tpu.memory_space<hbm>>
    %dma_start3A_3423 = tpu.memref_squeeze %dma_start3A_3422 : memref<1x1x768xf32, #tpu.memory_space<hbm>> -> memref<1x768xf32, #tpu.memory_space<hbm>>
    %dma_start3A_3424 = arith.constant 6 : i32
    %dma_start3A_3425 = arith.constant 0 : i32
    %dma_start3A_3426 = tpu.memref_slice %arg9[%dma_start3A_3419, %dma_start3A_3424, %dma_start3A_3425] : memref<4x16x768xf32, #tpu.memory_space<vmem>> -> memref<1x1x768xf32, #tpu.memory_space<vmem>>
    %dma_start3A_3427 = tpu.memref_squeeze %dma_start3A_3426 : memref<1x1x768xf32, #tpu.memory_space<vmem>> -> memref<1x768xf32, #tpu.memory_space<vmem>>
    tpu.enqueue_dma source(%dma_start3A_3427 : memref<1x768xf32, #tpu.memory_space<vmem>>) target(%dma_start3A_3423 : memref<1x768xf32, #tpu.memory_space<hbm>>) target_semaphore(%arg10 : memref<!tpu.dma_semaphore, #tpu.memory_space<semaphore_mem>>)
    %get3A_3428 = arith.constant 13 : index
    %get3A_3429 = arith.constant 1 : index
    %get3A_3430 = memref.load %arg1[%get3A_3428, %get3A_3429] : memref<32x16xi32, #tpu.memory_space<smem>>
    %dma_start3A_3431 = arith.constant 1 : i32
    %dma_start3A_3432 = arith.constant 1 : i32
    %dma_start3A_3433 = arith.constant 0 : i32
    %dma_start3A_3434 = tpu.memref_slice %arg7[%dma_start3A_3432, %get3A_3430, %dma_start3A_3433] : memref<4x2048x768xf32, #tpu.memory_space<hbm>> -> memref<1x1x768xf32, #tpu.memory_space<hbm>>
    %dma_start3A_3435 = tpu.memref_squeeze %dma_start3A_3434 : memref<1x1x768xf32, #tpu.memory_space<hbm>> -> memref<1x768xf32, #tpu.memory_space<hbm>>
    %dma_start3A_3436 = arith.constant 7 : i32
    %dma_start3A_3437 = arith.constant 0 : i32
    %dma_start3A_3438 = tpu.memref_slice %arg9[%dma_start3A_3431, %dma_start3A_3436, %dma_start3A_3437] : memref<4x16x768xf32, #tpu.memory_space<vmem>> -> memref<1x1x768xf32, #tpu.memory_space<vmem>>
    %dma_start3A_3439 = tpu.memref_squeeze %dma_start3A_3438 : memref<1x1x768xf32, #tpu.memory_space<vmem>> -> memref<1x768xf32, #tpu.memory_space<vmem>>
    tpu.enqueue_dma source(%dma_start3A_3439 : memref<1x768xf32, #tpu.memory_space<vmem>>) target(%dma_start3A_3435 : memref<1x768xf32, #tpu.memory_space<hbm>>) target_semaphore(%arg10 : memref<!tpu.dma_semaphore, #tpu.memory_space<semaphore_mem>>)
    %get3A_3440 = arith.constant 17 : index
    %get3A_3441 = arith.constant 0 : index
    %get3A_3442 = memref.load %arg1[%get3A_3440, %get3A_3441] : memref<32x16xi32, #tpu.memory_space<smem>>
    %dma_start3A_3443 = arith.constant 1 : i32
    %dma_start3A_3444 = arith.constant 1 : i32
    %dma_start3A_3445 = arith.constant 0 : i32
    %dma_start3A_3446 = tpu.memref_slice %arg7[%dma_start3A_3444, %get3A_3442, %dma_start3A_3445] : memref<4x2048x768xf32, #tpu.memory_space<hbm>> -> memref<1x1x768xf32, #tpu.memory_space<hbm>>
    %dma_start3A_3447 = tpu.memref_squeeze %dma_start3A_3446 : memref<1x1x768xf32, #tpu.memory_space<hbm>> -> memref<1x768xf32, #tpu.memory_space<hbm>>
    %dma_start3A_3448 = arith.constant 8 : i32
    %dma_start3A_3449 = arith.constant 0 : i32
    %dma_start3A_3450 = tpu.memref_slice %arg9[%dma_start3A_3443, %dma_start3A_3448, %dma_start3A_3449] : memref<4x16x768xf32, #tpu.memory_space<vmem>> -> memref<1x1x768xf32, #tpu.memory_space<vmem>>
    %dma_start3A_3451 = tpu.memref_squeeze %dma_start3A_3450 : memref<1x1x768xf32, #tpu.memory_space<vmem>> -> memref<1x768xf32, #tpu.memory_space<vmem>>
    tpu.enqueue_dma source(%dma_start3A_3451 : memref<1x768xf32, #tpu.memory_space<vmem>>) target(%dma_start3A_3447 : memref<1x768xf32, #tpu.memory_space<hbm>>) target_semaphore(%arg10 : memref<!tpu.dma_semaphore, #tpu.memory_space<semaphore_mem>>)
    %get3A_3452 = arith.constant 17 : index
    %get3A_3453 = arith.constant 1 : index
    %get3A_3454 = memref.load %arg1[%get3A_3452, %get3A_3453] : memref<32x16xi32, #tpu.memory_space<smem>>
    %dma_start3A_3455 = arith.constant 1 : i32
    %dma_start3A_3456 = arith.constant 1 : i32
    %dma_start3A_3457 = arith.constant 0 : i32
    %dma_start3A_3458 = tpu.memref_slice %arg7[%dma_start3A_3456, %get3A_3454, %dma_start3A_3457] : memref<4x2048x768xf32, #tpu.memory_space<hbm>> -> memref<1x1x768xf32, #tpu.memory_space<hbm>>
    %dma_start3A_3459 = tpu.memref_squeeze %dma_start3A_3458 : memref<1x1x768xf32, #tpu.memory_space<hbm>> -> memref<1x768xf32, #tpu.memory_space<hbm>>
    %dma_start3A_3460 = arith.constant 9 : i32
    %dma_start3A_3461 = arith.constant 0 : i32
    %dma_start3A_3462 = tpu.memref_slice %arg9[%dma_start3A_3455, %dma_start3A_3460, %dma_start3A_3461] : memref<4x16x768xf32, #tpu.memory_space<vmem>> -> memref<1x1x768xf32, #tpu.memory_space<vmem>>
    %dma_start3A_3463 = tpu.memref_squeeze %dma_start3A_3462 : memref<1x1x768xf32, #tpu.memory_space<vmem>> -> memref<1x768xf32, #tpu.memory_space<vmem>>
    tpu.enqueue_dma source(%dma_start3A_3463 : memref<1x768xf32, #tpu.memory_space<vmem>>) target(%dma_start3A_3459 : memref<1x768xf32, #tpu.memory_space<hbm>>) target_semaphore(%arg10 : memref<!tpu.dma_semaphore, #tpu.memory_space<semaphore_mem>>)
    %get3A_3464 = arith.constant 21 : index
    %get3A_3465 = arith.constant 0 : index
    %get3A_3466 = memref.load %arg1[%get3A_3464, %get3A_3465] : memref<32x16xi32, #tpu.memory_space<smem>>
    %dma_start3A_3467 = arith.constant 1 : i32
    %dma_start3A_3468 = arith.constant 1 : i32
    %dma_start3A_3469 = arith.constant 0 : i32
    %dma_start3A_3470 = tpu.memref_slice %arg7[%dma_start3A_3468, %get3A_3466, %dma_start3A_3469] : memref<4x2048x768xf32, #tpu.memory_space<hbm>> -> memref<1x1x768xf32, #tpu.memory_space<hbm>>
    %dma_start3A_3471 = tpu.memref_squeeze %dma_start3A_3470 : memref<1x1x768xf32, #tpu.memory_space<hbm>> -> memref<1x768xf32, #tpu.memory_space<hbm>>
    %dma_start3A_3472 = arith.constant 10 : i32
    %dma_start3A_3473 = arith.constant 0 : i32
    %dma_start3A_3474 = tpu.memref_slice %arg9[%dma_start3A_3467, %dma_start3A_3472, %dma_start3A_3473] : memref<4x16x768xf32, #tpu.memory_space<vmem>> -> memref<1x1x768xf32, #tpu.memory_space<vmem>>
    %dma_start3A_3475 = tpu.memref_squeeze %dma_start3A_3474 : memref<1x1x768xf32, #tpu.memory_space<vmem>> -> memref<1x768xf32, #tpu.memory_space<vmem>>
    tpu.enqueue_dma source(%dma_start3A_3475 : memref<1x768xf32, #tpu.memory_space<vmem>>) target(%dma_start3A_3471 : memref<1x768xf32, #tpu.memory_space<hbm>>) target_semaphore(%arg10 : memref<!tpu.dma_semaphore, #tpu.memory_space<semaphore_mem>>)
    %get3A_3476 = arith.constant 21 : index
    %get3A_3477 = arith.constant 1 : index
    %get3A_3478 = memref.load %arg1[%get3A_3476, %get3A_3477] : memref<32x16xi32, #tpu.memory_space<smem>>
    %dma_start3A_3479 = arith.constant 1 : i32
    %dma_start3A_3480 = arith.constant 1 : i32
    %dma_start3A_3481 = arith.constant 0 : i32
    %dma_start3A_3482 = tpu.memref_slice %arg7[%dma_start3A_3480, %get3A_3478, %dma_start3A_3481] : memref<4x2048x768xf32, #tpu.memory_space<hbm>> -> memref<1x1x768xf32, #tpu.memory_space<hbm>>
    %dma_start3A_3483 = tpu.memref_squeeze %dma_start3A_3482 : memref<1x1x768xf32, #tpu.memory_space<hbm>> -> memref<1x768xf32, #tpu.memory_space<hbm>>
    %dma_start3A_3484 = arith.constant 11 : i32
    %dma_start3A_3485 = arith.constant 0 : i32
    %dma_start3A_3486 = tpu.memref_slice %arg9[%dma_start3A_3479, %dma_start3A_3484, %dma_start3A_3485] : memref<4x16x768xf32, #tpu.memory_space<vmem>> -> memref<1x1x768xf32, #tpu.memory_space<vmem>>
    %dma_start3A_3487 = tpu.memref_squeeze %dma_start3A_3486 : memref<1x1x768xf32, #tpu.memory_space<vmem>> -> memref<1x768xf32, #tpu.memory_space<vmem>>
    tpu.enqueue_dma source(%dma_start3A_3487 : memref<1x768xf32, #tpu.memory_space<vmem>>) target(%dma_start3A_3483 : memref<1x768xf32, #tpu.memory_space<hbm>>) target_semaphore(%arg10 : memref<!tpu.dma_semaphore, #tpu.memory_space<semaphore_mem>>)
    %get3A_3488 = arith.constant 25 : index
    %get3A_3489 = arith.constant 0 : index
    %get3A_3490 = memref.load %arg1[%get3A_3488, %get3A_3489] : memref<32x16xi32, #tpu.memory_space<smem>>
    %dma_start3A_3491 = arith.constant 1 : i32
    %dma_start3A_3492 = arith.constant 1 : i32
    %dma_start3A_3493 = arith.constant 0 : i32
    %dma_start3A_3494 = tpu.memref_slice %arg7[%dma_start3A_3492, %get3A_3490, %dma_start3A_3493] : memref<4x2048x768xf32, #tpu.memory_space<hbm>> -> memref<1x1x768xf32, #tpu.memory_space<hbm>>
    %dma_start3A_3495 = tpu.memref_squeeze %dma_start3A_3494 : memref<1x1x768xf32, #tpu.memory_space<hbm>> -> memref<1x768xf32, #tpu.memory_space<hbm>>
    %dma_start3A_3496 = arith.constant 12 : i32
    %dma_start3A_3497 = arith.constant 0 : i32
    %dma_start3A_3498 = tpu.memref_slice %arg9[%dma_start3A_3491, %dma_start3A_3496, %dma_start3A_3497] : memref<4x16x768xf32, #tpu.memory_space<vmem>> -> memref<1x1x768xf32, #tpu.memory_space<vmem>>
    %dma_start3A_3499 = tpu.memref_squeeze %dma_start3A_3498 : memref<1x1x768xf32, #tpu.memory_space<vmem>> -> memref<1x768xf32, #tpu.memory_space<vmem>>
    tpu.enqueue_dma source(%dma_start3A_3499 : memref<1x768xf32, #tpu.memory_space<vmem>>) target(%dma_start3A_3495 : memref<1x768xf32, #tpu.memory_space<hbm>>) target_semaphore(%arg10 : memref<!tpu.dma_semaphore, #tpu.memory_space<semaphore_mem>>)
    %get3A_3500 = arith.constant 25 : index
    %get3A_3501 = arith.constant 1 : index
    %get3A_3502 = memref.load %arg1[%get3A_3500, %get3A_3501] : memref<32x16xi32, #tpu.memory_space<smem>>
    %dma_start3A_3503 = arith.constant 1 : i32
    %dma_start3A_3504 = arith.constant 1 : i32
    %dma_start3A_3505 = arith.constant 0 : i32
    %dma_start3A_3506 = tpu.memref_slice %arg7[%dma_start3A_3504, %get3A_3502, %dma_start3A_3505] : memref<4x2048x768xf32, #tpu.memory_space<hbm>> -> memref<1x1x768xf32, #tpu.memory_space<hbm>>
    %dma_start3A_3507 = tpu.memref_squeeze %dma_start3A_3506 : memref<1x1x768xf32, #tpu.memory_space<hbm>> -> memref<1x768xf32, #tpu.memory_space<hbm>>
    %dma_start3A_3508 = arith.constant 13 : i32
    %dma_start3A_3509 = arith.constant 0 : i32
    %dma_start3A_3510 = tpu.memref_slice %arg9[%dma_start3A_3503, %dma_start3A_3508, %dma_start3A_3509] : memref<4x16x768xf32, #tpu.memory_space<vmem>> -> memref<1x1x768xf32, #tpu.memory_space<vmem>>
    %dma_start3A_3511 = tpu.memref_squeeze %dma_start3A_3510 : memref<1x1x768xf32, #tpu.memory_space<vmem>> -> memref<1x768xf32, #tpu.memory_space<vmem>>
    tpu.enqueue_dma source(%dma_start3A_3511 : memref<1x768xf32, #tpu.memory_space<vmem>>) target(%dma_start3A_3507 : memref<1x768xf32, #tpu.memory_space<hbm>>) target_semaphore(%arg10 : memref<!tpu.dma_semaphore, #tpu.memory_space<semaphore_mem>>)
    %get3A_3512 = arith.constant 29 : index
    %get3A_3513 = arith.constant 0 : index
    %get3A_3514 = memref.load %arg1[%get3A_3512, %get3A_3513] : memref<32x16xi32, #tpu.memory_space<smem>>
    %dma_start3A_3515 = arith.constant 1 : i32
    %dma_start3A_3516 = arith.constant 1 : i32
    %dma_start3A_3517 = arith.constant 0 : i32
    %dma_start3A_3518 = tpu.memref_slice %arg7[%dma_start3A_3516, %get3A_3514, %dma_start3A_3517] : memref<4x2048x768xf32, #tpu.memory_space<hbm>> -> memref<1x1x768xf32, #tpu.memory_space<hbm>>
    %dma_start3A_3519 = tpu.memref_squeeze %dma_start3A_3518 : memref<1x1x768xf32, #tpu.memory_space<hbm>> -> memref<1x768xf32, #tpu.memory_space<hbm>>
    %dma_start3A_3520 = arith.constant 14 : i32
    %dma_start3A_3521 = arith.constant 0 : i32
    %dma_start3A_3522 = tpu.memref_slice %arg9[%dma_start3A_3515, %dma_start3A_3520, %dma_start3A_3521] : memref<4x16x768xf32, #tpu.memory_space<vmem>> -> memref<1x1x768xf32, #tpu.memory_space<vmem>>
    %dma_start3A_3523 = tpu.memref_squeeze %dma_start3A_3522 : memref<1x1x768xf32, #tpu.memory_space<vmem>> -> memref<1x768xf32, #tpu.memory_space<vmem>>
    tpu.enqueue_dma source(%dma_start3A_3523 : memref<1x768xf32, #tpu.memory_space<vmem>>) target(%dma_start3A_3519 : memref<1x768xf32, #tpu.memory_space<hbm>>) target_semaphore(%arg10 : memref<!tpu.dma_semaphore, #tpu.memory_space<semaphore_mem>>)
    %get3A_3524 = arith.constant 29 : index
    %get3A_3525 = arith.constant 1 : index
    %get3A_3526 = memref.load %arg1[%get3A_3524, %get3A_3525] : memref<32x16xi32, #tpu.memory_space<smem>>
    %dma_start3A_3527 = arith.constant 1 : i32
    %dma_start3A_3528 = arith.constant 1 : i32
    %dma_start3A_3529 = arith.constant 0 : i32
    %dma_start3A_3530 = tpu.memref_slice %arg7[%dma_start3A_3528, %get3A_3526, %dma_start3A_3529] : memref<4x2048x768xf32, #tpu.memory_space<hbm>> -> memref<1x1x768xf32, #tpu.memory_space<hbm>>
    %dma_start3A_3531 = tpu.memref_squeeze %dma_start3A_3530 : memref<1x1x768xf32, #tpu.memory_space<hbm>> -> memref<1x768xf32, #tpu.memory_space<hbm>>
    %dma_start3A_3532 = arith.constant 15 : i32
    %dma_start3A_3533 = arith.constant 0 : i32
    %dma_start3A_3534 = tpu.memref_slice %arg9[%dma_start3A_3527, %dma_start3A_3532, %dma_start3A_3533] : memref<4x16x768xf32, #tpu.memory_space<vmem>> -> memref<1x1x768xf32, #tpu.memory_space<vmem>>
    %dma_start3A_3535 = tpu.memref_squeeze %dma_start3A_3534 : memref<1x1x768xf32, #tpu.memory_space<vmem>> -> memref<1x768xf32, #tpu.memory_space<vmem>>
    tpu.enqueue_dma source(%dma_start3A_3535 : memref<1x768xf32, #tpu.memory_space<vmem>>) target(%dma_start3A_3531 : memref<1x768xf32, #tpu.memory_space<hbm>>) target_semaphore(%arg10 : memref<!tpu.dma_semaphore, #tpu.memory_space<semaphore_mem>>)
    %get3A_3536 = arith.constant 2 : index
    %get3A_3537 = arith.constant 0 : index
    %get3A_3538 = memref.load %arg1[%get3A_3536, %get3A_3537] : memref<32x16xi32, #tpu.memory_space<smem>>
    %dma_start3A_3539 = arith.constant 2 : i32
    %dma_start3A_3540 = arith.constant 2 : i32
    %dma_start3A_3541 = arith.constant 0 : i32
    %dma_start3A_3542 = tpu.memref_slice %arg7[%dma_start3A_3540, %get3A_3538, %dma_start3A_3541] : memref<4x2048x768xf32, #tpu.memory_space<hbm>> -> memref<1x1x768xf32, #tpu.memory_space<hbm>>
    %dma_start3A_3543 = tpu.memref_squeeze %dma_start3A_3542 : memref<1x1x768xf32, #tpu.memory_space<hbm>> -> memref<1x768xf32, #tpu.memory_space<hbm>>
    %dma_start3A_3544 = arith.constant 0 : i32
    %dma_start3A_3545 = arith.constant 0 : i32
    %dma_start3A_3546 = tpu.memref_slice %arg9[%dma_start3A_3539, %dma_start3A_3544, %dma_start3A_3545] : memref<4x16x768xf32, #tpu.memory_space<vmem>> -> memref<1x1x768xf32, #tpu.memory_space<vmem>>
    %dma_start3A_3547 = tpu.memref_squeeze %dma_start3A_3546 : memref<1x1x768xf32, #tpu.memory_space<vmem>> -> memref<1x768xf32, #tpu.memory_space<vmem>>
    tpu.enqueue_dma source(%dma_start3A_3547 : memref<1x768xf32, #tpu.memory_space<vmem>>) target(%dma_start3A_3543 : memref<1x768xf32, #tpu.memory_space<hbm>>) target_semaphore(%arg10 : memref<!tpu.dma_semaphore, #tpu.memory_space<semaphore_mem>>)
    %get3A_3548 = arith.constant 2 : index
    %get3A_3549 = arith.constant 1 : index
    %get3A_3550 = memref.load %arg1[%get3A_3548, %get3A_3549] : memref<32x16xi32, #tpu.memory_space<smem>>
    %dma_start3A_3551 = arith.constant 2 : i32
    %dma_start3A_3552 = arith.constant 2 : i32
    %dma_start3A_3553 = arith.constant 0 : i32
    %dma_start3A_3554 = tpu.memref_slice %arg7[%dma_start3A_3552, %get3A_3550, %dma_start3A_3553] : memref<4x2048x768xf32, #tpu.memory_space<hbm>> -> memref<1x1x768xf32, #tpu.memory_space<hbm>>
    %dma_start3A_3555 = tpu.memref_squeeze %dma_start3A_3554 : memref<1x1x768xf32, #tpu.memory_space<hbm>> -> memref<1x768xf32, #tpu.memory_space<hbm>>
    %dma_start3A_3556 = arith.constant 1 : i32
    %dma_start3A_3557 = arith.constant 0 : i32
    %dma_start3A_3558 = tpu.memref_slice %arg9[%dma_start3A_3551, %dma_start3A_3556, %dma_start3A_3557] : memref<4x16x768xf32, #tpu.memory_space<vmem>> -> memref<1x1x768xf32, #tpu.memory_space<vmem>>
    %dma_start3A_3559 = tpu.memref_squeeze %dma_start3A_3558 : memref<1x1x768xf32, #tpu.memory_space<vmem>> -> memref<1x768xf32, #tpu.memory_space<vmem>>
    tpu.enqueue_dma source(%dma_start3A_3559 : memref<1x768xf32, #tpu.memory_space<vmem>>) target(%dma_start3A_3555 : memref<1x768xf32, #tpu.memory_space<hbm>>) target_semaphore(%arg10 : memref<!tpu.dma_semaphore, #tpu.memory_space<semaphore_mem>>)
    %get3A_3560 = arith.constant 6 : index
    %get3A_3561 = arith.constant 0 : index
    %get3A_3562 = memref.load %arg1[%get3A_3560, %get3A_3561] : memref<32x16xi32, #tpu.memory_space<smem>>
    %dma_start3A_3563 = arith.constant 2 : i32
    %dma_start3A_3564 = arith.constant 2 : i32
    %dma_start3A_3565 = arith.constant 0 : i32
    %dma_start3A_3566 = tpu.memref_slice %arg7[%dma_start3A_3564, %get3A_3562, %dma_start3A_3565] : memref<4x2048x768xf32, #tpu.memory_space<hbm>> -> memref<1x1x768xf32, #tpu.memory_space<hbm>>
    %dma_start3A_3567 = tpu.memref_squeeze %dma_start3A_3566 : memref<1x1x768xf32, #tpu.memory_space<hbm>> -> memref<1x768xf32, #tpu.memory_space<hbm>>
    %dma_start3A_3568 = arith.constant 2 : i32
    %dma_start3A_3569 = arith.constant 0 : i32
    %dma_start3A_3570 = tpu.memref_slice %arg9[%dma_start3A_3563, %dma_start3A_3568, %dma_start3A_3569] : memref<4x16x768xf32, #tpu.memory_space<vmem>> -> memref<1x1x768xf32, #tpu.memory_space<vmem>>
    %dma_start3A_3571 = tpu.memref_squeeze %dma_start3A_3570 : memref<1x1x768xf32, #tpu.memory_space<vmem>> -> memref<1x768xf32, #tpu.memory_space<vmem>>
    tpu.enqueue_dma source(%dma_start3A_3571 : memref<1x768xf32, #tpu.memory_space<vmem>>) target(%dma_start3A_3567 : memref<1x768xf32, #tpu.memory_space<hbm>>) target_semaphore(%arg10 : memref<!tpu.dma_semaphore, #tpu.memory_space<semaphore_mem>>)
    %get3A_3572 = arith.constant 6 : index
    %get3A_3573 = arith.constant 1 : index
    %get3A_3574 = memref.load %arg1[%get3A_3572, %get3A_3573] : memref<32x16xi32, #tpu.memory_space<smem>>
    %dma_start3A_3575 = arith.constant 2 : i32
    %dma_start3A_3576 = arith.constant 2 : i32
    %dma_start3A_3577 = arith.constant 0 : i32
    %dma_start3A_3578 = tpu.memref_slice %arg7[%dma_start3A_3576, %get3A_3574, %dma_start3A_3577] : memref<4x2048x768xf32, #tpu.memory_space<hbm>> -> memref<1x1x768xf32, #tpu.memory_space<hbm>>
    %dma_start3A_3579 = tpu.memref_squeeze %dma_start3A_3578 : memref<1x1x768xf32, #tpu.memory_space<hbm>> -> memref<1x768xf32, #tpu.memory_space<hbm>>
    %dma_start3A_3580 = arith.constant 3 : i32
    %dma_start3A_3581 = arith.constant 0 : i32
    %dma_start3A_3582 = tpu.memref_slice %arg9[%dma_start3A_3575, %dma_start3A_3580, %dma_start3A_3581] : memref<4x16x768xf32, #tpu.memory_space<vmem>> -> memref<1x1x768xf32, #tpu.memory_space<vmem>>
    %dma_start3A_3583 = tpu.memref_squeeze %dma_start3A_3582 : memref<1x1x768xf32, #tpu.memory_space<vmem>> -> memref<1x768xf32, #tpu.memory_space<vmem>>
    tpu.enqueue_dma source(%dma_start3A_3583 : memref<1x768xf32, #tpu.memory_space<vmem>>) target(%dma_start3A_3579 : memref<1x768xf32, #tpu.memory_space<hbm>>) target_semaphore(%arg10 : memref<!tpu.dma_semaphore, #tpu.memory_space<semaphore_mem>>)
    %get3A_3584 = arith.constant 10 : index
    %get3A_3585 = arith.constant 0 : index
    %get3A_3586 = memref.load %arg1[%get3A_3584, %get3A_3585] : memref<32x16xi32, #tpu.memory_space<smem>>
    %dma_start3A_3587 = arith.constant 2 : i32
    %dma_start3A_3588 = arith.constant 2 : i32
    %dma_start3A_3589 = arith.constant 0 : i32
    %dma_start3A_3590 = tpu.memref_slice %arg7[%dma_start3A_3588, %get3A_3586, %dma_start3A_3589] : memref<4x2048x768xf32, #tpu.memory_space<hbm>> -> memref<1x1x768xf32, #tpu.memory_space<hbm>>
    %dma_start3A_3591 = tpu.memref_squeeze %dma_start3A_3590 : memref<1x1x768xf32, #tpu.memory_space<hbm>> -> memref<1x768xf32, #tpu.memory_space<hbm>>
    %dma_start3A_3592 = arith.constant 4 : i32
    %dma_start3A_3593 = arith.constant 0 : i32
    %dma_start3A_3594 = tpu.memref_slice %arg9[%dma_start3A_3587, %dma_start3A_3592, %dma_start3A_3593] : memref<4x16x768xf32, #tpu.memory_space<vmem>> -> memref<1x1x768xf32, #tpu.memory_space<vmem>>
    %dma_start3A_3595 = tpu.memref_squeeze %dma_start3A_3594 : memref<1x1x768xf32, #tpu.memory_space<vmem>> -> memref<1x768xf32, #tpu.memory_space<vmem>>
    tpu.enqueue_dma source(%dma_start3A_3595 : memref<1x768xf32, #tpu.memory_space<vmem>>) target(%dma_start3A_3591 : memref<1x768xf32, #tpu.memory_space<hbm>>) target_semaphore(%arg10 : memref<!tpu.dma_semaphore, #tpu.memory_space<semaphore_mem>>)
    %get3A_3596 = arith.constant 10 : index
    %get3A_3597 = arith.constant 1 : index
    %get3A_3598 = memref.load %arg1[%get3A_3596, %get3A_3597] : memref<32x16xi32, #tpu.memory_space<smem>>
    %dma_start3A_3599 = arith.constant 2 : i32
    %dma_start3A_3600 = arith.constant 2 : i32
    %dma_start3A_3601 = arith.constant 0 : i32
    %dma_start3A_3602 = tpu.memref_slice %arg7[%dma_start3A_3600, %get3A_3598, %dma_start3A_3601] : memref<4x2048x768xf32, #tpu.memory_space<hbm>> -> memref<1x1x768xf32, #tpu.memory_space<hbm>>
    %dma_start3A_3603 = tpu.memref_squeeze %dma_start3A_3602 : memref<1x1x768xf32, #tpu.memory_space<hbm>> -> memref<1x768xf32, #tpu.memory_space<hbm>>
    %dma_start3A_3604 = arith.constant 5 : i32
    %dma_start3A_3605 = arith.constant 0 : i32
    %dma_start3A_3606 = tpu.memref_slice %arg9[%dma_start3A_3599, %dma_start3A_3604, %dma_start3A_3605] : memref<4x16x768xf32, #tpu.memory_space<vmem>> -> memref<1x1x768xf32, #tpu.memory_space<vmem>>
    %dma_start3A_3607 = tpu.memref_squeeze %dma_start3A_3606 : memref<1x1x768xf32, #tpu.memory_space<vmem>> -> memref<1x768xf32, #tpu.memory_space<vmem>>
    tpu.enqueue_dma source(%dma_start3A_3607 : memref<1x768xf32, #tpu.memory_space<vmem>>) target(%dma_start3A_3603 : memref<1x768xf32, #tpu.memory_space<hbm>>) target_semaphore(%arg10 : memref<!tpu.dma_semaphore, #tpu.memory_space<semaphore_mem>>)
    %get3A_3608 = arith.constant 14 : index
    %get3A_3609 = arith.constant 0 : index
    %get3A_3610 = memref.load %arg1[%get3A_3608, %get3A_3609] : memref<32x16xi32, #tpu.memory_space<smem>>
    %dma_start3A_3611 = arith.constant 2 : i32
    %dma_start3A_3612 = arith.constant 2 : i32
    %dma_start3A_3613 = arith.constant 0 : i32
    %dma_start3A_3614 = tpu.memref_slice %arg7[%dma_start3A_3612, %get3A_3610, %dma_start3A_3613] : memref<4x2048x768xf32, #tpu.memory_space<hbm>> -> memref<1x1x768xf32, #tpu.memory_space<hbm>>
    %dma_start3A_3615 = tpu.memref_squeeze %dma_start3A_3614 : memref<1x1x768xf32, #tpu.memory_space<hbm>> -> memref<1x768xf32, #tpu.memory_space<hbm>>
    %dma_start3A_3616 = arith.constant 6 : i32
    %dma_start3A_3617 = arith.constant 0 : i32
    %dma_start3A_3618 = tpu.memref_slice %arg9[%dma_start3A_3611, %dma_start3A_3616, %dma_start3A_3617] : memref<4x16x768xf32, #tpu.memory_space<vmem>> -> memref<1x1x768xf32, #tpu.memory_space<vmem>>
    %dma_start3A_3619 = tpu.memref_squeeze %dma_start3A_3618 : memref<1x1x768xf32, #tpu.memory_space<vmem>> -> memref<1x768xf32, #tpu.memory_space<vmem>>
    tpu.enqueue_dma source(%dma_start3A_3619 : memref<1x768xf32, #tpu.memory_space<vmem>>) target(%dma_start3A_3615 : memref<1x768xf32, #tpu.memory_space<hbm>>) target_semaphore(%arg10 : memref<!tpu.dma_semaphore, #tpu.memory_space<semaphore_mem>>)
    %get3A_3620 = arith.constant 14 : index
    %get3A_3621 = arith.constant 1 : index
    %get3A_3622 = memref.load %arg1[%get3A_3620, %get3A_3621] : memref<32x16xi32, #tpu.memory_space<smem>>
    %dma_start3A_3623 = arith.constant 2 : i32
    %dma_start3A_3624 = arith.constant 2 : i32
    %dma_start3A_3625 = arith.constant 0 : i32
    %dma_start3A_3626 = tpu.memref_slice %arg7[%dma_start3A_3624, %get3A_3622, %dma_start3A_3625] : memref<4x2048x768xf32, #tpu.memory_space<hbm>> -> memref<1x1x768xf32, #tpu.memory_space<hbm>>
    %dma_start3A_3627 = tpu.memref_squeeze %dma_start3A_3626 : memref<1x1x768xf32, #tpu.memory_space<hbm>> -> memref<1x768xf32, #tpu.memory_space<hbm>>
    %dma_start3A_3628 = arith.constant 7 : i32
    %dma_start3A_3629 = arith.constant 0 : i32
    %dma_start3A_3630 = tpu.memref_slice %arg9[%dma_start3A_3623, %dma_start3A_3628, %dma_start3A_3629] : memref<4x16x768xf32, #tpu.memory_space<vmem>> -> memref<1x1x768xf32, #tpu.memory_space<vmem>>
    %dma_start3A_3631 = tpu.memref_squeeze %dma_start3A_3630 : memref<1x1x768xf32, #tpu.memory_space<vmem>> -> memref<1x768xf32, #tpu.memory_space<vmem>>
    tpu.enqueue_dma source(%dma_start3A_3631 : memref<1x768xf32, #tpu.memory_space<vmem>>) target(%dma_start3A_3627 : memref<1x768xf32, #tpu.memory_space<hbm>>) target_semaphore(%arg10 : memref<!tpu.dma_semaphore, #tpu.memory_space<semaphore_mem>>)
    %get3A_3632 = arith.constant 18 : index
    %get3A_3633 = arith.constant 0 : index
    %get3A_3634 = memref.load %arg1[%get3A_3632, %get3A_3633] : memref<32x16xi32, #tpu.memory_space<smem>>
    %dma_start3A_3635 = arith.constant 2 : i32
    %dma_start3A_3636 = arith.constant 2 : i32
    %dma_start3A_3637 = arith.constant 0 : i32
    %dma_start3A_3638 = tpu.memref_slice %arg7[%dma_start3A_3636, %get3A_3634, %dma_start3A_3637] : memref<4x2048x768xf32, #tpu.memory_space<hbm>> -> memref<1x1x768xf32, #tpu.memory_space<hbm>>
    %dma_start3A_3639 = tpu.memref_squeeze %dma_start3A_3638 : memref<1x1x768xf32, #tpu.memory_space<hbm>> -> memref<1x768xf32, #tpu.memory_space<hbm>>
    %dma_start3A_3640 = arith.constant 8 : i32
    %dma_start3A_3641 = arith.constant 0 : i32
    %dma_start3A_3642 = tpu.memref_slice %arg9[%dma_start3A_3635, %dma_start3A_3640, %dma_start3A_3641] : memref<4x16x768xf32, #tpu.memory_space<vmem>> -> memref<1x1x768xf32, #tpu.memory_space<vmem>>
    %dma_start3A_3643 = tpu.memref_squeeze %dma_start3A_3642 : memref<1x1x768xf32, #tpu.memory_space<vmem>> -> memref<1x768xf32, #tpu.memory_space<vmem>>
    tpu.enqueue_dma source(%dma_start3A_3643 : memref<1x768xf32, #tpu.memory_space<vmem>>) target(%dma_start3A_3639 : memref<1x768xf32, #tpu.memory_space<hbm>>) target_semaphore(%arg10 : memref<!tpu.dma_semaphore, #tpu.memory_space<semaphore_mem>>)
    %get3A_3644 = arith.constant 18 : index
    %get3A_3645 = arith.constant 1 : index
    %get3A_3646 = memref.load %arg1[%get3A_3644, %get3A_3645] : memref<32x16xi32, #tpu.memory_space<smem>>
    %dma_start3A_3647 = arith.constant 2 : i32
    %dma_start3A_3648 = arith.constant 2 : i32
    %dma_start3A_3649 = arith.constant 0 : i32
    %dma_start3A_3650 = tpu.memref_slice %arg7[%dma_start3A_3648, %get3A_3646, %dma_start3A_3649] : memref<4x2048x768xf32, #tpu.memory_space<hbm>> -> memref<1x1x768xf32, #tpu.memory_space<hbm>>
    %dma_start3A_3651 = tpu.memref_squeeze %dma_start3A_3650 : memref<1x1x768xf32, #tpu.memory_space<hbm>> -> memref<1x768xf32, #tpu.memory_space<hbm>>
    %dma_start3A_3652 = arith.constant 9 : i32
    %dma_start3A_3653 = arith.constant 0 : i32
    %dma_start3A_3654 = tpu.memref_slice %arg9[%dma_start3A_3647, %dma_start3A_3652, %dma_start3A_3653] : memref<4x16x768xf32, #tpu.memory_space<vmem>> -> memref<1x1x768xf32, #tpu.memory_space<vmem>>
    %dma_start3A_3655 = tpu.memref_squeeze %dma_start3A_3654 : memref<1x1x768xf32, #tpu.memory_space<vmem>> -> memref<1x768xf32, #tpu.memory_space<vmem>>
    tpu.enqueue_dma source(%dma_start3A_3655 : memref<1x768xf32, #tpu.memory_space<vmem>>) target(%dma_start3A_3651 : memref<1x768xf32, #tpu.memory_space<hbm>>) target_semaphore(%arg10 : memref<!tpu.dma_semaphore, #tpu.memory_space<semaphore_mem>>)
    %get3A_3656 = arith.constant 22 : index
    %get3A_3657 = arith.constant 0 : index
    %get3A_3658 = memref.load %arg1[%get3A_3656, %get3A_3657] : memref<32x16xi32, #tpu.memory_space<smem>>
    %dma_start3A_3659 = arith.constant 2 : i32
    %dma_start3A_3660 = arith.constant 2 : i32
    %dma_start3A_3661 = arith.constant 0 : i32
    %dma_start3A_3662 = tpu.memref_slice %arg7[%dma_start3A_3660, %get3A_3658, %dma_start3A_3661] : memref<4x2048x768xf32, #tpu.memory_space<hbm>> -> memref<1x1x768xf32, #tpu.memory_space<hbm>>
    %dma_start3A_3663 = tpu.memref_squeeze %dma_start3A_3662 : memref<1x1x768xf32, #tpu.memory_space<hbm>> -> memref<1x768xf32, #tpu.memory_space<hbm>>
    %dma_start3A_3664 = arith.constant 10 : i32
    %dma_start3A_3665 = arith.constant 0 : i32
    %dma_start3A_3666 = tpu.memref_slice %arg9[%dma_start3A_3659, %dma_start3A_3664, %dma_start3A_3665] : memref<4x16x768xf32, #tpu.memory_space<vmem>> -> memref<1x1x768xf32, #tpu.memory_space<vmem>>
    %dma_start3A_3667 = tpu.memref_squeeze %dma_start3A_3666 : memref<1x1x768xf32, #tpu.memory_space<vmem>> -> memref<1x768xf32, #tpu.memory_space<vmem>>
    tpu.enqueue_dma source(%dma_start3A_3667 : memref<1x768xf32, #tpu.memory_space<vmem>>) target(%dma_start3A_3663 : memref<1x768xf32, #tpu.memory_space<hbm>>) target_semaphore(%arg10 : memref<!tpu.dma_semaphore, #tpu.memory_space<semaphore_mem>>)
    %get3A_3668 = arith.constant 22 : index
    %get3A_3669 = arith.constant 1 : index
    %get3A_3670 = memref.load %arg1[%get3A_3668, %get3A_3669] : memref<32x16xi32, #tpu.memory_space<smem>>
    %dma_start3A_3671 = arith.constant 2 : i32
    %dma_start3A_3672 = arith.constant 2 : i32
    %dma_start3A_3673 = arith.constant 0 : i32
    %dma_start3A_3674 = tpu.memref_slice %arg7[%dma_start3A_3672, %get3A_3670, %dma_start3A_3673] : memref<4x2048x768xf32, #tpu.memory_space<hbm>> -> memref<1x1x768xf32, #tpu.memory_space<hbm>>
    %dma_start3A_3675 = tpu.memref_squeeze %dma_start3A_3674 : memref<1x1x768xf32, #tpu.memory_space<hbm>> -> memref<1x768xf32, #tpu.memory_space<hbm>>
    %dma_start3A_3676 = arith.constant 11 : i32
    %dma_start3A_3677 = arith.constant 0 : i32
    %dma_start3A_3678 = tpu.memref_slice %arg9[%dma_start3A_3671, %dma_start3A_3676, %dma_start3A_3677] : memref<4x16x768xf32, #tpu.memory_space<vmem>> -> memref<1x1x768xf32, #tpu.memory_space<vmem>>
    %dma_start3A_3679 = tpu.memref_squeeze %dma_start3A_3678 : memref<1x1x768xf32, #tpu.memory_space<vmem>> -> memref<1x768xf32, #tpu.memory_space<vmem>>
    tpu.enqueue_dma source(%dma_start3A_3679 : memref<1x768xf32, #tpu.memory_space<vmem>>) target(%dma_start3A_3675 : memref<1x768xf32, #tpu.memory_space<hbm>>) target_semaphore(%arg10 : memref<!tpu.dma_semaphore, #tpu.memory_space<semaphore_mem>>)
    %get3A_3680 = arith.constant 26 : index
    %get3A_3681 = arith.constant 0 : index
    %get3A_3682 = memref.load %arg1[%get3A_3680, %get3A_3681] : memref<32x16xi32, #tpu.memory_space<smem>>
    %dma_start3A_3683 = arith.constant 2 : i32
    %dma_start3A_3684 = arith.constant 2 : i32
    %dma_start3A_3685 = arith.constant 0 : i32
    %dma_start3A_3686 = tpu.memref_slice %arg7[%dma_start3A_3684, %get3A_3682, %dma_start3A_3685] : memref<4x2048x768xf32, #tpu.memory_space<hbm>> -> memref<1x1x768xf32, #tpu.memory_space<hbm>>
    %dma_start3A_3687 = tpu.memref_squeeze %dma_start3A_3686 : memref<1x1x768xf32, #tpu.memory_space<hbm>> -> memref<1x768xf32, #tpu.memory_space<hbm>>
    %dma_start3A_3688 = arith.constant 12 : i32
    %dma_start3A_3689 = arith.constant 0 : i32
    %dma_start3A_3690 = tpu.memref_slice %arg9[%dma_start3A_3683, %dma_start3A_3688, %dma_start3A_3689] : memref<4x16x768xf32, #tpu.memory_space<vmem>> -> memref<1x1x768xf32, #tpu.memory_space<vmem>>
    %dma_start3A_3691 = tpu.memref_squeeze %dma_start3A_3690 : memref<1x1x768xf32, #tpu.memory_space<vmem>> -> memref<1x768xf32, #tpu.memory_space<vmem>>
    tpu.enqueue_dma source(%dma_start3A_3691 : memref<1x768xf32, #tpu.memory_space<vmem>>) target(%dma_start3A_3687 : memref<1x768xf32, #tpu.memory_space<hbm>>) target_semaphore(%arg10 : memref<!tpu.dma_semaphore, #tpu.memory_space<semaphore_mem>>)
    %get3A_3692 = arith.constant 26 : index
    %get3A_3693 = arith.constant 1 : index
    %get3A_3694 = memref.load %arg1[%get3A_3692, %get3A_3693] : memref<32x16xi32, #tpu.memory_space<smem>>
    %dma_start3A_3695 = arith.constant 2 : i32
    %dma_start3A_3696 = arith.constant 2 : i32
    %dma_start3A_3697 = arith.constant 0 : i32
    %dma_start3A_3698 = tpu.memref_slice %arg7[%dma_start3A_3696, %get3A_3694, %dma_start3A_3697] : memref<4x2048x768xf32, #tpu.memory_space<hbm>> -> memref<1x1x768xf32, #tpu.memory_space<hbm>>
    %dma_start3A_3699 = tpu.memref_squeeze %dma_start3A_3698 : memref<1x1x768xf32, #tpu.memory_space<hbm>> -> memref<1x768xf32, #tpu.memory_space<hbm>>
    %dma_start3A_3700 = arith.constant 13 : i32
    %dma_start3A_3701 = arith.constant 0 : i32
    %dma_start3A_3702 = tpu.memref_slice %arg9[%dma_start3A_3695, %dma_start3A_3700, %dma_start3A_3701] : memref<4x16x768xf32, #tpu.memory_space<vmem>> -> memref<1x1x768xf32, #tpu.memory_space<vmem>>
    %dma_start3A_3703 = tpu.memref_squeeze %dma_start3A_3702 : memref<1x1x768xf32, #tpu.memory_space<vmem>> -> memref<1x768xf32, #tpu.memory_space<vmem>>
    tpu.enqueue_dma source(%dma_start3A_3703 : memref<1x768xf32, #tpu.memory_space<vmem>>) target(%dma_start3A_3699 : memref<1x768xf32, #tpu.memory_space<hbm>>) target_semaphore(%arg10 : memref<!tpu.dma_semaphore, #tpu.memory_space<semaphore_mem>>)
    %get3A_3704 = arith.constant 30 : index
    %get3A_3705 = arith.constant 0 : index
    %get3A_3706 = memref.load %arg1[%get3A_3704, %get3A_3705] : memref<32x16xi32, #tpu.memory_space<smem>>
    %dma_start3A_3707 = arith.constant 2 : i32
    %dma_start3A_3708 = arith.constant 2 : i32
    %dma_start3A_3709 = arith.constant 0 : i32
    %dma_start3A_3710 = tpu.memref_slice %arg7[%dma_start3A_3708, %get3A_3706, %dma_start3A_3709] : memref<4x2048x768xf32, #tpu.memory_space<hbm>> -> memref<1x1x768xf32, #tpu.memory_space<hbm>>
    %dma_start3A_3711 = tpu.memref_squeeze %dma_start3A_3710 : memref<1x1x768xf32, #tpu.memory_space<hbm>> -> memref<1x768xf32, #tpu.memory_space<hbm>>
    %dma_start3A_3712 = arith.constant 14 : i32
    %dma_start3A_3713 = arith.constant 0 : i32
    %dma_start3A_3714 = tpu.memref_slice %arg9[%dma_start3A_3707, %dma_start3A_3712, %dma_start3A_3713] : memref<4x16x768xf32, #tpu.memory_space<vmem>> -> memref<1x1x768xf32, #tpu.memory_space<vmem>>
    %dma_start3A_3715 = tpu.memref_squeeze %dma_start3A_3714 : memref<1x1x768xf32, #tpu.memory_space<vmem>> -> memref<1x768xf32, #tpu.memory_space<vmem>>
    tpu.enqueue_dma source(%dma_start3A_3715 : memref<1x768xf32, #tpu.memory_space<vmem>>) target(%dma_start3A_3711 : memref<1x768xf32, #tpu.memory_space<hbm>>) target_semaphore(%arg10 : memref<!tpu.dma_semaphore, #tpu.memory_space<semaphore_mem>>)
    %get3A_3716 = arith.constant 30 : index
    %get3A_3717 = arith.constant 1 : index
    %get3A_3718 = memref.load %arg1[%get3A_3716, %get3A_3717] : memref<32x16xi32, #tpu.memory_space<smem>>
    %dma_start3A_3719 = arith.constant 2 : i32
    %dma_start3A_3720 = arith.constant 2 : i32
    %dma_start3A_3721 = arith.constant 0 : i32
    %dma_start3A_3722 = tpu.memref_slice %arg7[%dma_start3A_3720, %get3A_3718, %dma_start3A_3721] : memref<4x2048x768xf32, #tpu.memory_space<hbm>> -> memref<1x1x768xf32, #tpu.memory_space<hbm>>
    %dma_start3A_3723 = tpu.memref_squeeze %dma_start3A_3722 : memref<1x1x768xf32, #tpu.memory_space<hbm>> -> memref<1x768xf32, #tpu.memory_space<hbm>>
    %dma_start3A_3724 = arith.constant 15 : i32
    %dma_start3A_3725 = arith.constant 0 : i32
    %dma_start3A_3726 = tpu.memref_slice %arg9[%dma_start3A_3719, %dma_start3A_3724, %dma_start3A_3725] : memref<4x16x768xf32, #tpu.memory_space<vmem>> -> memref<1x1x768xf32, #tpu.memory_space<vmem>>
    %dma_start3A_3727 = tpu.memref_squeeze %dma_start3A_3726 : memref<1x1x768xf32, #tpu.memory_space<vmem>> -> memref<1x768xf32, #tpu.memory_space<vmem>>
    tpu.enqueue_dma source(%dma_start3A_3727 : memref<1x768xf32, #tpu.memory_space<vmem>>) target(%dma_start3A_3723 : memref<1x768xf32, #tpu.memory_space<hbm>>) target_semaphore(%arg10 : memref<!tpu.dma_semaphore, #tpu.memory_space<semaphore_mem>>)
    %get3A_3728 = arith.constant 3 : index
    %get3A_3729 = arith.constant 0 : index
    %get3A_3730 = memref.load %arg1[%get3A_3728, %get3A_3729] : memref<32x16xi32, #tpu.memory_space<smem>>
    %dma_start3A_3731 = arith.constant 3 : i32
    %dma_start3A_3732 = arith.constant 3 : i32
    %dma_start3A_3733 = arith.constant 0 : i32
    %dma_start3A_3734 = tpu.memref_slice %arg7[%dma_start3A_3732, %get3A_3730, %dma_start3A_3733] : memref<4x2048x768xf32, #tpu.memory_space<hbm>> -> memref<1x1x768xf32, #tpu.memory_space<hbm>>
    %dma_start3A_3735 = tpu.memref_squeeze %dma_start3A_3734 : memref<1x1x768xf32, #tpu.memory_space<hbm>> -> memref<1x768xf32, #tpu.memory_space<hbm>>
    %dma_start3A_3736 = arith.constant 0 : i32
    %dma_start3A_3737 = arith.constant 0 : i32
    %dma_start3A_3738 = tpu.memref_slice %arg9[%dma_start3A_3731, %dma_start3A_3736, %dma_start3A_3737] : memref<4x16x768xf32, #tpu.memory_space<vmem>> -> memref<1x1x768xf32, #tpu.memory_space<vmem>>
    %dma_start3A_3739 = tpu.memref_squeeze %dma_start3A_3738 : memref<1x1x768xf32, #tpu.memory_space<vmem>> -> memref<1x768xf32, #tpu.memory_space<vmem>>
    tpu.enqueue_dma source(%dma_start3A_3739 : memref<1x768xf32, #tpu.memory_space<vmem>>) target(%dma_start3A_3735 : memref<1x768xf32, #tpu.memory_space<hbm>>) target_semaphore(%arg10 : memref<!tpu.dma_semaphore, #tpu.memory_space<semaphore_mem>>)
    %get3A_3740 = arith.constant 3 : index
    %get3A_3741 = arith.constant 1 : index
    %get3A_3742 = memref.load %arg1[%get3A_3740, %get3A_3741] : memref<32x16xi32, #tpu.memory_space<smem>>
    %dma_start3A_3743 = arith.constant 3 : i32
    %dma_start3A_3744 = arith.constant 3 : i32
    %dma_start3A_3745 = arith.constant 0 : i32
    %dma_start3A_3746 = tpu.memref_slice %arg7[%dma_start3A_3744, %get3A_3742, %dma_start3A_3745] : memref<4x2048x768xf32, #tpu.memory_space<hbm>> -> memref<1x1x768xf32, #tpu.memory_space<hbm>>
    %dma_start3A_3747 = tpu.memref_squeeze %dma_start3A_3746 : memref<1x1x768xf32, #tpu.memory_space<hbm>> -> memref<1x768xf32, #tpu.memory_space<hbm>>
    %dma_start3A_3748 = arith.constant 1 : i32
    %dma_start3A_3749 = arith.constant 0 : i32
    %dma_start3A_3750 = tpu.memref_slice %arg9[%dma_start3A_3743, %dma_start3A_3748, %dma_start3A_3749] : memref<4x16x768xf32, #tpu.memory_space<vmem>> -> memref<1x1x768xf32, #tpu.memory_space<vmem>>
    %dma_start3A_3751 = tpu.memref_squeeze %dma_start3A_3750 : memref<1x1x768xf32, #tpu.memory_space<vmem>> -> memref<1x768xf32, #tpu.memory_space<vmem>>
    tpu.enqueue_dma source(%dma_start3A_3751 : memref<1x768xf32, #tpu.memory_space<vmem>>) target(%dma_start3A_3747 : memref<1x768xf32, #tpu.memory_space<hbm>>) target_semaphore(%arg10 : memref<!tpu.dma_semaphore, #tpu.memory_space<semaphore_mem>>)
    %get3A_3752 = arith.constant 7 : index
    %get3A_3753 = arith.constant 0 : index
    %get3A_3754 = memref.load %arg1[%get3A_3752, %get3A_3753] : memref<32x16xi32, #tpu.memory_space<smem>>
    %dma_start3A_3755 = arith.constant 3 : i32
    %dma_start3A_3756 = arith.constant 3 : i32
    %dma_start3A_3757 = arith.constant 0 : i32
    %dma_start3A_3758 = tpu.memref_slice %arg7[%dma_start3A_3756, %get3A_3754, %dma_start3A_3757] : memref<4x2048x768xf32, #tpu.memory_space<hbm>> -> memref<1x1x768xf32, #tpu.memory_space<hbm>>
    %dma_start3A_3759 = tpu.memref_squeeze %dma_start3A_3758 : memref<1x1x768xf32, #tpu.memory_space<hbm>> -> memref<1x768xf32, #tpu.memory_space<hbm>>
    %dma_start3A_3760 = arith.constant 2 : i32
    %dma_start3A_3761 = arith.constant 0 : i32
    %dma_start3A_3762 = tpu.memref_slice %arg9[%dma_start3A_3755, %dma_start3A_3760, %dma_start3A_3761] : memref<4x16x768xf32, #tpu.memory_space<vmem>> -> memref<1x1x768xf32, #tpu.memory_space<vmem>>
    %dma_start3A_3763 = tpu.memref_squeeze %dma_start3A_3762 : memref<1x1x768xf32, #tpu.memory_space<vmem>> -> memref<1x768xf32, #tpu.memory_space<vmem>>
    tpu.enqueue_dma source(%dma_start3A_3763 : memref<1x768xf32, #tpu.memory_space<vmem>>) target(%dma_start3A_3759 : memref<1x768xf32, #tpu.memory_space<hbm>>) target_semaphore(%arg10 : memref<!tpu.dma_semaphore, #tpu.memory_space<semaphore_mem>>)
    %get3A_3764 = arith.constant 7 : index
    %get3A_3765 = arith.constant 1 : index
    %get3A_3766 = memref.load %arg1[%get3A_3764, %get3A_3765] : memref<32x16xi32, #tpu.memory_space<smem>>
    %dma_start3A_3767 = arith.constant 3 : i32
    %dma_start3A_3768 = arith.constant 3 : i32
    %dma_start3A_3769 = arith.constant 0 : i32
    %dma_start3A_3770 = tpu.memref_slice %arg7[%dma_start3A_3768, %get3A_3766, %dma_start3A_3769] : memref<4x2048x768xf32, #tpu.memory_space<hbm>> -> memref<1x1x768xf32, #tpu.memory_space<hbm>>
    %dma_start3A_3771 = tpu.memref_squeeze %dma_start3A_3770 : memref<1x1x768xf32, #tpu.memory_space<hbm>> -> memref<1x768xf32, #tpu.memory_space<hbm>>
    %dma_start3A_3772 = arith.constant 3 : i32
    %dma_start3A_3773 = arith.constant 0 : i32
    %dma_start3A_3774 = tpu.memref_slice %arg9[%dma_start3A_3767, %dma_start3A_3772, %dma_start3A_3773] : memref<4x16x768xf32, #tpu.memory_space<vmem>> -> memref<1x1x768xf32, #tpu.memory_space<vmem>>
    %dma_start3A_3775 = tpu.memref_squeeze %dma_start3A_3774 : memref<1x1x768xf32, #tpu.memory_space<vmem>> -> memref<1x768xf32, #tpu.memory_space<vmem>>
    tpu.enqueue_dma source(%dma_start3A_3775 : memref<1x768xf32, #tpu.memory_space<vmem>>) target(%dma_start3A_3771 : memref<1x768xf32, #tpu.memory_space<hbm>>) target_semaphore(%arg10 : memref<!tpu.dma_semaphore, #tpu.memory_space<semaphore_mem>>)
    %get3A_3776 = arith.constant 11 : index
    %get3A_3777 = arith.constant 0 : index
    %get3A_3778 = memref.load %arg1[%get3A_3776, %get3A_3777] : memref<32x16xi32, #tpu.memory_space<smem>>
    %dma_start3A_3779 = arith.constant 3 : i32
    %dma_start3A_3780 = arith.constant 3 : i32
    %dma_start3A_3781 = arith.constant 0 : i32
    %dma_start3A_3782 = tpu.memref_slice %arg7[%dma_start3A_3780, %get3A_3778, %dma_start3A_3781] : memref<4x2048x768xf32, #tpu.memory_space<hbm>> -> memref<1x1x768xf32, #tpu.memory_space<hbm>>
    %dma_start3A_3783 = tpu.memref_squeeze %dma_start3A_3782 : memref<1x1x768xf32, #tpu.memory_space<hbm>> -> memref<1x768xf32, #tpu.memory_space<hbm>>
    %dma_start3A_3784 = arith.constant 4 : i32
    %dma_start3A_3785 = arith.constant 0 : i32
    %dma_start3A_3786 = tpu.memref_slice %arg9[%dma_start3A_3779, %dma_start3A_3784, %dma_start3A_3785] : memref<4x16x768xf32, #tpu.memory_space<vmem>> -> memref<1x1x768xf32, #tpu.memory_space<vmem>>
    %dma_start3A_3787 = tpu.memref_squeeze %dma_start3A_3786 : memref<1x1x768xf32, #tpu.memory_space<vmem>> -> memref<1x768xf32, #tpu.memory_space<vmem>>
    tpu.enqueue_dma source(%dma_start3A_3787 : memref<1x768xf32, #tpu.memory_space<vmem>>) target(%dma_start3A_3783 : memref<1x768xf32, #tpu.memory_space<hbm>>) target_semaphore(%arg10 : memref<!tpu.dma_semaphore, #tpu.memory_space<semaphore_mem>>)
    %get3A_3788 = arith.constant 11 : index
    %get3A_3789 = arith.constant 1 : index
    %get3A_3790 = memref.load %arg1[%get3A_3788, %get3A_3789] : memref<32x16xi32, #tpu.memory_space<smem>>
    %dma_start3A_3791 = arith.constant 3 : i32
    %dma_start3A_3792 = arith.constant 3 : i32
    %dma_start3A_3793 = arith.constant 0 : i32
    %dma_start3A_3794 = tpu.memref_slice %arg7[%dma_start3A_3792, %get3A_3790, %dma_start3A_3793] : memref<4x2048x768xf32, #tpu.memory_space<hbm>> -> memref<1x1x768xf32, #tpu.memory_space<hbm>>
    %dma_start3A_3795 = tpu.memref_squeeze %dma_start3A_3794 : memref<1x1x768xf32, #tpu.memory_space<hbm>> -> memref<1x768xf32, #tpu.memory_space<hbm>>
    %dma_start3A_3796 = arith.constant 5 : i32
    %dma_start3A_3797 = arith.constant 0 : i32
    %dma_start3A_3798 = tpu.memref_slice %arg9[%dma_start3A_3791, %dma_start3A_3796, %dma_start3A_3797] : memref<4x16x768xf32, #tpu.memory_space<vmem>> -> memref<1x1x768xf32, #tpu.memory_space<vmem>>
    %dma_start3A_3799 = tpu.memref_squeeze %dma_start3A_3798 : memref<1x1x768xf32, #tpu.memory_space<vmem>> -> memref<1x768xf32, #tpu.memory_space<vmem>>
    tpu.enqueue_dma source(%dma_start3A_3799 : memref<1x768xf32, #tpu.memory_space<vmem>>) target(%dma_start3A_3795 : memref<1x768xf32, #tpu.memory_space<hbm>>) target_semaphore(%arg10 : memref<!tpu.dma_semaphore, #tpu.memory_space<semaphore_mem>>)
    %get3A_3800 = arith.constant 15 : index
    %get3A_3801 = arith.constant 0 : index
    %get3A_3802 = memref.load %arg1[%get3A_3800, %get3A_3801] : memref<32x16xi32, #tpu.memory_space<smem>>
    %dma_start3A_3803 = arith.constant 3 : i32
    %dma_start3A_3804 = arith.constant 3 : i32
    %dma_start3A_3805 = arith.constant 0 : i32
    %dma_start3A_3806 = tpu.memref_slice %arg7[%dma_start3A_3804, %get3A_3802, %dma_start3A_3805] : memref<4x2048x768xf32, #tpu.memory_space<hbm>> -> memref<1x1x768xf32, #tpu.memory_space<hbm>>
    %dma_start3A_3807 = tpu.memref_squeeze %dma_start3A_3806 : memref<1x1x768xf32, #tpu.memory_space<hbm>> -> memref<1x768xf32, #tpu.memory_space<hbm>>
    %dma_start3A_3808 = arith.constant 6 : i32
    %dma_start3A_3809 = arith.constant 0 : i32
    %dma_start3A_3810 = tpu.memref_slice %arg9[%dma_start3A_3803, %dma_start3A_3808, %dma_start3A_3809] : memref<4x16x768xf32, #tpu.memory_space<vmem>> -> memref<1x1x768xf32, #tpu.memory_space<vmem>>
    %dma_start3A_3811 = tpu.memref_squeeze %dma_start3A_3810 : memref<1x1x768xf32, #tpu.memory_space<vmem>> -> memref<1x768xf32, #tpu.memory_space<vmem>>
    tpu.enqueue_dma source(%dma_start3A_3811 : memref<1x768xf32, #tpu.memory_space<vmem>>) target(%dma_start3A_3807 : memref<1x768xf32, #tpu.memory_space<hbm>>) target_semaphore(%arg10 : memref<!tpu.dma_semaphore, #tpu.memory_space<semaphore_mem>>)
    %get3A_3812 = arith.constant 15 : index
    %get3A_3813 = arith.constant 1 : index
    %get3A_3814 = memref.load %arg1[%get3A_3812, %get3A_3813] : memref<32x16xi32, #tpu.memory_space<smem>>
    %dma_start3A_3815 = arith.constant 3 : i32
    %dma_start3A_3816 = arith.constant 3 : i32
    %dma_start3A_3817 = arith.constant 0 : i32
    %dma_start3A_3818 = tpu.memref_slice %arg7[%dma_start3A_3816, %get3A_3814, %dma_start3A_3817] : memref<4x2048x768xf32, #tpu.memory_space<hbm>> -> memref<1x1x768xf32, #tpu.memory_space<hbm>>
    %dma_start3A_3819 = tpu.memref_squeeze %dma_start3A_3818 : memref<1x1x768xf32, #tpu.memory_space<hbm>> -> memref<1x768xf32, #tpu.memory_space<hbm>>
    %dma_start3A_3820 = arith.constant 7 : i32
    %dma_start3A_3821 = arith.constant 0 : i32
    %dma_start3A_3822 = tpu.memref_slice %arg9[%dma_start3A_3815, %dma_start3A_3820, %dma_start3A_3821] : memref<4x16x768xf32, #tpu.memory_space<vmem>> -> memref<1x1x768xf32, #tpu.memory_space<vmem>>
    %dma_start3A_3823 = tpu.memref_squeeze %dma_start3A_3822 : memref<1x1x768xf32, #tpu.memory_space<vmem>> -> memref<1x768xf32, #tpu.memory_space<vmem>>
    tpu.enqueue_dma source(%dma_start3A_3823 : memref<1x768xf32, #tpu.memory_space<vmem>>) target(%dma_start3A_3819 : memref<1x768xf32, #tpu.memory_space<hbm>>) target_semaphore(%arg10 : memref<!tpu.dma_semaphore, #tpu.memory_space<semaphore_mem>>)
    %get3A_3824 = arith.constant 19 : index
    %get3A_3825 = arith.constant 0 : index
    %get3A_3826 = memref.load %arg1[%get3A_3824, %get3A_3825] : memref<32x16xi32, #tpu.memory_space<smem>>
    %dma_start3A_3827 = arith.constant 3 : i32
    %dma_start3A_3828 = arith.constant 3 : i32
    %dma_start3A_3829 = arith.constant 0 : i32
    %dma_start3A_3830 = tpu.memref_slice %arg7[%dma_start3A_3828, %get3A_3826, %dma_start3A_3829] : memref<4x2048x768xf32, #tpu.memory_space<hbm>> -> memref<1x1x768xf32, #tpu.memory_space<hbm>>
    %dma_start3A_3831 = tpu.memref_squeeze %dma_start3A_3830 : memref<1x1x768xf32, #tpu.memory_space<hbm>> -> memref<1x768xf32, #tpu.memory_space<hbm>>
    %dma_start3A_3832 = arith.constant 8 : i32
    %dma_start3A_3833 = arith.constant 0 : i32
    %dma_start3A_3834 = tpu.memref_slice %arg9[%dma_start3A_3827, %dma_start3A_3832, %dma_start3A_3833] : memref<4x16x768xf32, #tpu.memory_space<vmem>> -> memref<1x1x768xf32, #tpu.memory_space<vmem>>
    %dma_start3A_3835 = tpu.memref_squeeze %dma_start3A_3834 : memref<1x1x768xf32, #tpu.memory_space<vmem>> -> memref<1x768xf32, #tpu.memory_space<vmem>>
    tpu.enqueue_dma source(%dma_start3A_3835 : memref<1x768xf32, #tpu.memory_space<vmem>>) target(%dma_start3A_3831 : memref<1x768xf32, #tpu.memory_space<hbm>>) target_semaphore(%arg10 : memref<!tpu.dma_semaphore, #tpu.memory_space<semaphore_mem>>)
    %get3A_3836 = arith.constant 19 : index
    %get3A_3837 = arith.constant 1 : index
    %get3A_3838 = memref.load %arg1[%get3A_3836, %get3A_3837] : memref<32x16xi32, #tpu.memory_space<smem>>
    %dma_start3A_3839 = arith.constant 3 : i32
    %dma_start3A_3840 = arith.constant 3 : i32
    %dma_start3A_3841 = arith.constant 0 : i32
    %dma_start3A_3842 = tpu.memref_slice %arg7[%dma_start3A_3840, %get3A_3838, %dma_start3A_3841] : memref<4x2048x768xf32, #tpu.memory_space<hbm>> -> memref<1x1x768xf32, #tpu.memory_space<hbm>>
    %dma_start3A_3843 = tpu.memref_squeeze %dma_start3A_3842 : memref<1x1x768xf32, #tpu.memory_space<hbm>> -> memref<1x768xf32, #tpu.memory_space<hbm>>
    %dma_start3A_3844 = arith.constant 9 : i32
    %dma_start3A_3845 = arith.constant 0 : i32
    %dma_start3A_3846 = tpu.memref_slice %arg9[%dma_start3A_3839, %dma_start3A_3844, %dma_start3A_3845] : memref<4x16x768xf32, #tpu.memory_space<vmem>> -> memref<1x1x768xf32, #tpu.memory_space<vmem>>
    %dma_start3A_3847 = tpu.memref_squeeze %dma_start3A_3846 : memref<1x1x768xf32, #tpu.memory_space<vmem>> -> memref<1x768xf32, #tpu.memory_space<vmem>>
    tpu.enqueue_dma source(%dma_start3A_3847 : memref<1x768xf32, #tpu.memory_space<vmem>>) target(%dma_start3A_3843 : memref<1x768xf32, #tpu.memory_space<hbm>>) target_semaphore(%arg10 : memref<!tpu.dma_semaphore, #tpu.memory_space<semaphore_mem>>)
    %get3A_3848 = arith.constant 23 : index
    %get3A_3849 = arith.constant 0 : index
    %get3A_3850 = memref.load %arg1[%get3A_3848, %get3A_3849] : memref<32x16xi32, #tpu.memory_space<smem>>
    %dma_start3A_3851 = arith.constant 3 : i32
    %dma_start3A_3852 = arith.constant 3 : i32
    %dma_start3A_3853 = arith.constant 0 : i32
    %dma_start3A_3854 = tpu.memref_slice %arg7[%dma_start3A_3852, %get3A_3850, %dma_start3A_3853] : memref<4x2048x768xf32, #tpu.memory_space<hbm>> -> memref<1x1x768xf32, #tpu.memory_space<hbm>>
    %dma_start3A_3855 = tpu.memref_squeeze %dma_start3A_3854 : memref<1x1x768xf32, #tpu.memory_space<hbm>> -> memref<1x768xf32, #tpu.memory_space<hbm>>
    %dma_start3A_3856 = arith.constant 10 : i32
    %dma_start3A_3857 = arith.constant 0 : i32
    %dma_start3A_3858 = tpu.memref_slice %arg9[%dma_start3A_3851, %dma_start3A_3856, %dma_start3A_3857] : memref<4x16x768xf32, #tpu.memory_space<vmem>> -> memref<1x1x768xf32, #tpu.memory_space<vmem>>
    %dma_start3A_3859 = tpu.memref_squeeze %dma_start3A_3858 : memref<1x1x768xf32, #tpu.memory_space<vmem>> -> memref<1x768xf32, #tpu.memory_space<vmem>>
    tpu.enqueue_dma source(%dma_start3A_3859 : memref<1x768xf32, #tpu.memory_space<vmem>>) target(%dma_start3A_3855 : memref<1x768xf32, #tpu.memory_space<hbm>>) target_semaphore(%arg10 : memref<!tpu.dma_semaphore, #tpu.memory_space<semaphore_mem>>)
    %get3A_3860 = arith.constant 23 : index
    %get3A_3861 = arith.constant 1 : index
    %get3A_3862 = memref.load %arg1[%get3A_3860, %get3A_3861] : memref<32x16xi32, #tpu.memory_space<smem>>
    %dma_start3A_3863 = arith.constant 3 : i32
    %dma_start3A_3864 = arith.constant 3 : i32
    %dma_start3A_3865 = arith.constant 0 : i32
    %dma_start3A_3866 = tpu.memref_slice %arg7[%dma_start3A_3864, %get3A_3862, %dma_start3A_3865] : memref<4x2048x768xf32, #tpu.memory_space<hbm>> -> memref<1x1x768xf32, #tpu.memory_space<hbm>>
    %dma_start3A_3867 = tpu.memref_squeeze %dma_start3A_3866 : memref<1x1x768xf32, #tpu.memory_space<hbm>> -> memref<1x768xf32, #tpu.memory_space<hbm>>
    %dma_start3A_3868 = arith.constant 11 : i32
    %dma_start3A_3869 = arith.constant 0 : i32
    %dma_start3A_3870 = tpu.memref_slice %arg9[%dma_start3A_3863, %dma_start3A_3868, %dma_start3A_3869] : memref<4x16x768xf32, #tpu.memory_space<vmem>> -> memref<1x1x768xf32, #tpu.memory_space<vmem>>
    %dma_start3A_3871 = tpu.memref_squeeze %dma_start3A_3870 : memref<1x1x768xf32, #tpu.memory_space<vmem>> -> memref<1x768xf32, #tpu.memory_space<vmem>>
    tpu.enqueue_dma source(%dma_start3A_3871 : memref<1x768xf32, #tpu.memory_space<vmem>>) target(%dma_start3A_3867 : memref<1x768xf32, #tpu.memory_space<hbm>>) target_semaphore(%arg10 : memref<!tpu.dma_semaphore, #tpu.memory_space<semaphore_mem>>)
    %get3A_3872 = arith.constant 27 : index
    %get3A_3873 = arith.constant 0 : index
    %get3A_3874 = memref.load %arg1[%get3A_3872, %get3A_3873] : memref<32x16xi32, #tpu.memory_space<smem>>
    %dma_start3A_3875 = arith.constant 3 : i32
    %dma_start3A_3876 = arith.constant 3 : i32
    %dma_start3A_3877 = arith.constant 0 : i32
    %dma_start3A_3878 = tpu.memref_slice %arg7[%dma_start3A_3876, %get3A_3874, %dma_start3A_3877] : memref<4x2048x768xf32, #tpu.memory_space<hbm>> -> memref<1x1x768xf32, #tpu.memory_space<hbm>>
    %dma_start3A_3879 = tpu.memref_squeeze %dma_start3A_3878 : memref<1x1x768xf32, #tpu.memory_space<hbm>> -> memref<1x768xf32, #tpu.memory_space<hbm>>
    %dma_start3A_3880 = arith.constant 12 : i32
    %dma_start3A_3881 = arith.constant 0 : i32
    %dma_start3A_3882 = tpu.memref_slice %arg9[%dma_start3A_3875, %dma_start3A_3880, %dma_start3A_3881] : memref<4x16x768xf32, #tpu.memory_space<vmem>> -> memref<1x1x768xf32, #tpu.memory_space<vmem>>
    %dma_start3A_3883 = tpu.memref_squeeze %dma_start3A_3882 : memref<1x1x768xf32, #tpu.memory_space<vmem>> -> memref<1x768xf32, #tpu.memory_space<vmem>>
    tpu.enqueue_dma source(%dma_start3A_3883 : memref<1x768xf32, #tpu.memory_space<vmem>>) target(%dma_start3A_3879 : memref<1x768xf32, #tpu.memory_space<hbm>>) target_semaphore(%arg10 : memref<!tpu.dma_semaphore, #tpu.memory_space<semaphore_mem>>)
    %get3A_3884 = arith.constant 27 : index
    %get3A_3885 = arith.constant 1 : index
    %get3A_3886 = memref.load %arg1[%get3A_3884, %get3A_3885] : memref<32x16xi32, #tpu.memory_space<smem>>
    %dma_start3A_3887 = arith.constant 3 : i32
    %dma_start3A_3888 = arith.constant 3 : i32
    %dma_start3A_3889 = arith.constant 0 : i32
    %dma_start3A_3890 = tpu.memref_slice %arg7[%dma_start3A_3888, %get3A_3886, %dma_start3A_3889] : memref<4x2048x768xf32, #tpu.memory_space<hbm>> -> memref<1x1x768xf32, #tpu.memory_space<hbm>>
    %dma_start3A_3891 = tpu.memref_squeeze %dma_start3A_3890 : memref<1x1x768xf32, #tpu.memory_space<hbm>> -> memref<1x768xf32, #tpu.memory_space<hbm>>
    %dma_start3A_3892 = arith.constant 13 : i32
    %dma_start3A_3893 = arith.constant 0 : i32
    %dma_start3A_3894 = tpu.memref_slice %arg9[%dma_start3A_3887, %dma_start3A_3892, %dma_start3A_3893] : memref<4x16x768xf32, #tpu.memory_space<vmem>> -> memref<1x1x768xf32, #tpu.memory_space<vmem>>
    %dma_start3A_3895 = tpu.memref_squeeze %dma_start3A_3894 : memref<1x1x768xf32, #tpu.memory_space<vmem>> -> memref<1x768xf32, #tpu.memory_space<vmem>>
    tpu.enqueue_dma source(%dma_start3A_3895 : memref<1x768xf32, #tpu.memory_space<vmem>>) target(%dma_start3A_3891 : memref<1x768xf32, #tpu.memory_space<hbm>>) target_semaphore(%arg10 : memref<!tpu.dma_semaphore, #tpu.memory_space<semaphore_mem>>)
    %get3A_3896 = arith.constant 31 : index
    %get3A_3897 = arith.constant 0 : index
    %get3A_3898 = memref.load %arg1[%get3A_3896, %get3A_3897] : memref<32x16xi32, #tpu.memory_space<smem>>
    %dma_start3A_3899 = arith.constant 3 : i32
    %dma_start3A_3900 = arith.constant 3 : i32
    %dma_start3A_3901 = arith.constant 0 : i32
    %dma_start3A_3902 = tpu.memref_slice %arg7[%dma_start3A_3900, %get3A_3898, %dma_start3A_3901] : memref<4x2048x768xf32, #tpu.memory_space<hbm>> -> memref<1x1x768xf32, #tpu.memory_space<hbm>>
    %dma_start3A_3903 = tpu.memref_squeeze %dma_start3A_3902 : memref<1x1x768xf32, #tpu.memory_space<hbm>> -> memref<1x768xf32, #tpu.memory_space<hbm>>
    %dma_start3A_3904 = arith.constant 14 : i32
    %dma_start3A_3905 = arith.constant 0 : i32
    %dma_start3A_3906 = tpu.memref_slice %arg9[%dma_start3A_3899, %dma_start3A_3904, %dma_start3A_3905] : memref<4x16x768xf32, #tpu.memory_space<vmem>> -> memref<1x1x768xf32, #tpu.memory_space<vmem>>
    %dma_start3A_3907 = tpu.memref_squeeze %dma_start3A_3906 : memref<1x1x768xf32, #tpu.memory_space<vmem>> -> memref<1x768xf32, #tpu.memory_space<vmem>>
    tpu.enqueue_dma source(%dma_start3A_3907 : memref<1x768xf32, #tpu.memory_space<vmem>>) target(%dma_start3A_3903 : memref<1x768xf32, #tpu.memory_space<hbm>>) target_semaphore(%arg10 : memref<!tpu.dma_semaphore, #tpu.memory_space<semaphore_mem>>)
    %get3A_3908 = arith.constant 31 : index
    %get3A_3909 = arith.constant 1 : index
    %get3A_3910 = memref.load %arg1[%get3A_3908, %get3A_3909] : memref<32x16xi32, #tpu.memory_space<smem>>
    %dma_start3A_3911 = arith.constant 3 : i32
    %dma_start3A_3912 = arith.constant 3 : i32
    %dma_start3A_3913 = arith.constant 0 : i32
    %dma_start3A_3914 = tpu.memref_slice %arg7[%dma_start3A_3912, %get3A_3910, %dma_start3A_3913] : memref<4x2048x768xf32, #tpu.memory_space<hbm>> -> memref<1x1x768xf32, #tpu.memory_space<hbm>>
    %dma_start3A_3915 = tpu.memref_squeeze %dma_start3A_3914 : memref<1x1x768xf32, #tpu.memory_space<hbm>> -> memref<1x768xf32, #tpu.memory_space<hbm>>
    %dma_start3A_3916 = arith.constant 15 : i32
    %dma_start3A_3917 = arith.constant 0 : i32
    %dma_start3A_3918 = tpu.memref_slice %arg9[%dma_start3A_3911, %dma_start3A_3916, %dma_start3A_3917] : memref<4x16x768xf32, #tpu.memory_space<vmem>> -> memref<1x1x768xf32, #tpu.memory_space<vmem>>
    %dma_start3A_3919 = tpu.memref_squeeze %dma_start3A_3918 : memref<1x1x768xf32, #tpu.memory_space<vmem>> -> memref<1x768xf32, #tpu.memory_space<vmem>>
    tpu.enqueue_dma source(%dma_start3A_3919 : memref<1x768xf32, #tpu.memory_space<vmem>>) target(%dma_start3A_3915 : memref<1x768xf32, #tpu.memory_space<hbm>>) target_semaphore(%arg10 : memref<!tpu.dma_semaphore, #tpu.memory_space<semaphore_mem>>)
    %dma_wait3A = arith.constant 0 : i32
    %dma_wait3A_3920 = arith.constant 0 : i32
    %dma_wait3A_3921 = arith.constant 0 : i32
    %dma_wait3A_3922 = tpu.memref_slice %arg7[%dma_wait3A_3920, %get3A_3155, %dma_wait3A_3921] : memref<4x2048x768xf32, #tpu.memory_space<hbm>> -> memref<1x1x768xf32, #tpu.memory_space<hbm>>
    %dma_wait3A_3923 = tpu.memref_squeeze %dma_wait3A_3922 : memref<1x1x768xf32, #tpu.memory_space<hbm>> -> memref<1x768xf32, #tpu.memory_space<hbm>>
    %dma_wait3A_3924 = arith.constant 0 : i32
    %dma_wait3A_3925 = arith.constant 0 : i32
    %dma_wait3A_3926 = tpu.memref_slice %arg9[%dma_wait3A, %dma_wait3A_3924, %dma_wait3A_3925] : memref<4x16x768xf32, #tpu.memory_space<vmem>> -> memref<1x1x768xf32, #tpu.memory_space<vmem>>
    %dma_wait3A_3927 = tpu.memref_squeeze %dma_wait3A_3926 : memref<1x1x768xf32, #tpu.memory_space<vmem>> -> memref<1x768xf32, #tpu.memory_space<vmem>>
    tpu.wait_dma2 semaphore(%arg10 : memref<!tpu.dma_semaphore, #tpu.memory_space<semaphore_mem>>) src(%dma_wait3A_3927 : memref<1x768xf32, #tpu.memory_space<vmem>>) dst(%dma_wait3A_3923 : memref<1x768xf32, #tpu.memory_space<hbm>>)
    %dma_wait3A_3928 = arith.constant 0 : i32
    %dma_wait3A_3929 = arith.constant 0 : i32
    %dma_wait3A_3930 = arith.constant 0 : i32
    %dma_wait3A_3931 = tpu.memref_slice %arg7[%dma_wait3A_3929, %get3A_3166, %dma_wait3A_3930] : memref<4x2048x768xf32, #tpu.memory_space<hbm>> -> memref<1x1x768xf32, #tpu.memory_space<hbm>>
    %dma_wait3A_3932 = tpu.memref_squeeze %dma_wait3A_3931 : memref<1x1x768xf32, #tpu.memory_space<hbm>> -> memref<1x768xf32, #tpu.memory_space<hbm>>
    %dma_wait3A_3933 = arith.constant 1 : i32
    %dma_wait3A_3934 = arith.constant 0 : i32
    %dma_wait3A_3935 = tpu.memref_slice %arg9[%dma_wait3A_3928, %dma_wait3A_3933, %dma_wait3A_3934] : memref<4x16x768xf32, #tpu.memory_space<vmem>> -> memref<1x1x768xf32, #tpu.memory_space<vmem>>
    %dma_wait3A_3936 = tpu.memref_squeeze %dma_wait3A_3935 : memref<1x1x768xf32, #tpu.memory_space<vmem>> -> memref<1x768xf32, #tpu.memory_space<vmem>>
    tpu.wait_dma2 semaphore(%arg10 : memref<!tpu.dma_semaphore, #tpu.memory_space<semaphore_mem>>) src(%dma_wait3A_3936 : memref<1x768xf32, #tpu.memory_space<vmem>>) dst(%dma_wait3A_3932 : memref<1x768xf32, #tpu.memory_space<hbm>>)
    %dma_wait3A_3937 = arith.constant 0 : i32
    %dma_wait3A_3938 = arith.constant 0 : i32
    %dma_wait3A_3939 = arith.constant 0 : i32
    %dma_wait3A_3940 = tpu.memref_slice %arg7[%dma_wait3A_3938, %get3A_3178, %dma_wait3A_3939] : memref<4x2048x768xf32, #tpu.memory_space<hbm>> -> memref<1x1x768xf32, #tpu.memory_space<hbm>>
    %dma_wait3A_3941 = tpu.memref_squeeze %dma_wait3A_3940 : memref<1x1x768xf32, #tpu.memory_space<hbm>> -> memref<1x768xf32, #tpu.memory_space<hbm>>
    %dma_wait3A_3942 = arith.constant 2 : i32
    %dma_wait3A_3943 = arith.constant 0 : i32
    %dma_wait3A_3944 = tpu.memref_slice %arg9[%dma_wait3A_3937, %dma_wait3A_3942, %dma_wait3A_3943] : memref<4x16x768xf32, #tpu.memory_space<vmem>> -> memref<1x1x768xf32, #tpu.memory_space<vmem>>
    %dma_wait3A_3945 = tpu.memref_squeeze %dma_wait3A_3944 : memref<1x1x768xf32, #tpu.memory_space<vmem>> -> memref<1x768xf32, #tpu.memory_space<vmem>>
    tpu.wait_dma2 semaphore(%arg10 : memref<!tpu.dma_semaphore, #tpu.memory_space<semaphore_mem>>) src(%dma_wait3A_3945 : memref<1x768xf32, #tpu.memory_space<vmem>>) dst(%dma_wait3A_3941 : memref<1x768xf32, #tpu.memory_space<hbm>>)
    %dma_wait3A_3946 = arith.constant 0 : i32
    %dma_wait3A_3947 = arith.constant 0 : i32
    %dma_wait3A_3948 = arith.constant 0 : i32
    %dma_wait3A_3949 = tpu.memref_slice %arg7[%dma_wait3A_3947, %get3A_3190, %dma_wait3A_3948] : memref<4x2048x768xf32, #tpu.memory_space<hbm>> -> memref<1x1x768xf32, #tpu.memory_space<hbm>>
    %dma_wait3A_3950 = tpu.memref_squeeze %dma_wait3A_3949 : memref<1x1x768xf32, #tpu.memory_space<hbm>> -> memref<1x768xf32, #tpu.memory_space<hbm>>
    %dma_wait3A_3951 = arith.constant 3 : i32
    %dma_wait3A_3952 = arith.constant 0 : i32
    %dma_wait3A_3953 = tpu.memref_slice %arg9[%dma_wait3A_3946, %dma_wait3A_3951, %dma_wait3A_3952] : memref<4x16x768xf32, #tpu.memory_space<vmem>> -> memref<1x1x768xf32, #tpu.memory_space<vmem>>
    %dma_wait3A_3954 = tpu.memref_squeeze %dma_wait3A_3953 : memref<1x1x768xf32, #tpu.memory_space<vmem>> -> memref<1x768xf32, #tpu.memory_space<vmem>>
    tpu.wait_dma2 semaphore(%arg10 : memref<!tpu.dma_semaphore, #tpu.memory_space<semaphore_mem>>) src(%dma_wait3A_3954 : memref<1x768xf32, #tpu.memory_space<vmem>>) dst(%dma_wait3A_3950 : memref<1x768xf32, #tpu.memory_space<hbm>>)
    %dma_wait3A_3955 = arith.constant 0 : i32
    %dma_wait3A_3956 = arith.constant 0 : i32
    %dma_wait3A_3957 = arith.constant 0 : i32
    %dma_wait3A_3958 = tpu.memref_slice %arg7[%dma_wait3A_3956, %get3A_3202, %dma_wait3A_3957] : memref<4x2048x768xf32, #tpu.memory_space<hbm>> -> memref<1x1x768xf32, #tpu.memory_space<hbm>>
    %dma_wait3A_3959 = tpu.memref_squeeze %dma_wait3A_3958 : memref<1x1x768xf32, #tpu.memory_space<hbm>> -> memref<1x768xf32, #tpu.memory_space<hbm>>
    %dma_wait3A_3960 = arith.constant 4 : i32
    %dma_wait3A_3961 = arith.constant 0 : i32
    %dma_wait3A_3962 = tpu.memref_slice %arg9[%dma_wait3A_3955, %dma_wait3A_3960, %dma_wait3A_3961] : memref<4x16x768xf32, #tpu.memory_space<vmem>> -> memref<1x1x768xf32, #tpu.memory_space<vmem>>
    %dma_wait3A_3963 = tpu.memref_squeeze %dma_wait3A_3962 : memref<1x1x768xf32, #tpu.memory_space<vmem>> -> memref<1x768xf32, #tpu.memory_space<vmem>>
    tpu.wait_dma2 semaphore(%arg10 : memref<!tpu.dma_semaphore, #tpu.memory_space<semaphore_mem>>) src(%dma_wait3A_3963 : memref<1x768xf32, #tpu.memory_space<vmem>>) dst(%dma_wait3A_3959 : memref<1x768xf32, #tpu.memory_space<hbm>>)
    %dma_wait3A_3964 = arith.constant 0 : i32
    %dma_wait3A_3965 = arith.constant 0 : i32
    %dma_wait3A_3966 = arith.constant 0 : i32
    %dma_wait3A_3967 = tpu.memref_slice %arg7[%dma_wait3A_3965, %get3A_3214, %dma_wait3A_3966] : memref<4x2048x768xf32, #tpu.memory_space<hbm>> -> memref<1x1x768xf32, #tpu.memory_space<hbm>>
    %dma_wait3A_3968 = tpu.memref_squeeze %dma_wait3A_3967 : memref<1x1x768xf32, #tpu.memory_space<hbm>> -> memref<1x768xf32, #tpu.memory_space<hbm>>
    %dma_wait3A_3969 = arith.constant 5 : i32
    %dma_wait3A_3970 = arith.constant 0 : i32
    %dma_wait3A_3971 = tpu.memref_slice %arg9[%dma_wait3A_3964, %dma_wait3A_3969, %dma_wait3A_3970] : memref<4x16x768xf32, #tpu.memory_space<vmem>> -> memref<1x1x768xf32, #tpu.memory_space<vmem>>
    %dma_wait3A_3972 = tpu.memref_squeeze %dma_wait3A_3971 : memref<1x1x768xf32, #tpu.memory_space<vmem>> -> memref<1x768xf32, #tpu.memory_space<vmem>>
    tpu.wait_dma2 semaphore(%arg10 : memref<!tpu.dma_semaphore, #tpu.memory_space<semaphore_mem>>) src(%dma_wait3A_3972 : memref<1x768xf32, #tpu.memory_space<vmem>>) dst(%dma_wait3A_3968 : memref<1x768xf32, #tpu.memory_space<hbm>>)
    %dma_wait3A_3973 = arith.constant 0 : i32
    %dma_wait3A_3974 = arith.constant 0 : i32
    %dma_wait3A_3975 = arith.constant 0 : i32
    %dma_wait3A_3976 = tpu.memref_slice %arg7[%dma_wait3A_3974, %get3A_3226, %dma_wait3A_3975] : memref<4x2048x768xf32, #tpu.memory_space<hbm>> -> memref<1x1x768xf32, #tpu.memory_space<hbm>>
    %dma_wait3A_3977 = tpu.memref_squeeze %dma_wait3A_3976 : memref<1x1x768xf32, #tpu.memory_space<hbm>> -> memref<1x768xf32, #tpu.memory_space<hbm>>
    %dma_wait3A_3978 = arith.constant 6 : i32
    %dma_wait3A_3979 = arith.constant 0 : i32
    %dma_wait3A_3980 = tpu.memref_slice %arg9[%dma_wait3A_3973, %dma_wait3A_3978, %dma_wait3A_3979] : memref<4x16x768xf32, #tpu.memory_space<vmem>> -> memref<1x1x768xf32, #tpu.memory_space<vmem>>
    %dma_wait3A_3981 = tpu.memref_squeeze %dma_wait3A_3980 : memref<1x1x768xf32, #tpu.memory_space<vmem>> -> memref<1x768xf32, #tpu.memory_space<vmem>>
    tpu.wait_dma2 semaphore(%arg10 : memref<!tpu.dma_semaphore, #tpu.memory_space<semaphore_mem>>) src(%dma_wait3A_3981 : memref<1x768xf32, #tpu.memory_space<vmem>>) dst(%dma_wait3A_3977 : memref<1x768xf32, #tpu.memory_space<hbm>>)
    %dma_wait3A_3982 = arith.constant 0 : i32
    %dma_wait3A_3983 = arith.constant 0 : i32
    %dma_wait3A_3984 = arith.constant 0 : i32
    %dma_wait3A_3985 = tpu.memref_slice %arg7[%dma_wait3A_3983, %get3A_3238, %dma_wait3A_3984] : memref<4x2048x768xf32, #tpu.memory_space<hbm>> -> memref<1x1x768xf32, #tpu.memory_space<hbm>>
    %dma_wait3A_3986 = tpu.memref_squeeze %dma_wait3A_3985 : memref<1x1x768xf32, #tpu.memory_space<hbm>> -> memref<1x768xf32, #tpu.memory_space<hbm>>
    %dma_wait3A_3987 = arith.constant 7 : i32
    %dma_wait3A_3988 = arith.constant 0 : i32
    %dma_wait3A_3989 = tpu.memref_slice %arg9[%dma_wait3A_3982, %dma_wait3A_3987, %dma_wait3A_3988] : memref<4x16x768xf32, #tpu.memory_space<vmem>> -> memref<1x1x768xf32, #tpu.memory_space<vmem>>
    %dma_wait3A_3990 = tpu.memref_squeeze %dma_wait3A_3989 : memref<1x1x768xf32, #tpu.memory_space<vmem>> -> memref<1x768xf32, #tpu.memory_space<vmem>>
    tpu.wait_dma2 semaphore(%arg10 : memref<!tpu.dma_semaphore, #tpu.memory_space<semaphore_mem>>) src(%dma_wait3A_3990 : memref<1x768xf32, #tpu.memory_space<vmem>>) dst(%dma_wait3A_3986 : memref<1x768xf32, #tpu.memory_space<hbm>>)
    %dma_wait3A_3991 = arith.constant 0 : i32
    %dma_wait3A_3992 = arith.constant 0 : i32
    %dma_wait3A_3993 = arith.constant 0 : i32
    %dma_wait3A_3994 = tpu.memref_slice %arg7[%dma_wait3A_3992, %get3A_3250, %dma_wait3A_3993] : memref<4x2048x768xf32, #tpu.memory_space<hbm>> -> memref<1x1x768xf32, #tpu.memory_space<hbm>>
    %dma_wait3A_3995 = tpu.memref_squeeze %dma_wait3A_3994 : memref<1x1x768xf32, #tpu.memory_space<hbm>> -> memref<1x768xf32, #tpu.memory_space<hbm>>
    %dma_wait3A_3996 = arith.constant 8 : i32
    %dma_wait3A_3997 = arith.constant 0 : i32
    %dma_wait3A_3998 = tpu.memref_slice %arg9[%dma_wait3A_3991, %dma_wait3A_3996, %dma_wait3A_3997] : memref<4x16x768xf32, #tpu.memory_space<vmem>> -> memref<1x1x768xf32, #tpu.memory_space<vmem>>
    %dma_wait3A_3999 = tpu.memref_squeeze %dma_wait3A_3998 : memref<1x1x768xf32, #tpu.memory_space<vmem>> -> memref<1x768xf32, #tpu.memory_space<vmem>>
    tpu.wait_dma2 semaphore(%arg10 : memref<!tpu.dma_semaphore, #tpu.memory_space<semaphore_mem>>) src(%dma_wait3A_3999 : memref<1x768xf32, #tpu.memory_space<vmem>>) dst(%dma_wait3A_3995 : memref<1x768xf32, #tpu.memory_space<hbm>>)
    %dma_wait3A_4000 = arith.constant 0 : i32
    %dma_wait3A_4001 = arith.constant 0 : i32
    %dma_wait3A_4002 = arith.constant 0 : i32
    %dma_wait3A_4003 = tpu.memref_slice %arg7[%dma_wait3A_4001, %get3A_3262, %dma_wait3A_4002] : memref<4x2048x768xf32, #tpu.memory_space<hbm>> -> memref<1x1x768xf32, #tpu.memory_space<hbm>>
    %dma_wait3A_4004 = tpu.memref_squeeze %dma_wait3A_4003 : memref<1x1x768xf32, #tpu.memory_space<hbm>> -> memref<1x768xf32, #tpu.memory_space<hbm>>
    %dma_wait3A_4005 = arith.constant 9 : i32
    %dma_wait3A_4006 = arith.constant 0 : i32
    %dma_wait3A_4007 = tpu.memref_slice %arg9[%dma_wait3A_4000, %dma_wait3A_4005, %dma_wait3A_4006] : memref<4x16x768xf32, #tpu.memory_space<vmem>> -> memref<1x1x768xf32, #tpu.memory_space<vmem>>
    %dma_wait3A_4008 = tpu.memref_squeeze %dma_wait3A_4007 : memref<1x1x768xf32, #tpu.memory_space<vmem>> -> memref<1x768xf32, #tpu.memory_space<vmem>>
    tpu.wait_dma2 semaphore(%arg10 : memref<!tpu.dma_semaphore, #tpu.memory_space<semaphore_mem>>) src(%dma_wait3A_4008 : memref<1x768xf32, #tpu.memory_space<vmem>>) dst(%dma_wait3A_4004 : memref<1x768xf32, #tpu.memory_space<hbm>>)
    %dma_wait3A_4009 = arith.constant 0 : i32
    %dma_wait3A_4010 = arith.constant 0 : i32
    %dma_wait3A_4011 = arith.constant 0 : i32
    %dma_wait3A_4012 = tpu.memref_slice %arg7[%dma_wait3A_4010, %get3A_3274, %dma_wait3A_4011] : memref<4x2048x768xf32, #tpu.memory_space<hbm>> -> memref<1x1x768xf32, #tpu.memory_space<hbm>>
    %dma_wait3A_4013 = tpu.memref_squeeze %dma_wait3A_4012 : memref<1x1x768xf32, #tpu.memory_space<hbm>> -> memref<1x768xf32, #tpu.memory_space<hbm>>
    %dma_wait3A_4014 = arith.constant 10 : i32
    %dma_wait3A_4015 = arith.constant 0 : i32
    %dma_wait3A_4016 = tpu.memref_slice %arg9[%dma_wait3A_4009, %dma_wait3A_4014, %dma_wait3A_4015] : memref<4x16x768xf32, #tpu.memory_space<vmem>> -> memref<1x1x768xf32, #tpu.memory_space<vmem>>
    %dma_wait3A_4017 = tpu.memref_squeeze %dma_wait3A_4016 : memref<1x1x768xf32, #tpu.memory_space<vmem>> -> memref<1x768xf32, #tpu.memory_space<vmem>>
    tpu.wait_dma2 semaphore(%arg10 : memref<!tpu.dma_semaphore, #tpu.memory_space<semaphore_mem>>) src(%dma_wait3A_4017 : memref<1x768xf32, #tpu.memory_space<vmem>>) dst(%dma_wait3A_4013 : memref<1x768xf32, #tpu.memory_space<hbm>>)
    %dma_wait3A_4018 = arith.constant 0 : i32
    %dma_wait3A_4019 = arith.constant 0 : i32
    %dma_wait3A_4020 = arith.constant 0 : i32
    %dma_wait3A_4021 = tpu.memref_slice %arg7[%dma_wait3A_4019, %get3A_3286, %dma_wait3A_4020] : memref<4x2048x768xf32, #tpu.memory_space<hbm>> -> memref<1x1x768xf32, #tpu.memory_space<hbm>>
    %dma_wait3A_4022 = tpu.memref_squeeze %dma_wait3A_4021 : memref<1x1x768xf32, #tpu.memory_space<hbm>> -> memref<1x768xf32, #tpu.memory_space<hbm>>
    %dma_wait3A_4023 = arith.constant 11 : i32
    %dma_wait3A_4024 = arith.constant 0 : i32
    %dma_wait3A_4025 = tpu.memref_slice %arg9[%dma_wait3A_4018, %dma_wait3A_4023, %dma_wait3A_4024] : memref<4x16x768xf32, #tpu.memory_space<vmem>> -> memref<1x1x768xf32, #tpu.memory_space<vmem>>
    %dma_wait3A_4026 = tpu.memref_squeeze %dma_wait3A_4025 : memref<1x1x768xf32, #tpu.memory_space<vmem>> -> memref<1x768xf32, #tpu.memory_space<vmem>>
    tpu.wait_dma2 semaphore(%arg10 : memref<!tpu.dma_semaphore, #tpu.memory_space<semaphore_mem>>) src(%dma_wait3A_4026 : memref<1x768xf32, #tpu.memory_space<vmem>>) dst(%dma_wait3A_4022 : memref<1x768xf32, #tpu.memory_space<hbm>>)
    %dma_wait3A_4027 = arith.constant 0 : i32
    %dma_wait3A_4028 = arith.constant 0 : i32
    %dma_wait3A_4029 = arith.constant 0 : i32
    %dma_wait3A_4030 = tpu.memref_slice %arg7[%dma_wait3A_4028, %get3A_3298, %dma_wait3A_4029] : memref<4x2048x768xf32, #tpu.memory_space<hbm>> -> memref<1x1x768xf32, #tpu.memory_space<hbm>>
    %dma_wait3A_4031 = tpu.memref_squeeze %dma_wait3A_4030 : memref<1x1x768xf32, #tpu.memory_space<hbm>> -> memref<1x768xf32, #tpu.memory_space<hbm>>
    %dma_wait3A_4032 = arith.constant 12 : i32
    %dma_wait3A_4033 = arith.constant 0 : i32
    %dma_wait3A_4034 = tpu.memref_slice %arg9[%dma_wait3A_4027, %dma_wait3A_4032, %dma_wait3A_4033] : memref<4x16x768xf32, #tpu.memory_space<vmem>> -> memref<1x1x768xf32, #tpu.memory_space<vmem>>
    %dma_wait3A_4035 = tpu.memref_squeeze %dma_wait3A_4034 : memref<1x1x768xf32, #tpu.memory_space<vmem>> -> memref<1x768xf32, #tpu.memory_space<vmem>>
    tpu.wait_dma2 semaphore(%arg10 : memref<!tpu.dma_semaphore, #tpu.memory_space<semaphore_mem>>) src(%dma_wait3A_4035 : memref<1x768xf32, #tpu.memory_space<vmem>>) dst(%dma_wait3A_4031 : memref<1x768xf32, #tpu.memory_space<hbm>>)
    %dma_wait3A_4036 = arith.constant 0 : i32
    %dma_wait3A_4037 = arith.constant 0 : i32
    %dma_wait3A_4038 = arith.constant 0 : i32
    %dma_wait3A_4039 = tpu.memref_slice %arg7[%dma_wait3A_4037, %get3A_3310, %dma_wait3A_4038] : memref<4x2048x768xf32, #tpu.memory_space<hbm>> -> memref<1x1x768xf32, #tpu.memory_space<hbm>>
    %dma_wait3A_4040 = tpu.memref_squeeze %dma_wait3A_4039 : memref<1x1x768xf32, #tpu.memory_space<hbm>> -> memref<1x768xf32, #tpu.memory_space<hbm>>
    %dma_wait3A_4041 = arith.constant 13 : i32
    %dma_wait3A_4042 = arith.constant 0 : i32
    %dma_wait3A_4043 = tpu.memref_slice %arg9[%dma_wait3A_4036, %dma_wait3A_4041, %dma_wait3A_4042] : memref<4x16x768xf32, #tpu.memory_space<vmem>> -> memref<1x1x768xf32, #tpu.memory_space<vmem>>
    %dma_wait3A_4044 = tpu.memref_squeeze %dma_wait3A_4043 : memref<1x1x768xf32, #tpu.memory_space<vmem>> -> memref<1x768xf32, #tpu.memory_space<vmem>>
    tpu.wait_dma2 semaphore(%arg10 : memref<!tpu.dma_semaphore, #tpu.memory_space<semaphore_mem>>) src(%dma_wait3A_4044 : memref<1x768xf32, #tpu.memory_space<vmem>>) dst(%dma_wait3A_4040 : memref<1x768xf32, #tpu.memory_space<hbm>>)
    %dma_wait3A_4045 = arith.constant 0 : i32
    %dma_wait3A_4046 = arith.constant 0 : i32
    %dma_wait3A_4047 = arith.constant 0 : i32
    %dma_wait3A_4048 = tpu.memref_slice %arg7[%dma_wait3A_4046, %get3A_3322, %dma_wait3A_4047] : memref<4x2048x768xf32, #tpu.memory_space<hbm>> -> memref<1x1x768xf32, #tpu.memory_space<hbm>>
    %dma_wait3A_4049 = tpu.memref_squeeze %dma_wait3A_4048 : memref<1x1x768xf32, #tpu.memory_space<hbm>> -> memref<1x768xf32, #tpu.memory_space<hbm>>
    %dma_wait3A_4050 = arith.constant 14 : i32
    %dma_wait3A_4051 = arith.constant 0 : i32
    %dma_wait3A_4052 = tpu.memref_slice %arg9[%dma_wait3A_4045, %dma_wait3A_4050, %dma_wait3A_4051] : memref<4x16x768xf32, #tpu.memory_space<vmem>> -> memref<1x1x768xf32, #tpu.memory_space<vmem>>
    %dma_wait3A_4053 = tpu.memref_squeeze %dma_wait3A_4052 : memref<1x1x768xf32, #tpu.memory_space<vmem>> -> memref<1x768xf32, #tpu.memory_space<vmem>>
    tpu.wait_dma2 semaphore(%arg10 : memref<!tpu.dma_semaphore, #tpu.memory_space<semaphore_mem>>) src(%dma_wait3A_4053 : memref<1x768xf32, #tpu.memory_space<vmem>>) dst(%dma_wait3A_4049 : memref<1x768xf32, #tpu.memory_space<hbm>>)
    %dma_wait3A_4054 = arith.constant 0 : i32
    %dma_wait3A_4055 = arith.constant 0 : i32
    %dma_wait3A_4056 = arith.constant 0 : i32
    %dma_wait3A_4057 = tpu.memref_slice %arg7[%dma_wait3A_4055, %get3A_3334, %dma_wait3A_4056] : memref<4x2048x768xf32, #tpu.memory_space<hbm>> -> memref<1x1x768xf32, #tpu.memory_space<hbm>>
    %dma_wait3A_4058 = tpu.memref_squeeze %dma_wait3A_4057 : memref<1x1x768xf32, #tpu.memory_space<hbm>> -> memref<1x768xf32, #tpu.memory_space<hbm>>
    %dma_wait3A_4059 = arith.constant 15 : i32
    %dma_wait3A_4060 = arith.constant 0 : i32
    %dma_wait3A_4061 = tpu.memref_slice %arg9[%dma_wait3A_4054, %dma_wait3A_4059, %dma_wait3A_4060] : memref<4x16x768xf32, #tpu.memory_space<vmem>> -> memref<1x1x768xf32, #tpu.memory_space<vmem>>
    %dma_wait3A_4062 = tpu.memref_squeeze %dma_wait3A_4061 : memref<1x1x768xf32, #tpu.memory_space<vmem>> -> memref<1x768xf32, #tpu.memory_space<vmem>>
    tpu.wait_dma2 semaphore(%arg10 : memref<!tpu.dma_semaphore, #tpu.memory_space<semaphore_mem>>) src(%dma_wait3A_4062 : memref<1x768xf32, #tpu.memory_space<vmem>>) dst(%dma_wait3A_4058 : memref<1x768xf32, #tpu.memory_space<hbm>>)
    %dma_wait3A_4063 = arith.constant 1 : i32
    %dma_wait3A_4064 = arith.constant 1 : i32
    %dma_wait3A_4065 = arith.constant 0 : i32
    %dma_wait3A_4066 = tpu.memref_slice %arg7[%dma_wait3A_4064, %get3A_3346, %dma_wait3A_4065] : memref<4x2048x768xf32, #tpu.memory_space<hbm>> -> memref<1x1x768xf32, #tpu.memory_space<hbm>>
    %dma_wait3A_4067 = tpu.memref_squeeze %dma_wait3A_4066 : memref<1x1x768xf32, #tpu.memory_space<hbm>> -> memref<1x768xf32, #tpu.memory_space<hbm>>
    %dma_wait3A_4068 = arith.constant 0 : i32
    %dma_wait3A_4069 = arith.constant 0 : i32
    %dma_wait3A_4070 = tpu.memref_slice %arg9[%dma_wait3A_4063, %dma_wait3A_4068, %dma_wait3A_4069] : memref<4x16x768xf32, #tpu.memory_space<vmem>> -> memref<1x1x768xf32, #tpu.memory_space<vmem>>
    %dma_wait3A_4071 = tpu.memref_squeeze %dma_wait3A_4070 : memref<1x1x768xf32, #tpu.memory_space<vmem>> -> memref<1x768xf32, #tpu.memory_space<vmem>>
    tpu.wait_dma2 semaphore(%arg10 : memref<!tpu.dma_semaphore, #tpu.memory_space<semaphore_mem>>) src(%dma_wait3A_4071 : memref<1x768xf32, #tpu.memory_space<vmem>>) dst(%dma_wait3A_4067 : memref<1x768xf32, #tpu.memory_space<hbm>>)
    %dma_wait3A_4072 = arith.constant 1 : i32
    %dma_wait3A_4073 = arith.constant 1 : i32
    %dma_wait3A_4074 = arith.constant 0 : i32
    %dma_wait3A_4075 = tpu.memref_slice %arg7[%dma_wait3A_4073, %get3A_3358, %dma_wait3A_4074] : memref<4x2048x768xf32, #tpu.memory_space<hbm>> -> memref<1x1x768xf32, #tpu.memory_space<hbm>>
    %dma_wait3A_4076 = tpu.memref_squeeze %dma_wait3A_4075 : memref<1x1x768xf32, #tpu.memory_space<hbm>> -> memref<1x768xf32, #tpu.memory_space<hbm>>
    %dma_wait3A_4077 = arith.constant 1 : i32
    %dma_wait3A_4078 = arith.constant 0 : i32
    %dma_wait3A_4079 = tpu.memref_slice %arg9[%dma_wait3A_4072, %dma_wait3A_4077, %dma_wait3A_4078] : memref<4x16x768xf32, #tpu.memory_space<vmem>> -> memref<1x1x768xf32, #tpu.memory_space<vmem>>
    %dma_wait3A_4080 = tpu.memref_squeeze %dma_wait3A_4079 : memref<1x1x768xf32, #tpu.memory_space<vmem>> -> memref<1x768xf32, #tpu.memory_space<vmem>>
    tpu.wait_dma2 semaphore(%arg10 : memref<!tpu.dma_semaphore, #tpu.memory_space<semaphore_mem>>) src(%dma_wait3A_4080 : memref<1x768xf32, #tpu.memory_space<vmem>>) dst(%dma_wait3A_4076 : memref<1x768xf32, #tpu.memory_space<hbm>>)
    %dma_wait3A_4081 = arith.constant 1 : i32
    %dma_wait3A_4082 = arith.constant 1 : i32
    %dma_wait3A_4083 = arith.constant 0 : i32
    %dma_wait3A_4084 = tpu.memref_slice %arg7[%dma_wait3A_4082, %get3A_3370, %dma_wait3A_4083] : memref<4x2048x768xf32, #tpu.memory_space<hbm>> -> memref<1x1x768xf32, #tpu.memory_space<hbm>>
    %dma_wait3A_4085 = tpu.memref_squeeze %dma_wait3A_4084 : memref<1x1x768xf32, #tpu.memory_space<hbm>> -> memref<1x768xf32, #tpu.memory_space<hbm>>
    %dma_wait3A_4086 = arith.constant 2 : i32
    %dma_wait3A_4087 = arith.constant 0 : i32
    %dma_wait3A_4088 = tpu.memref_slice %arg9[%dma_wait3A_4081, %dma_wait3A_4086, %dma_wait3A_4087] : memref<4x16x768xf32, #tpu.memory_space<vmem>> -> memref<1x1x768xf32, #tpu.memory_space<vmem>>
    %dma_wait3A_4089 = tpu.memref_squeeze %dma_wait3A_4088 : memref<1x1x768xf32, #tpu.memory_space<vmem>> -> memref<1x768xf32, #tpu.memory_space<vmem>>
    tpu.wait_dma2 semaphore(%arg10 : memref<!tpu.dma_semaphore, #tpu.memory_space<semaphore_mem>>) src(%dma_wait3A_4089 : memref<1x768xf32, #tpu.memory_space<vmem>>) dst(%dma_wait3A_4085 : memref<1x768xf32, #tpu.memory_space<hbm>>)
    %dma_wait3A_4090 = arith.constant 1 : i32
    %dma_wait3A_4091 = arith.constant 1 : i32
    %dma_wait3A_4092 = arith.constant 0 : i32
    %dma_wait3A_4093 = tpu.memref_slice %arg7[%dma_wait3A_4091, %get3A_3382, %dma_wait3A_4092] : memref<4x2048x768xf32, #tpu.memory_space<hbm>> -> memref<1x1x768xf32, #tpu.memory_space<hbm>>
    %dma_wait3A_4094 = tpu.memref_squeeze %dma_wait3A_4093 : memref<1x1x768xf32, #tpu.memory_space<hbm>> -> memref<1x768xf32, #tpu.memory_space<hbm>>
    %dma_wait3A_4095 = arith.constant 3 : i32
    %dma_wait3A_4096 = arith.constant 0 : i32
    %dma_wait3A_4097 = tpu.memref_slice %arg9[%dma_wait3A_4090, %dma_wait3A_4095, %dma_wait3A_4096] : memref<4x16x768xf32, #tpu.memory_space<vmem>> -> memref<1x1x768xf32, #tpu.memory_space<vmem>>
    %dma_wait3A_4098 = tpu.memref_squeeze %dma_wait3A_4097 : memref<1x1x768xf32, #tpu.memory_space<vmem>> -> memref<1x768xf32, #tpu.memory_space<vmem>>
    tpu.wait_dma2 semaphore(%arg10 : memref<!tpu.dma_semaphore, #tpu.memory_space<semaphore_mem>>) src(%dma_wait3A_4098 : memref<1x768xf32, #tpu.memory_space<vmem>>) dst(%dma_wait3A_4094 : memref<1x768xf32, #tpu.memory_space<hbm>>)
    %dma_wait3A_4099 = arith.constant 1 : i32
    %dma_wait3A_4100 = arith.constant 1 : i32
    %dma_wait3A_4101 = arith.constant 0 : i32
    %dma_wait3A_4102 = tpu.memref_slice %arg7[%dma_wait3A_4100, %get3A_3394, %dma_wait3A_4101] : memref<4x2048x768xf32, #tpu.memory_space<hbm>> -> memref<1x1x768xf32, #tpu.memory_space<hbm>>
    %dma_wait3A_4103 = tpu.memref_squeeze %dma_wait3A_4102 : memref<1x1x768xf32, #tpu.memory_space<hbm>> -> memref<1x768xf32, #tpu.memory_space<hbm>>
    %dma_wait3A_4104 = arith.constant 4 : i32
    %dma_wait3A_4105 = arith.constant 0 : i32
    %dma_wait3A_4106 = tpu.memref_slice %arg9[%dma_wait3A_4099, %dma_wait3A_4104, %dma_wait3A_4105] : memref<4x16x768xf32, #tpu.memory_space<vmem>> -> memref<1x1x768xf32, #tpu.memory_space<vmem>>
    %dma_wait3A_4107 = tpu.memref_squeeze %dma_wait3A_4106 : memref<1x1x768xf32, #tpu.memory_space<vmem>> -> memref<1x768xf32, #tpu.memory_space<vmem>>
    tpu.wait_dma2 semaphore(%arg10 : memref<!tpu.dma_semaphore, #tpu.memory_space<semaphore_mem>>) src(%dma_wait3A_4107 : memref<1x768xf32, #tpu.memory_space<vmem>>) dst(%dma_wait3A_4103 : memref<1x768xf32, #tpu.memory_space<hbm>>)
    %dma_wait3A_4108 = arith.constant 1 : i32
    %dma_wait3A_4109 = arith.constant 1 : i32
    %dma_wait3A_4110 = arith.constant 0 : i32
    %dma_wait3A_4111 = tpu.memref_slice %arg7[%dma_wait3A_4109, %get3A_3406, %dma_wait3A_4110] : memref<4x2048x768xf32, #tpu.memory_space<hbm>> -> memref<1x1x768xf32, #tpu.memory_space<hbm>>
    %dma_wait3A_4112 = tpu.memref_squeeze %dma_wait3A_4111 : memref<1x1x768xf32, #tpu.memory_space<hbm>> -> memref<1x768xf32, #tpu.memory_space<hbm>>
    %dma_wait3A_4113 = arith.constant 5 : i32
    %dma_wait3A_4114 = arith.constant 0 : i32
    %dma_wait3A_4115 = tpu.memref_slice %arg9[%dma_wait3A_4108, %dma_wait3A_4113, %dma_wait3A_4114] : memref<4x16x768xf32, #tpu.memory_space<vmem>> -> memref<1x1x768xf32, #tpu.memory_space<vmem>>
    %dma_wait3A_4116 = tpu.memref_squeeze %dma_wait3A_4115 : memref<1x1x768xf32, #tpu.memory_space<vmem>> -> memref<1x768xf32, #tpu.memory_space<vmem>>
    tpu.wait_dma2 semaphore(%arg10 : memref<!tpu.dma_semaphore, #tpu.memory_space<semaphore_mem>>) src(%dma_wait3A_4116 : memref<1x768xf32, #tpu.memory_space<vmem>>) dst(%dma_wait3A_4112 : memref<1x768xf32, #tpu.memory_space<hbm>>)
    %dma_wait3A_4117 = arith.constant 1 : i32
    %dma_wait3A_4118 = arith.constant 1 : i32
    %dma_wait3A_4119 = arith.constant 0 : i32
    %dma_wait3A_4120 = tpu.memref_slice %arg7[%dma_wait3A_4118, %get3A_3418, %dma_wait3A_4119] : memref<4x2048x768xf32, #tpu.memory_space<hbm>> -> memref<1x1x768xf32, #tpu.memory_space<hbm>>
    %dma_wait3A_4121 = tpu.memref_squeeze %dma_wait3A_4120 : memref<1x1x768xf32, #tpu.memory_space<hbm>> -> memref<1x768xf32, #tpu.memory_space<hbm>>
    %dma_wait3A_4122 = arith.constant 6 : i32
    %dma_wait3A_4123 = arith.constant 0 : i32
    %dma_wait3A_4124 = tpu.memref_slice %arg9[%dma_wait3A_4117, %dma_wait3A_4122, %dma_wait3A_4123] : memref<4x16x768xf32, #tpu.memory_space<vmem>> -> memref<1x1x768xf32, #tpu.memory_space<vmem>>
    %dma_wait3A_4125 = tpu.memref_squeeze %dma_wait3A_4124 : memref<1x1x768xf32, #tpu.memory_space<vmem>> -> memref<1x768xf32, #tpu.memory_space<vmem>>
    tpu.wait_dma2 semaphore(%arg10 : memref<!tpu.dma_semaphore, #tpu.memory_space<semaphore_mem>>) src(%dma_wait3A_4125 : memref<1x768xf32, #tpu.memory_space<vmem>>) dst(%dma_wait3A_4121 : memref<1x768xf32, #tpu.memory_space<hbm>>)
    %dma_wait3A_4126 = arith.constant 1 : i32
    %dma_wait3A_4127 = arith.constant 1 : i32
    %dma_wait3A_4128 = arith.constant 0 : i32
    %dma_wait3A_4129 = tpu.memref_slice %arg7[%dma_wait3A_4127, %get3A_3430, %dma_wait3A_4128] : memref<4x2048x768xf32, #tpu.memory_space<hbm>> -> memref<1x1x768xf32, #tpu.memory_space<hbm>>
    %dma_wait3A_4130 = tpu.memref_squeeze %dma_wait3A_4129 : memref<1x1x768xf32, #tpu.memory_space<hbm>> -> memref<1x768xf32, #tpu.memory_space<hbm>>
    %dma_wait3A_4131 = arith.constant 7 : i32
    %dma_wait3A_4132 = arith.constant 0 : i32
    %dma_wait3A_4133 = tpu.memref_slice %arg9[%dma_wait3A_4126, %dma_wait3A_4131, %dma_wait3A_4132] : memref<4x16x768xf32, #tpu.memory_space<vmem>> -> memref<1x1x768xf32, #tpu.memory_space<vmem>>
    %dma_wait3A_4134 = tpu.memref_squeeze %dma_wait3A_4133 : memref<1x1x768xf32, #tpu.memory_space<vmem>> -> memref<1x768xf32, #tpu.memory_space<vmem>>
    tpu.wait_dma2 semaphore(%arg10 : memref<!tpu.dma_semaphore, #tpu.memory_space<semaphore_mem>>) src(%dma_wait3A_4134 : memref<1x768xf32, #tpu.memory_space<vmem>>) dst(%dma_wait3A_4130 : memref<1x768xf32, #tpu.memory_space<hbm>>)
    %dma_wait3A_4135 = arith.constant 1 : i32
    %dma_wait3A_4136 = arith.constant 1 : i32
    %dma_wait3A_4137 = arith.constant 0 : i32
    %dma_wait3A_4138 = tpu.memref_slice %arg7[%dma_wait3A_4136, %get3A_3442, %dma_wait3A_4137] : memref<4x2048x768xf32, #tpu.memory_space<hbm>> -> memref<1x1x768xf32, #tpu.memory_space<hbm>>
    %dma_wait3A_4139 = tpu.memref_squeeze %dma_wait3A_4138 : memref<1x1x768xf32, #tpu.memory_space<hbm>> -> memref<1x768xf32, #tpu.memory_space<hbm>>
    %dma_wait3A_4140 = arith.constant 8 : i32
    %dma_wait3A_4141 = arith.constant 0 : i32
    %dma_wait3A_4142 = tpu.memref_slice %arg9[%dma_wait3A_4135, %dma_wait3A_4140, %dma_wait3A_4141] : memref<4x16x768xf32, #tpu.memory_space<vmem>> -> memref<1x1x768xf32, #tpu.memory_space<vmem>>
    %dma_wait3A_4143 = tpu.memref_squeeze %dma_wait3A_4142 : memref<1x1x768xf32, #tpu.memory_space<vmem>> -> memref<1x768xf32, #tpu.memory_space<vmem>>
    tpu.wait_dma2 semaphore(%arg10 : memref<!tpu.dma_semaphore, #tpu.memory_space<semaphore_mem>>) src(%dma_wait3A_4143 : memref<1x768xf32, #tpu.memory_space<vmem>>) dst(%dma_wait3A_4139 : memref<1x768xf32, #tpu.memory_space<hbm>>)
    %dma_wait3A_4144 = arith.constant 1 : i32
    %dma_wait3A_4145 = arith.constant 1 : i32
    %dma_wait3A_4146 = arith.constant 0 : i32
    %dma_wait3A_4147 = tpu.memref_slice %arg7[%dma_wait3A_4145, %get3A_3454, %dma_wait3A_4146] : memref<4x2048x768xf32, #tpu.memory_space<hbm>> -> memref<1x1x768xf32, #tpu.memory_space<hbm>>
    %dma_wait3A_4148 = tpu.memref_squeeze %dma_wait3A_4147 : memref<1x1x768xf32, #tpu.memory_space<hbm>> -> memref<1x768xf32, #tpu.memory_space<hbm>>
    %dma_wait3A_4149 = arith.constant 9 : i32
    %dma_wait3A_4150 = arith.constant 0 : i32
    %dma_wait3A_4151 = tpu.memref_slice %arg9[%dma_wait3A_4144, %dma_wait3A_4149, %dma_wait3A_4150] : memref<4x16x768xf32, #tpu.memory_space<vmem>> -> memref<1x1x768xf32, #tpu.memory_space<vmem>>
    %dma_wait3A_4152 = tpu.memref_squeeze %dma_wait3A_4151 : memref<1x1x768xf32, #tpu.memory_space<vmem>> -> memref<1x768xf32, #tpu.memory_space<vmem>>
    tpu.wait_dma2 semaphore(%arg10 : memref<!tpu.dma_semaphore, #tpu.memory_space<semaphore_mem>>) src(%dma_wait3A_4152 : memref<1x768xf32, #tpu.memory_space<vmem>>) dst(%dma_wait3A_4148 : memref<1x768xf32, #tpu.memory_space<hbm>>)
    %dma_wait3A_4153 = arith.constant 1 : i32
    %dma_wait3A_4154 = arith.constant 1 : i32
    %dma_wait3A_4155 = arith.constant 0 : i32
    %dma_wait3A_4156 = tpu.memref_slice %arg7[%dma_wait3A_4154, %get3A_3466, %dma_wait3A_4155] : memref<4x2048x768xf32, #tpu.memory_space<hbm>> -> memref<1x1x768xf32, #tpu.memory_space<hbm>>
    %dma_wait3A_4157 = tpu.memref_squeeze %dma_wait3A_4156 : memref<1x1x768xf32, #tpu.memory_space<hbm>> -> memref<1x768xf32, #tpu.memory_space<hbm>>
    %dma_wait3A_4158 = arith.constant 10 : i32
    %dma_wait3A_4159 = arith.constant 0 : i32
    %dma_wait3A_4160 = tpu.memref_slice %arg9[%dma_wait3A_4153, %dma_wait3A_4158, %dma_wait3A_4159] : memref<4x16x768xf32, #tpu.memory_space<vmem>> -> memref<1x1x768xf32, #tpu.memory_space<vmem>>
    %dma_wait3A_4161 = tpu.memref_squeeze %dma_wait3A_4160 : memref<1x1x768xf32, #tpu.memory_space<vmem>> -> memref<1x768xf32, #tpu.memory_space<vmem>>
    tpu.wait_dma2 semaphore(%arg10 : memref<!tpu.dma_semaphore, #tpu.memory_space<semaphore_mem>>) src(%dma_wait3A_4161 : memref<1x768xf32, #tpu.memory_space<vmem>>) dst(%dma_wait3A_4157 : memref<1x768xf32, #tpu.memory_space<hbm>>)
    %dma_wait3A_4162 = arith.constant 1 : i32
    %dma_wait3A_4163 = arith.constant 1 : i32
    %dma_wait3A_4164 = arith.constant 0 : i32
    %dma_wait3A_4165 = tpu.memref_slice %arg7[%dma_wait3A_4163, %get3A_3478, %dma_wait3A_4164] : memref<4x2048x768xf32, #tpu.memory_space<hbm>> -> memref<1x1x768xf32, #tpu.memory_space<hbm>>
    %dma_wait3A_4166 = tpu.memref_squeeze %dma_wait3A_4165 : memref<1x1x768xf32, #tpu.memory_space<hbm>> -> memref<1x768xf32, #tpu.memory_space<hbm>>
    %dma_wait3A_4167 = arith.constant 11 : i32
    %dma_wait3A_4168 = arith.constant 0 : i32
    %dma_wait3A_4169 = tpu.memref_slice %arg9[%dma_wait3A_4162, %dma_wait3A_4167, %dma_wait3A_4168] : memref<4x16x768xf32, #tpu.memory_space<vmem>> -> memref<1x1x768xf32, #tpu.memory_space<vmem>>
    %dma_wait3A_4170 = tpu.memref_squeeze %dma_wait3A_4169 : memref<1x1x768xf32, #tpu.memory_space<vmem>> -> memref<1x768xf32, #tpu.memory_space<vmem>>
    tpu.wait_dma2 semaphore(%arg10 : memref<!tpu.dma_semaphore, #tpu.memory_space<semaphore_mem>>) src(%dma_wait3A_4170 : memref<1x768xf32, #tpu.memory_space<vmem>>) dst(%dma_wait3A_4166 : memref<1x768xf32, #tpu.memory_space<hbm>>)
    %dma_wait3A_4171 = arith.constant 1 : i32
    %dma_wait3A_4172 = arith.constant 1 : i32
    %dma_wait3A_4173 = arith.constant 0 : i32
    %dma_wait3A_4174 = tpu.memref_slice %arg7[%dma_wait3A_4172, %get3A_3490, %dma_wait3A_4173] : memref<4x2048x768xf32, #tpu.memory_space<hbm>> -> memref<1x1x768xf32, #tpu.memory_space<hbm>>
    %dma_wait3A_4175 = tpu.memref_squeeze %dma_wait3A_4174 : memref<1x1x768xf32, #tpu.memory_space<hbm>> -> memref<1x768xf32, #tpu.memory_space<hbm>>
    %dma_wait3A_4176 = arith.constant 12 : i32
    %dma_wait3A_4177 = arith.constant 0 : i32
    %dma_wait3A_4178 = tpu.memref_slice %arg9[%dma_wait3A_4171, %dma_wait3A_4176, %dma_wait3A_4177] : memref<4x16x768xf32, #tpu.memory_space<vmem>> -> memref<1x1x768xf32, #tpu.memory_space<vmem>>
    %dma_wait3A_4179 = tpu.memref_squeeze %dma_wait3A_4178 : memref<1x1x768xf32, #tpu.memory_space<vmem>> -> memref<1x768xf32, #tpu.memory_space<vmem>>
    tpu.wait_dma2 semaphore(%arg10 : memref<!tpu.dma_semaphore, #tpu.memory_space<semaphore_mem>>) src(%dma_wait3A_4179 : memref<1x768xf32, #tpu.memory_space<vmem>>) dst(%dma_wait3A_4175 : memref<1x768xf32, #tpu.memory_space<hbm>>)
    %dma_wait3A_4180 = arith.constant 1 : i32
    %dma_wait3A_4181 = arith.constant 1 : i32
    %dma_wait3A_4182 = arith.constant 0 : i32
    %dma_wait3A_4183 = tpu.memref_slice %arg7[%dma_wait3A_4181, %get3A_3502, %dma_wait3A_4182] : memref<4x2048x768xf32, #tpu.memory_space<hbm>> -> memref<1x1x768xf32, #tpu.memory_space<hbm>>
    %dma_wait3A_4184 = tpu.memref_squeeze %dma_wait3A_4183 : memref<1x1x768xf32, #tpu.memory_space<hbm>> -> memref<1x768xf32, #tpu.memory_space<hbm>>
    %dma_wait3A_4185 = arith.constant 13 : i32
    %dma_wait3A_4186 = arith.constant 0 : i32
    %dma_wait3A_4187 = tpu.memref_slice %arg9[%dma_wait3A_4180, %dma_wait3A_4185, %dma_wait3A_4186] : memref<4x16x768xf32, #tpu.memory_space<vmem>> -> memref<1x1x768xf32, #tpu.memory_space<vmem>>
    %dma_wait3A_4188 = tpu.memref_squeeze %dma_wait3A_4187 : memref<1x1x768xf32, #tpu.memory_space<vmem>> -> memref<1x768xf32, #tpu.memory_space<vmem>>
    tpu.wait_dma2 semaphore(%arg10 : memref<!tpu.dma_semaphore, #tpu.memory_space<semaphore_mem>>) src(%dma_wait3A_4188 : memref<1x768xf32, #tpu.memory_space<vmem>>) dst(%dma_wait3A_4184 : memref<1x768xf32, #tpu.memory_space<hbm>>)
    %dma_wait3A_4189 = arith.constant 1 : i32
    %dma_wait3A_4190 = arith.constant 1 : i32
    %dma_wait3A_4191 = arith.constant 0 : i32
    %dma_wait3A_4192 = tpu.memref_slice %arg7[%dma_wait3A_4190, %get3A_3514, %dma_wait3A_4191] : memref<4x2048x768xf32, #tpu.memory_space<hbm>> -> memref<1x1x768xf32, #tpu.memory_space<hbm>>
    %dma_wait3A_4193 = tpu.memref_squeeze %dma_wait3A_4192 : memref<1x1x768xf32, #tpu.memory_space<hbm>> -> memref<1x768xf32, #tpu.memory_space<hbm>>
    %dma_wait3A_4194 = arith.constant 14 : i32
    %dma_wait3A_4195 = arith.constant 0 : i32
    %dma_wait3A_4196 = tpu.memref_slice %arg9[%dma_wait3A_4189, %dma_wait3A_4194, %dma_wait3A_4195] : memref<4x16x768xf32, #tpu.memory_space<vmem>> -> memref<1x1x768xf32, #tpu.memory_space<vmem>>
    %dma_wait3A_4197 = tpu.memref_squeeze %dma_wait3A_4196 : memref<1x1x768xf32, #tpu.memory_space<vmem>> -> memref<1x768xf32, #tpu.memory_space<vmem>>
    tpu.wait_dma2 semaphore(%arg10 : memref<!tpu.dma_semaphore, #tpu.memory_space<semaphore_mem>>) src(%dma_wait3A_4197 : memref<1x768xf32, #tpu.memory_space<vmem>>) dst(%dma_wait3A_4193 : memref<1x768xf32, #tpu.memory_space<hbm>>)
    %dma_wait3A_4198 = arith.constant 1 : i32
    %dma_wait3A_4199 = arith.constant 1 : i32
    %dma_wait3A_4200 = arith.constant 0 : i32
    %dma_wait3A_4201 = tpu.memref_slice %arg7[%dma_wait3A_4199, %get3A_3526, %dma_wait3A_4200] : memref<4x2048x768xf32, #tpu.memory_space<hbm>> -> memref<1x1x768xf32, #tpu.memory_space<hbm>>
    %dma_wait3A_4202 = tpu.memref_squeeze %dma_wait3A_4201 : memref<1x1x768xf32, #tpu.memory_space<hbm>> -> memref<1x768xf32, #tpu.memory_space<hbm>>
    %dma_wait3A_4203 = arith.constant 15 : i32
    %dma_wait3A_4204 = arith.constant 0 : i32
    %dma_wait3A_4205 = tpu.memref_slice %arg9[%dma_wait3A_4198, %dma_wait3A_4203, %dma_wait3A_4204] : memref<4x16x768xf32, #tpu.memory_space<vmem>> -> memref<1x1x768xf32, #tpu.memory_space<vmem>>
    %dma_wait3A_4206 = tpu.memref_squeeze %dma_wait3A_4205 : memref<1x1x768xf32, #tpu.memory_space<vmem>> -> memref<1x768xf32, #tpu.memory_space<vmem>>
    tpu.wait_dma2 semaphore(%arg10 : memref<!tpu.dma_semaphore, #tpu.memory_space<semaphore_mem>>) src(%dma_wait3A_4206 : memref<1x768xf32, #tpu.memory_space<vmem>>) dst(%dma_wait3A_4202 : memref<1x768xf32, #tpu.memory_space<hbm>>)
    %dma_wait3A_4207 = arith.constant 2 : i32
    %dma_wait3A_4208 = arith.constant 2 : i32
    %dma_wait3A_4209 = arith.constant 0 : i32
    %dma_wait3A_4210 = tpu.memref_slice %arg7[%dma_wait3A_4208, %get3A_3538, %dma_wait3A_4209] : memref<4x2048x768xf32, #tpu.memory_space<hbm>> -> memref<1x1x768xf32, #tpu.memory_space<hbm>>
    %dma_wait3A_4211 = tpu.memref_squeeze %dma_wait3A_4210 : memref<1x1x768xf32, #tpu.memory_space<hbm>> -> memref<1x768xf32, #tpu.memory_space<hbm>>
    %dma_wait3A_4212 = arith.constant 0 : i32
    %dma_wait3A_4213 = arith.constant 0 : i32
    %dma_wait3A_4214 = tpu.memref_slice %arg9[%dma_wait3A_4207, %dma_wait3A_4212, %dma_wait3A_4213] : memref<4x16x768xf32, #tpu.memory_space<vmem>> -> memref<1x1x768xf32, #tpu.memory_space<vmem>>
    %dma_wait3A_4215 = tpu.memref_squeeze %dma_wait3A_4214 : memref<1x1x768xf32, #tpu.memory_space<vmem>> -> memref<1x768xf32, #tpu.memory_space<vmem>>
    tpu.wait_dma2 semaphore(%arg10 : memref<!tpu.dma_semaphore, #tpu.memory_space<semaphore_mem>>) src(%dma_wait3A_4215 : memref<1x768xf32, #tpu.memory_space<vmem>>) dst(%dma_wait3A_4211 : memref<1x768xf32, #tpu.memory_space<hbm>>)
    %dma_wait3A_4216 = arith.constant 2 : i32
    %dma_wait3A_4217 = arith.constant 2 : i32
    %dma_wait3A_4218 = arith.constant 0 : i32
    %dma_wait3A_4219 = tpu.memref_slice %arg7[%dma_wait3A_4217, %get3A_3550, %dma_wait3A_4218] : memref<4x2048x768xf32, #tpu.memory_space<hbm>> -> memref<1x1x768xf32, #tpu.memory_space<hbm>>
    %dma_wait3A_4220 = tpu.memref_squeeze %dma_wait3A_4219 : memref<1x1x768xf32, #tpu.memory_space<hbm>> -> memref<1x768xf32, #tpu.memory_space<hbm>>
    %dma_wait3A_4221 = arith.constant 1 : i32
    %dma_wait3A_4222 = arith.constant 0 : i32
    %dma_wait3A_4223 = tpu.memref_slice %arg9[%dma_wait3A_4216, %dma_wait3A_4221, %dma_wait3A_4222] : memref<4x16x768xf32, #tpu.memory_space<vmem>> -> memref<1x1x768xf32, #tpu.memory_space<vmem>>
    %dma_wait3A_4224 = tpu.memref_squeeze %dma_wait3A_4223 : memref<1x1x768xf32, #tpu.memory_space<vmem>> -> memref<1x768xf32, #tpu.memory_space<vmem>>
    tpu.wait_dma2 semaphore(%arg10 : memref<!tpu.dma_semaphore, #tpu.memory_space<semaphore_mem>>) src(%dma_wait3A_4224 : memref<1x768xf32, #tpu.memory_space<vmem>>) dst(%dma_wait3A_4220 : memref<1x768xf32, #tpu.memory_space<hbm>>)
    %dma_wait3A_4225 = arith.constant 2 : i32
    %dma_wait3A_4226 = arith.constant 2 : i32
    %dma_wait3A_4227 = arith.constant 0 : i32
    %dma_wait3A_4228 = tpu.memref_slice %arg7[%dma_wait3A_4226, %get3A_3562, %dma_wait3A_4227] : memref<4x2048x768xf32, #tpu.memory_space<hbm>> -> memref<1x1x768xf32, #tpu.memory_space<hbm>>
    %dma_wait3A_4229 = tpu.memref_squeeze %dma_wait3A_4228 : memref<1x1x768xf32, #tpu.memory_space<hbm>> -> memref<1x768xf32, #tpu.memory_space<hbm>>
    %dma_wait3A_4230 = arith.constant 2 : i32
    %dma_wait3A_4231 = arith.constant 0 : i32
    %dma_wait3A_4232 = tpu.memref_slice %arg9[%dma_wait3A_4225, %dma_wait3A_4230, %dma_wait3A_4231] : memref<4x16x768xf32, #tpu.memory_space<vmem>> -> memref<1x1x768xf32, #tpu.memory_space<vmem>>
    %dma_wait3A_4233 = tpu.memref_squeeze %dma_wait3A_4232 : memref<1x1x768xf32, #tpu.memory_space<vmem>> -> memref<1x768xf32, #tpu.memory_space<vmem>>
    tpu.wait_dma2 semaphore(%arg10 : memref<!tpu.dma_semaphore, #tpu.memory_space<semaphore_mem>>) src(%dma_wait3A_4233 : memref<1x768xf32, #tpu.memory_space<vmem>>) dst(%dma_wait3A_4229 : memref<1x768xf32, #tpu.memory_space<hbm>>)
    %dma_wait3A_4234 = arith.constant 2 : i32
    %dma_wait3A_4235 = arith.constant 2 : i32
    %dma_wait3A_4236 = arith.constant 0 : i32
    %dma_wait3A_4237 = tpu.memref_slice %arg7[%dma_wait3A_4235, %get3A_3574, %dma_wait3A_4236] : memref<4x2048x768xf32, #tpu.memory_space<hbm>> -> memref<1x1x768xf32, #tpu.memory_space<hbm>>
    %dma_wait3A_4238 = tpu.memref_squeeze %dma_wait3A_4237 : memref<1x1x768xf32, #tpu.memory_space<hbm>> -> memref<1x768xf32, #tpu.memory_space<hbm>>
    %dma_wait3A_4239 = arith.constant 3 : i32
    %dma_wait3A_4240 = arith.constant 0 : i32
    %dma_wait3A_4241 = tpu.memref_slice %arg9[%dma_wait3A_4234, %dma_wait3A_4239, %dma_wait3A_4240] : memref<4x16x768xf32, #tpu.memory_space<vmem>> -> memref<1x1x768xf32, #tpu.memory_space<vmem>>
    %dma_wait3A_4242 = tpu.memref_squeeze %dma_wait3A_4241 : memref<1x1x768xf32, #tpu.memory_space<vmem>> -> memref<1x768xf32, #tpu.memory_space<vmem>>
    tpu.wait_dma2 semaphore(%arg10 : memref<!tpu.dma_semaphore, #tpu.memory_space<semaphore_mem>>) src(%dma_wait3A_4242 : memref<1x768xf32, #tpu.memory_space<vmem>>) dst(%dma_wait3A_4238 : memref<1x768xf32, #tpu.memory_space<hbm>>)
    %dma_wait3A_4243 = arith.constant 2 : i32
    %dma_wait3A_4244 = arith.constant 2 : i32
    %dma_wait3A_4245 = arith.constant 0 : i32
    %dma_wait3A_4246 = tpu.memref_slice %arg7[%dma_wait3A_4244, %get3A_3586, %dma_wait3A_4245] : memref<4x2048x768xf32, #tpu.memory_space<hbm>> -> memref<1x1x768xf32, #tpu.memory_space<hbm>>
    %dma_wait3A_4247 = tpu.memref_squeeze %dma_wait3A_4246 : memref<1x1x768xf32, #tpu.memory_space<hbm>> -> memref<1x768xf32, #tpu.memory_space<hbm>>
    %dma_wait3A_4248 = arith.constant 4 : i32
    %dma_wait3A_4249 = arith.constant 0 : i32
    %dma_wait3A_4250 = tpu.memref_slice %arg9[%dma_wait3A_4243, %dma_wait3A_4248, %dma_wait3A_4249] : memref<4x16x768xf32, #tpu.memory_space<vmem>> -> memref<1x1x768xf32, #tpu.memory_space<vmem>>
    %dma_wait3A_4251 = tpu.memref_squeeze %dma_wait3A_4250 : memref<1x1x768xf32, #tpu.memory_space<vmem>> -> memref<1x768xf32, #tpu.memory_space<vmem>>
    tpu.wait_dma2 semaphore(%arg10 : memref<!tpu.dma_semaphore, #tpu.memory_space<semaphore_mem>>) src(%dma_wait3A_4251 : memref<1x768xf32, #tpu.memory_space<vmem>>) dst(%dma_wait3A_4247 : memref<1x768xf32, #tpu.memory_space<hbm>>)
    %dma_wait3A_4252 = arith.constant 2 : i32
    %dma_wait3A_4253 = arith.constant 2 : i32
    %dma_wait3A_4254 = arith.constant 0 : i32
    %dma_wait3A_4255 = tpu.memref_slice %arg7[%dma_wait3A_4253, %get3A_3598, %dma_wait3A_4254] : memref<4x2048x768xf32, #tpu.memory_space<hbm>> -> memref<1x1x768xf32, #tpu.memory_space<hbm>>
    %dma_wait3A_4256 = tpu.memref_squeeze %dma_wait3A_4255 : memref<1x1x768xf32, #tpu.memory_space<hbm>> -> memref<1x768xf32, #tpu.memory_space<hbm>>
    %dma_wait3A_4257 = arith.constant 5 : i32
    %dma_wait3A_4258 = arith.constant 0 : i32
    %dma_wait3A_4259 = tpu.memref_slice %arg9[%dma_wait3A_4252, %dma_wait3A_4257, %dma_wait3A_4258] : memref<4x16x768xf32, #tpu.memory_space<vmem>> -> memref<1x1x768xf32, #tpu.memory_space<vmem>>
    %dma_wait3A_4260 = tpu.memref_squeeze %dma_wait3A_4259 : memref<1x1x768xf32, #tpu.memory_space<vmem>> -> memref<1x768xf32, #tpu.memory_space<vmem>>
    tpu.wait_dma2 semaphore(%arg10 : memref<!tpu.dma_semaphore, #tpu.memory_space<semaphore_mem>>) src(%dma_wait3A_4260 : memref<1x768xf32, #tpu.memory_space<vmem>>) dst(%dma_wait3A_4256 : memref<1x768xf32, #tpu.memory_space<hbm>>)
    %dma_wait3A_4261 = arith.constant 2 : i32
    %dma_wait3A_4262 = arith.constant 2 : i32
    %dma_wait3A_4263 = arith.constant 0 : i32
    %dma_wait3A_4264 = tpu.memref_slice %arg7[%dma_wait3A_4262, %get3A_3610, %dma_wait3A_4263] : memref<4x2048x768xf32, #tpu.memory_space<hbm>> -> memref<1x1x768xf32, #tpu.memory_space<hbm>>
    %dma_wait3A_4265 = tpu.memref_squeeze %dma_wait3A_4264 : memref<1x1x768xf32, #tpu.memory_space<hbm>> -> memref<1x768xf32, #tpu.memory_space<hbm>>
    %dma_wait3A_4266 = arith.constant 6 : i32
    %dma_wait3A_4267 = arith.constant 0 : i32
    %dma_wait3A_4268 = tpu.memref_slice %arg9[%dma_wait3A_4261, %dma_wait3A_4266, %dma_wait3A_4267] : memref<4x16x768xf32, #tpu.memory_space<vmem>> -> memref<1x1x768xf32, #tpu.memory_space<vmem>>
    %dma_wait3A_4269 = tpu.memref_squeeze %dma_wait3A_4268 : memref<1x1x768xf32, #tpu.memory_space<vmem>> -> memref<1x768xf32, #tpu.memory_space<vmem>>
    tpu.wait_dma2 semaphore(%arg10 : memref<!tpu.dma_semaphore, #tpu.memory_space<semaphore_mem>>) src(%dma_wait3A_4269 : memref<1x768xf32, #tpu.memory_space<vmem>>) dst(%dma_wait3A_4265 : memref<1x768xf32, #tpu.memory_space<hbm>>)
    %dma_wait3A_4270 = arith.constant 2 : i32
    %dma_wait3A_4271 = arith.constant 2 : i32
    %dma_wait3A_4272 = arith.constant 0 : i32
    %dma_wait3A_4273 = tpu.memref_slice %arg7[%dma_wait3A_4271, %get3A_3622, %dma_wait3A_4272] : memref<4x2048x768xf32, #tpu.memory_space<hbm>> -> memref<1x1x768xf32, #tpu.memory_space<hbm>>
    %dma_wait3A_4274 = tpu.memref_squeeze %dma_wait3A_4273 : memref<1x1x768xf32, #tpu.memory_space<hbm>> -> memref<1x768xf32, #tpu.memory_space<hbm>>
    %dma_wait3A_4275 = arith.constant 7 : i32
    %dma_wait3A_4276 = arith.constant 0 : i32
    %dma_wait3A_4277 = tpu.memref_slice %arg9[%dma_wait3A_4270, %dma_wait3A_4275, %dma_wait3A_4276] : memref<4x16x768xf32, #tpu.memory_space<vmem>> -> memref<1x1x768xf32, #tpu.memory_space<vmem>>
    %dma_wait3A_4278 = tpu.memref_squeeze %dma_wait3A_4277 : memref<1x1x768xf32, #tpu.memory_space<vmem>> -> memref<1x768xf32, #tpu.memory_space<vmem>>
    tpu.wait_dma2 semaphore(%arg10 : memref<!tpu.dma_semaphore, #tpu.memory_space<semaphore_mem>>) src(%dma_wait3A_4278 : memref<1x768xf32, #tpu.memory_space<vmem>>) dst(%dma_wait3A_4274 : memref<1x768xf32, #tpu.memory_space<hbm>>)
    %dma_wait3A_4279 = arith.constant 2 : i32
    %dma_wait3A_4280 = arith.constant 2 : i32
    %dma_wait3A_4281 = arith.constant 0 : i32
    %dma_wait3A_4282 = tpu.memref_slice %arg7[%dma_wait3A_4280, %get3A_3634, %dma_wait3A_4281] : memref<4x2048x768xf32, #tpu.memory_space<hbm>> -> memref<1x1x768xf32, #tpu.memory_space<hbm>>
    %dma_wait3A_4283 = tpu.memref_squeeze %dma_wait3A_4282 : memref<1x1x768xf32, #tpu.memory_space<hbm>> -> memref<1x768xf32, #tpu.memory_space<hbm>>
    %dma_wait3A_4284 = arith.constant 8 : i32
    %dma_wait3A_4285 = arith.constant 0 : i32
    %dma_wait3A_4286 = tpu.memref_slice %arg9[%dma_wait3A_4279, %dma_wait3A_4284, %dma_wait3A_4285] : memref<4x16x768xf32, #tpu.memory_space<vmem>> -> memref<1x1x768xf32, #tpu.memory_space<vmem>>
    %dma_wait3A_4287 = tpu.memref_squeeze %dma_wait3A_4286 : memref<1x1x768xf32, #tpu.memory_space<vmem>> -> memref<1x768xf32, #tpu.memory_space<vmem>>
    tpu.wait_dma2 semaphore(%arg10 : memref<!tpu.dma_semaphore, #tpu.memory_space<semaphore_mem>>) src(%dma_wait3A_4287 : memref<1x768xf32, #tpu.memory_space<vmem>>) dst(%dma_wait3A_4283 : memref<1x768xf32, #tpu.memory_space<hbm>>)
    %dma_wait3A_4288 = arith.constant 2 : i32
    %dma_wait3A_4289 = arith.constant 2 : i32
    %dma_wait3A_4290 = arith.constant 0 : i32
    %dma_wait3A_4291 = tpu.memref_slice %arg7[%dma_wait3A_4289, %get3A_3646, %dma_wait3A_4290] : memref<4x2048x768xf32, #tpu.memory_space<hbm>> -> memref<1x1x768xf32, #tpu.memory_space<hbm>>
    %dma_wait3A_4292 = tpu.memref_squeeze %dma_wait3A_4291 : memref<1x1x768xf32, #tpu.memory_space<hbm>> -> memref<1x768xf32, #tpu.memory_space<hbm>>
    %dma_wait3A_4293 = arith.constant 9 : i32
    %dma_wait3A_4294 = arith.constant 0 : i32
    %dma_wait3A_4295 = tpu.memref_slice %arg9[%dma_wait3A_4288, %dma_wait3A_4293, %dma_wait3A_4294] : memref<4x16x768xf32, #tpu.memory_space<vmem>> -> memref<1x1x768xf32, #tpu.memory_space<vmem>>
    %dma_wait3A_4296 = tpu.memref_squeeze %dma_wait3A_4295 : memref<1x1x768xf32, #tpu.memory_space<vmem>> -> memref<1x768xf32, #tpu.memory_space<vmem>>
    tpu.wait_dma2 semaphore(%arg10 : memref<!tpu.dma_semaphore, #tpu.memory_space<semaphore_mem>>) src(%dma_wait3A_4296 : memref<1x768xf32, #tpu.memory_space<vmem>>) dst(%dma_wait3A_4292 : memref<1x768xf32, #tpu.memory_space<hbm>>)
    %dma_wait3A_4297 = arith.constant 2 : i32
    %dma_wait3A_4298 = arith.constant 2 : i32
    %dma_wait3A_4299 = arith.constant 0 : i32
    %dma_wait3A_4300 = tpu.memref_slice %arg7[%dma_wait3A_4298, %get3A_3658, %dma_wait3A_4299] : memref<4x2048x768xf32, #tpu.memory_space<hbm>> -> memref<1x1x768xf32, #tpu.memory_space<hbm>>
    %dma_wait3A_4301 = tpu.memref_squeeze %dma_wait3A_4300 : memref<1x1x768xf32, #tpu.memory_space<hbm>> -> memref<1x768xf32, #tpu.memory_space<hbm>>
    %dma_wait3A_4302 = arith.constant 10 : i32
    %dma_wait3A_4303 = arith.constant 0 : i32
    %dma_wait3A_4304 = tpu.memref_slice %arg9[%dma_wait3A_4297, %dma_wait3A_4302, %dma_wait3A_4303] : memref<4x16x768xf32, #tpu.memory_space<vmem>> -> memref<1x1x768xf32, #tpu.memory_space<vmem>>
    %dma_wait3A_4305 = tpu.memref_squeeze %dma_wait3A_4304 : memref<1x1x768xf32, #tpu.memory_space<vmem>> -> memref<1x768xf32, #tpu.memory_space<vmem>>
    tpu.wait_dma2 semaphore(%arg10 : memref<!tpu.dma_semaphore, #tpu.memory_space<semaphore_mem>>) src(%dma_wait3A_4305 : memref<1x768xf32, #tpu.memory_space<vmem>>) dst(%dma_wait3A_4301 : memref<1x768xf32, #tpu.memory_space<hbm>>)
    %dma_wait3A_4306 = arith.constant 2 : i32
    %dma_wait3A_4307 = arith.constant 2 : i32
    %dma_wait3A_4308 = arith.constant 0 : i32
    %dma_wait3A_4309 = tpu.memref_slice %arg7[%dma_wait3A_4307, %get3A_3670, %dma_wait3A_4308] : memref<4x2048x768xf32, #tpu.memory_space<hbm>> -> memref<1x1x768xf32, #tpu.memory_space<hbm>>
    %dma_wait3A_4310 = tpu.memref_squeeze %dma_wait3A_4309 : memref<1x1x768xf32, #tpu.memory_space<hbm>> -> memref<1x768xf32, #tpu.memory_space<hbm>>
    %dma_wait3A_4311 = arith.constant 11 : i32
    %dma_wait3A_4312 = arith.constant 0 : i32
    %dma_wait3A_4313 = tpu.memref_slice %arg9[%dma_wait3A_4306, %dma_wait3A_4311, %dma_wait3A_4312] : memref<4x16x768xf32, #tpu.memory_space<vmem>> -> memref<1x1x768xf32, #tpu.memory_space<vmem>>
    %dma_wait3A_4314 = tpu.memref_squeeze %dma_wait3A_4313 : memref<1x1x768xf32, #tpu.memory_space<vmem>> -> memref<1x768xf32, #tpu.memory_space<vmem>>
    tpu.wait_dma2 semaphore(%arg10 : memref<!tpu.dma_semaphore, #tpu.memory_space<semaphore_mem>>) src(%dma_wait3A_4314 : memref<1x768xf32, #tpu.memory_space<vmem>>) dst(%dma_wait3A_4310 : memref<1x768xf32, #tpu.memory_space<hbm>>)
    %dma_wait3A_4315 = arith.constant 2 : i32
    %dma_wait3A_4316 = arith.constant 2 : i32
    %dma_wait3A_4317 = arith.constant 0 : i32
    %dma_wait3A_4318 = tpu.memref_slice %arg7[%dma_wait3A_4316, %get3A_3682, %dma_wait3A_4317] : memref<4x2048x768xf32, #tpu.memory_space<hbm>> -> memref<1x1x768xf32, #tpu.memory_space<hbm>>
    %dma_wait3A_4319 = tpu.memref_squeeze %dma_wait3A_4318 : memref<1x1x768xf32, #tpu.memory_space<hbm>> -> memref<1x768xf32, #tpu.memory_space<hbm>>
    %dma_wait3A_4320 = arith.constant 12 : i32
    %dma_wait3A_4321 = arith.constant 0 : i32
    %dma_wait3A_4322 = tpu.memref_slice %arg9[%dma_wait3A_4315, %dma_wait3A_4320, %dma_wait3A_4321] : memref<4x16x768xf32, #tpu.memory_space<vmem>> -> memref<1x1x768xf32, #tpu.memory_space<vmem>>
    %dma_wait3A_4323 = tpu.memref_squeeze %dma_wait3A_4322 : memref<1x1x768xf32, #tpu.memory_space<vmem>> -> memref<1x768xf32, #tpu.memory_space<vmem>>
    tpu.wait_dma2 semaphore(%arg10 : memref<!tpu.dma_semaphore, #tpu.memory_space<semaphore_mem>>) src(%dma_wait3A_4323 : memref<1x768xf32, #tpu.memory_space<vmem>>) dst(%dma_wait3A_4319 : memref<1x768xf32, #tpu.memory_space<hbm>>)
    %dma_wait3A_4324 = arith.constant 2 : i32
    %dma_wait3A_4325 = arith.constant 2 : i32
    %dma_wait3A_4326 = arith.constant 0 : i32
    %dma_wait3A_4327 = tpu.memref_slice %arg7[%dma_wait3A_4325, %get3A_3694, %dma_wait3A_4326] : memref<4x2048x768xf32, #tpu.memory_space<hbm>> -> memref<1x1x768xf32, #tpu.memory_space<hbm>>
    %dma_wait3A_4328 = tpu.memref_squeeze %dma_wait3A_4327 : memref<1x1x768xf32, #tpu.memory_space<hbm>> -> memref<1x768xf32, #tpu.memory_space<hbm>>
    %dma_wait3A_4329 = arith.constant 13 : i32
    %dma_wait3A_4330 = arith.constant 0 : i32
    %dma_wait3A_4331 = tpu.memref_slice %arg9[%dma_wait3A_4324, %dma_wait3A_4329, %dma_wait3A_4330] : memref<4x16x768xf32, #tpu.memory_space<vmem>> -> memref<1x1x768xf32, #tpu.memory_space<vmem>>
    %dma_wait3A_4332 = tpu.memref_squeeze %dma_wait3A_4331 : memref<1x1x768xf32, #tpu.memory_space<vmem>> -> memref<1x768xf32, #tpu.memory_space<vmem>>
    tpu.wait_dma2 semaphore(%arg10 : memref<!tpu.dma_semaphore, #tpu.memory_space<semaphore_mem>>) src(%dma_wait3A_4332 : memref<1x768xf32, #tpu.memory_space<vmem>>) dst(%dma_wait3A_4328 : memref<1x768xf32, #tpu.memory_space<hbm>>)
    %dma_wait3A_4333 = arith.constant 2 : i32
    %dma_wait3A_4334 = arith.constant 2 : i32
    %dma_wait3A_4335 = arith.constant 0 : i32
    %dma_wait3A_4336 = tpu.memref_slice %arg7[%dma_wait3A_4334, %get3A_3706, %dma_wait3A_4335] : memref<4x2048x768xf32, #tpu.memory_space<hbm>> -> memref<1x1x768xf32, #tpu.memory_space<hbm>>
    %dma_wait3A_4337 = tpu.memref_squeeze %dma_wait3A_4336 : memref<1x1x768xf32, #tpu.memory_space<hbm>> -> memref<1x768xf32, #tpu.memory_space<hbm>>
    %dma_wait3A_4338 = arith.constant 14 : i32
    %dma_wait3A_4339 = arith.constant 0 : i32
    %dma_wait3A_4340 = tpu.memref_slice %arg9[%dma_wait3A_4333, %dma_wait3A_4338, %dma_wait3A_4339] : memref<4x16x768xf32, #tpu.memory_space<vmem>> -> memref<1x1x768xf32, #tpu.memory_space<vmem>>
    %dma_wait3A_4341 = tpu.memref_squeeze %dma_wait3A_4340 : memref<1x1x768xf32, #tpu.memory_space<vmem>> -> memref<1x768xf32, #tpu.memory_space<vmem>>
    tpu.wait_dma2 semaphore(%arg10 : memref<!tpu.dma_semaphore, #tpu.memory_space<semaphore_mem>>) src(%dma_wait3A_4341 : memref<1x768xf32, #tpu.memory_space<vmem>>) dst(%dma_wait3A_4337 : memref<1x768xf32, #tpu.memory_space<hbm>>)
    %dma_wait3A_4342 = arith.constant 2 : i32
    %dma_wait3A_4343 = arith.constant 2 : i32
    %dma_wait3A_4344 = arith.constant 0 : i32
    %dma_wait3A_4345 = tpu.memref_slice %arg7[%dma_wait3A_4343, %get3A_3718, %dma_wait3A_4344] : memref<4x2048x768xf32, #tpu.memory_space<hbm>> -> memref<1x1x768xf32, #tpu.memory_space<hbm>>
    %dma_wait3A_4346 = tpu.memref_squeeze %dma_wait3A_4345 : memref<1x1x768xf32, #tpu.memory_space<hbm>> -> memref<1x768xf32, #tpu.memory_space<hbm>>
    %dma_wait3A_4347 = arith.constant 15 : i32
    %dma_wait3A_4348 = arith.constant 0 : i32
    %dma_wait3A_4349 = tpu.memref_slice %arg9[%dma_wait3A_4342, %dma_wait3A_4347, %dma_wait3A_4348] : memref<4x16x768xf32, #tpu.memory_space<vmem>> -> memref<1x1x768xf32, #tpu.memory_space<vmem>>
    %dma_wait3A_4350 = tpu.memref_squeeze %dma_wait3A_4349 : memref<1x1x768xf32, #tpu.memory_space<vmem>> -> memref<1x768xf32, #tpu.memory_space<vmem>>
    tpu.wait_dma2 semaphore(%arg10 : memref<!tpu.dma_semaphore, #tpu.memory_space<semaphore_mem>>) src(%dma_wait3A_4350 : memref<1x768xf32, #tpu.memory_space<vmem>>) dst(%dma_wait3A_4346 : memref<1x768xf32, #tpu.memory_space<hbm>>)
    %dma_wait3A_4351 = arith.constant 3 : i32
    %dma_wait3A_4352 = arith.constant 3 : i32
    %dma_wait3A_4353 = arith.constant 0 : i32
    %dma_wait3A_4354 = tpu.memref_slice %arg7[%dma_wait3A_4352, %get3A_3730, %dma_wait3A_4353] : memref<4x2048x768xf32, #tpu.memory_space<hbm>> -> memref<1x1x768xf32, #tpu.memory_space<hbm>>
    %dma_wait3A_4355 = tpu.memref_squeeze %dma_wait3A_4354 : memref<1x1x768xf32, #tpu.memory_space<hbm>> -> memref<1x768xf32, #tpu.memory_space<hbm>>
    %dma_wait3A_4356 = arith.constant 0 : i32
    %dma_wait3A_4357 = arith.constant 0 : i32
    %dma_wait3A_4358 = tpu.memref_slice %arg9[%dma_wait3A_4351, %dma_wait3A_4356, %dma_wait3A_4357] : memref<4x16x768xf32, #tpu.memory_space<vmem>> -> memref<1x1x768xf32, #tpu.memory_space<vmem>>
    %dma_wait3A_4359 = tpu.memref_squeeze %dma_wait3A_4358 : memref<1x1x768xf32, #tpu.memory_space<vmem>> -> memref<1x768xf32, #tpu.memory_space<vmem>>
    tpu.wait_dma2 semaphore(%arg10 : memref<!tpu.dma_semaphore, #tpu.memory_space<semaphore_mem>>) src(%dma_wait3A_4359 : memref<1x768xf32, #tpu.memory_space<vmem>>) dst(%dma_wait3A_4355 : memref<1x768xf32, #tpu.memory_space<hbm>>)
    %dma_wait3A_4360 = arith.constant 3 : i32
    %dma_wait3A_4361 = arith.constant 3 : i32
    %dma_wait3A_4362 = arith.constant 0 : i32
    %dma_wait3A_4363 = tpu.memref_slice %arg7[%dma_wait3A_4361, %get3A_3742, %dma_wait3A_4362] : memref<4x2048x768xf32, #tpu.memory_space<hbm>> -> memref<1x1x768xf32, #tpu.memory_space<hbm>>
    %dma_wait3A_4364 = tpu.memref_squeeze %dma_wait3A_4363 : memref<1x1x768xf32, #tpu.memory_space<hbm>> -> memref<1x768xf32, #tpu.memory_space<hbm>>
    %dma_wait3A_4365 = arith.constant 1 : i32
    %dma_wait3A_4366 = arith.constant 0 : i32
    %dma_wait3A_4367 = tpu.memref_slice %arg9[%dma_wait3A_4360, %dma_wait3A_4365, %dma_wait3A_4366] : memref<4x16x768xf32, #tpu.memory_space<vmem>> -> memref<1x1x768xf32, #tpu.memory_space<vmem>>
    %dma_wait3A_4368 = tpu.memref_squeeze %dma_wait3A_4367 : memref<1x1x768xf32, #tpu.memory_space<vmem>> -> memref<1x768xf32, #tpu.memory_space<vmem>>
    tpu.wait_dma2 semaphore(%arg10 : memref<!tpu.dma_semaphore, #tpu.memory_space<semaphore_mem>>) src(%dma_wait3A_4368 : memref<1x768xf32, #tpu.memory_space<vmem>>) dst(%dma_wait3A_4364 : memref<1x768xf32, #tpu.memory_space<hbm>>)
    %dma_wait3A_4369 = arith.constant 3 : i32
    %dma_wait3A_4370 = arith.constant 3 : i32
    %dma_wait3A_4371 = arith.constant 0 : i32
    %dma_wait3A_4372 = tpu.memref_slice %arg7[%dma_wait3A_4370, %get3A_3754, %dma_wait3A_4371] : memref<4x2048x768xf32, #tpu.memory_space<hbm>> -> memref<1x1x768xf32, #tpu.memory_space<hbm>>
    %dma_wait3A_4373 = tpu.memref_squeeze %dma_wait3A_4372 : memref<1x1x768xf32, #tpu.memory_space<hbm>> -> memref<1x768xf32, #tpu.memory_space<hbm>>
    %dma_wait3A_4374 = arith.constant 2 : i32
    %dma_wait3A_4375 = arith.constant 0 : i32
    %dma_wait3A_4376 = tpu.memref_slice %arg9[%dma_wait3A_4369, %dma_wait3A_4374, %dma_wait3A_4375] : memref<4x16x768xf32, #tpu.memory_space<vmem>> -> memref<1x1x768xf32, #tpu.memory_space<vmem>>
    %dma_wait3A_4377 = tpu.memref_squeeze %dma_wait3A_4376 : memref<1x1x768xf32, #tpu.memory_space<vmem>> -> memref<1x768xf32, #tpu.memory_space<vmem>>
    tpu.wait_dma2 semaphore(%arg10 : memref<!tpu.dma_semaphore, #tpu.memory_space<semaphore_mem>>) src(%dma_wait3A_4377 : memref<1x768xf32, #tpu.memory_space<vmem>>) dst(%dma_wait3A_4373 : memref<1x768xf32, #tpu.memory_space<hbm>>)
    %dma_wait3A_4378 = arith.constant 3 : i32
    %dma_wait3A_4379 = arith.constant 3 : i32
    %dma_wait3A_4380 = arith.constant 0 : i32
    %dma_wait3A_4381 = tpu.memref_slice %arg7[%dma_wait3A_4379, %get3A_3766, %dma_wait3A_4380] : memref<4x2048x768xf32, #tpu.memory_space<hbm>> -> memref<1x1x768xf32, #tpu.memory_space<hbm>>
    %dma_wait3A_4382 = tpu.memref_squeeze %dma_wait3A_4381 : memref<1x1x768xf32, #tpu.memory_space<hbm>> -> memref<1x768xf32, #tpu.memory_space<hbm>>
    %dma_wait3A_4383 = arith.constant 3 : i32
    %dma_wait3A_4384 = arith.constant 0 : i32
    %dma_wait3A_4385 = tpu.memref_slice %arg9[%dma_wait3A_4378, %dma_wait3A_4383, %dma_wait3A_4384] : memref<4x16x768xf32, #tpu.memory_space<vmem>> -> memref<1x1x768xf32, #tpu.memory_space<vmem>>
    %dma_wait3A_4386 = tpu.memref_squeeze %dma_wait3A_4385 : memref<1x1x768xf32, #tpu.memory_space<vmem>> -> memref<1x768xf32, #tpu.memory_space<vmem>>
    tpu.wait_dma2 semaphore(%arg10 : memref<!tpu.dma_semaphore, #tpu.memory_space<semaphore_mem>>) src(%dma_wait3A_4386 : memref<1x768xf32, #tpu.memory_space<vmem>>) dst(%dma_wait3A_4382 : memref<1x768xf32, #tpu.memory_space<hbm>>)
    %dma_wait3A_4387 = arith.constant 3 : i32
    %dma_wait3A_4388 = arith.constant 3 : i32
    %dma_wait3A_4389 = arith.constant 0 : i32
    %dma_wait3A_4390 = tpu.memref_slice %arg7[%dma_wait3A_4388, %get3A_3778, %dma_wait3A_4389] : memref<4x2048x768xf32, #tpu.memory_space<hbm>> -> memref<1x1x768xf32, #tpu.memory_space<hbm>>
    %dma_wait3A_4391 = tpu.memref_squeeze %dma_wait3A_4390 : memref<1x1x768xf32, #tpu.memory_space<hbm>> -> memref<1x768xf32, #tpu.memory_space<hbm>>
    %dma_wait3A_4392 = arith.constant 4 : i32
    %dma_wait3A_4393 = arith.constant 0 : i32
    %dma_wait3A_4394 = tpu.memref_slice %arg9[%dma_wait3A_4387, %dma_wait3A_4392, %dma_wait3A_4393] : memref<4x16x768xf32, #tpu.memory_space<vmem>> -> memref<1x1x768xf32, #tpu.memory_space<vmem>>
    %dma_wait3A_4395 = tpu.memref_squeeze %dma_wait3A_4394 : memref<1x1x768xf32, #tpu.memory_space<vmem>> -> memref<1x768xf32, #tpu.memory_space<vmem>>
    tpu.wait_dma2 semaphore(%arg10 : memref<!tpu.dma_semaphore, #tpu.memory_space<semaphore_mem>>) src(%dma_wait3A_4395 : memref<1x768xf32, #tpu.memory_space<vmem>>) dst(%dma_wait3A_4391 : memref<1x768xf32, #tpu.memory_space<hbm>>)
    %dma_wait3A_4396 = arith.constant 3 : i32
    %dma_wait3A_4397 = arith.constant 3 : i32
    %dma_wait3A_4398 = arith.constant 0 : i32
    %dma_wait3A_4399 = tpu.memref_slice %arg7[%dma_wait3A_4397, %get3A_3790, %dma_wait3A_4398] : memref<4x2048x768xf32, #tpu.memory_space<hbm>> -> memref<1x1x768xf32, #tpu.memory_space<hbm>>
    %dma_wait3A_4400 = tpu.memref_squeeze %dma_wait3A_4399 : memref<1x1x768xf32, #tpu.memory_space<hbm>> -> memref<1x768xf32, #tpu.memory_space<hbm>>
    %dma_wait3A_4401 = arith.constant 5 : i32
    %dma_wait3A_4402 = arith.constant 0 : i32
    %dma_wait3A_4403 = tpu.memref_slice %arg9[%dma_wait3A_4396, %dma_wait3A_4401, %dma_wait3A_4402] : memref<4x16x768xf32, #tpu.memory_space<vmem>> -> memref<1x1x768xf32, #tpu.memory_space<vmem>>
    %dma_wait3A_4404 = tpu.memref_squeeze %dma_wait3A_4403 : memref<1x1x768xf32, #tpu.memory_space<vmem>> -> memref<1x768xf32, #tpu.memory_space<vmem>>
    tpu.wait_dma2 semaphore(%arg10 : memref<!tpu.dma_semaphore, #tpu.memory_space<semaphore_mem>>) src(%dma_wait3A_4404 : memref<1x768xf32, #tpu.memory_space<vmem>>) dst(%dma_wait3A_4400 : memref<1x768xf32, #tpu.memory_space<hbm>>)
    %dma_wait3A_4405 = arith.constant 3 : i32
    %dma_wait3A_4406 = arith.constant 3 : i32
    %dma_wait3A_4407 = arith.constant 0 : i32
    %dma_wait3A_4408 = tpu.memref_slice %arg7[%dma_wait3A_4406, %get3A_3802, %dma_wait3A_4407] : memref<4x2048x768xf32, #tpu.memory_space<hbm>> -> memref<1x1x768xf32, #tpu.memory_space<hbm>>
    %dma_wait3A_4409 = tpu.memref_squeeze %dma_wait3A_4408 : memref<1x1x768xf32, #tpu.memory_space<hbm>> -> memref<1x768xf32, #tpu.memory_space<hbm>>
    %dma_wait3A_4410 = arith.constant 6 : i32
    %dma_wait3A_4411 = arith.constant 0 : i32
    %dma_wait3A_4412 = tpu.memref_slice %arg9[%dma_wait3A_4405, %dma_wait3A_4410, %dma_wait3A_4411] : memref<4x16x768xf32, #tpu.memory_space<vmem>> -> memref<1x1x768xf32, #tpu.memory_space<vmem>>
    %dma_wait3A_4413 = tpu.memref_squeeze %dma_wait3A_4412 : memref<1x1x768xf32, #tpu.memory_space<vmem>> -> memref<1x768xf32, #tpu.memory_space<vmem>>
    tpu.wait_dma2 semaphore(%arg10 : memref<!tpu.dma_semaphore, #tpu.memory_space<semaphore_mem>>) src(%dma_wait3A_4413 : memref<1x768xf32, #tpu.memory_space<vmem>>) dst(%dma_wait3A_4409 : memref<1x768xf32, #tpu.memory_space<hbm>>)
    %dma_wait3A_4414 = arith.constant 3 : i32
    %dma_wait3A_4415 = arith.constant 3 : i32
    %dma_wait3A_4416 = arith.constant 0 : i32
    %dma_wait3A_4417 = tpu.memref_slice %arg7[%dma_wait3A_4415, %get3A_3814, %dma_wait3A_4416] : memref<4x2048x768xf32, #tpu.memory_space<hbm>> -> memref<1x1x768xf32, #tpu.memory_space<hbm>>
    %dma_wait3A_4418 = tpu.memref_squeeze %dma_wait3A_4417 : memref<1x1x768xf32, #tpu.memory_space<hbm>> -> memref<1x768xf32, #tpu.memory_space<hbm>>
    %dma_wait3A_4419 = arith.constant 7 : i32
    %dma_wait3A_4420 = arith.constant 0 : i32
    %dma_wait3A_4421 = tpu.memref_slice %arg9[%dma_wait3A_4414, %dma_wait3A_4419, %dma_wait3A_4420] : memref<4x16x768xf32, #tpu.memory_space<vmem>> -> memref<1x1x768xf32, #tpu.memory_space<vmem>>
    %dma_wait3A_4422 = tpu.memref_squeeze %dma_wait3A_4421 : memref<1x1x768xf32, #tpu.memory_space<vmem>> -> memref<1x768xf32, #tpu.memory_space<vmem>>
    tpu.wait_dma2 semaphore(%arg10 : memref<!tpu.dma_semaphore, #tpu.memory_space<semaphore_mem>>) src(%dma_wait3A_4422 : memref<1x768xf32, #tpu.memory_space<vmem>>) dst(%dma_wait3A_4418 : memref<1x768xf32, #tpu.memory_space<hbm>>)
    %dma_wait3A_4423 = arith.constant 3 : i32
    %dma_wait3A_4424 = arith.constant 3 : i32
    %dma_wait3A_4425 = arith.constant 0 : i32
    %dma_wait3A_4426 = tpu.memref_slice %arg7[%dma_wait3A_4424, %get3A_3826, %dma_wait3A_4425] : memref<4x2048x768xf32, #tpu.memory_space<hbm>> -> memref<1x1x768xf32, #tpu.memory_space<hbm>>
    %dma_wait3A_4427 = tpu.memref_squeeze %dma_wait3A_4426 : memref<1x1x768xf32, #tpu.memory_space<hbm>> -> memref<1x768xf32, #tpu.memory_space<hbm>>
    %dma_wait3A_4428 = arith.constant 8 : i32
    %dma_wait3A_4429 = arith.constant 0 : i32
    %dma_wait3A_4430 = tpu.memref_slice %arg9[%dma_wait3A_4423, %dma_wait3A_4428, %dma_wait3A_4429] : memref<4x16x768xf32, #tpu.memory_space<vmem>> -> memref<1x1x768xf32, #tpu.memory_space<vmem>>
    %dma_wait3A_4431 = tpu.memref_squeeze %dma_wait3A_4430 : memref<1x1x768xf32, #tpu.memory_space<vmem>> -> memref<1x768xf32, #tpu.memory_space<vmem>>
    tpu.wait_dma2 semaphore(%arg10 : memref<!tpu.dma_semaphore, #tpu.memory_space<semaphore_mem>>) src(%dma_wait3A_4431 : memref<1x768xf32, #tpu.memory_space<vmem>>) dst(%dma_wait3A_4427 : memref<1x768xf32, #tpu.memory_space<hbm>>)
    %dma_wait3A_4432 = arith.constant 3 : i32
    %dma_wait3A_4433 = arith.constant 3 : i32
    %dma_wait3A_4434 = arith.constant 0 : i32
    %dma_wait3A_4435 = tpu.memref_slice %arg7[%dma_wait3A_4433, %get3A_3838, %dma_wait3A_4434] : memref<4x2048x768xf32, #tpu.memory_space<hbm>> -> memref<1x1x768xf32, #tpu.memory_space<hbm>>
    %dma_wait3A_4436 = tpu.memref_squeeze %dma_wait3A_4435 : memref<1x1x768xf32, #tpu.memory_space<hbm>> -> memref<1x768xf32, #tpu.memory_space<hbm>>
    %dma_wait3A_4437 = arith.constant 9 : i32
    %dma_wait3A_4438 = arith.constant 0 : i32
    %dma_wait3A_4439 = tpu.memref_slice %arg9[%dma_wait3A_4432, %dma_wait3A_4437, %dma_wait3A_4438] : memref<4x16x768xf32, #tpu.memory_space<vmem>> -> memref<1x1x768xf32, #tpu.memory_space<vmem>>
    %dma_wait3A_4440 = tpu.memref_squeeze %dma_wait3A_4439 : memref<1x1x768xf32, #tpu.memory_space<vmem>> -> memref<1x768xf32, #tpu.memory_space<vmem>>
    tpu.wait_dma2 semaphore(%arg10 : memref<!tpu.dma_semaphore, #tpu.memory_space<semaphore_mem>>) src(%dma_wait3A_4440 : memref<1x768xf32, #tpu.memory_space<vmem>>) dst(%dma_wait3A_4436 : memref<1x768xf32, #tpu.memory_space<hbm>>)
    %dma_wait3A_4441 = arith.constant 3 : i32
    %dma_wait3A_4442 = arith.constant 3 : i32
    %dma_wait3A_4443 = arith.constant 0 : i32
    %dma_wait3A_4444 = tpu.memref_slice %arg7[%dma_wait3A_4442, %get3A_3850, %dma_wait3A_4443] : memref<4x2048x768xf32, #tpu.memory_space<hbm>> -> memref<1x1x768xf32, #tpu.memory_space<hbm>>
    %dma_wait3A_4445 = tpu.memref_squeeze %dma_wait3A_4444 : memref<1x1x768xf32, #tpu.memory_space<hbm>> -> memref<1x768xf32, #tpu.memory_space<hbm>>
    %dma_wait3A_4446 = arith.constant 10 : i32
    %dma_wait3A_4447 = arith.constant 0 : i32
    %dma_wait3A_4448 = tpu.memref_slice %arg9[%dma_wait3A_4441, %dma_wait3A_4446, %dma_wait3A_4447] : memref<4x16x768xf32, #tpu.memory_space<vmem>> -> memref<1x1x768xf32, #tpu.memory_space<vmem>>
    %dma_wait3A_4449 = tpu.memref_squeeze %dma_wait3A_4448 : memref<1x1x768xf32, #tpu.memory_space<vmem>> -> memref<1x768xf32, #tpu.memory_space<vmem>>
    tpu.wait_dma2 semaphore(%arg10 : memref<!tpu.dma_semaphore, #tpu.memory_space<semaphore_mem>>) src(%dma_wait3A_4449 : memref<1x768xf32, #tpu.memory_space<vmem>>) dst(%dma_wait3A_4445 : memref<1x768xf32, #tpu.memory_space<hbm>>)
    %dma_wait3A_4450 = arith.constant 3 : i32
    %dma_wait3A_4451 = arith.constant 3 : i32
    %dma_wait3A_4452 = arith.constant 0 : i32
    %dma_wait3A_4453 = tpu.memref_slice %arg7[%dma_wait3A_4451, %get3A_3862, %dma_wait3A_4452] : memref<4x2048x768xf32, #tpu.memory_space<hbm>> -> memref<1x1x768xf32, #tpu.memory_space<hbm>>
    %dma_wait3A_4454 = tpu.memref_squeeze %dma_wait3A_4453 : memref<1x1x768xf32, #tpu.memory_space<hbm>> -> memref<1x768xf32, #tpu.memory_space<hbm>>
    %dma_wait3A_4455 = arith.constant 11 : i32
    %dma_wait3A_4456 = arith.constant 0 : i32
    %dma_wait3A_4457 = tpu.memref_slice %arg9[%dma_wait3A_4450, %dma_wait3A_4455, %dma_wait3A_4456] : memref<4x16x768xf32, #tpu.memory_space<vmem>> -> memref<1x1x768xf32, #tpu.memory_space<vmem>>
    %dma_wait3A_4458 = tpu.memref_squeeze %dma_wait3A_4457 : memref<1x1x768xf32, #tpu.memory_space<vmem>> -> memref<1x768xf32, #tpu.memory_space<vmem>>
    tpu.wait_dma2 semaphore(%arg10 : memref<!tpu.dma_semaphore, #tpu.memory_space<semaphore_mem>>) src(%dma_wait3A_4458 : memref<1x768xf32, #tpu.memory_space<vmem>>) dst(%dma_wait3A_4454 : memref<1x768xf32, #tpu.memory_space<hbm>>)
    %dma_wait3A_4459 = arith.constant 3 : i32
    %dma_wait3A_4460 = arith.constant 3 : i32
    %dma_wait3A_4461 = arith.constant 0 : i32
    %dma_wait3A_4462 = tpu.memref_slice %arg7[%dma_wait3A_4460, %get3A_3874, %dma_wait3A_4461] : memref<4x2048x768xf32, #tpu.memory_space<hbm>> -> memref<1x1x768xf32, #tpu.memory_space<hbm>>
    %dma_wait3A_4463 = tpu.memref_squeeze %dma_wait3A_4462 : memref<1x1x768xf32, #tpu.memory_space<hbm>> -> memref<1x768xf32, #tpu.memory_space<hbm>>
    %dma_wait3A_4464 = arith.constant 12 : i32
    %dma_wait3A_4465 = arith.constant 0 : i32
    %dma_wait3A_4466 = tpu.memref_slice %arg9[%dma_wait3A_4459, %dma_wait3A_4464, %dma_wait3A_4465] : memref<4x16x768xf32, #tpu.memory_space<vmem>> -> memref<1x1x768xf32, #tpu.memory_space<vmem>>
    %dma_wait3A_4467 = tpu.memref_squeeze %dma_wait3A_4466 : memref<1x1x768xf32, #tpu.memory_space<vmem>> -> memref<1x768xf32, #tpu.memory_space<vmem>>
    tpu.wait_dma2 semaphore(%arg10 : memref<!tpu.dma_semaphore, #tpu.memory_space<semaphore_mem>>) src(%dma_wait3A_4467 : memref<1x768xf32, #tpu.memory_space<vmem>>) dst(%dma_wait3A_4463 : memref<1x768xf32, #tpu.memory_space<hbm>>)
    %dma_wait3A_4468 = arith.constant 3 : i32
    %dma_wait3A_4469 = arith.constant 3 : i32
    %dma_wait3A_4470 = arith.constant 0 : i32
    %dma_wait3A_4471 = tpu.memref_slice %arg7[%dma_wait3A_4469, %get3A_3886, %dma_wait3A_4470] : memref<4x2048x768xf32, #tpu.memory_space<hbm>> -> memref<1x1x768xf32, #tpu.memory_space<hbm>>
    %dma_wait3A_4472 = tpu.memref_squeeze %dma_wait3A_4471 : memref<1x1x768xf32, #tpu.memory_space<hbm>> -> memref<1x768xf32, #tpu.memory_space<hbm>>
    %dma_wait3A_4473 = arith.constant 13 : i32
    %dma_wait3A_4474 = arith.constant 0 : i32
    %dma_wait3A_4475 = tpu.memref_slice %arg9[%dma_wait3A_4468, %dma_wait3A_4473, %dma_wait3A_4474] : memref<4x16x768xf32, #tpu.memory_space<vmem>> -> memref<1x1x768xf32, #tpu.memory_space<vmem>>
    %dma_wait3A_4476 = tpu.memref_squeeze %dma_wait3A_4475 : memref<1x1x768xf32, #tpu.memory_space<vmem>> -> memref<1x768xf32, #tpu.memory_space<vmem>>
    tpu.wait_dma2 semaphore(%arg10 : memref<!tpu.dma_semaphore, #tpu.memory_space<semaphore_mem>>) src(%dma_wait3A_4476 : memref<1x768xf32, #tpu.memory_space<vmem>>) dst(%dma_wait3A_4472 : memref<1x768xf32, #tpu.memory_space<hbm>>)
    %dma_wait3A_4477 = arith.constant 3 : i32
    %dma_wait3A_4478 = arith.constant 3 : i32
    %dma_wait3A_4479 = arith.constant 0 : i32
    %dma_wait3A_4480 = tpu.memref_slice %arg7[%dma_wait3A_4478, %get3A_3898, %dma_wait3A_4479] : memref<4x2048x768xf32, #tpu.memory_space<hbm>> -> memref<1x1x768xf32, #tpu.memory_space<hbm>>
    %dma_wait3A_4481 = tpu.memref_squeeze %dma_wait3A_4480 : memref<1x1x768xf32, #tpu.memory_space<hbm>> -> memref<1x768xf32, #tpu.memory_space<hbm>>
    %dma_wait3A_4482 = arith.constant 14 : i32
    %dma_wait3A_4483 = arith.constant 0 : i32
    %dma_wait3A_4484 = tpu.memref_slice %arg9[%dma_wait3A_4477, %dma_wait3A_4482, %dma_wait3A_4483] : memref<4x16x768xf32, #tpu.memory_space<vmem>> -> memref<1x1x768xf32, #tpu.memory_space<vmem>>
    %dma_wait3A_4485 = tpu.memref_squeeze %dma_wait3A_4484 : memref<1x1x768xf32, #tpu.memory_space<vmem>> -> memref<1x768xf32, #tpu.memory_space<vmem>>
    tpu.wait_dma2 semaphore(%arg10 : memref<!tpu.dma_semaphore, #tpu.memory_space<semaphore_mem>>) src(%dma_wait3A_4485 : memref<1x768xf32, #tpu.memory_space<vmem>>) dst(%dma_wait3A_4481 : memref<1x768xf32, #tpu.memory_space<hbm>>)
    %dma_wait3A_4486 = arith.constant 3 : i32
    %dma_wait3A_4487 = arith.constant 3 : i32
    %dma_wait3A_4488 = arith.constant 0 : i32
    %dma_wait3A_4489 = tpu.memref_slice %arg7[%dma_wait3A_4487, %get3A_3910, %dma_wait3A_4488] : memref<4x2048x768xf32, #tpu.memory_space<hbm>> -> memref<1x1x768xf32, #tpu.memory_space<hbm>>
    %dma_wait3A_4490 = tpu.memref_squeeze %dma_wait3A_4489 : memref<1x1x768xf32, #tpu.memory_space<hbm>> -> memref<1x768xf32, #tpu.memory_space<hbm>>
    %dma_wait3A_4491 = arith.constant 15 : i32
    %dma_wait3A_4492 = arith.constant 0 : i32
    %dma_wait3A_4493 = tpu.memref_slice %arg9[%dma_wait3A_4486, %dma_wait3A_4491, %dma_wait3A_4492] : memref<4x16x768xf32, #tpu.memory_space<vmem>> -> memref<1x1x768xf32, #tpu.memory_space<vmem>>
    %dma_wait3A_4494 = tpu.memref_squeeze %dma_wait3A_4493 : memref<1x1x768xf32, #tpu.memory_space<vmem>> -> memref<1x768xf32, #tpu.memory_space<vmem>>
    tpu.wait_dma2 semaphore(%arg10 : memref<!tpu.dma_semaphore, #tpu.memory_space<semaphore_mem>>) src(%dma_wait3A_4494 : memref<1x768xf32, #tpu.memory_space<vmem>>) dst(%dma_wait3A_4490 : memref<1x768xf32, #tpu.memory_space<hbm>>)
    return
  }
}

</mosaic_0001>

<sc_bundles>
// kernel: kernel.6.cloned.1.call-start
scs
__scs_entry_jumppad:
0x0: {  	(pc) =	sbr.rel $0x88, $3  }
0x1: {  	(tag) =	ssettag $0x0;
	lr =	simm.s32 $0x1  }
0x2: {  	[smem:$0x3F9C] =	sst lr;
	_ =	strace $0xD0000000  }
0x3: {  	_ = 	snop  }
0x4: {  	_ = 	snop  }
0x5: {  	_ = 	snop  }
0x6: {  	_ = 	snop  }
0x7: {  	_ = 	snop  }
__scs_overlays_trampoline_lowered:
0x8: {  	[smem:$0x3FAB] =	sst s0  }
0x9: {  	[smem:$0x3FAC] =	sst s1  }
0xa: {  	[smem:$0x3FAD] =	sst s2  }
0xb: {  	[smem:$0x3FAE] =	sst s3  }
0xc: {  	[smem:$0x3FAF] =	sst s4  }
0xd: {  	[smem:$0x3FB0] =	sst s5  }
0xe: {  	[smem:$0x3FB1] =	sst s6  }
0xf: {  	[smem:$0x3FB2] =	sst s7  }
0x10: {  	[smem:$0x3FB3] =	sst s8  }
0x11: {  	[smem:$0x3FB4] =	sst s9;
	s0 =	simm.s32 @!p0 $0x0  }
0x12: {  	s1 =	sld [smem:$0x3F9A];
	s0 =	simm.s32 @p0 $0x1  }
0x13: {  	[smem:$0x3FB5] =	sst s0;
	s0 =	simm.s32 @!p1 $0x0  }
0x14: {  	s2 =	sld [smem:$0x3F99];
	s0 =	simm.s32 @p1 $0x1  }
0x15: {  	[smem:$0x3FB6] =	sst s0;
	s0 =	simm.s32 @!p2 $0x0  }
0x16: {  	s3 =	sld [smem:$0x3FDB];
	s0 =	simm.s32 @p2 $0x1  }
0x17: {  	s4 =	simm.s32 $0x1BF5;
	[smem:$0x3FB8] =	sst s0  }
0x18: {  	s0 =	sld [smem:$0x3F9B];
	_ =	swait.ge [sflag:s4], $0x0  }
0x19: {  	s7 =	sld [smem:$0x3F9C]  }
0x1a: {  	s8 =	sadd.s32 $0xFFFFE003, lr  }
0x1b: {  	s9 =	sadd.s32 $0xFFFFFEF7, lr;
	s5 =	simm.s32 $0xFFFFFFFF;
	p2 =	slt.u32 s8, $0xFFFFF086  }
0x1c: {  	p1 =	slt.u32 s9, $0xF7A;
	s5 =	simm.s32 @!p2 $0x0  }
0x1d: {  	s5 =	simm.s32 @p1 $0x1;
	p0 =	seq.s32 s7, s2  }
0x1e: {  	s7 =	smul.u32 @!p0 $0xF7A, s2;
	p2 =	seq.s32 @!p0 s5, $0x0  }
0x1f: {  	s9 =	smul.u32 $0xF7A, s1;
	s8 =	simm.s32 @!p0 $0x1BF5;
	p2 =	por !p2, p0  }
0x20: {  	[sflag:s8] =	ssyncset.s32 @!p0 $0xFFFFF086;
	s6 =	sadd.s32 @!p0 s3, s7;
	s7 =	simm.s32 @!p0 $0x108  }
0x21: {  	s3 =	sadd.s32 s3, s9;
	s6 =	sadd.s32 @!p0 $0x88, s6;
	s7 =	simm.s32 @p2 $0x1082  }
0x22: {  	[simem:s7], [sflag:s8] =	dma.local @!p0 [hbm:s6], $0xF7A  }
0x23: {  	s9 =	sor.u32 $0xD0000000, s2;
	s6 =	simm.s32 $0x108;
	_ =	swait.ge @!p0 [sflag:s8], $0x0  }
0x24: {  	s3 =	sadd.s32 $0x88, s3;
	s6 =	simm.s32 @!p1 $0x1082;
	[sflag:s4] =	ssyncset.s32 $0xFFFFF086  }
0x25: {  	[simem:s6], [sflag:s4] =	dma.local [hbm:s3], $0xF7A  }
0x26: {  	[smem:$0x3F9C] =	sst s1;
	(tag) =	ssettag s2;
	_ =	strace s9  }
0x27: {  	s1 =	sld [smem:$0x3FAC]  }
0x28: {  	s2 =	sld [smem:$0x3FAD]  }
0x29: {  	s4 =	sld [smem:$0x3FAF]  }
0x2a: {  	p0 =	seq.s32 s5, $0x0;
	s5 =	sld [smem:$0x3FB0]  }
0x2b: {  	s6 =	sld [smem:$0x3FB1]  }
0x2c: {  	s7 =	sld [smem:$0x3FB2]  }
0x2d: {  	s3 =	simm.s32 $0x108;
	s8 =	sld [smem:$0x3FB3]  }
0x2e: {  	s3 =	simm.s32 @!p0 $0x1082;
	s9 =	sld [smem:$0x3FB4]  }
0x2f: {  	lr =	sadd.s32 s0, s3;
	s0 =	sld [smem:$0x3FAB]  }
0x30: {  	s3 =	sld [smem:$0x3FAE]  }
0x31: {  	[smem:$0x3FB7] =	sst s10  }
0x32: {  	s10 =	sld [smem:$0x3FB5];
	_ =	sdelay $0x3  }
0x33: {  	p0 =	seq.s32 s10, $0x1;
	s10 =	sld [smem:$0x3FB7];
	_ =	sdelay $0x3  }
0x34: {  	[smem:$0x3FB7] =	sst s10  }
0x35: {  	s10 =	sld [smem:$0x3FB6];
	_ =	sdelay $0x3  }
0x36: {  	p1 =	seq.s32 s10, $0x1;
	s10 =	sld [smem:$0x3FB7];
	_ =	sdelay $0x3  }
0x37: {  	[smem:$0x3FB7] =	sst s10  }
0x38: {  	s10 =	sld [smem:$0x3FB8]  }
0x39: {  	_ = 	snop;
	(pc) =	sbr.ind lr, $3  }
0x3a: {  	_ = 	snop  }
0x3b: {  	_ = 	snop  }
0x3c: {  	p2 =	seq.s32 s10, $0x1;
	s10 =	sld [smem:$0x3FB7]  }
0x3d: {  	_ =	shalt  }
0x3e: {  	_ =	shalt  }
0x3f: {  	_ =	shalt  }
0x40: {  	_ =	shalt  }
0x41: {  	_ =	shalt  }
0x42: {  	_ =	shalt  }
0x43: {  	_ =	shalt  }
0x44: {  	_ =	shalt  }
0x45: {  	_ =	shalt  }
0x46: {  	_ =	shalt  }
0x47: {  	_ =	shalt  }
0x48: {  	_ =	shalt  }
0x49: {  	_ =	shalt  }
0x4a: {  	_ =	shalt  }
0x4b: {  	_ =	shalt  }
0x4c: {  	_ =	shalt  }
0x4d: {  	_ =	shalt  }
0x4e: {  	_ =	shalt  }
0x4f: {  	_ =	shalt  }
0x50: {  	_ =	shalt  }
0x51: {  	_ =	shalt  }
0x52: {  	_ =	shalt  }
0x53: {  	_ =	shalt  }
0x54: {  	_ =	shalt  }
0x55: {  	_ =	shalt  }
0x56: {  	_ =	shalt  }
0x57: {  	_ =	shalt  }
0x58: {  	_ =	shalt  }
0x59: {  	_ =	shalt  }
0x5a: {  	_ =	shalt  }
0x5b: {  	_ =	shalt  }
0x5c: {  	_ =	shalt  }
0x5d: {  	_ =	shalt  }
0x5e: {  	_ =	shalt  }
0x5f: {  	_ =	shalt  }
0x60: {  	_ =	shalt  }
0x61: {  	_ =	shalt  }
0x62: {  	_ =	shalt  }
0x63: {  	_ =	shalt  }
0x64: {  	_ =	shalt  }
0x65: {  	_ =	shalt  }
0x66: {  	_ =	shalt  }
0x67: {  	_ =	shalt  }
0x68: {  	_ =	shalt  }
0x69: {  	_ =	shalt  }
0x6a: {  	_ =	shalt  }
0x6b: {  	_ =	shalt  }
0x6c: {  	_ =	shalt  }
0x6d: {  	_ =	shalt  }
0x6e: {  	_ =	shalt  }
0x6f: {  	_ =	shalt  }
0x70: {  	_ =	shalt  }
0x71: {  	_ =	shalt  }
0x72: {  	_ =	shalt  }
0x73: {  	_ =	shalt  }
0x74: {  	_ =	shalt  }
0x75: {  	_ =	shalt  }
0x76: {  	_ =	shalt  }
0x77: {  	_ =	shalt  }
0x78: {  	_ =	shalt  }
0x79: {  	_ =	shalt  }
0x7a: {  	_ =	shalt  }
0x7b: {  	_ =	shalt  }
0x7c: {  	_ =	shalt  }
0x7d: {  	_ =	shalt  }
0x7e: {  	_ =	shalt  }
0x7f: {  	_ =	shalt  }
0x80: {  	_ =	shalt  }
0x81: {  	_ =	shalt  }
0x82: {  	_ =	shalt  }
0x83: {  	_ =	shalt  }
0x84: {  	_ =	shalt  }
0x85: {  	_ =	shalt  }
0x86: {  	_ =	shalt  }
0x87: {  	_ =	shalt  }
.Lfunc_end0:
.L_simem_size_0:
called_computation_lowered:
.L_overlay_start_0:
0x88: {  	s0 =	sld [smem:$0x3FD9]  }
0x89: {  	s1 =	sld [smem:$0x3FFE];
	_ =	sdelay $0x3  }
0x8a: {  	s0 =	sadd.s32 s1, s0  }
0x8b: {  	[smem:$0x3FC3] =	sst s0  }
0x8c: {  	_ = 	snop  }
0x8d: {  	s0 =	sld [smem:$0x3FC9];
	(tm) =	ssettm $0x1  }
0x8e: {  	s16 =	sld [smem:$0x3FFB];
	_ =	sdelay $0x3  }
0x8f: {  	_ =	strace s16  }
0x90: {  	s1 =	sld [smem:$0x3FFC];
	_ =	sdelay $0x3  }
0x91: {  	_ =	strace s1  }
0x92: {  	s1 =	sld [smem:$0x3FFD];
	_ =	sdelay $0x3  }
0x93: {  	_ =	strace s1  }
0x94: {  	_ =	strace $0x8FFFFFFF  }
0x95: {  	s17 =	sld [smem:$0x3FDB];
	_ =	sdelay $0x1  }
0x96: {  	s2 =	simm.s32 $_scs_section_size  }
0x97: {  	s3 =	simm.s32 $_size__tile_overlayer_lowered;
	s4 =	simm.s32 $_tile_overlayer_lowered  }
0x98: {  	s20 =	simm.s32 $0x1BFF;
	s19 =	sshll.u32 s4, $0x1;
	s1 =	sadd.s32 s2, s17  }
0x99: {  	s5 =	simm.s32 $0x0;
	s18 =	sshll.u32 s3, $0x1;
	s3 =	sadd.s32 s19, s1  }
0x9a: {  	[timem:s5], [sflag:s20] =	dma.local [hbm:s3], s18  }
0x9b: {  	_ =	swait.ge [sflag:s20], s18  }
0x9c: {  	s2 =	ssub.s32 $0x0, s18;
	[sflag:s20] =	ssyncset.done $0x0  }
0x9d: {  	[sflag:s20] =	ssyncadd.s32 s2;
	_ =	sdelay $0x1  }
0x9e: {  	s21 =	simm.s32 $0x1B8B  }
0x9f: {  	_ =	swait.ge [sflag:s21], $0x1  }
0xa0: {  	[sflag:s21] =	ssyncset.done $0x0  }
0xa1: {  	s23 =	simm.s32 $0x1B8E;
	s22 =	sld [smem:$0x3FFE];
	[sflag:s21] =	ssyncadd.s32 $0xFFFFFFFF  }
0xa2: {  	s24 =	simm.s32 $execute0_lowered;
	[smem:$0x3FD2] =	sst s23  }
0xa3: {  	s3 =	sshll.u32 s24, $0x1;
	_ =	strace $0x80000046;
	[dreg:$0x1] =	wrdreg $0xFFFFFFFF  }
0xa4: {  	s25 =	simm.s32 $_size_execute0_lowered;
	s1 =	sadd.s32 s1, s3;
	[dreg:$0x0] =	wrdreg $0x0  }
0xa5: {  	s3 =	sshll.u32 s25, $0x1;
	[dreg:$0x2] =	wrdreg s1  }
0xa6: {  	[dreg:$0x3] =	wrdreg s3  }
0xa7: {  	[dreg:$0x4] =	wrdreg $0xC0  }
0xa8: {  	_ =	task [dreg:s5], $0x5FFFF  }
0xa9: {  	[dreg:$0x1] =	wrdreg $0xFFFFFFFF  }
0xaa: {  	[dreg:$0x0] =	wrdreg $0x60  }
0xab: {  	[dreg:$0x2] =	wrdreg s22  }
0xac: {  	[dreg:$0x3] =	wrdreg s0  }
0xad: {  	[dreg:$0x4] =	wrdreg $0x9  }
0xae: {  	_ =	task.clear_ibuf [dreg:s5], $0x5FFFF;
	_ =	strace $0x90000046  }
0xaf: {  	s26 =	simm.s32 $0x9;
	_ =	strace $0x80000048  }
0xb0: {  	_ =	swait.ge [sflag:s26], $0x1  }
0xb1: {  	[sflag:s26] =	ssyncadd.s32 $0xFFFFFFFF  }
0xb2: {  	_ =	strace $0x90000048  }
0xb3: {  	_ =	sfence  }
0xb4: {  	s28 =	sld [smem:$0x0];
	_ =	sdelay $0x1  }
0xb5: {  	s29 =	srdreg.scid  }
0xb6: {  	s30 =	sshll.u32 s29, $0xD;
	s31 =	sshrl.u32 s29, $0x2  }
0xb7: {  	s2 =	sand.u32 $0x4000, s30;
	s1 =	sand.u32 $0x1, s29;
	s0 =	sadd.s32 s31, s28  }
0xb8: {  	s1 =	sor.u32 s2, s1;
	s0 =	sshll.u32 s0, $0x11  }
0xb9: {  	s0 =	sor.u32 s0, s1  }
0xba: {  	s0 =	sadd.s32 $0x8F2B, s0  }
0xbb: {  	[sflag:s0] =	ssyncadd.remote.s32 $0x1  }
0xbc: {  	_ =	sfence.sel $0xFFFF  }
0xbd: {  	[dreg:$0x0] =	wrdreg $0xFFFFFFFF;
	(pc) =	sbr.abs _section_cstart, $3  }
0xbe: {  	[dreg:$0x1] =	wrdreg $0xFFFFFFFF  }
0xbf: {  	_ =	task.clear_ibuf [dreg:s5], $0x2FFFF;
	_ =	strace $0x9FFFFFFF  }
0xc0: {  	(tm) =	ssettm $0x7FFFFFFF  }
0xc1: {  	_ =	shalt  }
tec
execute0_lowered:
.L_overlay_start_1:
0x0: {  	(tag) =	ssettag $0x1  }
0x1: {  	s3 =	rddreg [dreg:$0x0];
	s0 =	stileid.u32  }
0x2: {  	s2 =	rddreg [dreg:$0x1];
	s7 =	sshll.u32 s0, $0xC;
	s4 =	sshll.u32 s0, $0x8  }
0x3: {  	s1 =	rddreg [dreg:$0x2];
	s8 =	simm.s32 $0x0;
	s4 =	sor.u32 s4, s7  }
0x4: {  	s5 =	simm.s32 $0x80;
	s9 =	simm.s32 $0x400;
	s4 =	sand.u32 $0xC300, s4  }
0x5: {  	[smem:$0x7FF] =	sst s8;
	s6 =	sadd.s32 $0x2800, s3;
	s4 =	sshrl.u32 s4, $0x3  }
0x6: {  	s31 =	simm.s32 $0x2;
	_ =	strace $0x80000047;
	s4 =	sadd.s32 s6, s4  }
0x7: {  	[tilespmem:s8], [sflag:$0x2] =	stream.strided.gather [hbm4b:s4+s5], $0x800, s9, s5, $0x38;
	[tilespmem:$0xF80] =	vst v63  }
0x8: {  	_ =	swait.ge [sflag:s31], $0x800  }
0x9: {  	[sflag:s31] =	ssyncset.done $0x0  }
0xa: {  	[sflag:s31] =	ssyncadd.s32 $0xFFFFF800  }
0xb: {  	v4 =	vld [tilespmem:s8+$0x0];
	_ =	sdelay $0x2  }
0xc: {  	v5 =	vlaneseq.u32  }
0xd: {  	v0 =	vimm.f32 $-3.000000010e+38;
	v2 =	vimm.s32 $0x0;
	v6 =	vimm.f32 $-3.000000010e+38;
	s10 =	sand.u32 $0xC000, s7;
	s7 =	simm.s32 $0x10;
	s5 =	sadd.s32 $0x6000, s3  }
0xe: {  	v3 =	vimm.s32 $0x0;
	v1 =	vor.u32 s8, v5;
	s4 =	sadd.s32 $0x6200, s3;
	s3 =	sadd.s32 $0x4800, s3;
	s8 =	simm.s32 $0x10;
	vm0 =	vgt.f32 v4, v0  }
.LBB2_1:
0xf: {  	v7 =	vld [tilespmem:s8+$0x0];
	p0 =	sne.s32 s7, $0x7F0;
	vm1 =	vgt.f32 v4, v0;
	v6 =	vsel vm0, v4, v6;
	v2 =	vsel vm0, v1, v2;
	s9 =	smov.u32 s7;
	s7 =	sadd.s32 $0x10, s7  }
.Ltmp0:
0x10: {  	v6 =	vsel vm1, v0, v6;
	v2 =	vsel vm1, v3, v2;
	v0 =	vsel vm1, v4, v0;
	(pc) =	sbr.rel @p0 .LBB2_1-.Ltmp0, $2  }
0x11: {  	v3 =	vsel vm1, v1, v3;
	_ =	sdelay $0x2  }
0x12: {  	s8 =	sadd.s32 $0x10, s8;
	v1 =	vor.u32 s9, v5;
	vm0 =	vgt.f32 v7, v6;
	v4 =	vmov v7  }
0x13: {  	vm1 =	vgt.f32 v4, v0  }
0x14: {  	v5 =	vsel vm1, v4, v0  }
0x15: {  	(xrf0) =	vmax.scan.msk.f32 $0xffff, v5;
	_ =	sdelay $0x5  }
0x16: {  	v7, _, _ =	vpop (xrf0)  }
0x17: {  	v7 =	vbroadcast v7, $0xF  }
0x18: {  	v8 =	vsel vm1, v1, v3  }
0x19: {  	v9 =	vxor.u32 $0x80000000, v8;
	vm2 =	veq.f32 v5, v7  }
0x1a: {  	v9 =	vnsel vm2, $0xC0000000, v9  }
0x1b: {  	(xrf0) =	vmin.scan.msk.u32 $0xffff, v9;
	_ =	sdelay $0x5  }
0x1c: {  	v9, _, _ =	vpop (xrf0)  }
0x1d: {  	(v2sf) =	vpush v9, $0xF;
	_ =	sdelay $0xe  }
0x1e: {  	s7 =	spop (v2sf)  }
0x1f: {  	s9 =	sxor.u32 $0x80000000, s7  }
0x20: {  	v4 =	vsel vm0, v4, v6;
	vm3 =	veq.s32 v8, s9  }
0x21: {  	v0 =	vsel vm1, v0, v4;
	vm2 =	vmand vm2, vm3  }
0x22: {  	v0 =	vsel vm2, v0, v5  }
0x23: {  	(xrf0) =	vmax.scan.msk.f32 $0xffff, v0;
	_ =	sdelay $0x5  }
0x24: {  	v1 =	vsel vm0, v1, v2;
	v2, _, _ =	vpop (xrf0)  }
0x25: {  	v1 =	vsel vm1, v3, v1;
	v2 =	vbroadcast v2, $0xF  }
0x26: {  	v1 =	vsel vm2, v1, v8  }
0x27: {  	vm0 =	veq.f32 v0, v2;
	v0 =	vxor.u32 $0x80000000, v1  }
0x28: {  	v0 =	vnsel vm0, $0xC0000000, v0  }
0x29: {  	(xrf0) =	vmin.scan.msk.u32 $0xffff, v0;
	_ =	sdelay $0x5  }
0x2a: {  	v0, _, _ =	vpop (xrf0)  }
0x2b: {  	(v2sf) =	vpush v0, $0xF;
	_ =	sdelay $0xe  }
0x2c: {  	s7 =	sshrl.u32 s0, $0x2;
	s11 =	spop (v2sf)  }
0x2d: {  	s12 =	sshll.u32 s0, $0x3;
	s8 =	sshll.u32 s7, $0x5;
	s11 =	sxor.u32 $0x80000000, s11  }
0x2e: {  	s12 =	ssub.s32 s12, s8;
	vm0 =	vcmask $0x704;
	v0 =	vlaneseq.u32;
	v1 =	vmov s11  }
0x2f: {  	s21 =	sor.u32 s7, s12;
	vm1 =	veq.s32 v0, $0x0;
	v3 =	vnsel vm0, $0x0, v1  }
0x30: {  	v2 =	vnsel vm0, $0x0, v2;
	s11 =	sshll.u32 s21, $0x4;
	v3 =	vsel vm1, s9, v3;
	vm1 =	vcmask $0x3F04  }
0x31: {  	s14 =	simm.s32 $0x0;
	s11 =	sand.u32 $0x1FFFFFB0, s11;
	[tilespmem:$0x800] =	vst v3;
	v2 =	vsel vm1, v2, v7  }
0x32: {  	s15 =	simm.s32 $0x800;
	s22 =	simm.s32 $0x2;
	s13 =	sadd.s32 s5, s11;
	[tilespmem:$0x880] =	vst v2  }
0x33: {  	[hbm4b:s13+s14] =	stream.linear.scatter [tilespmem:s15], [sflag:$0x2], $0x80, $0x38;
	[tilespmem:$0xF80] =	vst v63  }
0x34: {  	_ =	swait.ge [sflag:s22], $0x80  }
0x35: {  	[sflag:s22] =	ssyncset.done $0x0  }
0x36: {  	s23 =	simm.s32 $0x880;
	s11 =	sadd.s32 s4, s11;
	[sflag:s22] =	ssyncadd.s32 $0xFFFFFF80  }
0x37: {  	[hbm4b:s11+s14] =	stream.linear.scatter [tilespmem:s23], [sflag:$0x2], $0x80, $0x38;
	[tilespmem:$0xF80] =	vst v63  }
0x38: {  	vm2 =	vcmask $0x308;
	_ =	swait.ge [sflag:s22], $0x80  }
0x39: {  	s24 =	sshll.u32 s7, $0xB;
	v1 =	vsel vm2, s9, v1;
	[sflag:s22] =	ssyncset.done $0x0  }
0x3a: {  	v1 =	vadd.s32 s24, v1;
	[sflag:s22] =	ssyncadd.s32 $0xFFFFFF80  }
0x3b: {  	[tilespmem:$0x900] =	vst v1  }
0x3c: {  	v1 =	vld.msk [tilespmem:$0x900], $0x3;
	_ =	sdelay $0x4  }
0x3d: {  	v2 =	vshrl.u32 v1, $0x3  }
0x3e: {  	v2 =	vmul.u32 $0x30, v2  }
0x3f: {  	v1 =	vand.u32 $0x7, v1  }
0x40: {  	v3 =	vshrl.u32 v0, $0x1;
	v1 =	vor.u32 v1, v2;
	v2 =	vand.u32 $0x1, v0  }
0x41: {  	v1 =	vperm.xlane v1, v2;
	v2 =	vmul.u32 $0x8, v3;
	_ =	sdelay $0x1  }
0x42: {  	v1 =	vadd.s32 v2, v1;
	_ =	sdelay $0x2  }
0x43: {  	s28 =	simm.s32 $0x980;
	s25 =	sshrl.u32 s12, $0x2  }
0x44: {  	s16 =	simm.s32 $0x1;
	vm3 =	vmmov $0xfff;
	s26 =	smul.u32 $0x1800, s25;
	s9 =	sshll.u32 s7, $0x8  }
0x45: {  	[tilespmem:s28], [sflag:$0x1] =	stream.indirect_vreg.gather [hbm4b:s2+s14], $0x80, v1, vm3, $0xb8;
	[tilespmem:$0xF80] =	vst v63  }
0x46: {  	s11 =	sor.u32 s9, s26;
	_ =	swait.ge [sflag:s16], $0x600  }
0x47: {  	s29 =	simm.s32 $0x100;
	s11 =	sshrl.u32 s11, $0x3;
	[sflag:s16] =	ssyncset.done $0x0  }
0x48: {  	s17 =	simm.s32 $0x400;
	s11 =	sadd.s32 s3, s11;
	[sflag:s16] =	ssyncadd.s32 $0xFFFFFA00  }
0x49: {  	[hbm4b:s11+s29] =	stream.strided.scatter [tilespmem:s28], [sflag:$0x2], $0x600, s17, s29, $0x38;
	[tilespmem:$0xF80] =	vst v63  }
0x4a: {  	s11 =	sshllo.u32 s0, $0x1  }
0x4b: {  	s30 =	sshll.u32 s11, $0x7  }
0x4c: {  	s12 =	sand.u32 $0x380, s30  }
0x4d: {  	_ =	swait.ge [sflag:s22], $0x600;
	s10 =	sor.u32 s10, s12  }
0x4e: {  	[sflag:s22] =	ssyncset.done $0x0;
	s10 =	sshrl.u32 s10, $0x3  }
0x4f: {  	s31 =	simm.s32 $0x80;
	[sflag:s22] =	ssyncadd.s32 $0xFFFFFA00;
	s6 =	sadd.s32 s6, s10  }
0x50: {  	[tilespmem:s14], [sflag:$0x2] =	stream.strided.gather [hbm4b:s6+s31], $0x800, s17, s31, $0x38;
	[tilespmem:$0xF80] =	vst v63  }
0x51: {  	_ =	swait.ge [sflag:s22], $0x800  }
0x52: {  	[sflag:s22] =	ssyncset.done $0x0  }
0x53: {  	[sflag:s22] =	ssyncadd.s32 $0xFFFFF800  }
0x54: {  	v6 =	vld [tilespmem:s14+$0x0];
	_ =	sdelay $0x2  }
0x55: {  	v5 =	vimm.s32 $0x0  }
0x56: {  	v4 =	vor.u32 s14, v0;
	v7 =	vimm.f32 $-3.000000010e+38;
	v2 =	vimm.f32 $-3.000000010e+38  }
0x57: {  	v3 =	vimm.s32 $0x0;
	v1 =	vmov s24;
	s10 =	simm.s32 $0x10;
	s6 =	simm.s32 $0x10;
	vm4 =	vgt.f32 v6, v2  }
.LBB2_3:
0x58: {  	v8 =	vld [tilespmem:s10+$0x0];
	p0 =	sne.s32 s6, $0x7F0;
	vm5 =	vgt.f32 v6, v2;
	v7 =	vsel vm4, v6, v7;
	v5 =	vsel vm4, v4, v5;
	s12 =	smov.u32 s6;
	s6 =	sadd.s32 $0x10, s6  }
.Ltmp1:
0x59: {  	v7 =	vsel vm5, v2, v7;
	v5 =	vsel vm5, v3, v5;
	v2 =	vsel vm5, v6, v2;
	(pc) =	sbr.rel @p0 .LBB2_3-.Ltmp1, $2  }
0x5a: {  	v3 =	vsel vm5, v4, v3;
	_ =	sdelay $0x2  }
0x5b: {  	s10 =	sadd.s32 $0x10, s10;
	v4 =	vor.u32 s12, v0;
	vm4 =	vgt.f32 v8, v7;
	v6 =	vmov v8  }
0x5c: {  	vm5 =	vgt.f32 v6, v2  }
0x5d: {  	v0 =	vsel vm5, v6, v2  }
0x5e: {  	(xrf0) =	vmax.scan.msk.f32 $0xffff, v0;
	_ =	sdelay $0x5  }
0x5f: {  	v8, _, _ =	vpop (xrf0)  }
0x60: {  	v8 =	vbroadcast v8, $0xF  }
0x61: {  	v9 =	vsel vm5, v4, v3  }
0x62: {  	v10 =	vxor.u32 $0x80000000, v9;
	vm6 =	veq.f32 v0, v8  }
0x63: {  	v10 =	vnsel vm6, $0xC0000000, v10  }
0x64: {  	(xrf0) =	vmin.scan.msk.u32 $0xffff, v10;
	_ =	sdelay $0x5  }
0x65: {  	v10, _, _ =	vpop (xrf0)  }
0x66: {  	(v2sf) =	vpush v10, $0xF;
	_ =	sdelay $0xe  }
0x67: {  	s6 =	spop (v2sf)  }
0x68: {  	s6 =	sxor.u32 $0x80000000, s6  }
0x69: {  	v52 =	vsel vm4, v6, v7;
	vm7 =	veq.s32 v9, s6  }
0x6a: {  	v53 =	vsel vm5, v2, v52;
	vm6 =	vmand vm6, vm7  }
0x6b: {  	v0 =	vsel vm6, v53, v0  }
0x6c: {  	(xrf0) =	vmax.scan.msk.f32 $0xffff, v0;
	_ =	sdelay $0x5  }
0x6d: {  	v54 =	vsel vm4, v4, v5;
	v55, _, _ =	vpop (xrf0)  }
0x6e: {  	v2 =	vsel vm5, v3, v54;
	v56 =	vbroadcast v55, $0xF  }
0x6f: {  	v2 =	vsel vm6, v2, v9  }
0x70: {  	v57 =	vxor.u32 $0x80000000, v2;
	vm14 =	veq.f32 v0, v56  }
0x71: {  	v0 =	vnsel vm14, $0xC0000000, v57  }
0x72: {  	(xrf0) =	vmin.scan.msk.u32 $0xffff, v0;
	_ =	sdelay $0x5  }
0x73: {  	v0, _, _ =	vpop (xrf0)  }
0x74: {  	(v2sf) =	vpush v0, $0xF;
	_ =	sdelay $0xe  }
0x75: {  	s11 =	sshll.u32 s11, $0x2;
	s10 =	spop (v2sf)  }
0x76: {  	s8 =	ssub.s32 s11, s8;
	s10 =	sxor.u32 $0x80000000, s10  }
0x77: {  	v59 =	vlaneseq.u32;
	s7 =	sor.u32 s7, s8;
	v3 =	vnsel vm0, $0x0, v56;
	v58 =	vmov s10  }
0x78: {  	vm15 =	veq.s32 v59, $0x0;
	s7 =	sshll.u32 s7, $0x4;
	v3 =	vsel vm1, v3, v8;
	v60 =	vnsel vm0, $0x0, v58  }
0x79: {  	s21 =	simm.s32 $0x0;
	s7 =	sand.u32 $0x1FFFFFF0, s7;
	[tilespmem:$0x880] =	vst v3;
	v4 =	vsel vm15, s6, v60  }
0x7a: {  	s22 =	simm.s32 $0x800;
	s23 =	simm.s32 $0x2;
	s5 =	sadd.s32 s5, s7;
	[tilespmem:$0x800] =	vst v4  }
0x7b: {  	[hbm4b:s5+s21] =	stream.linear.scatter [tilespmem:s22], [sflag:$0x2], $0x80, $0x38;
	[tilespmem:$0xF80] =	vst v63  }
0x7c: {  	_ =	swait.ge [sflag:s23], $0x80  }
0x7d: {  	[sflag:s23] =	ssyncset.done $0x0  }
0x7e: {  	s24 =	simm.s32 $0x880;
	s4 =	sadd.s32 s4, s7;
	[sflag:s23] =	ssyncadd.s32 $0xFFFFFF80  }
0x7f: {  	[hbm4b:s4+s21] =	stream.linear.scatter [tilespmem:s24], [sflag:$0x2], $0x80, $0x38;
	[tilespmem:$0xF80] =	vst v63  }
0x80: {  	_ =	swait.ge [sflag:s23], $0x80  }
0x81: {  	v0 =	vsel vm2, s6, v58;
	[sflag:s23] =	ssyncset.done $0x0  }
0x82: {  	v0 =	vadd.s32 v1, v0;
	[sflag:s23] =	ssyncadd.s32 $0xFFFFFF80  }
0x83: {  	[tilespmem:$0x900] =	vst v0  }
0x84: {  	v0 =	vld.msk [tilespmem:$0x900], $0x3;
	_ =	sdelay $0x4  }
0x85: {  	v61 =	vshrl.u32 v0, $0x3  }
0x86: {  	v1 =	vmul.u32 $0x30, v61  }
0x87: {  	v0 =	vand.u32 $0x7, v0  }
0x88: {  	v62 =	vand.u32 $0x1, v59;
	v2 =	vshrl.u32 v59, $0x1;
	v0 =	vor.u32 v0, v1  }
0x89: {  	v63 =	vmul.u32 $0x8, v2;
	v0 =	vperm.xlane v0, v62;
	_ =	sdelay $0x1  }
0x8a: {  	v0 =	vadd.s32 v63, v0;
	_ =	sdelay $0x2  }
0x8b: {  	s25 =	sshrl.u32 s8, $0x2  }
0x8c: {  	s26 =	simm.s32 $0x980;
	s29 =	simm.s32 $0x1;
	s4 =	smul.u32 $0x1800, s25  }
0x8d: {  	[tilespmem:s26], [sflag:$0x1] =	stream.indirect_vreg.gather [hbm4b:s2+s21], $0x80, v0, vm3, $0xb8;
	[tilespmem:$0xF80] =	vst v63  }
0x8e: {  	s28 =	sor.u32 s9, s4;
	_ =	swait.ge [sflag:s29], $0x600  }
0x8f: {  	s30 =	simm.s32 $0x100;
	s2 =	sshrl.u32 s28, $0x3;
	[sflag:s29] =	ssyncset.done $0x0  }
0x90: {  	s31 =	simm.s32 $0x400;
	s2 =	sadd.s32 s3, s2;
	[sflag:s29] =	ssyncadd.s32 $0xFFFFFA00  }
0x91: {  	[hbm4b:s2+s30] =	stream.strided.scatter [tilespmem:s26], [sflag:$0x2], $0x600, s31, s30, $0x38;
	[tilespmem:$0xF80] =	vst v63  }
0x92: {  	_ =	swait.ge [sflag:s23], $0x600  }
0x93: {  	[sflag:s23] =	ssyncset.done $0x0  }
0x94: {  	[sflag:s23] =	ssyncadd.s32 $0xFFFFFA00  }
0x95: {  	_ =	sfence.sel $0x180000  }
0x96: {  	[bflag:$0x0] =	sbarrier.arrive $0xFFFF  }
0x97: {  	p0 =	sne.s32 s0, $0x0;
	_ =	strace $0x90000047  }
0x98: {  	s0 =	sadd.s32 @!p0 $0x100000, s1;
	[bflag:$0x2] =	sbarrier.arrive $0xFFFF  }
0x99: {  	[sflag:s0] =	ssyncadd.tile.s32 @!p0 $0x1;
	_ =	shalt  }
.Lfunc_end2:
_tile_overlayer_lowered:
.L_overlay_start_2:
0x9a: {  	(tag) =	ssettag $0x2  }
0x9b: {  	s0 =	rddreg [dreg:$0x0];
	s2 =	stileid.u32  }
0x9c: {  	s1 =	rddreg [dreg:$0x1];
	p0 =	sne.s32 s2, $0x0  }
0x9d: {  	s3 =	rddreg [dreg:$0x2];
	[bflag:$0x3] =	sbarrier.arrive $0xFFFF;
	s2 =	simm.s32 @!p0 $0x1C02  }
0x9e: {  	[timem:s3], [sflag:s2] =	dma.local @!p0 [hbm:s0], s1  }
0x9f: {  	s0 =	simm.s32 @!p0 $0x2  }
0xa0: {  	_ =	swait.ge @!p0 [sflag:s0], s1  }
0xa1: {  	s1 =	ssub.s32 @!p0 $0x0, s1;
	[sflag:s0] =	ssyncset.done @!p0 $0x0  }
0xa2: {  	[sflag:s0] =	ssyncadd.s32 @!p0 s1  }
0xa3: {  	[bflag:$0x3] =	sbarrier.arrive $0xFFFF  }
0xa4: {  	_ =	shalt  }

</sc_bundles>
